<compile_context>
chip_gen: v7x
topology: tpu7x:2x2x1
jax: 0.10.2.dev20260603
libtpu: 0.0.44.dev20260713+nightly
codegen_flags: <defaults>
</compile_context>

<pallas_src>
import functools

import jax
import jax.numpy as jnp
from jax import lax
from jax.experimental import pallas as pl
from jax.experimental.pallas import tpu as pltpu
from jax.experimental.pallas import tpu_sc as plsc

NC = 2
NS = 16
NW = NC * NS
CHUNK = 128
ZB = 128
F = 16
NBUF = 10


def _tile_ids():
    c = lax.axis_index("c")
    s = lax.axis_index("s")
    return c, s, c * NS + s


def _zero_acc(zeros_hbm, zeros_v, acc_sh, s, stripe, zsem):
    pltpu.sync_copy(zeros_hbm, zeros_v)
    nz = stripe // ZB
    for z in range(nz):
        pltpu.async_copy(zeros_v, acc_sh.at[pl.ds(s * stripe + z * ZB, ZB)],
                         zsem)
    for z in range(nz):
        pltpu.make_async_copy(
            zeros_v, acc_sh.at[pl.ds(s * stripe + z * ZB, ZB)], zsem).wait()


def _write_out(acc_sh, stripe_v, out_hbm, c, s, rpt):
    pltpu.sync_copy(acc_sh.at[pl.ds(s * rpt, rpt)], stripe_v.at[pl.ds(0, rpt)])
    pltpu.sync_copy(stripe_v.at[pl.ds(0, rpt)], out_hbm.at[c, pl.ds(s * rpt, rpt)])



def _sc_deg_body(npad, kch, rpt, edges_hbm, ones_hbm, zeros_hbm, out_hbm,
                 idx_v, ones_v, zeros_v, stripe_v, acc_sh, sem, zsem):
    stripe = npad // NS
    c, s, wid = _tile_ids()
    pltpu.sync_copy(edges_hbm.at[1, wid], idx_v)
    pltpu.sync_copy(ones_hbm, ones_v)
    _zero_acc(zeros_hbm, zeros_v, acc_sh, s, stripe, zsem)
    plsc.subcore_barrier()

    def fire(j, carry):
        pltpu.async_copy(ones_v, acc_sh.at[idx_v.at[j]], sem, add=True)
        return carry

    lax.fori_loop(0, kch, fire, 0)

    def drain(j, carry):
        pltpu.make_async_copy(ones_v, acc_sh.at[idx_v.at[j]], sem).wait()
        return carry

    lax.fori_loop(0, kch, drain, 0)
    plsc.subcore_barrier()
    _write_out(acc_sh, stripe_v, out_hbm, c, s, rpt)


def _sc_agg_body(npad, kch, rpt, g_hbm, edges_hbm, zeros_hbm, out_hbm,
                 sidx_v, didx_v, rows_v, zeros_v, stripe_v, acc_sh, g_sh,
                 *sems):
    gsem = sems[:NBUF]
    ssem = sems[NBUF:2 * NBUF]
    zsem = sems[2 * NBUF]
    stripe = npad // NS
    c, s, wid = _tile_ids()
    pltpu.sync_copy(edges_hbm.at[0, wid], sidx_v)
    pltpu.sync_copy(edges_hbm.at[1, wid], didx_v)
    pltpu.sync_copy(g_hbm.at[pl.ds(s * rpt, rpt)], stripe_v.at[pl.ds(0, rpt)])
    pltpu.sync_copy(stripe_v.at[pl.ds(0, rpt)], g_sh.at[pl.ds(s * rpt, rpt)])
    _zero_acc(zeros_hbm, zeros_v, acc_sh, s, stripe, zsem)
    plsc.subcore_barrier()
    for b in range(NBUF):
        pltpu.async_copy(g_sh.at[sidx_v.at[b]], rows_v.at[b], gsem[b])

    no = kch // NBUF

    def outer(g, carry):
        base = g * NBUF
        for b in range(NBUF):
            j = base + b
            pltpu.make_async_copy(
                g_sh.at[sidx_v.at[j]], rows_v.at[b], gsem[b]).wait()
            pltpu.async_copy(rows_v.at[b], acc_sh.at[didx_v.at[j]], ssem[b],
                             add=True)
        for b in range(NBUF):
            j = base + b
            jn = jnp.where(j + NBUF < kch, j + NBUF, j)
            pltpu.make_async_copy(
                rows_v.at[b], acc_sh.at[didx_v.at[j]], ssem[b]).wait()
            pltpu.async_copy(g_sh.at[sidx_v.at[jn]], rows_v.at[b], gsem[b])
        return carry

    lax.fori_loop(0, no, outer, 0)
    for b in range(NBUF):
        pltpu.make_async_copy(
            g_sh.at[sidx_v.at[b]], rows_v.at[b], gsem[b]).wait()
    plsc.subcore_barrier()
    _write_out(acc_sh, stripe_v, out_hbm, c, s, rpt)


def _sc_mesh():
    return plsc.VectorSubcoreMesh(core_axis_name="c", subcore_axis_name="s",
                                  num_cores=NC, num_subcores=NS)


def _sc_deg(edges4, ones_c, zeros_c, npad, kch, n):
    rpt = n // NS
    return pl.kernel(
        functools.partial(_sc_deg_body, npad, kch, rpt),
        out_type=jax.ShapeDtypeStruct((NC, n, F), jnp.float32),
        mesh=_sc_mesh(),
        scratch_types=[
            pltpu.VMEM((kch, CHUNK), jnp.int32),
            pltpu.VMEM((CHUNK, F), jnp.float32),
            pltpu.VMEM((ZB, F), jnp.float32),
            pltpu.VMEM((npad // NS, F), jnp.float32),
            pltpu.VMEM_SHARED((npad, F), jnp.float32),
            pltpu.SemaphoreType.DMA,
            pltpu.SemaphoreType.DMA,
        ],
        compiler_params=pltpu.CompilerParams(use_tc_tiling_on_sc=False),
    )(edges4, ones_c, zeros_c)


def _sc_agg(g, edges4, zeros_c, npad, kch):
    n = g.shape[0]
    rpt = n // NS
    return pl.kernel(
        functools.partial(_sc_agg_body, npad, kch, rpt),
        out_type=jax.ShapeDtypeStruct((NC, n, F), jnp.float32),
        mesh=_sc_mesh(),
        scratch_types=[
            pltpu.VMEM((kch, CHUNK), jnp.int32),
            pltpu.VMEM((kch, CHUNK), jnp.int32),
            pltpu.VMEM((NBUF, CHUNK, F), jnp.float32),
            pltpu.VMEM((ZB, F), jnp.float32),
            pltpu.VMEM((npad // NS, F), jnp.float32),
            pltpu.VMEM_SHARED((npad, F), jnp.float32),
            pltpu.VMEM_SHARED((npad, F), jnp.float32),
        ] + [pltpu.SemaphoreType.DMA] * (2 * NBUF + 1),
        compiler_params=pltpu.CompilerParams(use_tc_tiling_on_sc=False),
    )(g, edges4, zeros_c)



def _scale1_body(h_ref, dp_ref, g_ref, s_ref, invs_ref, invd_ref):
    deg = dp_ref[0] + dp_ref[1] + 1.0
    invs = lax.rsqrt(deg)
    invd = 1.0 / deg
    h = h_ref[...]
    g_ref[...] = h * invs
    s_ref[...] = h * invd
    invs_ref[...] = invs
    invd_ref[...] = invd


def _mm2_body(ap_ref, s1_ref, invs_ref, invd_ref, b1_ref, w2_ref,
              g2_ref, s2_ref):
    invs = invs_ref[...]
    agg = invs * (ap_ref[0] + ap_ref[1]) + s1_ref[...] + b1_ref[...]
    z = jnp.maximum(agg, 0.0)
    h2 = jnp.dot(z, w2_ref[...], preferred_element_type=jnp.float32)
    g2_ref[...] = h2 * invs
    s2_ref[...] = h2 * invd_ref[...]


def _out_body(ap_ref, s2_ref, invs_ref, b2_ref, gsum_ref, o_ref):
    y = (invs_ref[...] * (ap_ref[0] + ap_ref[1]) + s2_ref[...] + b2_ref[...])
    m = jnp.max(y, axis=1, keepdims=True)
    e = jnp.exp(y - m)
    se = jnp.dot(e, gsum_ref[...], preferred_element_type=jnp.float32)
    o_ref[...] = y - m - jnp.log(se)


def _mm1_body(x_ref, w_ref, h_ref):
    xv = x_ref[...].reshape(h_ref.shape[0], 8 * x_ref.shape[1])
    h_ref[...] = jnp.dot(xv, w_ref[...], preferred_element_type=jnp.float32)


def _vspec(vn):
    return pl.BlockSpec((vn, 128), lambda: (0, 0))


def _vpair_spec(vn):
    return pl.BlockSpec((2, vn, 128), lambda: (0, 0, 0))


def _tc_mm1(x, w1bd, vn):
    n, d = x.shape
    return pl.pallas_call(
        _mm1_body,
        in_specs=[
            pl.BlockSpec((n, d), lambda: (0, 0)),
            pl.BlockSpec((8 * d, 128), lambda: (0, 0)),
        ],
        out_specs=_vspec(vn),
        out_shape=jax.ShapeDtypeStruct((vn, 128), jnp.float32),
    )(x, w1bd)


def _tc_scale1(hv, degpv, vn):
    return pl.pallas_call(
        _scale1_body,
        in_specs=[_vspec(vn), _vpair_spec(vn)],
        out_specs=[_vspec(vn)] * 4,
        out_shape=[jax.ShapeDtypeStruct((vn, 128), jnp.float32)] * 4,
    )(hv, degpv)


def _tc_mm2(aggpv, s1v, invsv, invdv, b1t, w2bd, vn):
    return pl.pallas_call(
        _mm2_body,
        in_specs=[
            _vpair_spec(vn), _vspec(vn), _vspec(vn), _vspec(vn),
            pl.BlockSpec((1, 128), lambda: (0, 0)),
            pl.BlockSpec((128, 128), lambda: (0, 0)),
        ],
        out_specs=[_vspec(vn)] * 2,
        out_shape=[jax.ShapeDtypeStruct((vn, 128), jnp.float32)] * 2,
    )(aggpv, s1v, invsv, invdv, b1t, w2bd)


def _tc_out(aggpv, s2v, invsv, b2t, gsum, vn):
    return pl.pallas_call(
        _out_body,
        in_specs=[
            _vpair_spec(vn), _vspec(vn), _vspec(vn),
            pl.BlockSpec((1, 128), lambda: (0, 0)),
            pl.BlockSpec((128, 128), lambda: (0, 0)),
        ],
        out_specs=_vspec(vn),
        out_shape=jax.ShapeDtypeStruct((vn, 128), jnp.float32),
    )(aggpv, s2v, invsv, b2t, gsum)



def kernel(x, edge_index, W1, b1, W2, b2):
    n = x.shape[0]
    e = edge_index.shape[1]
    npad = -(-(n + 1) // (NS * ZB)) * (NS * ZB)
    kch = -(-e // (NW * CHUNK * NBUF)) * NBUF
    epad = NW * kch * CHUNK
    pad = epad - e
    vn = n * F // 128

    edges4 = jnp.pad(edge_index, ((0, 0), (0, pad)),
                     constant_values=n).reshape(2, NW, kch, CHUNK)
    ones_c = jnp.ones((CHUNK, F), jnp.float32)
    zeros_c = jnp.zeros((ZB, F), jnp.float32)

    eye8 = jnp.eye(8, dtype=jnp.float32)
    w1bd = jnp.kron(eye8, W1)
    w2bd = jnp.kron(eye8, W2)
    gsum = jnp.kron(eye8, jnp.ones((F, F), jnp.float32))
    b1t = jnp.tile(b1, 8).reshape(1, 128)
    b2t = jnp.tile(b2, 8).reshape(1, 128)
    degp = _sc_deg(edges4, ones_c, zeros_c, npad, kch, n)
    hv = _tc_mm1(x, w1bd, vn)
    g1v, s1v, invsv, invdv = _tc_scale1(hv, degp.reshape(2, vn, 128), vn)
    aggp1 = _sc_agg(g1v.reshape(n, F), edges4, zeros_c, npad, kch)
    g2v, s2v = _tc_mm2(aggp1.reshape(2, vn, 128), s1v, invsv, invdv,
                       b1t, w2bd, vn)
    aggp2 = _sc_agg(g2v.reshape(n, F), edges4, zeros_c, npad, kch)
    outv = _tc_out(aggp2.reshape(2, vn, 128), s2v, invsv, b2t, gsum, vn)
    return outv.reshape(n, F)

# --- scband reference (transcript-rebuilt; emitter-appended) ---
"""Pipeline reference for scband-improved-gcn-18081812316990 (READ-ONLY COPY).

The authoritative reference and input builder live on the scoring server;
editing this copy changes nothing except your own understanding.
"""

import jax, jax.numpy as jnp
import numpy as np

N = 10000
E = 160000
D = 256
H = 16
C = 16


def gcn_conv(x, edge_index, W, b):
    # Faithful GCNConv: x' = D^{-1/2} (A + I) D^{-1/2} (x W) + b, with self-loops
    n = x.shape[0]
    loop = jnp.arange(n, dtype=edge_index.dtype)
    src = jnp.concatenate([edge_index[0], loop])
    dst = jnp.concatenate([edge_index[1], loop])
    deg = jnp.zeros((n,), dtype=x.dtype).at[dst].add(1.0)
    inv_sqrt = jnp.where(deg > 0, deg ** -0.5, 0.0)
    coeff = inv_sqrt[src] * inv_sqrt[dst]
    h = x @ W
    msg = h[src] * coeff[:, None]
    out = jnp.zeros((n, W.shape[1]), dtype=x.dtype).at[dst].add(msg)
    return out + b


def setup_inputs(seed: int = 0):
    key = jax.random.key(seed)
    k1, k2, k3, k4, k5, k6 = jax.random.split(key, 6)
    x = jax.random.normal(k1, (N, D), dtype=jnp.float32)
    edge_index = jax.random.randint(k2, (2, E), 0, N, dtype=jnp.int32)
    W1 = jax.random.normal(k3, (D, H), dtype=jnp.float32) * (1.0 / np.sqrt(D))
    b1 = jnp.zeros((H,), dtype=jnp.float32)
    W2 = jax.random.normal(k4, (H, C), dtype=jnp.float32) * (1.0 / np.sqrt(H))
    b2 = jnp.zeros((C,), dtype=jnp.float32)
    return {"x": x, "edge_index": edge_index, "W1": W1, "b1": b1, "W2": W2, "b2": b2}


def reference(x, edge_index, W1, b1, W2, b2):
    # conv1 -> relu -> (dropout is identity in eval) -> conv2 -> log_softmax
    h = gcn_conv(x, edge_index, W1, b1)
    h = jax.nn.relu(h)
    out = gcn_conv(h, edge_index, W2, b2)
    return jax.nn.log_softmax(out, axis=1)

if __name__ == "__main__":
    import jax
    _d = setup_inputs()
    print(jax.jit(kernel)(*tuple(_d.values())))

</pallas_src>

<mosaic_0001>
#map = affine_map<(d0, d1) -> (0, 0, 0, 0)>
#map1 = affine_map<(d0, d1) -> (0, 0)>
#map2 = affine_map<(d0, d1) -> (0, 0, 0)>
module attributes {stable_mosaic.version = 14 : i64} {
  func.func @_sc_deg_body(%arg0: i32, %arg1: i32, %arg2: memref<2x32x40x128xi32, #tpu.memory_space<hbm>>, %arg3: memref<128x16xf32, #tpu.memory_space<hbm>>, %arg4: memref<128x16xf32, #tpu.memory_space<hbm>>, %arg5: memref<2x10000x16xf32, #tpu.memory_space<hbm>>, %arg6: memref<40x128xi32, #tpu.memory_space<vmem>>, %arg7: memref<128x16xf32, #tpu.memory_space<vmem>>, %arg8: memref<128x16xf32, #tpu.memory_space<vmem>>, %arg9: memref<640x16xf32, #tpu.memory_space<vmem>>, %arg10: memref<10240x16xf32, #tpu.memory_space<vmem_shared>>, %arg11: memref<!tpu.dma_semaphore, #tpu.memory_space<semaphore_mem>>, %arg12: memref<!tpu.dma_semaphore, #tpu.memory_space<semaphore_mem>>) attributes {dimension_semantics = [#tpu.dimension_semantics<core_parallel>, #tpu.dimension_semantics<subcore_parallel>], iteration_bounds = array<i64: 2, 16>, scalar_prefetch = 0 : i64, scratch_operands = 7 : i64, tpu.core_type = #tpu.core_type<sc_vector_subcore>, window_params = [{transform_indices = #map}, {transform_indices = #map1}, {transform_indices = #map1}, {transform_indices = #map2}]} {
    %mul3A = arith.constant 16 : i32
    %mul3A_0 = arith.muli %arg0, %mul3A : i32
    %add3A = arith.addi %mul3A_0, %arg1 : i32
    %run_scoped3A = arith.constant 1 : i32
    "tpu.region"() ({
      %run_scoped3A_95 = tpu.sem_alloc : memref<!tpu.dma_semaphore, #tpu.memory_space<semaphore_mem>>
      %dma_start3A_96 = arith.constant 0 : i32
      %dma_start3A_97 = arith.constant 0 : i32
      %dma_start3A_98 = tpu.memref_slice %arg2[%run_scoped3A, %add3A, %dma_start3A_96, %dma_start3A_97] : memref<2x32x40x128xi32, #tpu.memory_space<hbm>> -> memref<1x1x40x128xi32, #tpu.memory_space<hbm>>
      %dma_start3A_99 = tpu.memref_squeeze %dma_start3A_98 : memref<1x1x40x128xi32, #tpu.memory_space<hbm>> -> memref<40x128xi32, #tpu.memory_space<hbm>>
      %dma_start3A_100 = arith.constant 0 : i32
      %dma_start3A_101 = arith.constant 0 : i32
      %dma_start3A_102 = tpu.memref_slice %arg2[%run_scoped3A, %add3A, %dma_start3A_100, %dma_start3A_101] : memref<2x32x40x128xi32, #tpu.memory_space<hbm>> -> memref<1x1x40x128xi32, #tpu.memory_space<hbm>>
      %dma_start3A_103 = tpu.memref_squeeze %dma_start3A_102 : memref<1x1x40x128xi32, #tpu.memory_space<hbm>> -> memref<40x128xi32, #tpu.memory_space<hbm>>
      tpu.enqueue_dma source(%dma_start3A_103 : memref<40x128xi32, #tpu.memory_space<hbm>>) target(%arg6 : memref<40x128xi32, #tpu.memory_space<vmem>>) target_semaphore(%run_scoped3A_95 : memref<!tpu.dma_semaphore, #tpu.memory_space<semaphore_mem>>)
      %dma_wait3A_104 = arith.constant 0 : i32
      %dma_wait3A_105 = arith.constant 0 : i32
      %dma_wait3A_106 = tpu.memref_slice %arg2[%run_scoped3A, %add3A, %dma_wait3A_104, %dma_wait3A_105] : memref<2x32x40x128xi32, #tpu.memory_space<hbm>> -> memref<1x1x40x128xi32, #tpu.memory_space<hbm>>
      %dma_wait3A_107 = tpu.memref_squeeze %dma_wait3A_106 : memref<1x1x40x128xi32, #tpu.memory_space<hbm>> -> memref<40x128xi32, #tpu.memory_space<hbm>>
      %dma_wait3A_108 = arith.constant 0 : i32
      %dma_wait3A_109 = arith.constant 0 : i32
      %dma_wait3A_110 = tpu.memref_slice %arg2[%run_scoped3A, %add3A, %dma_wait3A_108, %dma_wait3A_109] : memref<2x32x40x128xi32, #tpu.memory_space<hbm>> -> memref<1x1x40x128xi32, #tpu.memory_space<hbm>>
      %dma_wait3A_111 = tpu.memref_squeeze %dma_wait3A_110 : memref<1x1x40x128xi32, #tpu.memory_space<hbm>> -> memref<40x128xi32, #tpu.memory_space<hbm>>
      tpu.wait_dma2 semaphore(%run_scoped3A_95 : memref<!tpu.dma_semaphore, #tpu.memory_space<semaphore_mem>>) src(%dma_wait3A_111 : memref<40x128xi32, #tpu.memory_space<hbm>>) dst(%arg6 : memref<40x128xi32, #tpu.memory_space<vmem>>)
      tpu.yield
    }) : () -> ()
    "tpu.region"() ({
      %run_scoped3A_95 = tpu.sem_alloc : memref<!tpu.dma_semaphore, #tpu.memory_space<semaphore_mem>>
      tpu.enqueue_dma source(%arg3 : memref<128x16xf32, #tpu.memory_space<hbm>>) target(%arg7 : memref<128x16xf32, #tpu.memory_space<vmem>>) target_semaphore(%run_scoped3A_95 : memref<!tpu.dma_semaphore, #tpu.memory_space<semaphore_mem>>)
      tpu.wait_dma2 semaphore(%run_scoped3A_95 : memref<!tpu.dma_semaphore, #tpu.memory_space<semaphore_mem>>) src(%arg3 : memref<128x16xf32, #tpu.memory_space<hbm>>) dst(%arg7 : memref<128x16xf32, #tpu.memory_space<vmem>>)
      tpu.yield
    }) : () -> ()
    "tpu.region"() ({
      %run_scoped3A_95 = tpu.sem_alloc : memref<!tpu.dma_semaphore, #tpu.memory_space<semaphore_mem>>
      tpu.enqueue_dma source(%arg4 : memref<128x16xf32, #tpu.memory_space<hbm>>) target(%arg8 : memref<128x16xf32, #tpu.memory_space<vmem>>) target_semaphore(%run_scoped3A_95 : memref<!tpu.dma_semaphore, #tpu.memory_space<semaphore_mem>>)
      tpu.wait_dma2 semaphore(%run_scoped3A_95 : memref<!tpu.dma_semaphore, #tpu.memory_space<semaphore_mem>>) src(%arg4 : memref<128x16xf32, #tpu.memory_space<hbm>>) dst(%arg8 : memref<128x16xf32, #tpu.memory_space<vmem>>)
      tpu.yield
    }) : () -> ()
    %mul3A_1 = arith.constant 640 : i32
    %mul3A_2 = arith.muli %arg1, %mul3A_1 : i32
    %add3A_3 = arith.constant 0 : i32
    %add3A_4 = arith.addi %mul3A_2, %add3A_3 : i32
    %dma_start3A = arith.constant 0 : i32
    %dma_start3A_5 = tpu.memref_slice %arg10[%add3A_4, %dma_start3A] : memref<10240x16xf32, #tpu.memory_space<vmem_shared>> -> memref<128x16xf32, #tpu.memory_space<vmem_shared>>
    %dma_start3A_6 = arith.constant 0 : i32
    %dma_start3A_7 = tpu.memref_slice %arg10[%add3A_4, %dma_start3A_6] : memref<10240x16xf32, #tpu.memory_space<vmem_shared>> -> memref<128x16xf32, #tpu.memory_space<vmem_shared>>
    tpu.enqueue_dma source(%arg8 : memref<128x16xf32, #tpu.memory_space<vmem>>) target(%dma_start3A_7 : memref<128x16xf32, #tpu.memory_space<vmem_shared>>) target_semaphore(%arg12 : memref<!tpu.dma_semaphore, #tpu.memory_space<semaphore_mem>>)
    %mul3A_8 = arith.constant 640 : i32
    %mul3A_9 = arith.muli %arg1, %mul3A_8 : i32
    %add3A_10 = arith.constant 128 : i32
    %add3A_11 = arith.addi %mul3A_9, %add3A_10 : i32
    %dma_start3A_12 = arith.constant 0 : i32
    %dma_start3A_13 = tpu.memref_slice %arg10[%add3A_11, %dma_start3A_12] : memref<10240x16xf32, #tpu.memory_space<vmem_shared>> -> memref<128x16xf32, #tpu.memory_space<vmem_shared>>
    %dma_start3A_14 = arith.constant 0 : i32
    %dma_start3A_15 = tpu.memref_slice %arg10[%add3A_11, %dma_start3A_14] : memref<10240x16xf32, #tpu.memory_space<vmem_shared>> -> memref<128x16xf32, #tpu.memory_space<vmem_shared>>
    tpu.enqueue_dma source(%arg8 : memref<128x16xf32, #tpu.memory_space<vmem>>) target(%dma_start3A_15 : memref<128x16xf32, #tpu.memory_space<vmem_shared>>) target_semaphore(%arg12 : memref<!tpu.dma_semaphore, #tpu.memory_space<semaphore_mem>>)
    %mul3A_16 = arith.constant 640 : i32
    %mul3A_17 = arith.muli %arg1, %mul3A_16 : i32
    %add3A_18 = arith.constant 256 : i32
    %add3A_19 = arith.addi %mul3A_17, %add3A_18 : i32
    %dma_start3A_20 = arith.constant 0 : i32
    %dma_start3A_21 = tpu.memref_slice %arg10[%add3A_19, %dma_start3A_20] : memref<10240x16xf32, #tpu.memory_space<vmem_shared>> -> memref<128x16xf32, #tpu.memory_space<vmem_shared>>
    %dma_start3A_22 = arith.constant 0 : i32
    %dma_start3A_23 = tpu.memref_slice %arg10[%add3A_19, %dma_start3A_22] : memref<10240x16xf32, #tpu.memory_space<vmem_shared>> -> memref<128x16xf32, #tpu.memory_space<vmem_shared>>
    tpu.enqueue_dma source(%arg8 : memref<128x16xf32, #tpu.memory_space<vmem>>) target(%dma_start3A_23 : memref<128x16xf32, #tpu.memory_space<vmem_shared>>) target_semaphore(%arg12 : memref<!tpu.dma_semaphore, #tpu.memory_space<semaphore_mem>>)
    %mul3A_24 = arith.constant 640 : i32
    %mul3A_25 = arith.muli %arg1, %mul3A_24 : i32
    %add3A_26 = arith.constant 384 : i32
    %add3A_27 = arith.addi %mul3A_25, %add3A_26 : i32
    %dma_start3A_28 = arith.constant 0 : i32
    %dma_start3A_29 = tpu.memref_slice %arg10[%add3A_27, %dma_start3A_28] : memref<10240x16xf32, #tpu.memory_space<vmem_shared>> -> memref<128x16xf32, #tpu.memory_space<vmem_shared>>
    %dma_start3A_30 = arith.constant 0 : i32
    %dma_start3A_31 = tpu.memref_slice %arg10[%add3A_27, %dma_start3A_30] : memref<10240x16xf32, #tpu.memory_space<vmem_shared>> -> memref<128x16xf32, #tpu.memory_space<vmem_shared>>
    tpu.enqueue_dma source(%arg8 : memref<128x16xf32, #tpu.memory_space<vmem>>) target(%dma_start3A_31 : memref<128x16xf32, #tpu.memory_space<vmem_shared>>) target_semaphore(%arg12 : memref<!tpu.dma_semaphore, #tpu.memory_space<semaphore_mem>>)
    %mul3A_32 = arith.constant 640 : i32
    %mul3A_33 = arith.muli %arg1, %mul3A_32 : i32
    %add3A_34 = arith.constant 512 : i32
    %add3A_35 = arith.addi %mul3A_33, %add3A_34 : i32
    %dma_start3A_36 = arith.constant 0 : i32
    %dma_start3A_37 = tpu.memref_slice %arg10[%add3A_35, %dma_start3A_36] : memref<10240x16xf32, #tpu.memory_space<vmem_shared>> -> memref<128x16xf32, #tpu.memory_space<vmem_shared>>
    %dma_start3A_38 = arith.constant 0 : i32
    %dma_start3A_39 = tpu.memref_slice %arg10[%add3A_35, %dma_start3A_38] : memref<10240x16xf32, #tpu.memory_space<vmem_shared>> -> memref<128x16xf32, #tpu.memory_space<vmem_shared>>
    tpu.enqueue_dma source(%arg8 : memref<128x16xf32, #tpu.memory_space<vmem>>) target(%dma_start3A_39 : memref<128x16xf32, #tpu.memory_space<vmem_shared>>) target_semaphore(%arg12 : memref<!tpu.dma_semaphore, #tpu.memory_space<semaphore_mem>>)
    %mul3A_40 = arith.constant 640 : i32
    %mul3A_41 = arith.muli %arg1, %mul3A_40 : i32
    %add3A_42 = arith.constant 0 : i32
    %add3A_43 = arith.addi %mul3A_41, %add3A_42 : i32
    %dma_wait3A = arith.constant 0 : i32
    %dma_wait3A_44 = tpu.memref_slice %arg10[%add3A_43, %dma_wait3A] : memref<10240x16xf32, #tpu.memory_space<vmem_shared>> -> memref<128x16xf32, #tpu.memory_space<vmem_shared>>
    %dma_wait3A_45 = arith.constant 0 : i32
    %dma_wait3A_46 = tpu.memref_slice %arg10[%add3A_43, %dma_wait3A_45] : memref<10240x16xf32, #tpu.memory_space<vmem_shared>> -> memref<128x16xf32, #tpu.memory_space<vmem_shared>>
    tpu.wait_dma2 semaphore(%arg12 : memref<!tpu.dma_semaphore, #tpu.memory_space<semaphore_mem>>) src(%arg8 : memref<128x16xf32, #tpu.memory_space<vmem>>) dst(%dma_wait3A_46 : memref<128x16xf32, #tpu.memory_space<vmem_shared>>)
    %mul3A_47 = arith.constant 640 : i32
    %mul3A_48 = arith.muli %arg1, %mul3A_47 : i32
    %add3A_49 = arith.constant 128 : i32
    %add3A_50 = arith.addi %mul3A_48, %add3A_49 : i32
    %dma_wait3A_51 = arith.constant 0 : i32
    %dma_wait3A_52 = tpu.memref_slice %arg10[%add3A_50, %dma_wait3A_51] : memref<10240x16xf32, #tpu.memory_space<vmem_shared>> -> memref<128x16xf32, #tpu.memory_space<vmem_shared>>
    %dma_wait3A_53 = arith.constant 0 : i32
    %dma_wait3A_54 = tpu.memref_slice %arg10[%add3A_50, %dma_wait3A_53] : memref<10240x16xf32, #tpu.memory_space<vmem_shared>> -> memref<128x16xf32, #tpu.memory_space<vmem_shared>>
    tpu.wait_dma2 semaphore(%arg12 : memref<!tpu.dma_semaphore, #tpu.memory_space<semaphore_mem>>) src(%arg8 : memref<128x16xf32, #tpu.memory_space<vmem>>) dst(%dma_wait3A_54 : memref<128x16xf32, #tpu.memory_space<vmem_shared>>)
    %mul3A_55 = arith.constant 640 : i32
    %mul3A_56 = arith.muli %arg1, %mul3A_55 : i32
    %add3A_57 = arith.constant 256 : i32
    %add3A_58 = arith.addi %mul3A_56, %add3A_57 : i32
    %dma_wait3A_59 = arith.constant 0 : i32
    %dma_wait3A_60 = tpu.memref_slice %arg10[%add3A_58, %dma_wait3A_59] : memref<10240x16xf32, #tpu.memory_space<vmem_shared>> -> memref<128x16xf32, #tpu.memory_space<vmem_shared>>
    %dma_wait3A_61 = arith.constant 0 : i32
    %dma_wait3A_62 = tpu.memref_slice %arg10[%add3A_58, %dma_wait3A_61] : memref<10240x16xf32, #tpu.memory_space<vmem_shared>> -> memref<128x16xf32, #tpu.memory_space<vmem_shared>>
    tpu.wait_dma2 semaphore(%arg12 : memref<!tpu.dma_semaphore, #tpu.memory_space<semaphore_mem>>) src(%arg8 : memref<128x16xf32, #tpu.memory_space<vmem>>) dst(%dma_wait3A_62 : memref<128x16xf32, #tpu.memory_space<vmem_shared>>)
    %mul3A_63 = arith.constant 640 : i32
    %mul3A_64 = arith.muli %arg1, %mul3A_63 : i32
    %add3A_65 = arith.constant 384 : i32
    %add3A_66 = arith.addi %mul3A_64, %add3A_65 : i32
    %dma_wait3A_67 = arith.constant 0 : i32
    %dma_wait3A_68 = tpu.memref_slice %arg10[%add3A_66, %dma_wait3A_67] : memref<10240x16xf32, #tpu.memory_space<vmem_shared>> -> memref<128x16xf32, #tpu.memory_space<vmem_shared>>
    %dma_wait3A_69 = arith.constant 0 : i32
    %dma_wait3A_70 = tpu.memref_slice %arg10[%add3A_66, %dma_wait3A_69] : memref<10240x16xf32, #tpu.memory_space<vmem_shared>> -> memref<128x16xf32, #tpu.memory_space<vmem_shared>>
    tpu.wait_dma2 semaphore(%arg12 : memref<!tpu.dma_semaphore, #tpu.memory_space<semaphore_mem>>) src(%arg8 : memref<128x16xf32, #tpu.memory_space<vmem>>) dst(%dma_wait3A_70 : memref<128x16xf32, #tpu.memory_space<vmem_shared>>)
    %mul3A_71 = arith.constant 640 : i32
    %mul3A_72 = arith.muli %arg1, %mul3A_71 : i32
    %add3A_73 = arith.constant 512 : i32
    %add3A_74 = arith.addi %mul3A_72, %add3A_73 : i32
    %dma_wait3A_75 = arith.constant 0 : i32
    %dma_wait3A_76 = tpu.memref_slice %arg10[%add3A_74, %dma_wait3A_75] : memref<10240x16xf32, #tpu.memory_space<vmem_shared>> -> memref<128x16xf32, #tpu.memory_space<vmem_shared>>
    %dma_wait3A_77 = arith.constant 0 : i32
    %dma_wait3A_78 = tpu.memref_slice %arg10[%add3A_74, %dma_wait3A_77] : memref<10240x16xf32, #tpu.memory_space<vmem_shared>> -> memref<128x16xf32, #tpu.memory_space<vmem_shared>>
    tpu.wait_dma2 semaphore(%arg12 : memref<!tpu.dma_semaphore, #tpu.memory_space<semaphore_mem>>) src(%arg8 : memref<128x16xf32, #tpu.memory_space<vmem>>) dst(%dma_wait3A_78 : memref<128x16xf32, #tpu.memory_space<vmem_shared>>)
    %barrier3A = arith.constant 0 : index
    tpu.barrier barrier_id(%barrier3A)
    %scan3A = arith.constant 0 : i32
    %scan3A_79 = arith.constant 0 : i32
    %scan3A_80 = arith.constant 40 : i32
    %scan3A_81 = arith.addi %scan3A_79, %scan3A_80 : i32
    %scan3A_82 = arith.constant 1 : i32
    scf.for %scan3A_95 = %scan3A_79 to %scan3A_81 step %scan3A_82  : i32 {
      %dma_start3A_96 = arith.constant 0 : i32
      %dma_start3A_97 = tpu.memref_slice %arg6[%scan3A_95, %dma_start3A_96] : memref<40x128xi32, #tpu.memory_space<vmem>> -> memref<1x128xi32, #tpu.memory_space<vmem>>
      %dma_start3A_98 = tpu.memref_squeeze %dma_start3A_97 : memref<1x128xi32, #tpu.memory_space<vmem>> -> memref<128xi32, #tpu.memory_space<vmem>>
      %dma_start3A_99 = arith.constant 0 : i32
      %dma_start3A_100 = arith.constant 0 : i32
      %dma_start3A_101 = tpu.memref_slice %arg10[%dma_start3A_99, %dma_start3A_100] : memref<10240x16xf32, #tpu.memory_space<vmem_shared>> -> memref<10240x16xf32, #tpu.memory_space<vmem_shared>>
      tpu.enqueue_indirect_dma source(%arg7 : memref<128x16xf32, #tpu.memory_space<vmem>>) target(%dma_start3A_101 : memref<10240x16xf32, #tpu.memory_space<vmem_shared>>) offsets(%dma_start3A_98 : memref<128xi32, #tpu.memory_space<vmem>>) semaphore(%arg11 : memref<!tpu.dma_semaphore, #tpu.memory_space<semaphore_mem>>) {add = true}
    }
    %scan3A_83 = arith.constant 40 : i32
    %scan3A_84 = arith.constant 0 : i32
    %scan3A_85 = arith.constant 0 : i32
    %scan3A_86 = arith.constant 40 : i32
    %scan3A_87 = arith.addi %scan3A_85, %scan3A_86 : i32
    %scan3A_88 = arith.constant 1 : i32
    scf.for %scan3A_95 = %scan3A_85 to %scan3A_87 step %scan3A_88  : i32 {
      %dma_wait3A_96 = arith.constant 0 : i32
      %dma_wait3A_97 = tpu.memref_slice %arg6[%scan3A_95, %dma_wait3A_96] : memref<40x128xi32, #tpu.memory_space<vmem>> -> memref<1x128xi32, #tpu.memory_space<vmem>>
      %dma_wait3A_98 = tpu.memref_squeeze %dma_wait3A_97 : memref<1x128xi32, #tpu.memory_space<vmem>> -> memref<128xi32, #tpu.memory_space<vmem>>
      %dma_wait3A_99 = arith.constant 0 : i32
      %dma_wait3A_100 = arith.constant 0 : i32
      %dma_wait3A_101 = tpu.memref_slice %arg10[%dma_wait3A_99, %dma_wait3A_100] : memref<10240x16xf32, #tpu.memory_space<vmem_shared>> -> memref<10240x16xf32, #tpu.memory_space<vmem_shared>>
      tpu.wait_indirect_dma semaphore(%arg11 : memref<!tpu.dma_semaphore, #tpu.memory_space<semaphore_mem>>) src(%arg7 : memref<128x16xf32, #tpu.memory_space<vmem>>) dst(%dma_wait3A_101 : memref<10240x16xf32, #tpu.memory_space<vmem_shared>>)
    }
    %scan3A_89 = arith.constant 40 : i32
    %barrier3A_90 = arith.constant 0 : index
    tpu.barrier barrier_id(%barrier3A_90)
    %mul3A_91 = arith.constant 625 : i32
    %mul3A_92 = arith.muli %arg1, %mul3A_91 : i32
    "tpu.region"() ({
      %run_scoped3A_95 = tpu.sem_alloc : memref<!tpu.dma_semaphore, #tpu.memory_space<semaphore_mem>>
      %dma_start3A_96 = arith.constant 0 : i32
      %dma_start3A_97 = arith.constant 0 : i32
      %dma_start3A_98 = tpu.memref_slice %arg9[%dma_start3A_96, %dma_start3A_97] : memref<640x16xf32, #tpu.memory_space<vmem>> -> memref<625x16xf32, #tpu.memory_space<vmem>>
      %dma_start3A_99 = arith.constant 0 : i32
      %dma_start3A_100 = tpu.memref_slice %arg10[%mul3A_92, %dma_start3A_99] : memref<10240x16xf32, #tpu.memory_space<vmem_shared>> -> memref<625x16xf32, #tpu.memory_space<vmem_shared>>
      %dma_start3A_101 = arith.constant 0 : i32
      %dma_start3A_102 = arith.constant 0 : i32
      %dma_start3A_103 = tpu.memref_slice %arg9[%dma_start3A_101, %dma_start3A_102] : memref<640x16xf32, #tpu.memory_space<vmem>> -> memref<625x16xf32, #tpu.memory_space<vmem>>
      %dma_start3A_104 = arith.constant 0 : i32
      %dma_start3A_105 = tpu.memref_slice %arg10[%mul3A_92, %dma_start3A_104] : memref<10240x16xf32, #tpu.memory_space<vmem_shared>> -> memref<625x16xf32, #tpu.memory_space<vmem_shared>>
      tpu.enqueue_dma source(%dma_start3A_105 : memref<625x16xf32, #tpu.memory_space<vmem_shared>>) target(%dma_start3A_103 : memref<625x16xf32, #tpu.memory_space<vmem>>) target_semaphore(%run_scoped3A_95 : memref<!tpu.dma_semaphore, #tpu.memory_space<semaphore_mem>>)
      %dma_wait3A_106 = arith.constant 0 : i32
      %dma_wait3A_107 = arith.constant 0 : i32
      %dma_wait3A_108 = tpu.memref_slice %arg9[%dma_wait3A_106, %dma_wait3A_107] : memref<640x16xf32, #tpu.memory_space<vmem>> -> memref<625x16xf32, #tpu.memory_space<vmem>>
      %dma_wait3A_109 = arith.constant 0 : i32
      %dma_wait3A_110 = tpu.memref_slice %arg10[%mul3A_92, %dma_wait3A_109] : memref<10240x16xf32, #tpu.memory_space<vmem_shared>> -> memref<625x16xf32, #tpu.memory_space<vmem_shared>>
      %dma_wait3A_111 = arith.constant 0 : i32
      %dma_wait3A_112 = arith.constant 0 : i32
      %dma_wait3A_113 = tpu.memref_slice %arg9[%dma_wait3A_111, %dma_wait3A_112] : memref<640x16xf32, #tpu.memory_space<vmem>> -> memref<625x16xf32, #tpu.memory_space<vmem>>
      %dma_wait3A_114 = arith.constant 0 : i32
      %dma_wait3A_115 = tpu.memref_slice %arg10[%mul3A_92, %dma_wait3A_114] : memref<10240x16xf32, #tpu.memory_space<vmem_shared>> -> memref<625x16xf32, #tpu.memory_space<vmem_shared>>
      tpu.wait_dma2 semaphore(%run_scoped3A_95 : memref<!tpu.dma_semaphore, #tpu.memory_space<semaphore_mem>>) src(%dma_wait3A_115 : memref<625x16xf32, #tpu.memory_space<vmem_shared>>) dst(%dma_wait3A_113 : memref<625x16xf32, #tpu.memory_space<vmem>>)
      tpu.yield
    }) : () -> ()
    %mul3A_93 = arith.constant 625 : i32
    %mul3A_94 = arith.muli %arg1, %mul3A_93 : i32
    "tpu.region"() ({
      %run_scoped3A_95 = tpu.sem_alloc : memref<!tpu.dma_semaphore, #tpu.memory_space<semaphore_mem>>
      %dma_start3A_96 = arith.constant 0 : i32
      %dma_start3A_97 = arith.constant 0 : i32
      %dma_start3A_98 = tpu.memref_slice %arg9[%dma_start3A_96, %dma_start3A_97] : memref<640x16xf32, #tpu.memory_space<vmem>> -> memref<625x16xf32, #tpu.memory_space<vmem>>
      %dma_start3A_99 = arith.constant 0 : i32
      %dma_start3A_100 = tpu.memref_slice %arg5[%arg0, %mul3A_94, %dma_start3A_99] : memref<2x10000x16xf32, #tpu.memory_space<hbm>> -> memref<1x625x16xf32, #tpu.memory_space<hbm>>
      %dma_start3A_101 = tpu.memref_squeeze %dma_start3A_100 : memref<1x625x16xf32, #tpu.memory_space<hbm>> -> memref<625x16xf32, #tpu.memory_space<hbm>>
      %dma_start3A_102 = arith.constant 0 : i32
      %dma_start3A_103 = tpu.memref_slice %arg5[%arg0, %mul3A_94, %dma_start3A_102] : memref<2x10000x16xf32, #tpu.memory_space<hbm>> -> memref<1x625x16xf32, #tpu.memory_space<hbm>>
      %dma_start3A_104 = tpu.memref_squeeze %dma_start3A_103 : memref<1x625x16xf32, #tpu.memory_space<hbm>> -> memref<625x16xf32, #tpu.memory_space<hbm>>
      %dma_start3A_105 = arith.constant 0 : i32
      %dma_start3A_106 = arith.constant 0 : i32
      %dma_start3A_107 = tpu.memref_slice %arg9[%dma_start3A_105, %dma_start3A_106] : memref<640x16xf32, #tpu.memory_space<vmem>> -> memref<625x16xf32, #tpu.memory_space<vmem>>
      tpu.enqueue_dma source(%dma_start3A_107 : memref<625x16xf32, #tpu.memory_space<vmem>>) target(%dma_start3A_104 : memref<625x16xf32, #tpu.memory_space<hbm>>) target_semaphore(%run_scoped3A_95 : memref<!tpu.dma_semaphore, #tpu.memory_space<semaphore_mem>>)
      %dma_wait3A_108 = arith.constant 0 : i32
      %dma_wait3A_109 = arith.constant 0 : i32
      %dma_wait3A_110 = tpu.memref_slice %arg9[%dma_wait3A_108, %dma_wait3A_109] : memref<640x16xf32, #tpu.memory_space<vmem>> -> memref<625x16xf32, #tpu.memory_space<vmem>>
      %dma_wait3A_111 = arith.constant 0 : i32
      %dma_wait3A_112 = tpu.memref_slice %arg5[%arg0, %mul3A_94, %dma_wait3A_111] : memref<2x10000x16xf32, #tpu.memory_space<hbm>> -> memref<1x625x16xf32, #tpu.memory_space<hbm>>
      %dma_wait3A_113 = tpu.memref_squeeze %dma_wait3A_112 : memref<1x625x16xf32, #tpu.memory_space<hbm>> -> memref<625x16xf32, #tpu.memory_space<hbm>>
      %dma_wait3A_114 = arith.constant 0 : i32
      %dma_wait3A_115 = tpu.memref_slice %arg5[%arg0, %mul3A_94, %dma_wait3A_114] : memref<2x10000x16xf32, #tpu.memory_space<hbm>> -> memref<1x625x16xf32, #tpu.memory_space<hbm>>
      %dma_wait3A_116 = tpu.memref_squeeze %dma_wait3A_115 : memref<1x625x16xf32, #tpu.memory_space<hbm>> -> memref<625x16xf32, #tpu.memory_space<hbm>>
      %dma_wait3A_117 = arith.constant 0 : i32
      %dma_wait3A_118 = arith.constant 0 : i32
      %dma_wait3A_119 = tpu.memref_slice %arg9[%dma_wait3A_117, %dma_wait3A_118] : memref<640x16xf32, #tpu.memory_space<vmem>> -> memref<625x16xf32, #tpu.memory_space<vmem>>
      tpu.wait_dma2 semaphore(%run_scoped3A_95 : memref<!tpu.dma_semaphore, #tpu.memory_space<semaphore_mem>>) src(%dma_wait3A_119 : memref<625x16xf32, #tpu.memory_space<vmem>>) dst(%dma_wait3A_116 : memref<625x16xf32, #tpu.memory_space<hbm>>)
      tpu.yield
    }) : () -> ()
    return
  }
}

#map = affine_map<(d0, d1) -> (0, 0)>
#map1 = affine_map<(d0, d1) -> (0, 0, 0, 0)>
#map2 = affine_map<(d0, d1) -> (0, 0, 0)>
module attributes {stable_mosaic.version = 14 : i64} {
  func.func @_sc_agg_body(%arg0: i32, %arg1: i32, %arg2: memref<10000x16xf32, #tpu.memory_space<hbm>>, %arg3: memref<2x32x40x128xi32, #tpu.memory_space<hbm>>, %arg4: memref<128x16xf32, #tpu.memory_space<hbm>>, %arg5: memref<2x10000x16xf32, #tpu.memory_space<hbm>>, %arg6: memref<40x128xi32, #tpu.memory_space<vmem>>, %arg7: memref<40x128xi32, #tpu.memory_space<vmem>>, %arg8: memref<10x128x16xf32, #tpu.memory_space<vmem>>, %arg9: memref<128x16xf32, #tpu.memory_space<vmem>>, %arg10: memref<640x16xf32, #tpu.memory_space<vmem>>, %arg11: memref<10240x16xf32, #tpu.memory_space<vmem_shared>>, %arg12: memref<10240x16xf32, #tpu.memory_space<vmem_shared>>, %arg13: memref<!tpu.dma_semaphore, #tpu.memory_space<semaphore_mem>>, %arg14: memref<!tpu.dma_semaphore, #tpu.memory_space<semaphore_mem>>, %arg15: memref<!tpu.dma_semaphore, #tpu.memory_space<semaphore_mem>>, %arg16: memref<!tpu.dma_semaphore, #tpu.memory_space<semaphore_mem>>, %arg17: memref<!tpu.dma_semaphore, #tpu.memory_space<semaphore_mem>>, %arg18: memref<!tpu.dma_semaphore, #tpu.memory_space<semaphore_mem>>, %arg19: memref<!tpu.dma_semaphore, #tpu.memory_space<semaphore_mem>>, %arg20: memref<!tpu.dma_semaphore, #tpu.memory_space<semaphore_mem>>, %arg21: memref<!tpu.dma_semaphore, #tpu.memory_space<semaphore_mem>>, %arg22: memref<!tpu.dma_semaphore, #tpu.memory_space<semaphore_mem>>, %arg23: memref<!tpu.dma_semaphore, #tpu.memory_space<semaphore_mem>>, %arg24: memref<!tpu.dma_semaphore, #tpu.memory_space<semaphore_mem>>, %arg25: memref<!tpu.dma_semaphore, #tpu.memory_space<semaphore_mem>>, %arg26: memref<!tpu.dma_semaphore, #tpu.memory_space<semaphore_mem>>, %arg27: memref<!tpu.dma_semaphore, #tpu.memory_space<semaphore_mem>>, %arg28: memref<!tpu.dma_semaphore, #tpu.memory_space<semaphore_mem>>, %arg29: memref<!tpu.dma_semaphore, #tpu.memory_space<semaphore_mem>>, %arg30: memref<!tpu.dma_semaphore, #tpu.memory_space<semaphore_mem>>, %arg31: memref<!tpu.dma_semaphore, #tpu.memory_space<semaphore_mem>>, %arg32: memref<!tpu.dma_semaphore, #tpu.memory_space<semaphore_mem>>, %arg33: memref<!tpu.dma_semaphore, #tpu.memory_space<semaphore_mem>>) attributes {dimension_semantics = [#tpu.dimension_semantics<core_parallel>, #tpu.dimension_semantics<subcore_parallel>], iteration_bounds = array<i64: 2, 16>, scalar_prefetch = 0 : i64, scratch_operands = 28 : i64, tpu.core_type = #tpu.core_type<sc_vector_subcore>, window_params = [{transform_indices = #map}, {transform_indices = #map1}, {transform_indices = #map}, {transform_indices = #map2}]} {
    %mul3A = arith.constant 16 : i32
    %mul3A_0 = arith.muli %arg0, %mul3A : i32
    %add3A = arith.addi %mul3A_0, %arg1 : i32
    %run_scoped3A = arith.constant 0 : i32
    "tpu.region"() ({
      %run_scoped3A_334 = tpu.sem_alloc : memref<!tpu.dma_semaphore, #tpu.memory_space<semaphore_mem>>
      %dma_start3A_335 = arith.constant 0 : i32
      %dma_start3A_336 = arith.constant 0 : i32
      %dma_start3A_337 = tpu.memref_slice %arg3[%run_scoped3A, %add3A, %dma_start3A_335, %dma_start3A_336] : memref<2x32x40x128xi32, #tpu.memory_space<hbm>> -> memref<1x1x40x128xi32, #tpu.memory_space<hbm>>
      %dma_start3A_338 = tpu.memref_squeeze %dma_start3A_337 : memref<1x1x40x128xi32, #tpu.memory_space<hbm>> -> memref<40x128xi32, #tpu.memory_space<hbm>>
      %dma_start3A_339 = arith.constant 0 : i32
      %dma_start3A_340 = arith.constant 0 : i32
      %dma_start3A_341 = tpu.memref_slice %arg3[%run_scoped3A, %add3A, %dma_start3A_339, %dma_start3A_340] : memref<2x32x40x128xi32, #tpu.memory_space<hbm>> -> memref<1x1x40x128xi32, #tpu.memory_space<hbm>>
      %dma_start3A_342 = tpu.memref_squeeze %dma_start3A_341 : memref<1x1x40x128xi32, #tpu.memory_space<hbm>> -> memref<40x128xi32, #tpu.memory_space<hbm>>
      tpu.enqueue_dma source(%dma_start3A_342 : memref<40x128xi32, #tpu.memory_space<hbm>>) target(%arg6 : memref<40x128xi32, #tpu.memory_space<vmem>>) target_semaphore(%run_scoped3A_334 : memref<!tpu.dma_semaphore, #tpu.memory_space<semaphore_mem>>)
      %dma_wait3A_343 = arith.constant 0 : i32
      %dma_wait3A_344 = arith.constant 0 : i32
      %dma_wait3A_345 = tpu.memref_slice %arg3[%run_scoped3A, %add3A, %dma_wait3A_343, %dma_wait3A_344] : memref<2x32x40x128xi32, #tpu.memory_space<hbm>> -> memref<1x1x40x128xi32, #tpu.memory_space<hbm>>
      %dma_wait3A_346 = tpu.memref_squeeze %dma_wait3A_345 : memref<1x1x40x128xi32, #tpu.memory_space<hbm>> -> memref<40x128xi32, #tpu.memory_space<hbm>>
      %dma_wait3A_347 = arith.constant 0 : i32
      %dma_wait3A_348 = arith.constant 0 : i32
      %dma_wait3A_349 = tpu.memref_slice %arg3[%run_scoped3A, %add3A, %dma_wait3A_347, %dma_wait3A_348] : memref<2x32x40x128xi32, #tpu.memory_space<hbm>> -> memref<1x1x40x128xi32, #tpu.memory_space<hbm>>
      %dma_wait3A_350 = tpu.memref_squeeze %dma_wait3A_349 : memref<1x1x40x128xi32, #tpu.memory_space<hbm>> -> memref<40x128xi32, #tpu.memory_space<hbm>>
      tpu.wait_dma2 semaphore(%run_scoped3A_334 : memref<!tpu.dma_semaphore, #tpu.memory_space<semaphore_mem>>) src(%dma_wait3A_350 : memref<40x128xi32, #tpu.memory_space<hbm>>) dst(%arg6 : memref<40x128xi32, #tpu.memory_space<vmem>>)
      tpu.yield
    }) : () -> ()
    %run_scoped3A_1 = arith.constant 1 : i32
    "tpu.region"() ({
      %run_scoped3A_334 = tpu.sem_alloc : memref<!tpu.dma_semaphore, #tpu.memory_space<semaphore_mem>>
      %dma_start3A_335 = arith.constant 0 : i32
      %dma_start3A_336 = arith.constant 0 : i32
      %dma_start3A_337 = tpu.memref_slice %arg3[%run_scoped3A_1, %add3A, %dma_start3A_335, %dma_start3A_336] : memref<2x32x40x128xi32, #tpu.memory_space<hbm>> -> memref<1x1x40x128xi32, #tpu.memory_space<hbm>>
      %dma_start3A_338 = tpu.memref_squeeze %dma_start3A_337 : memref<1x1x40x128xi32, #tpu.memory_space<hbm>> -> memref<40x128xi32, #tpu.memory_space<hbm>>
      %dma_start3A_339 = arith.constant 0 : i32
      %dma_start3A_340 = arith.constant 0 : i32
      %dma_start3A_341 = tpu.memref_slice %arg3[%run_scoped3A_1, %add3A, %dma_start3A_339, %dma_start3A_340] : memref<2x32x40x128xi32, #tpu.memory_space<hbm>> -> memref<1x1x40x128xi32, #tpu.memory_space<hbm>>
      %dma_start3A_342 = tpu.memref_squeeze %dma_start3A_341 : memref<1x1x40x128xi32, #tpu.memory_space<hbm>> -> memref<40x128xi32, #tpu.memory_space<hbm>>
      tpu.enqueue_dma source(%dma_start3A_342 : memref<40x128xi32, #tpu.memory_space<hbm>>) target(%arg7 : memref<40x128xi32, #tpu.memory_space<vmem>>) target_semaphore(%run_scoped3A_334 : memref<!tpu.dma_semaphore, #tpu.memory_space<semaphore_mem>>)
      %dma_wait3A_343 = arith.constant 0 : i32
      %dma_wait3A_344 = arith.constant 0 : i32
      %dma_wait3A_345 = tpu.memref_slice %arg3[%run_scoped3A_1, %add3A, %dma_wait3A_343, %dma_wait3A_344] : memref<2x32x40x128xi32, #tpu.memory_space<hbm>> -> memref<1x1x40x128xi32, #tpu.memory_space<hbm>>
      %dma_wait3A_346 = tpu.memref_squeeze %dma_wait3A_345 : memref<1x1x40x128xi32, #tpu.memory_space<hbm>> -> memref<40x128xi32, #tpu.memory_space<hbm>>
      %dma_wait3A_347 = arith.constant 0 : i32
      %dma_wait3A_348 = arith.constant 0 : i32
      %dma_wait3A_349 = tpu.memref_slice %arg3[%run_scoped3A_1, %add3A, %dma_wait3A_347, %dma_wait3A_348] : memref<2x32x40x128xi32, #tpu.memory_space<hbm>> -> memref<1x1x40x128xi32, #tpu.memory_space<hbm>>
      %dma_wait3A_350 = tpu.memref_squeeze %dma_wait3A_349 : memref<1x1x40x128xi32, #tpu.memory_space<hbm>> -> memref<40x128xi32, #tpu.memory_space<hbm>>
      tpu.wait_dma2 semaphore(%run_scoped3A_334 : memref<!tpu.dma_semaphore, #tpu.memory_space<semaphore_mem>>) src(%dma_wait3A_350 : memref<40x128xi32, #tpu.memory_space<hbm>>) dst(%arg7 : memref<40x128xi32, #tpu.memory_space<vmem>>)
      tpu.yield
    }) : () -> ()
    %mul3A_2 = arith.constant 625 : i32
    %mul3A_3 = arith.muli %arg1, %mul3A_2 : i32
    "tpu.region"() ({
      %run_scoped3A_334 = tpu.sem_alloc : memref<!tpu.dma_semaphore, #tpu.memory_space<semaphore_mem>>
      %dma_start3A_335 = arith.constant 0 : i32
      %dma_start3A_336 = arith.constant 0 : i32
      %dma_start3A_337 = tpu.memref_slice %arg10[%dma_start3A_335, %dma_start3A_336] : memref<640x16xf32, #tpu.memory_space<vmem>> -> memref<625x16xf32, #tpu.memory_space<vmem>>
      %dma_start3A_338 = arith.constant 0 : i32
      %dma_start3A_339 = tpu.memref_slice %arg2[%mul3A_3, %dma_start3A_338] : memref<10000x16xf32, #tpu.memory_space<hbm>> -> memref<625x16xf32, #tpu.memory_space<hbm>>
      %dma_start3A_340 = arith.constant 0 : i32
      %dma_start3A_341 = arith.constant 0 : i32
      %dma_start3A_342 = tpu.memref_slice %arg10[%dma_start3A_340, %dma_start3A_341] : memref<640x16xf32, #tpu.memory_space<vmem>> -> memref<625x16xf32, #tpu.memory_space<vmem>>
      %dma_start3A_343 = arith.constant 0 : i32
      %dma_start3A_344 = tpu.memref_slice %arg2[%mul3A_3, %dma_start3A_343] : memref<10000x16xf32, #tpu.memory_space<hbm>> -> memref<625x16xf32, #tpu.memory_space<hbm>>
      tpu.enqueue_dma source(%dma_start3A_344 : memref<625x16xf32, #tpu.memory_space<hbm>>) target(%dma_start3A_342 : memref<625x16xf32, #tpu.memory_space<vmem>>) target_semaphore(%run_scoped3A_334 : memref<!tpu.dma_semaphore, #tpu.memory_space<semaphore_mem>>)
      %dma_wait3A_345 = arith.constant 0 : i32
      %dma_wait3A_346 = arith.constant 0 : i32
      %dma_wait3A_347 = tpu.memref_slice %arg10[%dma_wait3A_345, %dma_wait3A_346] : memref<640x16xf32, #tpu.memory_space<vmem>> -> memref<625x16xf32, #tpu.memory_space<vmem>>
      %dma_wait3A_348 = arith.constant 0 : i32
      %dma_wait3A_349 = tpu.memref_slice %arg2[%mul3A_3, %dma_wait3A_348] : memref<10000x16xf32, #tpu.memory_space<hbm>> -> memref<625x16xf32, #tpu.memory_space<hbm>>
      %dma_wait3A_350 = arith.constant 0 : i32
      %dma_wait3A_351 = arith.constant 0 : i32
      %dma_wait3A_352 = tpu.memref_slice %arg10[%dma_wait3A_350, %dma_wait3A_351] : memref<640x16xf32, #tpu.memory_space<vmem>> -> memref<625x16xf32, #tpu.memory_space<vmem>>
      %dma_wait3A_353 = arith.constant 0 : i32
      %dma_wait3A_354 = tpu.memref_slice %arg2[%mul3A_3, %dma_wait3A_353] : memref<10000x16xf32, #tpu.memory_space<hbm>> -> memref<625x16xf32, #tpu.memory_space<hbm>>
      tpu.wait_dma2 semaphore(%run_scoped3A_334 : memref<!tpu.dma_semaphore, #tpu.memory_space<semaphore_mem>>) src(%dma_wait3A_354 : memref<625x16xf32, #tpu.memory_space<hbm>>) dst(%dma_wait3A_352 : memref<625x16xf32, #tpu.memory_space<vmem>>)
      tpu.yield
    }) : () -> ()
    %mul3A_4 = arith.constant 625 : i32
    %mul3A_5 = arith.muli %arg1, %mul3A_4 : i32
    "tpu.region"() ({
      %run_scoped3A_334 = tpu.sem_alloc : memref<!tpu.dma_semaphore, #tpu.memory_space<semaphore_mem>>
      %dma_start3A_335 = arith.constant 0 : i32
      %dma_start3A_336 = arith.constant 0 : i32
      %dma_start3A_337 = tpu.memref_slice %arg10[%dma_start3A_335, %dma_start3A_336] : memref<640x16xf32, #tpu.memory_space<vmem>> -> memref<625x16xf32, #tpu.memory_space<vmem>>
      %dma_start3A_338 = arith.constant 0 : i32
      %dma_start3A_339 = tpu.memref_slice %arg12[%mul3A_5, %dma_start3A_338] : memref<10240x16xf32, #tpu.memory_space<vmem_shared>> -> memref<625x16xf32, #tpu.memory_space<vmem_shared>>
      %dma_start3A_340 = arith.constant 0 : i32
      %dma_start3A_341 = tpu.memref_slice %arg12[%mul3A_5, %dma_start3A_340] : memref<10240x16xf32, #tpu.memory_space<vmem_shared>> -> memref<625x16xf32, #tpu.memory_space<vmem_shared>>
      %dma_start3A_342 = arith.constant 0 : i32
      %dma_start3A_343 = arith.constant 0 : i32
      %dma_start3A_344 = tpu.memref_slice %arg10[%dma_start3A_342, %dma_start3A_343] : memref<640x16xf32, #tpu.memory_space<vmem>> -> memref<625x16xf32, #tpu.memory_space<vmem>>
      tpu.enqueue_dma source(%dma_start3A_344 : memref<625x16xf32, #tpu.memory_space<vmem>>) target(%dma_start3A_341 : memref<625x16xf32, #tpu.memory_space<vmem_shared>>) target_semaphore(%run_scoped3A_334 : memref<!tpu.dma_semaphore, #tpu.memory_space<semaphore_mem>>)
      %dma_wait3A_345 = arith.constant 0 : i32
      %dma_wait3A_346 = arith.constant 0 : i32
      %dma_wait3A_347 = tpu.memref_slice %arg10[%dma_wait3A_345, %dma_wait3A_346] : memref<640x16xf32, #tpu.memory_space<vmem>> -> memref<625x16xf32, #tpu.memory_space<vmem>>
      %dma_wait3A_348 = arith.constant 0 : i32
      %dma_wait3A_349 = tpu.memref_slice %arg12[%mul3A_5, %dma_wait3A_348] : memref<10240x16xf32, #tpu.memory_space<vmem_shared>> -> memref<625x16xf32, #tpu.memory_space<vmem_shared>>
      %dma_wait3A_350 = arith.constant 0 : i32
      %dma_wait3A_351 = tpu.memref_slice %arg12[%mul3A_5, %dma_wait3A_350] : memref<10240x16xf32, #tpu.memory_space<vmem_shared>> -> memref<625x16xf32, #tpu.memory_space<vmem_shared>>
      %dma_wait3A_352 = arith.constant 0 : i32
      %dma_wait3A_353 = arith.constant 0 : i32
      %dma_wait3A_354 = tpu.memref_slice %arg10[%dma_wait3A_352, %dma_wait3A_353] : memref<640x16xf32, #tpu.memory_space<vmem>> -> memref<625x16xf32, #tpu.memory_space<vmem>>
      tpu.wait_dma2 semaphore(%run_scoped3A_334 : memref<!tpu.dma_semaphore, #tpu.memory_space<semaphore_mem>>) src(%dma_wait3A_354 : memref<625x16xf32, #tpu.memory_space<vmem>>) dst(%dma_wait3A_351 : memref<625x16xf32, #tpu.memory_space<vmem_shared>>)
      tpu.yield
    }) : () -> ()
    "tpu.region"() ({
      %run_scoped3A_334 = tpu.sem_alloc : memref<!tpu.dma_semaphore, #tpu.memory_space<semaphore_mem>>
      tpu.enqueue_dma source(%arg4 : memref<128x16xf32, #tpu.memory_space<hbm>>) target(%arg9 : memref<128x16xf32, #tpu.memory_space<vmem>>) target_semaphore(%run_scoped3A_334 : memref<!tpu.dma_semaphore, #tpu.memory_space<semaphore_mem>>)
      tpu.wait_dma2 semaphore(%run_scoped3A_334 : memref<!tpu.dma_semaphore, #tpu.memory_space<semaphore_mem>>) src(%arg4 : memref<128x16xf32, #tpu.memory_space<hbm>>) dst(%arg9 : memref<128x16xf32, #tpu.memory_space<vmem>>)
      tpu.yield
    }) : () -> ()
    %mul3A_6 = arith.constant 640 : i32
    %mul3A_7 = arith.muli %arg1, %mul3A_6 : i32
    %add3A_8 = arith.constant 0 : i32
    %add3A_9 = arith.addi %mul3A_7, %add3A_8 : i32
    %dma_start3A = arith.constant 0 : i32
    %dma_start3A_10 = tpu.memref_slice %arg11[%add3A_9, %dma_start3A] : memref<10240x16xf32, #tpu.memory_space<vmem_shared>> -> memref<128x16xf32, #tpu.memory_space<vmem_shared>>
    %dma_start3A_11 = arith.constant 0 : i32
    %dma_start3A_12 = tpu.memref_slice %arg11[%add3A_9, %dma_start3A_11] : memref<10240x16xf32, #tpu.memory_space<vmem_shared>> -> memref<128x16xf32, #tpu.memory_space<vmem_shared>>
    tpu.enqueue_dma source(%arg9 : memref<128x16xf32, #tpu.memory_space<vmem>>) target(%dma_start3A_12 : memref<128x16xf32, #tpu.memory_space<vmem_shared>>) target_semaphore(%arg33 : memref<!tpu.dma_semaphore, #tpu.memory_space<semaphore_mem>>)
    %mul3A_13 = arith.constant 640 : i32
    %mul3A_14 = arith.muli %arg1, %mul3A_13 : i32
    %add3A_15 = arith.constant 128 : i32
    %add3A_16 = arith.addi %mul3A_14, %add3A_15 : i32
    %dma_start3A_17 = arith.constant 0 : i32
    %dma_start3A_18 = tpu.memref_slice %arg11[%add3A_16, %dma_start3A_17] : memref<10240x16xf32, #tpu.memory_space<vmem_shared>> -> memref<128x16xf32, #tpu.memory_space<vmem_shared>>
    %dma_start3A_19 = arith.constant 0 : i32
    %dma_start3A_20 = tpu.memref_slice %arg11[%add3A_16, %dma_start3A_19] : memref<10240x16xf32, #tpu.memory_space<vmem_shared>> -> memref<128x16xf32, #tpu.memory_space<vmem_shared>>
    tpu.enqueue_dma source(%arg9 : memref<128x16xf32, #tpu.memory_space<vmem>>) target(%dma_start3A_20 : memref<128x16xf32, #tpu.memory_space<vmem_shared>>) target_semaphore(%arg33 : memref<!tpu.dma_semaphore, #tpu.memory_space<semaphore_mem>>)
    %mul3A_21 = arith.constant 640 : i32
    %mul3A_22 = arith.muli %arg1, %mul3A_21 : i32
    %add3A_23 = arith.constant 256 : i32
    %add3A_24 = arith.addi %mul3A_22, %add3A_23 : i32
    %dma_start3A_25 = arith.constant 0 : i32
    %dma_start3A_26 = tpu.memref_slice %arg11[%add3A_24, %dma_start3A_25] : memref<10240x16xf32, #tpu.memory_space<vmem_shared>> -> memref<128x16xf32, #tpu.memory_space<vmem_shared>>
    %dma_start3A_27 = arith.constant 0 : i32
    %dma_start3A_28 = tpu.memref_slice %arg11[%add3A_24, %dma_start3A_27] : memref<10240x16xf32, #tpu.memory_space<vmem_shared>> -> memref<128x16xf32, #tpu.memory_space<vmem_shared>>
    tpu.enqueue_dma source(%arg9 : memref<128x16xf32, #tpu.memory_space<vmem>>) target(%dma_start3A_28 : memref<128x16xf32, #tpu.memory_space<vmem_shared>>) target_semaphore(%arg33 : memref<!tpu.dma_semaphore, #tpu.memory_space<semaphore_mem>>)
    %mul3A_29 = arith.constant 640 : i32
    %mul3A_30 = arith.muli %arg1, %mul3A_29 : i32
    %add3A_31 = arith.constant 384 : i32
    %add3A_32 = arith.addi %mul3A_30, %add3A_31 : i32
    %dma_start3A_33 = arith.constant 0 : i32
    %dma_start3A_34 = tpu.memref_slice %arg11[%add3A_32, %dma_start3A_33] : memref<10240x16xf32, #tpu.memory_space<vmem_shared>> -> memref<128x16xf32, #tpu.memory_space<vmem_shared>>
    %dma_start3A_35 = arith.constant 0 : i32
    %dma_start3A_36 = tpu.memref_slice %arg11[%add3A_32, %dma_start3A_35] : memref<10240x16xf32, #tpu.memory_space<vmem_shared>> -> memref<128x16xf32, #tpu.memory_space<vmem_shared>>
    tpu.enqueue_dma source(%arg9 : memref<128x16xf32, #tpu.memory_space<vmem>>) target(%dma_start3A_36 : memref<128x16xf32, #tpu.memory_space<vmem_shared>>) target_semaphore(%arg33 : memref<!tpu.dma_semaphore, #tpu.memory_space<semaphore_mem>>)
    %mul3A_37 = arith.constant 640 : i32
    %mul3A_38 = arith.muli %arg1, %mul3A_37 : i32
    %add3A_39 = arith.constant 512 : i32
    %add3A_40 = arith.addi %mul3A_38, %add3A_39 : i32
    %dma_start3A_41 = arith.constant 0 : i32
    %dma_start3A_42 = tpu.memref_slice %arg11[%add3A_40, %dma_start3A_41] : memref<10240x16xf32, #tpu.memory_space<vmem_shared>> -> memref<128x16xf32, #tpu.memory_space<vmem_shared>>
    %dma_start3A_43 = arith.constant 0 : i32
    %dma_start3A_44 = tpu.memref_slice %arg11[%add3A_40, %dma_start3A_43] : memref<10240x16xf32, #tpu.memory_space<vmem_shared>> -> memref<128x16xf32, #tpu.memory_space<vmem_shared>>
    tpu.enqueue_dma source(%arg9 : memref<128x16xf32, #tpu.memory_space<vmem>>) target(%dma_start3A_44 : memref<128x16xf32, #tpu.memory_space<vmem_shared>>) target_semaphore(%arg33 : memref<!tpu.dma_semaphore, #tpu.memory_space<semaphore_mem>>)
    %mul3A_45 = arith.constant 640 : i32
    %mul3A_46 = arith.muli %arg1, %mul3A_45 : i32
    %add3A_47 = arith.constant 0 : i32
    %add3A_48 = arith.addi %mul3A_46, %add3A_47 : i32
    %dma_wait3A = arith.constant 0 : i32
    %dma_wait3A_49 = tpu.memref_slice %arg11[%add3A_48, %dma_wait3A] : memref<10240x16xf32, #tpu.memory_space<vmem_shared>> -> memref<128x16xf32, #tpu.memory_space<vmem_shared>>
    %dma_wait3A_50 = arith.constant 0 : i32
    %dma_wait3A_51 = tpu.memref_slice %arg11[%add3A_48, %dma_wait3A_50] : memref<10240x16xf32, #tpu.memory_space<vmem_shared>> -> memref<128x16xf32, #tpu.memory_space<vmem_shared>>
    tpu.wait_dma2 semaphore(%arg33 : memref<!tpu.dma_semaphore, #tpu.memory_space<semaphore_mem>>) src(%arg9 : memref<128x16xf32, #tpu.memory_space<vmem>>) dst(%dma_wait3A_51 : memref<128x16xf32, #tpu.memory_space<vmem_shared>>)
    %mul3A_52 = arith.constant 640 : i32
    %mul3A_53 = arith.muli %arg1, %mul3A_52 : i32
    %add3A_54 = arith.constant 128 : i32
    %add3A_55 = arith.addi %mul3A_53, %add3A_54 : i32
    %dma_wait3A_56 = arith.constant 0 : i32
    %dma_wait3A_57 = tpu.memref_slice %arg11[%add3A_55, %dma_wait3A_56] : memref<10240x16xf32, #tpu.memory_space<vmem_shared>> -> memref<128x16xf32, #tpu.memory_space<vmem_shared>>
    %dma_wait3A_58 = arith.constant 0 : i32
    %dma_wait3A_59 = tpu.memref_slice %arg11[%add3A_55, %dma_wait3A_58] : memref<10240x16xf32, #tpu.memory_space<vmem_shared>> -> memref<128x16xf32, #tpu.memory_space<vmem_shared>>
    tpu.wait_dma2 semaphore(%arg33 : memref<!tpu.dma_semaphore, #tpu.memory_space<semaphore_mem>>) src(%arg9 : memref<128x16xf32, #tpu.memory_space<vmem>>) dst(%dma_wait3A_59 : memref<128x16xf32, #tpu.memory_space<vmem_shared>>)
    %mul3A_60 = arith.constant 640 : i32
    %mul3A_61 = arith.muli %arg1, %mul3A_60 : i32
    %add3A_62 = arith.constant 256 : i32
    %add3A_63 = arith.addi %mul3A_61, %add3A_62 : i32
    %dma_wait3A_64 = arith.constant 0 : i32
    %dma_wait3A_65 = tpu.memref_slice %arg11[%add3A_63, %dma_wait3A_64] : memref<10240x16xf32, #tpu.memory_space<vmem_shared>> -> memref<128x16xf32, #tpu.memory_space<vmem_shared>>
    %dma_wait3A_66 = arith.constant 0 : i32
    %dma_wait3A_67 = tpu.memref_slice %arg11[%add3A_63, %dma_wait3A_66] : memref<10240x16xf32, #tpu.memory_space<vmem_shared>> -> memref<128x16xf32, #tpu.memory_space<vmem_shared>>
    tpu.wait_dma2 semaphore(%arg33 : memref<!tpu.dma_semaphore, #tpu.memory_space<semaphore_mem>>) src(%arg9 : memref<128x16xf32, #tpu.memory_space<vmem>>) dst(%dma_wait3A_67 : memref<128x16xf32, #tpu.memory_space<vmem_shared>>)
    %mul3A_68 = arith.constant 640 : i32
    %mul3A_69 = arith.muli %arg1, %mul3A_68 : i32
    %add3A_70 = arith.constant 384 : i32
    %add3A_71 = arith.addi %mul3A_69, %add3A_70 : i32
    %dma_wait3A_72 = arith.constant 0 : i32
    %dma_wait3A_73 = tpu.memref_slice %arg11[%add3A_71, %dma_wait3A_72] : memref<10240x16xf32, #tpu.memory_space<vmem_shared>> -> memref<128x16xf32, #tpu.memory_space<vmem_shared>>
    %dma_wait3A_74 = arith.constant 0 : i32
    %dma_wait3A_75 = tpu.memref_slice %arg11[%add3A_71, %dma_wait3A_74] : memref<10240x16xf32, #tpu.memory_space<vmem_shared>> -> memref<128x16xf32, #tpu.memory_space<vmem_shared>>
    tpu.wait_dma2 semaphore(%arg33 : memref<!tpu.dma_semaphore, #tpu.memory_space<semaphore_mem>>) src(%arg9 : memref<128x16xf32, #tpu.memory_space<vmem>>) dst(%dma_wait3A_75 : memref<128x16xf32, #tpu.memory_space<vmem_shared>>)
    %mul3A_76 = arith.constant 640 : i32
    %mul3A_77 = arith.muli %arg1, %mul3A_76 : i32
    %add3A_78 = arith.constant 512 : i32
    %add3A_79 = arith.addi %mul3A_77, %add3A_78 : i32
    %dma_wait3A_80 = arith.constant 0 : i32
    %dma_wait3A_81 = tpu.memref_slice %arg11[%add3A_79, %dma_wait3A_80] : memref<10240x16xf32, #tpu.memory_space<vmem_shared>> -> memref<128x16xf32, #tpu.memory_space<vmem_shared>>
    %dma_wait3A_82 = arith.constant 0 : i32
    %dma_wait3A_83 = tpu.memref_slice %arg11[%add3A_79, %dma_wait3A_82] : memref<10240x16xf32, #tpu.memory_space<vmem_shared>> -> memref<128x16xf32, #tpu.memory_space<vmem_shared>>
    tpu.wait_dma2 semaphore(%arg33 : memref<!tpu.dma_semaphore, #tpu.memory_space<semaphore_mem>>) src(%arg9 : memref<128x16xf32, #tpu.memory_space<vmem>>) dst(%dma_wait3A_83 : memref<128x16xf32, #tpu.memory_space<vmem_shared>>)
    %barrier3A = arith.constant 0 : index
    tpu.barrier barrier_id(%barrier3A)
    %dma_start3A_84 = arith.constant 0 : i32
    %dma_start3A_85 = arith.constant 0 : i32
    %dma_start3A_86 = arith.constant 0 : i32
    %dma_start3A_87 = arith.constant 0 : i32
    %dma_start3A_88 = tpu.memref_slice %arg8[%dma_start3A_85, %dma_start3A_86, %dma_start3A_87] : memref<10x128x16xf32, #tpu.memory_space<vmem>> -> memref<1x128x16xf32, #tpu.memory_space<vmem>>
    %dma_start3A_89 = tpu.memref_squeeze %dma_start3A_88 : memref<1x128x16xf32, #tpu.memory_space<vmem>> -> memref<128x16xf32, #tpu.memory_space<vmem>>
    %dma_start3A_90 = arith.constant 0 : i32
    %dma_start3A_91 = tpu.memref_slice %arg6[%dma_start3A_84, %dma_start3A_90] : memref<40x128xi32, #tpu.memory_space<vmem>> -> memref<1x128xi32, #tpu.memory_space<vmem>>
    %dma_start3A_92 = tpu.memref_squeeze %dma_start3A_91 : memref<1x128xi32, #tpu.memory_space<vmem>> -> memref<128xi32, #tpu.memory_space<vmem>>
    %dma_start3A_93 = arith.constant 0 : i32
    %dma_start3A_94 = arith.constant 0 : i32
    %dma_start3A_95 = tpu.memref_slice %arg12[%dma_start3A_93, %dma_start3A_94] : memref<10240x16xf32, #tpu.memory_space<vmem_shared>> -> memref<10240x16xf32, #tpu.memory_space<vmem_shared>>
    tpu.enqueue_indirect_dma source(%dma_start3A_95 : memref<10240x16xf32, #tpu.memory_space<vmem_shared>>) target(%dma_start3A_89 : memref<128x16xf32, #tpu.memory_space<vmem>>) offsets(%dma_start3A_92 : memref<128xi32, #tpu.memory_space<vmem>>) semaphore(%arg13 : memref<!tpu.dma_semaphore, #tpu.memory_space<semaphore_mem>>)
    %dma_start3A_96 = arith.constant 1 : i32
    %dma_start3A_97 = arith.constant 1 : i32
    %dma_start3A_98 = arith.constant 0 : i32
    %dma_start3A_99 = arith.constant 0 : i32
    %dma_start3A_100 = tpu.memref_slice %arg8[%dma_start3A_97, %dma_start3A_98, %dma_start3A_99] : memref<10x128x16xf32, #tpu.memory_space<vmem>> -> memref<1x128x16xf32, #tpu.memory_space<vmem>>
    %dma_start3A_101 = tpu.memref_squeeze %dma_start3A_100 : memref<1x128x16xf32, #tpu.memory_space<vmem>> -> memref<128x16xf32, #tpu.memory_space<vmem>>
    %dma_start3A_102 = arith.constant 0 : i32
    %dma_start3A_103 = tpu.memref_slice %arg6[%dma_start3A_96, %dma_start3A_102] : memref<40x128xi32, #tpu.memory_space<vmem>> -> memref<1x128xi32, #tpu.memory_space<vmem>>
    %dma_start3A_104 = tpu.memref_squeeze %dma_start3A_103 : memref<1x128xi32, #tpu.memory_space<vmem>> -> memref<128xi32, #tpu.memory_space<vmem>>
    %dma_start3A_105 = arith.constant 0 : i32
    %dma_start3A_106 = arith.constant 0 : i32
    %dma_start3A_107 = tpu.memref_slice %arg12[%dma_start3A_105, %dma_start3A_106] : memref<10240x16xf32, #tpu.memory_space<vmem_shared>> -> memref<10240x16xf32, #tpu.memory_space<vmem_shared>>
    tpu.enqueue_indirect_dma source(%dma_start3A_107 : memref<10240x16xf32, #tpu.memory_space<vmem_shared>>) target(%dma_start3A_101 : memref<128x16xf32, #tpu.memory_space<vmem>>) offsets(%dma_start3A_104 : memref<128xi32, #tpu.memory_space<vmem>>) semaphore(%arg14 : memref<!tpu.dma_semaphore, #tpu.memory_space<semaphore_mem>>)
    %dma_start3A_108 = arith.constant 2 : i32
    %dma_start3A_109 = arith.constant 2 : i32
    %dma_start3A_110 = arith.constant 0 : i32
    %dma_start3A_111 = arith.constant 0 : i32
    %dma_start3A_112 = tpu.memref_slice %arg8[%dma_start3A_109, %dma_start3A_110, %dma_start3A_111] : memref<10x128x16xf32, #tpu.memory_space<vmem>> -> memref<1x128x16xf32, #tpu.memory_space<vmem>>
    %dma_start3A_113 = tpu.memref_squeeze %dma_start3A_112 : memref<1x128x16xf32, #tpu.memory_space<vmem>> -> memref<128x16xf32, #tpu.memory_space<vmem>>
    %dma_start3A_114 = arith.constant 0 : i32
    %dma_start3A_115 = tpu.memref_slice %arg6[%dma_start3A_108, %dma_start3A_114] : memref<40x128xi32, #tpu.memory_space<vmem>> -> memref<1x128xi32, #tpu.memory_space<vmem>>
    %dma_start3A_116 = tpu.memref_squeeze %dma_start3A_115 : memref<1x128xi32, #tpu.memory_space<vmem>> -> memref<128xi32, #tpu.memory_space<vmem>>
    %dma_start3A_117 = arith.constant 0 : i32
    %dma_start3A_118 = arith.constant 0 : i32
    %dma_start3A_119 = tpu.memref_slice %arg12[%dma_start3A_117, %dma_start3A_118] : memref<10240x16xf32, #tpu.memory_space<vmem_shared>> -> memref<10240x16xf32, #tpu.memory_space<vmem_shared>>
    tpu.enqueue_indirect_dma source(%dma_start3A_119 : memref<10240x16xf32, #tpu.memory_space<vmem_shared>>) target(%dma_start3A_113 : memref<128x16xf32, #tpu.memory_space<vmem>>) offsets(%dma_start3A_116 : memref<128xi32, #tpu.memory_space<vmem>>) semaphore(%arg15 : memref<!tpu.dma_semaphore, #tpu.memory_space<semaphore_mem>>)
    %dma_start3A_120 = arith.constant 3 : i32
    %dma_start3A_121 = arith.constant 3 : i32
    %dma_start3A_122 = arith.constant 0 : i32
    %dma_start3A_123 = arith.constant 0 : i32
    %dma_start3A_124 = tpu.memref_slice %arg8[%dma_start3A_121, %dma_start3A_122, %dma_start3A_123] : memref<10x128x16xf32, #tpu.memory_space<vmem>> -> memref<1x128x16xf32, #tpu.memory_space<vmem>>
    %dma_start3A_125 = tpu.memref_squeeze %dma_start3A_124 : memref<1x128x16xf32, #tpu.memory_space<vmem>> -> memref<128x16xf32, #tpu.memory_space<vmem>>
    %dma_start3A_126 = arith.constant 0 : i32
    %dma_start3A_127 = tpu.memref_slice %arg6[%dma_start3A_120, %dma_start3A_126] : memref<40x128xi32, #tpu.memory_space<vmem>> -> memref<1x128xi32, #tpu.memory_space<vmem>>
    %dma_start3A_128 = tpu.memref_squeeze %dma_start3A_127 : memref<1x128xi32, #tpu.memory_space<vmem>> -> memref<128xi32, #tpu.memory_space<vmem>>
    %dma_start3A_129 = arith.constant 0 : i32
    %dma_start3A_130 = arith.constant 0 : i32
    %dma_start3A_131 = tpu.memref_slice %arg12[%dma_start3A_129, %dma_start3A_130] : memref<10240x16xf32, #tpu.memory_space<vmem_shared>> -> memref<10240x16xf32, #tpu.memory_space<vmem_shared>>
    tpu.enqueue_indirect_dma source(%dma_start3A_131 : memref<10240x16xf32, #tpu.memory_space<vmem_shared>>) target(%dma_start3A_125 : memref<128x16xf32, #tpu.memory_space<vmem>>) offsets(%dma_start3A_128 : memref<128xi32, #tpu.memory_space<vmem>>) semaphore(%arg16 : memref<!tpu.dma_semaphore, #tpu.memory_space<semaphore_mem>>)
    %dma_start3A_132 = arith.constant 4 : i32
    %dma_start3A_133 = arith.constant 4 : i32
    %dma_start3A_134 = arith.constant 0 : i32
    %dma_start3A_135 = arith.constant 0 : i32
    %dma_start3A_136 = tpu.memref_slice %arg8[%dma_start3A_133, %dma_start3A_134, %dma_start3A_135] : memref<10x128x16xf32, #tpu.memory_space<vmem>> -> memref<1x128x16xf32, #tpu.memory_space<vmem>>
    %dma_start3A_137 = tpu.memref_squeeze %dma_start3A_136 : memref<1x128x16xf32, #tpu.memory_space<vmem>> -> memref<128x16xf32, #tpu.memory_space<vmem>>
    %dma_start3A_138 = arith.constant 0 : i32
    %dma_start3A_139 = tpu.memref_slice %arg6[%dma_start3A_132, %dma_start3A_138] : memref<40x128xi32, #tpu.memory_space<vmem>> -> memref<1x128xi32, #tpu.memory_space<vmem>>
    %dma_start3A_140 = tpu.memref_squeeze %dma_start3A_139 : memref<1x128xi32, #tpu.memory_space<vmem>> -> memref<128xi32, #tpu.memory_space<vmem>>
    %dma_start3A_141 = arith.constant 0 : i32
    %dma_start3A_142 = arith.constant 0 : i32
    %dma_start3A_143 = tpu.memref_slice %arg12[%dma_start3A_141, %dma_start3A_142] : memref<10240x16xf32, #tpu.memory_space<vmem_shared>> -> memref<10240x16xf32, #tpu.memory_space<vmem_shared>>
    tpu.enqueue_indirect_dma source(%dma_start3A_143 : memref<10240x16xf32, #tpu.memory_space<vmem_shared>>) target(%dma_start3A_137 : memref<128x16xf32, #tpu.memory_space<vmem>>) offsets(%dma_start3A_140 : memref<128xi32, #tpu.memory_space<vmem>>) semaphore(%arg17 : memref<!tpu.dma_semaphore, #tpu.memory_space<semaphore_mem>>)
    %dma_start3A_144 = arith.constant 5 : i32
    %dma_start3A_145 = arith.constant 5 : i32
    %dma_start3A_146 = arith.constant 0 : i32
    %dma_start3A_147 = arith.constant 0 : i32
    %dma_start3A_148 = tpu.memref_slice %arg8[%dma_start3A_145, %dma_start3A_146, %dma_start3A_147] : memref<10x128x16xf32, #tpu.memory_space<vmem>> -> memref<1x128x16xf32, #tpu.memory_space<vmem>>
    %dma_start3A_149 = tpu.memref_squeeze %dma_start3A_148 : memref<1x128x16xf32, #tpu.memory_space<vmem>> -> memref<128x16xf32, #tpu.memory_space<vmem>>
    %dma_start3A_150 = arith.constant 0 : i32
    %dma_start3A_151 = tpu.memref_slice %arg6[%dma_start3A_144, %dma_start3A_150] : memref<40x128xi32, #tpu.memory_space<vmem>> -> memref<1x128xi32, #tpu.memory_space<vmem>>
    %dma_start3A_152 = tpu.memref_squeeze %dma_start3A_151 : memref<1x128xi32, #tpu.memory_space<vmem>> -> memref<128xi32, #tpu.memory_space<vmem>>
    %dma_start3A_153 = arith.constant 0 : i32
    %dma_start3A_154 = arith.constant 0 : i32
    %dma_start3A_155 = tpu.memref_slice %arg12[%dma_start3A_153, %dma_start3A_154] : memref<10240x16xf32, #tpu.memory_space<vmem_shared>> -> memref<10240x16xf32, #tpu.memory_space<vmem_shared>>
    tpu.enqueue_indirect_dma source(%dma_start3A_155 : memref<10240x16xf32, #tpu.memory_space<vmem_shared>>) target(%dma_start3A_149 : memref<128x16xf32, #tpu.memory_space<vmem>>) offsets(%dma_start3A_152 : memref<128xi32, #tpu.memory_space<vmem>>) semaphore(%arg18 : memref<!tpu.dma_semaphore, #tpu.memory_space<semaphore_mem>>)
    %dma_start3A_156 = arith.constant 6 : i32
    %dma_start3A_157 = arith.constant 6 : i32
    %dma_start3A_158 = arith.constant 0 : i32
    %dma_start3A_159 = arith.constant 0 : i32
    %dma_start3A_160 = tpu.memref_slice %arg8[%dma_start3A_157, %dma_start3A_158, %dma_start3A_159] : memref<10x128x16xf32, #tpu.memory_space<vmem>> -> memref<1x128x16xf32, #tpu.memory_space<vmem>>
    %dma_start3A_161 = tpu.memref_squeeze %dma_start3A_160 : memref<1x128x16xf32, #tpu.memory_space<vmem>> -> memref<128x16xf32, #tpu.memory_space<vmem>>
    %dma_start3A_162 = arith.constant 0 : i32
    %dma_start3A_163 = tpu.memref_slice %arg6[%dma_start3A_156, %dma_start3A_162] : memref<40x128xi32, #tpu.memory_space<vmem>> -> memref<1x128xi32, #tpu.memory_space<vmem>>
    %dma_start3A_164 = tpu.memref_squeeze %dma_start3A_163 : memref<1x128xi32, #tpu.memory_space<vmem>> -> memref<128xi32, #tpu.memory_space<vmem>>
    %dma_start3A_165 = arith.constant 0 : i32
    %dma_start3A_166 = arith.constant 0 : i32
    %dma_start3A_167 = tpu.memref_slice %arg12[%dma_start3A_165, %dma_start3A_166] : memref<10240x16xf32, #tpu.memory_space<vmem_shared>> -> memref<10240x16xf32, #tpu.memory_space<vmem_shared>>
    tpu.enqueue_indirect_dma source(%dma_start3A_167 : memref<10240x16xf32, #tpu.memory_space<vmem_shared>>) target(%dma_start3A_161 : memref<128x16xf32, #tpu.memory_space<vmem>>) offsets(%dma_start3A_164 : memref<128xi32, #tpu.memory_space<vmem>>) semaphore(%arg19 : memref<!tpu.dma_semaphore, #tpu.memory_space<semaphore_mem>>)
    %dma_start3A_168 = arith.constant 7 : i32
    %dma_start3A_169 = arith.constant 7 : i32
    %dma_start3A_170 = arith.constant 0 : i32
    %dma_start3A_171 = arith.constant 0 : i32
    %dma_start3A_172 = tpu.memref_slice %arg8[%dma_start3A_169, %dma_start3A_170, %dma_start3A_171] : memref<10x128x16xf32, #tpu.memory_space<vmem>> -> memref<1x128x16xf32, #tpu.memory_space<vmem>>
    %dma_start3A_173 = tpu.memref_squeeze %dma_start3A_172 : memref<1x128x16xf32, #tpu.memory_space<vmem>> -> memref<128x16xf32, #tpu.memory_space<vmem>>
    %dma_start3A_174 = arith.constant 0 : i32
    %dma_start3A_175 = tpu.memref_slice %arg6[%dma_start3A_168, %dma_start3A_174] : memref<40x128xi32, #tpu.memory_space<vmem>> -> memref<1x128xi32, #tpu.memory_space<vmem>>
    %dma_start3A_176 = tpu.memref_squeeze %dma_start3A_175 : memref<1x128xi32, #tpu.memory_space<vmem>> -> memref<128xi32, #tpu.memory_space<vmem>>
    %dma_start3A_177 = arith.constant 0 : i32
    %dma_start3A_178 = arith.constant 0 : i32
    %dma_start3A_179 = tpu.memref_slice %arg12[%dma_start3A_177, %dma_start3A_178] : memref<10240x16xf32, #tpu.memory_space<vmem_shared>> -> memref<10240x16xf32, #tpu.memory_space<vmem_shared>>
    tpu.enqueue_indirect_dma source(%dma_start3A_179 : memref<10240x16xf32, #tpu.memory_space<vmem_shared>>) target(%dma_start3A_173 : memref<128x16xf32, #tpu.memory_space<vmem>>) offsets(%dma_start3A_176 : memref<128xi32, #tpu.memory_space<vmem>>) semaphore(%arg20 : memref<!tpu.dma_semaphore, #tpu.memory_space<semaphore_mem>>)
    %dma_start3A_180 = arith.constant 8 : i32
    %dma_start3A_181 = arith.constant 8 : i32
    %dma_start3A_182 = arith.constant 0 : i32
    %dma_start3A_183 = arith.constant 0 : i32
    %dma_start3A_184 = tpu.memref_slice %arg8[%dma_start3A_181, %dma_start3A_182, %dma_start3A_183] : memref<10x128x16xf32, #tpu.memory_space<vmem>> -> memref<1x128x16xf32, #tpu.memory_space<vmem>>
    %dma_start3A_185 = tpu.memref_squeeze %dma_start3A_184 : memref<1x128x16xf32, #tpu.memory_space<vmem>> -> memref<128x16xf32, #tpu.memory_space<vmem>>
    %dma_start3A_186 = arith.constant 0 : i32
    %dma_start3A_187 = tpu.memref_slice %arg6[%dma_start3A_180, %dma_start3A_186] : memref<40x128xi32, #tpu.memory_space<vmem>> -> memref<1x128xi32, #tpu.memory_space<vmem>>
    %dma_start3A_188 = tpu.memref_squeeze %dma_start3A_187 : memref<1x128xi32, #tpu.memory_space<vmem>> -> memref<128xi32, #tpu.memory_space<vmem>>
    %dma_start3A_189 = arith.constant 0 : i32
    %dma_start3A_190 = arith.constant 0 : i32
    %dma_start3A_191 = tpu.memref_slice %arg12[%dma_start3A_189, %dma_start3A_190] : memref<10240x16xf32, #tpu.memory_space<vmem_shared>> -> memref<10240x16xf32, #tpu.memory_space<vmem_shared>>
    tpu.enqueue_indirect_dma source(%dma_start3A_191 : memref<10240x16xf32, #tpu.memory_space<vmem_shared>>) target(%dma_start3A_185 : memref<128x16xf32, #tpu.memory_space<vmem>>) offsets(%dma_start3A_188 : memref<128xi32, #tpu.memory_space<vmem>>) semaphore(%arg21 : memref<!tpu.dma_semaphore, #tpu.memory_space<semaphore_mem>>)
    %dma_start3A_192 = arith.constant 9 : i32
    %dma_start3A_193 = arith.constant 9 : i32
    %dma_start3A_194 = arith.constant 0 : i32
    %dma_start3A_195 = arith.constant 0 : i32
    %dma_start3A_196 = tpu.memref_slice %arg8[%dma_start3A_193, %dma_start3A_194, %dma_start3A_195] : memref<10x128x16xf32, #tpu.memory_space<vmem>> -> memref<1x128x16xf32, #tpu.memory_space<vmem>>
    %dma_start3A_197 = tpu.memref_squeeze %dma_start3A_196 : memref<1x128x16xf32, #tpu.memory_space<vmem>> -> memref<128x16xf32, #tpu.memory_space<vmem>>
    %dma_start3A_198 = arith.constant 0 : i32
    %dma_start3A_199 = tpu.memref_slice %arg6[%dma_start3A_192, %dma_start3A_198] : memref<40x128xi32, #tpu.memory_space<vmem>> -> memref<1x128xi32, #tpu.memory_space<vmem>>
    %dma_start3A_200 = tpu.memref_squeeze %dma_start3A_199 : memref<1x128xi32, #tpu.memory_space<vmem>> -> memref<128xi32, #tpu.memory_space<vmem>>
    %dma_start3A_201 = arith.constant 0 : i32
    %dma_start3A_202 = arith.constant 0 : i32
    %dma_start3A_203 = tpu.memref_slice %arg12[%dma_start3A_201, %dma_start3A_202] : memref<10240x16xf32, #tpu.memory_space<vmem_shared>> -> memref<10240x16xf32, #tpu.memory_space<vmem_shared>>
    tpu.enqueue_indirect_dma source(%dma_start3A_203 : memref<10240x16xf32, #tpu.memory_space<vmem_shared>>) target(%dma_start3A_197 : memref<128x16xf32, #tpu.memory_space<vmem>>) offsets(%dma_start3A_200 : memref<128xi32, #tpu.memory_space<vmem>>) semaphore(%arg22 : memref<!tpu.dma_semaphore, #tpu.memory_space<semaphore_mem>>)
    %scan3A = arith.constant 0 : i32
    %scan3A_204 = arith.constant 0 : i32
    %scan3A_205 = arith.constant 4 : i32
    %scan3A_206 = arith.addi %scan3A_204, %scan3A_205 : i32
    %scan3A_207 = arith.constant 1 : i32
    scf.for %scan3A_334 = %scan3A_204 to %scan3A_206 step %scan3A_207  : i32 {
      %mul3A_335 = arith.constant 10 : i32
      %mul3A_336 = arith.muli %scan3A_334, %mul3A_335 : i32
      %add3A_337 = arith.constant 0 : i32
      %add3A_338 = arith.addi %mul3A_336, %add3A_337 : i32
      %dma_wait3A_339 = arith.constant 0 : i32
      %dma_wait3A_340 = arith.constant 0 : i32
      %dma_wait3A_341 = arith.constant 0 : i32
      %dma_wait3A_342 = tpu.memref_slice %arg8[%dma_wait3A_339, %dma_wait3A_340, %dma_wait3A_341] : memref<10x128x16xf32, #tpu.memory_space<vmem>> -> memref<1x128x16xf32, #tpu.memory_space<vmem>>
      %dma_wait3A_343 = tpu.memref_squeeze %dma_wait3A_342 : memref<1x128x16xf32, #tpu.memory_space<vmem>> -> memref<128x16xf32, #tpu.memory_space<vmem>>
      %dma_wait3A_344 = arith.constant 0 : i32
      %dma_wait3A_345 = tpu.memref_slice %arg6[%add3A_338, %dma_wait3A_344] : memref<40x128xi32, #tpu.memory_space<vmem>> -> memref<1x128xi32, #tpu.memory_space<vmem>>
      %dma_wait3A_346 = tpu.memref_squeeze %dma_wait3A_345 : memref<1x128xi32, #tpu.memory_space<vmem>> -> memref<128xi32, #tpu.memory_space<vmem>>
      %dma_wait3A_347 = arith.constant 0 : i32
      %dma_wait3A_348 = arith.constant 0 : i32
      %dma_wait3A_349 = tpu.memref_slice %arg12[%dma_wait3A_347, %dma_wait3A_348] : memref<10240x16xf32, #tpu.memory_space<vmem_shared>> -> memref<10240x16xf32, #tpu.memory_space<vmem_shared>>
      tpu.wait_indirect_dma semaphore(%arg13 : memref<!tpu.dma_semaphore, #tpu.memory_space<semaphore_mem>>) src(%dma_wait3A_349 : memref<10240x16xf32, #tpu.memory_space<vmem_shared>>) dst(%dma_wait3A_343 : memref<128x16xf32, #tpu.memory_space<vmem>>)
      %dma_start3A_350 = arith.constant 0 : i32
      %dma_start3A_351 = arith.constant 0 : i32
      %dma_start3A_352 = arith.constant 0 : i32
      %dma_start3A_353 = tpu.memref_slice %arg8[%dma_start3A_350, %dma_start3A_351, %dma_start3A_352] : memref<10x128x16xf32, #tpu.memory_space<vmem>> -> memref<1x128x16xf32, #tpu.memory_space<vmem>>
      %dma_start3A_354 = tpu.memref_squeeze %dma_start3A_353 : memref<1x128x16xf32, #tpu.memory_space<vmem>> -> memref<128x16xf32, #tpu.memory_space<vmem>>
      %dma_start3A_355 = arith.constant 0 : i32
      %dma_start3A_356 = tpu.memref_slice %arg7[%add3A_338, %dma_start3A_355] : memref<40x128xi32, #tpu.memory_space<vmem>> -> memref<1x128xi32, #tpu.memory_space<vmem>>
      %dma_start3A_357 = tpu.memref_squeeze %dma_start3A_356 : memref<1x128xi32, #tpu.memory_space<vmem>> -> memref<128xi32, #tpu.memory_space<vmem>>
      %dma_start3A_358 = arith.constant 0 : i32
      %dma_start3A_359 = arith.constant 0 : i32
      %dma_start3A_360 = tpu.memref_slice %arg11[%dma_start3A_358, %dma_start3A_359] : memref<10240x16xf32, #tpu.memory_space<vmem_shared>> -> memref<10240x16xf32, #tpu.memory_space<vmem_shared>>
      tpu.enqueue_indirect_dma source(%dma_start3A_354 : memref<128x16xf32, #tpu.memory_space<vmem>>) target(%dma_start3A_360 : memref<10240x16xf32, #tpu.memory_space<vmem_shared>>) offsets(%dma_start3A_357 : memref<128xi32, #tpu.memory_space<vmem>>) semaphore(%arg23 : memref<!tpu.dma_semaphore, #tpu.memory_space<semaphore_mem>>) {add = true}
      %add3A_361 = arith.constant 1 : i32
      %add3A_362 = arith.addi %mul3A_336, %add3A_361 : i32
      %dma_wait3A_363 = arith.constant 1 : i32
      %dma_wait3A_364 = arith.constant 0 : i32
      %dma_wait3A_365 = arith.constant 0 : i32
      %dma_wait3A_366 = tpu.memref_slice %arg8[%dma_wait3A_363, %dma_wait3A_364, %dma_wait3A_365] : memref<10x128x16xf32, #tpu.memory_space<vmem>> -> memref<1x128x16xf32, #tpu.memory_space<vmem>>
      %dma_wait3A_367 = tpu.memref_squeeze %dma_wait3A_366 : memref<1x128x16xf32, #tpu.memory_space<vmem>> -> memref<128x16xf32, #tpu.memory_space<vmem>>
      %dma_wait3A_368 = arith.constant 0 : i32
      %dma_wait3A_369 = tpu.memref_slice %arg6[%add3A_362, %dma_wait3A_368] : memref<40x128xi32, #tpu.memory_space<vmem>> -> memref<1x128xi32, #tpu.memory_space<vmem>>
      %dma_wait3A_370 = tpu.memref_squeeze %dma_wait3A_369 : memref<1x128xi32, #tpu.memory_space<vmem>> -> memref<128xi32, #tpu.memory_space<vmem>>
      %dma_wait3A_371 = arith.constant 0 : i32
      %dma_wait3A_372 = arith.constant 0 : i32
      %dma_wait3A_373 = tpu.memref_slice %arg12[%dma_wait3A_371, %dma_wait3A_372] : memref<10240x16xf32, #tpu.memory_space<vmem_shared>> -> memref<10240x16xf32, #tpu.memory_space<vmem_shared>>
      tpu.wait_indirect_dma semaphore(%arg14 : memref<!tpu.dma_semaphore, #tpu.memory_space<semaphore_mem>>) src(%dma_wait3A_373 : memref<10240x16xf32, #tpu.memory_space<vmem_shared>>) dst(%dma_wait3A_367 : memref<128x16xf32, #tpu.memory_space<vmem>>)
      %dma_start3A_374 = arith.constant 1 : i32
      %dma_start3A_375 = arith.constant 0 : i32
      %dma_start3A_376 = arith.constant 0 : i32
      %dma_start3A_377 = tpu.memref_slice %arg8[%dma_start3A_374, %dma_start3A_375, %dma_start3A_376] : memref<10x128x16xf32, #tpu.memory_space<vmem>> -> memref<1x128x16xf32, #tpu.memory_space<vmem>>
      %dma_start3A_378 = tpu.memref_squeeze %dma_start3A_377 : memref<1x128x16xf32, #tpu.memory_space<vmem>> -> memref<128x16xf32, #tpu.memory_space<vmem>>
      %dma_start3A_379 = arith.constant 0 : i32
      %dma_start3A_380 = tpu.memref_slice %arg7[%add3A_362, %dma_start3A_379] : memref<40x128xi32, #tpu.memory_space<vmem>> -> memref<1x128xi32, #tpu.memory_space<vmem>>
      %dma_start3A_381 = tpu.memref_squeeze %dma_start3A_380 : memref<1x128xi32, #tpu.memory_space<vmem>> -> memref<128xi32, #tpu.memory_space<vmem>>
      %dma_start3A_382 = arith.constant 0 : i32
      %dma_start3A_383 = arith.constant 0 : i32
      %dma_start3A_384 = tpu.memref_slice %arg11[%dma_start3A_382, %dma_start3A_383] : memref<10240x16xf32, #tpu.memory_space<vmem_shared>> -> memref<10240x16xf32, #tpu.memory_space<vmem_shared>>
      tpu.enqueue_indirect_dma source(%dma_start3A_378 : memref<128x16xf32, #tpu.memory_space<vmem>>) target(%dma_start3A_384 : memref<10240x16xf32, #tpu.memory_space<vmem_shared>>) offsets(%dma_start3A_381 : memref<128xi32, #tpu.memory_space<vmem>>) semaphore(%arg24 : memref<!tpu.dma_semaphore, #tpu.memory_space<semaphore_mem>>) {add = true}
      %add3A_385 = arith.constant 2 : i32
      %add3A_386 = arith.addi %mul3A_336, %add3A_385 : i32
      %dma_wait3A_387 = arith.constant 2 : i32
      %dma_wait3A_388 = arith.constant 0 : i32
      %dma_wait3A_389 = arith.constant 0 : i32
      %dma_wait3A_390 = tpu.memref_slice %arg8[%dma_wait3A_387, %dma_wait3A_388, %dma_wait3A_389] : memref<10x128x16xf32, #tpu.memory_space<vmem>> -> memref<1x128x16xf32, #tpu.memory_space<vmem>>
      %dma_wait3A_391 = tpu.memref_squeeze %dma_wait3A_390 : memref<1x128x16xf32, #tpu.memory_space<vmem>> -> memref<128x16xf32, #tpu.memory_space<vmem>>
      %dma_wait3A_392 = arith.constant 0 : i32
      %dma_wait3A_393 = tpu.memref_slice %arg6[%add3A_386, %dma_wait3A_392] : memref<40x128xi32, #tpu.memory_space<vmem>> -> memref<1x128xi32, #tpu.memory_space<vmem>>
      %dma_wait3A_394 = tpu.memref_squeeze %dma_wait3A_393 : memref<1x128xi32, #tpu.memory_space<vmem>> -> memref<128xi32, #tpu.memory_space<vmem>>
      %dma_wait3A_395 = arith.constant 0 : i32
      %dma_wait3A_396 = arith.constant 0 : i32
      %dma_wait3A_397 = tpu.memref_slice %arg12[%dma_wait3A_395, %dma_wait3A_396] : memref<10240x16xf32, #tpu.memory_space<vmem_shared>> -> memref<10240x16xf32, #tpu.memory_space<vmem_shared>>
      tpu.wait_indirect_dma semaphore(%arg15 : memref<!tpu.dma_semaphore, #tpu.memory_space<semaphore_mem>>) src(%dma_wait3A_397 : memref<10240x16xf32, #tpu.memory_space<vmem_shared>>) dst(%dma_wait3A_391 : memref<128x16xf32, #tpu.memory_space<vmem>>)
      %dma_start3A_398 = arith.constant 2 : i32
      %dma_start3A_399 = arith.constant 0 : i32
      %dma_start3A_400 = arith.constant 0 : i32
      %dma_start3A_401 = tpu.memref_slice %arg8[%dma_start3A_398, %dma_start3A_399, %dma_start3A_400] : memref<10x128x16xf32, #tpu.memory_space<vmem>> -> memref<1x128x16xf32, #tpu.memory_space<vmem>>
      %dma_start3A_402 = tpu.memref_squeeze %dma_start3A_401 : memref<1x128x16xf32, #tpu.memory_space<vmem>> -> memref<128x16xf32, #tpu.memory_space<vmem>>
      %dma_start3A_403 = arith.constant 0 : i32
      %dma_start3A_404 = tpu.memref_slice %arg7[%add3A_386, %dma_start3A_403] : memref<40x128xi32, #tpu.memory_space<vmem>> -> memref<1x128xi32, #tpu.memory_space<vmem>>
      %dma_start3A_405 = tpu.memref_squeeze %dma_start3A_404 : memref<1x128xi32, #tpu.memory_space<vmem>> -> memref<128xi32, #tpu.memory_space<vmem>>
      %dma_start3A_406 = arith.constant 0 : i32
      %dma_start3A_407 = arith.constant 0 : i32
      %dma_start3A_408 = tpu.memref_slice %arg11[%dma_start3A_406, %dma_start3A_407] : memref<10240x16xf32, #tpu.memory_space<vmem_shared>> -> memref<10240x16xf32, #tpu.memory_space<vmem_shared>>
      tpu.enqueue_indirect_dma source(%dma_start3A_402 : memref<128x16xf32, #tpu.memory_space<vmem>>) target(%dma_start3A_408 : memref<10240x16xf32, #tpu.memory_space<vmem_shared>>) offsets(%dma_start3A_405 : memref<128xi32, #tpu.memory_space<vmem>>) semaphore(%arg25 : memref<!tpu.dma_semaphore, #tpu.memory_space<semaphore_mem>>) {add = true}
      %add3A_409 = arith.constant 3 : i32
      %add3A_410 = arith.addi %mul3A_336, %add3A_409 : i32
      %dma_wait3A_411 = arith.constant 3 : i32
      %dma_wait3A_412 = arith.constant 0 : i32
      %dma_wait3A_413 = arith.constant 0 : i32
      %dma_wait3A_414 = tpu.memref_slice %arg8[%dma_wait3A_411, %dma_wait3A_412, %dma_wait3A_413] : memref<10x128x16xf32, #tpu.memory_space<vmem>> -> memref<1x128x16xf32, #tpu.memory_space<vmem>>
      %dma_wait3A_415 = tpu.memref_squeeze %dma_wait3A_414 : memref<1x128x16xf32, #tpu.memory_space<vmem>> -> memref<128x16xf32, #tpu.memory_space<vmem>>
      %dma_wait3A_416 = arith.constant 0 : i32
      %dma_wait3A_417 = tpu.memref_slice %arg6[%add3A_410, %dma_wait3A_416] : memref<40x128xi32, #tpu.memory_space<vmem>> -> memref<1x128xi32, #tpu.memory_space<vmem>>
      %dma_wait3A_418 = tpu.memref_squeeze %dma_wait3A_417 : memref<1x128xi32, #tpu.memory_space<vmem>> -> memref<128xi32, #tpu.memory_space<vmem>>
      %dma_wait3A_419 = arith.constant 0 : i32
      %dma_wait3A_420 = arith.constant 0 : i32
      %dma_wait3A_421 = tpu.memref_slice %arg12[%dma_wait3A_419, %dma_wait3A_420] : memref<10240x16xf32, #tpu.memory_space<vmem_shared>> -> memref<10240x16xf32, #tpu.memory_space<vmem_shared>>
      tpu.wait_indirect_dma semaphore(%arg16 : memref<!tpu.dma_semaphore, #tpu.memory_space<semaphore_mem>>) src(%dma_wait3A_421 : memref<10240x16xf32, #tpu.memory_space<vmem_shared>>) dst(%dma_wait3A_415 : memref<128x16xf32, #tpu.memory_space<vmem>>)
      %dma_start3A_422 = arith.constant 3 : i32
      %dma_start3A_423 = arith.constant 0 : i32
      %dma_start3A_424 = arith.constant 0 : i32
      %dma_start3A_425 = tpu.memref_slice %arg8[%dma_start3A_422, %dma_start3A_423, %dma_start3A_424] : memref<10x128x16xf32, #tpu.memory_space<vmem>> -> memref<1x128x16xf32, #tpu.memory_space<vmem>>
      %dma_start3A_426 = tpu.memref_squeeze %dma_start3A_425 : memref<1x128x16xf32, #tpu.memory_space<vmem>> -> memref<128x16xf32, #tpu.memory_space<vmem>>
      %dma_start3A_427 = arith.constant 0 : i32
      %dma_start3A_428 = tpu.memref_slice %arg7[%add3A_410, %dma_start3A_427] : memref<40x128xi32, #tpu.memory_space<vmem>> -> memref<1x128xi32, #tpu.memory_space<vmem>>
      %dma_start3A_429 = tpu.memref_squeeze %dma_start3A_428 : memref<1x128xi32, #tpu.memory_space<vmem>> -> memref<128xi32, #tpu.memory_space<vmem>>
      %dma_start3A_430 = arith.constant 0 : i32
      %dma_start3A_431 = arith.constant 0 : i32
      %dma_start3A_432 = tpu.memref_slice %arg11[%dma_start3A_430, %dma_start3A_431] : memref<10240x16xf32, #tpu.memory_space<vmem_shared>> -> memref<10240x16xf32, #tpu.memory_space<vmem_shared>>
      tpu.enqueue_indirect_dma source(%dma_start3A_426 : memref<128x16xf32, #tpu.memory_space<vmem>>) target(%dma_start3A_432 : memref<10240x16xf32, #tpu.memory_space<vmem_shared>>) offsets(%dma_start3A_429 : memref<128xi32, #tpu.memory_space<vmem>>) semaphore(%arg26 : memref<!tpu.dma_semaphore, #tpu.memory_space<semaphore_mem>>) {add = true}
      %add3A_433 = arith.constant 4 : i32
      %add3A_434 = arith.addi %mul3A_336, %add3A_433 : i32
      %dma_wait3A_435 = arith.constant 4 : i32
      %dma_wait3A_436 = arith.constant 0 : i32
      %dma_wait3A_437 = arith.constant 0 : i32
      %dma_wait3A_438 = tpu.memref_slice %arg8[%dma_wait3A_435, %dma_wait3A_436, %dma_wait3A_437] : memref<10x128x16xf32, #tpu.memory_space<vmem>> -> memref<1x128x16xf32, #tpu.memory_space<vmem>>
      %dma_wait3A_439 = tpu.memref_squeeze %dma_wait3A_438 : memref<1x128x16xf32, #tpu.memory_space<vmem>> -> memref<128x16xf32, #tpu.memory_space<vmem>>
      %dma_wait3A_440 = arith.constant 0 : i32
      %dma_wait3A_441 = tpu.memref_slice %arg6[%add3A_434, %dma_wait3A_440] : memref<40x128xi32, #tpu.memory_space<vmem>> -> memref<1x128xi32, #tpu.memory_space<vmem>>
      %dma_wait3A_442 = tpu.memref_squeeze %dma_wait3A_441 : memref<1x128xi32, #tpu.memory_space<vmem>> -> memref<128xi32, #tpu.memory_space<vmem>>
      %dma_wait3A_443 = arith.constant 0 : i32
      %dma_wait3A_444 = arith.constant 0 : i32
      %dma_wait3A_445 = tpu.memref_slice %arg12[%dma_wait3A_443, %dma_wait3A_444] : memref<10240x16xf32, #tpu.memory_space<vmem_shared>> -> memref<10240x16xf32, #tpu.memory_space<vmem_shared>>
      tpu.wait_indirect_dma semaphore(%arg17 : memref<!tpu.dma_semaphore, #tpu.memory_space<semaphore_mem>>) src(%dma_wait3A_445 : memref<10240x16xf32, #tpu.memory_space<vmem_shared>>) dst(%dma_wait3A_439 : memref<128x16xf32, #tpu.memory_space<vmem>>)
      %dma_start3A_446 = arith.constant 4 : i32
      %dma_start3A_447 = arith.constant 0 : i32
      %dma_start3A_448 = arith.constant 0 : i32
      %dma_start3A_449 = tpu.memref_slice %arg8[%dma_start3A_446, %dma_start3A_447, %dma_start3A_448] : memref<10x128x16xf32, #tpu.memory_space<vmem>> -> memref<1x128x16xf32, #tpu.memory_space<vmem>>
      %dma_start3A_450 = tpu.memref_squeeze %dma_start3A_449 : memref<1x128x16xf32, #tpu.memory_space<vmem>> -> memref<128x16xf32, #tpu.memory_space<vmem>>
      %dma_start3A_451 = arith.constant 0 : i32
      %dma_start3A_452 = tpu.memref_slice %arg7[%add3A_434, %dma_start3A_451] : memref<40x128xi32, #tpu.memory_space<vmem>> -> memref<1x128xi32, #tpu.memory_space<vmem>>
      %dma_start3A_453 = tpu.memref_squeeze %dma_start3A_452 : memref<1x128xi32, #tpu.memory_space<vmem>> -> memref<128xi32, #tpu.memory_space<vmem>>
      %dma_start3A_454 = arith.constant 0 : i32
      %dma_start3A_455 = arith.constant 0 : i32
      %dma_start3A_456 = tpu.memref_slice %arg11[%dma_start3A_454, %dma_start3A_455] : memref<10240x16xf32, #tpu.memory_space<vmem_shared>> -> memref<10240x16xf32, #tpu.memory_space<vmem_shared>>
      tpu.enqueue_indirect_dma source(%dma_start3A_450 : memref<128x16xf32, #tpu.memory_space<vmem>>) target(%dma_start3A_456 : memref<10240x16xf32, #tpu.memory_space<vmem_shared>>) offsets(%dma_start3A_453 : memref<128xi32, #tpu.memory_space<vmem>>) semaphore(%arg27 : memref<!tpu.dma_semaphore, #tpu.memory_space<semaphore_mem>>) {add = true}
      %add3A_457 = arith.constant 5 : i32
      %add3A_458 = arith.addi %mul3A_336, %add3A_457 : i32
      %dma_wait3A_459 = arith.constant 5 : i32
      %dma_wait3A_460 = arith.constant 0 : i32
      %dma_wait3A_461 = arith.constant 0 : i32
      %dma_wait3A_462 = tpu.memref_slice %arg8[%dma_wait3A_459, %dma_wait3A_460, %dma_wait3A_461] : memref<10x128x16xf32, #tpu.memory_space<vmem>> -> memref<1x128x16xf32, #tpu.memory_space<vmem>>
      %dma_wait3A_463 = tpu.memref_squeeze %dma_wait3A_462 : memref<1x128x16xf32, #tpu.memory_space<vmem>> -> memref<128x16xf32, #tpu.memory_space<vmem>>
      %dma_wait3A_464 = arith.constant 0 : i32
      %dma_wait3A_465 = tpu.memref_slice %arg6[%add3A_458, %dma_wait3A_464] : memref<40x128xi32, #tpu.memory_space<vmem>> -> memref<1x128xi32, #tpu.memory_space<vmem>>
      %dma_wait3A_466 = tpu.memref_squeeze %dma_wait3A_465 : memref<1x128xi32, #tpu.memory_space<vmem>> -> memref<128xi32, #tpu.memory_space<vmem>>
      %dma_wait3A_467 = arith.constant 0 : i32
      %dma_wait3A_468 = arith.constant 0 : i32
      %dma_wait3A_469 = tpu.memref_slice %arg12[%dma_wait3A_467, %dma_wait3A_468] : memref<10240x16xf32, #tpu.memory_space<vmem_shared>> -> memref<10240x16xf32, #tpu.memory_space<vmem_shared>>
      tpu.wait_indirect_dma semaphore(%arg18 : memref<!tpu.dma_semaphore, #tpu.memory_space<semaphore_mem>>) src(%dma_wait3A_469 : memref<10240x16xf32, #tpu.memory_space<vmem_shared>>) dst(%dma_wait3A_463 : memref<128x16xf32, #tpu.memory_space<vmem>>)
      %dma_start3A_470 = arith.constant 5 : i32
      %dma_start3A_471 = arith.constant 0 : i32
      %dma_start3A_472 = arith.constant 0 : i32
      %dma_start3A_473 = tpu.memref_slice %arg8[%dma_start3A_470, %dma_start3A_471, %dma_start3A_472] : memref<10x128x16xf32, #tpu.memory_space<vmem>> -> memref<1x128x16xf32, #tpu.memory_space<vmem>>
      %dma_start3A_474 = tpu.memref_squeeze %dma_start3A_473 : memref<1x128x16xf32, #tpu.memory_space<vmem>> -> memref<128x16xf32, #tpu.memory_space<vmem>>
      %dma_start3A_475 = arith.constant 0 : i32
      %dma_start3A_476 = tpu.memref_slice %arg7[%add3A_458, %dma_start3A_475] : memref<40x128xi32, #tpu.memory_space<vmem>> -> memref<1x128xi32, #tpu.memory_space<vmem>>
      %dma_start3A_477 = tpu.memref_squeeze %dma_start3A_476 : memref<1x128xi32, #tpu.memory_space<vmem>> -> memref<128xi32, #tpu.memory_space<vmem>>
      %dma_start3A_478 = arith.constant 0 : i32
      %dma_start3A_479 = arith.constant 0 : i32
      %dma_start3A_480 = tpu.memref_slice %arg11[%dma_start3A_478, %dma_start3A_479] : memref<10240x16xf32, #tpu.memory_space<vmem_shared>> -> memref<10240x16xf32, #tpu.memory_space<vmem_shared>>
      tpu.enqueue_indirect_dma source(%dma_start3A_474 : memref<128x16xf32, #tpu.memory_space<vmem>>) target(%dma_start3A_480 : memref<10240x16xf32, #tpu.memory_space<vmem_shared>>) offsets(%dma_start3A_477 : memref<128xi32, #tpu.memory_space<vmem>>) semaphore(%arg28 : memref<!tpu.dma_semaphore, #tpu.memory_space<semaphore_mem>>) {add = true}
      %add3A_481 = arith.constant 6 : i32
      %add3A_482 = arith.addi %mul3A_336, %add3A_481 : i32
      %dma_wait3A_483 = arith.constant 6 : i32
      %dma_wait3A_484 = arith.constant 0 : i32
      %dma_wait3A_485 = arith.constant 0 : i32
      %dma_wait3A_486 = tpu.memref_slice %arg8[%dma_wait3A_483, %dma_wait3A_484, %dma_wait3A_485] : memref<10x128x16xf32, #tpu.memory_space<vmem>> -> memref<1x128x16xf32, #tpu.memory_space<vmem>>
      %dma_wait3A_487 = tpu.memref_squeeze %dma_wait3A_486 : memref<1x128x16xf32, #tpu.memory_space<vmem>> -> memref<128x16xf32, #tpu.memory_space<vmem>>
      %dma_wait3A_488 = arith.constant 0 : i32
      %dma_wait3A_489 = tpu.memref_slice %arg6[%add3A_482, %dma_wait3A_488] : memref<40x128xi32, #tpu.memory_space<vmem>> -> memref<1x128xi32, #tpu.memory_space<vmem>>
      %dma_wait3A_490 = tpu.memref_squeeze %dma_wait3A_489 : memref<1x128xi32, #tpu.memory_space<vmem>> -> memref<128xi32, #tpu.memory_space<vmem>>
      %dma_wait3A_491 = arith.constant 0 : i32
      %dma_wait3A_492 = arith.constant 0 : i32
      %dma_wait3A_493 = tpu.memref_slice %arg12[%dma_wait3A_491, %dma_wait3A_492] : memref<10240x16xf32, #tpu.memory_space<vmem_shared>> -> memref<10240x16xf32, #tpu.memory_space<vmem_shared>>
      tpu.wait_indirect_dma semaphore(%arg19 : memref<!tpu.dma_semaphore, #tpu.memory_space<semaphore_mem>>) src(%dma_wait3A_493 : memref<10240x16xf32, #tpu.memory_space<vmem_shared>>) dst(%dma_wait3A_487 : memref<128x16xf32, #tpu.memory_space<vmem>>)
      %dma_start3A_494 = arith.constant 6 : i32
      %dma_start3A_495 = arith.constant 0 : i32
      %dma_start3A_496 = arith.constant 0 : i32
      %dma_start3A_497 = tpu.memref_slice %arg8[%dma_start3A_494, %dma_start3A_495, %dma_start3A_496] : memref<10x128x16xf32, #tpu.memory_space<vmem>> -> memref<1x128x16xf32, #tpu.memory_space<vmem>>
      %dma_start3A_498 = tpu.memref_squeeze %dma_start3A_497 : memref<1x128x16xf32, #tpu.memory_space<vmem>> -> memref<128x16xf32, #tpu.memory_space<vmem>>
      %dma_start3A_499 = arith.constant 0 : i32
      %dma_start3A_500 = tpu.memref_slice %arg7[%add3A_482, %dma_start3A_499] : memref<40x128xi32, #tpu.memory_space<vmem>> -> memref<1x128xi32, #tpu.memory_space<vmem>>
      %dma_start3A_501 = tpu.memref_squeeze %dma_start3A_500 : memref<1x128xi32, #tpu.memory_space<vmem>> -> memref<128xi32, #tpu.memory_space<vmem>>
      %dma_start3A_502 = arith.constant 0 : i32
      %dma_start3A_503 = arith.constant 0 : i32
      %dma_start3A_504 = tpu.memref_slice %arg11[%dma_start3A_502, %dma_start3A_503] : memref<10240x16xf32, #tpu.memory_space<vmem_shared>> -> memref<10240x16xf32, #tpu.memory_space<vmem_shared>>
      tpu.enqueue_indirect_dma source(%dma_start3A_498 : memref<128x16xf32, #tpu.memory_space<vmem>>) target(%dma_start3A_504 : memref<10240x16xf32, #tpu.memory_space<vmem_shared>>) offsets(%dma_start3A_501 : memref<128xi32, #tpu.memory_space<vmem>>) semaphore(%arg29 : memref<!tpu.dma_semaphore, #tpu.memory_space<semaphore_mem>>) {add = true}
      %add3A_505 = arith.constant 7 : i32
      %add3A_506 = arith.addi %mul3A_336, %add3A_505 : i32
      %dma_wait3A_507 = arith.constant 7 : i32
      %dma_wait3A_508 = arith.constant 0 : i32
      %dma_wait3A_509 = arith.constant 0 : i32
      %dma_wait3A_510 = tpu.memref_slice %arg8[%dma_wait3A_507, %dma_wait3A_508, %dma_wait3A_509] : memref<10x128x16xf32, #tpu.memory_space<vmem>> -> memref<1x128x16xf32, #tpu.memory_space<vmem>>
      %dma_wait3A_511 = tpu.memref_squeeze %dma_wait3A_510 : memref<1x128x16xf32, #tpu.memory_space<vmem>> -> memref<128x16xf32, #tpu.memory_space<vmem>>
      %dma_wait3A_512 = arith.constant 0 : i32
      %dma_wait3A_513 = tpu.memref_slice %arg6[%add3A_506, %dma_wait3A_512] : memref<40x128xi32, #tpu.memory_space<vmem>> -> memref<1x128xi32, #tpu.memory_space<vmem>>
      %dma_wait3A_514 = tpu.memref_squeeze %dma_wait3A_513 : memref<1x128xi32, #tpu.memory_space<vmem>> -> memref<128xi32, #tpu.memory_space<vmem>>
      %dma_wait3A_515 = arith.constant 0 : i32
      %dma_wait3A_516 = arith.constant 0 : i32
      %dma_wait3A_517 = tpu.memref_slice %arg12[%dma_wait3A_515, %dma_wait3A_516] : memref<10240x16xf32, #tpu.memory_space<vmem_shared>> -> memref<10240x16xf32, #tpu.memory_space<vmem_shared>>
      tpu.wait_indirect_dma semaphore(%arg20 : memref<!tpu.dma_semaphore, #tpu.memory_space<semaphore_mem>>) src(%dma_wait3A_517 : memref<10240x16xf32, #tpu.memory_space<vmem_shared>>) dst(%dma_wait3A_511 : memref<128x16xf32, #tpu.memory_space<vmem>>)
      %dma_start3A_518 = arith.constant 7 : i32
      %dma_start3A_519 = arith.constant 0 : i32
      %dma_start3A_520 = arith.constant 0 : i32
      %dma_start3A_521 = tpu.memref_slice %arg8[%dma_start3A_518, %dma_start3A_519, %dma_start3A_520] : memref<10x128x16xf32, #tpu.memory_space<vmem>> -> memref<1x128x16xf32, #tpu.memory_space<vmem>>
      %dma_start3A_522 = tpu.memref_squeeze %dma_start3A_521 : memref<1x128x16xf32, #tpu.memory_space<vmem>> -> memref<128x16xf32, #tpu.memory_space<vmem>>
      %dma_start3A_523 = arith.constant 0 : i32
      %dma_start3A_524 = tpu.memref_slice %arg7[%add3A_506, %dma_start3A_523] : memref<40x128xi32, #tpu.memory_space<vmem>> -> memref<1x128xi32, #tpu.memory_space<vmem>>
      %dma_start3A_525 = tpu.memref_squeeze %dma_start3A_524 : memref<1x128xi32, #tpu.memory_space<vmem>> -> memref<128xi32, #tpu.memory_space<vmem>>
      %dma_start3A_526 = arith.constant 0 : i32
      %dma_start3A_527 = arith.constant 0 : i32
      %dma_start3A_528 = tpu.memref_slice %arg11[%dma_start3A_526, %dma_start3A_527] : memref<10240x16xf32, #tpu.memory_space<vmem_shared>> -> memref<10240x16xf32, #tpu.memory_space<vmem_shared>>
      tpu.enqueue_indirect_dma source(%dma_start3A_522 : memref<128x16xf32, #tpu.memory_space<vmem>>) target(%dma_start3A_528 : memref<10240x16xf32, #tpu.memory_space<vmem_shared>>) offsets(%dma_start3A_525 : memref<128xi32, #tpu.memory_space<vmem>>) semaphore(%arg30 : memref<!tpu.dma_semaphore, #tpu.memory_space<semaphore_mem>>) {add = true}
      %add3A_529 = arith.constant 8 : i32
      %add3A_530 = arith.addi %mul3A_336, %add3A_529 : i32
      %dma_wait3A_531 = arith.constant 8 : i32
      %dma_wait3A_532 = arith.constant 0 : i32
      %dma_wait3A_533 = arith.constant 0 : i32
      %dma_wait3A_534 = tpu.memref_slice %arg8[%dma_wait3A_531, %dma_wait3A_532, %dma_wait3A_533] : memref<10x128x16xf32, #tpu.memory_space<vmem>> -> memref<1x128x16xf32, #tpu.memory_space<vmem>>
      %dma_wait3A_535 = tpu.memref_squeeze %dma_wait3A_534 : memref<1x128x16xf32, #tpu.memory_space<vmem>> -> memref<128x16xf32, #tpu.memory_space<vmem>>
      %dma_wait3A_536 = arith.constant 0 : i32
      %dma_wait3A_537 = tpu.memref_slice %arg6[%add3A_530, %dma_wait3A_536] : memref<40x128xi32, #tpu.memory_space<vmem>> -> memref<1x128xi32, #tpu.memory_space<vmem>>
      %dma_wait3A_538 = tpu.memref_squeeze %dma_wait3A_537 : memref<1x128xi32, #tpu.memory_space<vmem>> -> memref<128xi32, #tpu.memory_space<vmem>>
      %dma_wait3A_539 = arith.constant 0 : i32
      %dma_wait3A_540 = arith.constant 0 : i32
      %dma_wait3A_541 = tpu.memref_slice %arg12[%dma_wait3A_539, %dma_wait3A_540] : memref<10240x16xf32, #tpu.memory_space<vmem_shared>> -> memref<10240x16xf32, #tpu.memory_space<vmem_shared>>
      tpu.wait_indirect_dma semaphore(%arg21 : memref<!tpu.dma_semaphore, #tpu.memory_space<semaphore_mem>>) src(%dma_wait3A_541 : memref<10240x16xf32, #tpu.memory_space<vmem_shared>>) dst(%dma_wait3A_535 : memref<128x16xf32, #tpu.memory_space<vmem>>)
      %dma_start3A_542 = arith.constant 8 : i32
      %dma_start3A_543 = arith.constant 0 : i32
      %dma_start3A_544 = arith.constant 0 : i32
      %dma_start3A_545 = tpu.memref_slice %arg8[%dma_start3A_542, %dma_start3A_543, %dma_start3A_544] : memref<10x128x16xf32, #tpu.memory_space<vmem>> -> memref<1x128x16xf32, #tpu.memory_space<vmem>>
      %dma_start3A_546 = tpu.memref_squeeze %dma_start3A_545 : memref<1x128x16xf32, #tpu.memory_space<vmem>> -> memref<128x16xf32, #tpu.memory_space<vmem>>
      %dma_start3A_547 = arith.constant 0 : i32
      %dma_start3A_548 = tpu.memref_slice %arg7[%add3A_530, %dma_start3A_547] : memref<40x128xi32, #tpu.memory_space<vmem>> -> memref<1x128xi32, #tpu.memory_space<vmem>>
      %dma_start3A_549 = tpu.memref_squeeze %dma_start3A_548 : memref<1x128xi32, #tpu.memory_space<vmem>> -> memref<128xi32, #tpu.memory_space<vmem>>
      %dma_start3A_550 = arith.constant 0 : i32
      %dma_start3A_551 = arith.constant 0 : i32
      %dma_start3A_552 = tpu.memref_slice %arg11[%dma_start3A_550, %dma_start3A_551] : memref<10240x16xf32, #tpu.memory_space<vmem_shared>> -> memref<10240x16xf32, #tpu.memory_space<vmem_shared>>
      tpu.enqueue_indirect_dma source(%dma_start3A_546 : memref<128x16xf32, #tpu.memory_space<vmem>>) target(%dma_start3A_552 : memref<10240x16xf32, #tpu.memory_space<vmem_shared>>) offsets(%dma_start3A_549 : memref<128xi32, #tpu.memory_space<vmem>>) semaphore(%arg31 : memref<!tpu.dma_semaphore, #tpu.memory_space<semaphore_mem>>) {add = true}
      %add3A_553 = arith.constant 9 : i32
      %add3A_554 = arith.addi %mul3A_336, %add3A_553 : i32
      %dma_wait3A_555 = arith.constant 9 : i32
      %dma_wait3A_556 = arith.constant 0 : i32
      %dma_wait3A_557 = arith.constant 0 : i32
      %dma_wait3A_558 = tpu.memref_slice %arg8[%dma_wait3A_555, %dma_wait3A_556, %dma_wait3A_557] : memref<10x128x16xf32, #tpu.memory_space<vmem>> -> memref<1x128x16xf32, #tpu.memory_space<vmem>>
      %dma_wait3A_559 = tpu.memref_squeeze %dma_wait3A_558 : memref<1x128x16xf32, #tpu.memory_space<vmem>> -> memref<128x16xf32, #tpu.memory_space<vmem>>
      %dma_wait3A_560 = arith.constant 0 : i32
      %dma_wait3A_561 = tpu.memref_slice %arg6[%add3A_554, %dma_wait3A_560] : memref<40x128xi32, #tpu.memory_space<vmem>> -> memref<1x128xi32, #tpu.memory_space<vmem>>
      %dma_wait3A_562 = tpu.memref_squeeze %dma_wait3A_561 : memref<1x128xi32, #tpu.memory_space<vmem>> -> memref<128xi32, #tpu.memory_space<vmem>>
      %dma_wait3A_563 = arith.constant 0 : i32
      %dma_wait3A_564 = arith.constant 0 : i32
      %dma_wait3A_565 = tpu.memref_slice %arg12[%dma_wait3A_563, %dma_wait3A_564] : memref<10240x16xf32, #tpu.memory_space<vmem_shared>> -> memref<10240x16xf32, #tpu.memory_space<vmem_shared>>
      tpu.wait_indirect_dma semaphore(%arg22 : memref<!tpu.dma_semaphore, #tpu.memory_space<semaphore_mem>>) src(%dma_wait3A_565 : memref<10240x16xf32, #tpu.memory_space<vmem_shared>>) dst(%dma_wait3A_559 : memref<128x16xf32, #tpu.memory_space<vmem>>)
      %dma_start3A_566 = arith.constant 9 : i32
      %dma_start3A_567 = arith.constant 0 : i32
      %dma_start3A_568 = arith.constant 0 : i32
      %dma_start3A_569 = tpu.memref_slice %arg8[%dma_start3A_566, %dma_start3A_567, %dma_start3A_568] : memref<10x128x16xf32, #tpu.memory_space<vmem>> -> memref<1x128x16xf32, #tpu.memory_space<vmem>>
      %dma_start3A_570 = tpu.memref_squeeze %dma_start3A_569 : memref<1x128x16xf32, #tpu.memory_space<vmem>> -> memref<128x16xf32, #tpu.memory_space<vmem>>
      %dma_start3A_571 = arith.constant 0 : i32
      %dma_start3A_572 = tpu.memref_slice %arg7[%add3A_554, %dma_start3A_571] : memref<40x128xi32, #tpu.memory_space<vmem>> -> memref<1x128xi32, #tpu.memory_space<vmem>>
      %dma_start3A_573 = tpu.memref_squeeze %dma_start3A_572 : memref<1x128xi32, #tpu.memory_space<vmem>> -> memref<128xi32, #tpu.memory_space<vmem>>
      %dma_start3A_574 = arith.constant 0 : i32
      %dma_start3A_575 = arith.constant 0 : i32
      %dma_start3A_576 = tpu.memref_slice %arg11[%dma_start3A_574, %dma_start3A_575] : memref<10240x16xf32, #tpu.memory_space<vmem_shared>> -> memref<10240x16xf32, #tpu.memory_space<vmem_shared>>
      tpu.enqueue_indirect_dma source(%dma_start3A_570 : memref<128x16xf32, #tpu.memory_space<vmem>>) target(%dma_start3A_576 : memref<10240x16xf32, #tpu.memory_space<vmem_shared>>) offsets(%dma_start3A_573 : memref<128xi32, #tpu.memory_space<vmem>>) semaphore(%arg32 : memref<!tpu.dma_semaphore, #tpu.memory_space<semaphore_mem>>) {add = true}
      %add3A_577 = arith.constant 0 : i32
      %add3A_578 = arith.addi %mul3A_336, %add3A_577 : i32
      %add3A_579 = arith.constant 10 : i32
      %add3A_580 = arith.addi %add3A_578, %add3A_579 : i32
      %lt3A = arith.constant 40 : i32
      %lt3A_581 = arith.cmpi slt, %add3A_580, %lt3A : i32
      %add3A_582 = arith.constant 10 : i32
      %add3A_583 = arith.addi %add3A_578, %add3A_582 : i32
      %select_n3A = arith.select %lt3A_581, %add3A_583, %add3A_578 : i32
      %dma_wait3A_584 = arith.constant 0 : i32
      %dma_wait3A_585 = arith.constant 0 : i32
      %dma_wait3A_586 = arith.constant 0 : i32
      %dma_wait3A_587 = tpu.memref_slice %arg8[%dma_wait3A_584, %dma_wait3A_585, %dma_wait3A_586] : memref<10x128x16xf32, #tpu.memory_space<vmem>> -> memref<1x128x16xf32, #tpu.memory_space<vmem>>
      %dma_wait3A_588 = tpu.memref_squeeze %dma_wait3A_587 : memref<1x128x16xf32, #tpu.memory_space<vmem>> -> memref<128x16xf32, #tpu.memory_space<vmem>>
      %dma_wait3A_589 = arith.constant 0 : i32
      %dma_wait3A_590 = tpu.memref_slice %arg7[%add3A_578, %dma_wait3A_589] : memref<40x128xi32, #tpu.memory_space<vmem>> -> memref<1x128xi32, #tpu.memory_space<vmem>>
      %dma_wait3A_591 = tpu.memref_squeeze %dma_wait3A_590 : memref<1x128xi32, #tpu.memory_space<vmem>> -> memref<128xi32, #tpu.memory_space<vmem>>
      %dma_wait3A_592 = arith.constant 0 : i32
      %dma_wait3A_593 = arith.constant 0 : i32
      %dma_wait3A_594 = tpu.memref_slice %arg11[%dma_wait3A_592, %dma_wait3A_593] : memref<10240x16xf32, #tpu.memory_space<vmem_shared>> -> memref<10240x16xf32, #tpu.memory_space<vmem_shared>>
      tpu.wait_indirect_dma semaphore(%arg23 : memref<!tpu.dma_semaphore, #tpu.memory_space<semaphore_mem>>) src(%dma_wait3A_588 : memref<128x16xf32, #tpu.memory_space<vmem>>) dst(%dma_wait3A_594 : memref<10240x16xf32, #tpu.memory_space<vmem_shared>>)
      %dma_start3A_595 = arith.constant 0 : i32
      %dma_start3A_596 = arith.constant 0 : i32
      %dma_start3A_597 = arith.constant 0 : i32
      %dma_start3A_598 = tpu.memref_slice %arg8[%dma_start3A_595, %dma_start3A_596, %dma_start3A_597] : memref<10x128x16xf32, #tpu.memory_space<vmem>> -> memref<1x128x16xf32, #tpu.memory_space<vmem>>
      %dma_start3A_599 = tpu.memref_squeeze %dma_start3A_598 : memref<1x128x16xf32, #tpu.memory_space<vmem>> -> memref<128x16xf32, #tpu.memory_space<vmem>>
      %dma_start3A_600 = arith.constant 0 : i32
      %dma_start3A_601 = tpu.memref_slice %arg6[%select_n3A, %dma_start3A_600] : memref<40x128xi32, #tpu.memory_space<vmem>> -> memref<1x128xi32, #tpu.memory_space<vmem>>
      %dma_start3A_602 = tpu.memref_squeeze %dma_start3A_601 : memref<1x128xi32, #tpu.memory_space<vmem>> -> memref<128xi32, #tpu.memory_space<vmem>>
      %dma_start3A_603 = arith.constant 0 : i32
      %dma_start3A_604 = arith.constant 0 : i32
      %dma_start3A_605 = tpu.memref_slice %arg12[%dma_start3A_603, %dma_start3A_604] : memref<10240x16xf32, #tpu.memory_space<vmem_shared>> -> memref<10240x16xf32, #tpu.memory_space<vmem_shared>>
      tpu.enqueue_indirect_dma source(%dma_start3A_605 : memref<10240x16xf32, #tpu.memory_space<vmem_shared>>) target(%dma_start3A_599 : memref<128x16xf32, #tpu.memory_space<vmem>>) offsets(%dma_start3A_602 : memref<128xi32, #tpu.memory_space<vmem>>) semaphore(%arg13 : memref<!tpu.dma_semaphore, #tpu.memory_space<semaphore_mem>>)
      %add3A_606 = arith.constant 1 : i32
      %add3A_607 = arith.addi %mul3A_336, %add3A_606 : i32
      %add3A_608 = arith.constant 10 : i32
      %add3A_609 = arith.addi %add3A_607, %add3A_608 : i32
      %lt3A_610 = arith.constant 40 : i32
      %lt3A_611 = arith.cmpi slt, %add3A_609, %lt3A_610 : i32
      %add3A_612 = arith.constant 10 : i32
      %add3A_613 = arith.addi %add3A_607, %add3A_612 : i32
      %select_n3A_614 = arith.select %lt3A_611, %add3A_613, %add3A_607 : i32
      %dma_wait3A_615 = arith.constant 1 : i32
      %dma_wait3A_616 = arith.constant 0 : i32
      %dma_wait3A_617 = arith.constant 0 : i32
      %dma_wait3A_618 = tpu.memref_slice %arg8[%dma_wait3A_615, %dma_wait3A_616, %dma_wait3A_617] : memref<10x128x16xf32, #tpu.memory_space<vmem>> -> memref<1x128x16xf32, #tpu.memory_space<vmem>>
      %dma_wait3A_619 = tpu.memref_squeeze %dma_wait3A_618 : memref<1x128x16xf32, #tpu.memory_space<vmem>> -> memref<128x16xf32, #tpu.memory_space<vmem>>
      %dma_wait3A_620 = arith.constant 0 : i32
      %dma_wait3A_621 = tpu.memref_slice %arg7[%add3A_607, %dma_wait3A_620] : memref<40x128xi32, #tpu.memory_space<vmem>> -> memref<1x128xi32, #tpu.memory_space<vmem>>
      %dma_wait3A_622 = tpu.memref_squeeze %dma_wait3A_621 : memref<1x128xi32, #tpu.memory_space<vmem>> -> memref<128xi32, #tpu.memory_space<vmem>>
      %dma_wait3A_623 = arith.constant 0 : i32
      %dma_wait3A_624 = arith.constant 0 : i32
      %dma_wait3A_625 = tpu.memref_slice %arg11[%dma_wait3A_623, %dma_wait3A_624] : memref<10240x16xf32, #tpu.memory_space<vmem_shared>> -> memref<10240x16xf32, #tpu.memory_space<vmem_shared>>
      tpu.wait_indirect_dma semaphore(%arg24 : memref<!tpu.dma_semaphore, #tpu.memory_space<semaphore_mem>>) src(%dma_wait3A_619 : memref<128x16xf32, #tpu.memory_space<vmem>>) dst(%dma_wait3A_625 : memref<10240x16xf32, #tpu.memory_space<vmem_shared>>)
      %dma_start3A_626 = arith.constant 1 : i32
      %dma_start3A_627 = arith.constant 0 : i32
      %dma_start3A_628 = arith.constant 0 : i32
      %dma_start3A_629 = tpu.memref_slice %arg8[%dma_start3A_626, %dma_start3A_627, %dma_start3A_628] : memref<10x128x16xf32, #tpu.memory_space<vmem>> -> memref<1x128x16xf32, #tpu.memory_space<vmem>>
      %dma_start3A_630 = tpu.memref_squeeze %dma_start3A_629 : memref<1x128x16xf32, #tpu.memory_space<vmem>> -> memref<128x16xf32, #tpu.memory_space<vmem>>
      %dma_start3A_631 = arith.constant 0 : i32
      %dma_start3A_632 = tpu.memref_slice %arg6[%select_n3A_614, %dma_start3A_631] : memref<40x128xi32, #tpu.memory_space<vmem>> -> memref<1x128xi32, #tpu.memory_space<vmem>>
      %dma_start3A_633 = tpu.memref_squeeze %dma_start3A_632 : memref<1x128xi32, #tpu.memory_space<vmem>> -> memref<128xi32, #tpu.memory_space<vmem>>
      %dma_start3A_634 = arith.constant 0 : i32
      %dma_start3A_635 = arith.constant 0 : i32
      %dma_start3A_636 = tpu.memref_slice %arg12[%dma_start3A_634, %dma_start3A_635] : memref<10240x16xf32, #tpu.memory_space<vmem_shared>> -> memref<10240x16xf32, #tpu.memory_space<vmem_shared>>
      tpu.enqueue_indirect_dma source(%dma_start3A_636 : memref<10240x16xf32, #tpu.memory_space<vmem_shared>>) target(%dma_start3A_630 : memref<128x16xf32, #tpu.memory_space<vmem>>) offsets(%dma_start3A_633 : memref<128xi32, #tpu.memory_space<vmem>>) semaphore(%arg14 : memref<!tpu.dma_semaphore, #tpu.memory_space<semaphore_mem>>)
      %add3A_637 = arith.constant 2 : i32
      %add3A_638 = arith.addi %mul3A_336, %add3A_637 : i32
      %add3A_639 = arith.constant 10 : i32
      %add3A_640 = arith.addi %add3A_638, %add3A_639 : i32
      %lt3A_641 = arith.constant 40 : i32
      %lt3A_642 = arith.cmpi slt, %add3A_640, %lt3A_641 : i32
      %add3A_643 = arith.constant 10 : i32
      %add3A_644 = arith.addi %add3A_638, %add3A_643 : i32
      %select_n3A_645 = arith.select %lt3A_642, %add3A_644, %add3A_638 : i32
      %dma_wait3A_646 = arith.constant 2 : i32
      %dma_wait3A_647 = arith.constant 0 : i32
      %dma_wait3A_648 = arith.constant 0 : i32
      %dma_wait3A_649 = tpu.memref_slice %arg8[%dma_wait3A_646, %dma_wait3A_647, %dma_wait3A_648] : memref<10x128x16xf32, #tpu.memory_space<vmem>> -> memref<1x128x16xf32, #tpu.memory_space<vmem>>
      %dma_wait3A_650 = tpu.memref_squeeze %dma_wait3A_649 : memref<1x128x16xf32, #tpu.memory_space<vmem>> -> memref<128x16xf32, #tpu.memory_space<vmem>>
      %dma_wait3A_651 = arith.constant 0 : i32
      %dma_wait3A_652 = tpu.memref_slice %arg7[%add3A_638, %dma_wait3A_651] : memref<40x128xi32, #tpu.memory_space<vmem>> -> memref<1x128xi32, #tpu.memory_space<vmem>>
      %dma_wait3A_653 = tpu.memref_squeeze %dma_wait3A_652 : memref<1x128xi32, #tpu.memory_space<vmem>> -> memref<128xi32, #tpu.memory_space<vmem>>
      %dma_wait3A_654 = arith.constant 0 : i32
      %dma_wait3A_655 = arith.constant 0 : i32
      %dma_wait3A_656 = tpu.memref_slice %arg11[%dma_wait3A_654, %dma_wait3A_655] : memref<10240x16xf32, #tpu.memory_space<vmem_shared>> -> memref<10240x16xf32, #tpu.memory_space<vmem_shared>>
      tpu.wait_indirect_dma semaphore(%arg25 : memref<!tpu.dma_semaphore, #tpu.memory_space<semaphore_mem>>) src(%dma_wait3A_650 : memref<128x16xf32, #tpu.memory_space<vmem>>) dst(%dma_wait3A_656 : memref<10240x16xf32, #tpu.memory_space<vmem_shared>>)
      %dma_start3A_657 = arith.constant 2 : i32
      %dma_start3A_658 = arith.constant 0 : i32
      %dma_start3A_659 = arith.constant 0 : i32
      %dma_start3A_660 = tpu.memref_slice %arg8[%dma_start3A_657, %dma_start3A_658, %dma_start3A_659] : memref<10x128x16xf32, #tpu.memory_space<vmem>> -> memref<1x128x16xf32, #tpu.memory_space<vmem>>
      %dma_start3A_661 = tpu.memref_squeeze %dma_start3A_660 : memref<1x128x16xf32, #tpu.memory_space<vmem>> -> memref<128x16xf32, #tpu.memory_space<vmem>>
      %dma_start3A_662 = arith.constant 0 : i32
      %dma_start3A_663 = tpu.memref_slice %arg6[%select_n3A_645, %dma_start3A_662] : memref<40x128xi32, #tpu.memory_space<vmem>> -> memref<1x128xi32, #tpu.memory_space<vmem>>
      %dma_start3A_664 = tpu.memref_squeeze %dma_start3A_663 : memref<1x128xi32, #tpu.memory_space<vmem>> -> memref<128xi32, #tpu.memory_space<vmem>>
      %dma_start3A_665 = arith.constant 0 : i32
      %dma_start3A_666 = arith.constant 0 : i32
      %dma_start3A_667 = tpu.memref_slice %arg12[%dma_start3A_665, %dma_start3A_666] : memref<10240x16xf32, #tpu.memory_space<vmem_shared>> -> memref<10240x16xf32, #tpu.memory_space<vmem_shared>>
      tpu.enqueue_indirect_dma source(%dma_start3A_667 : memref<10240x16xf32, #tpu.memory_space<vmem_shared>>) target(%dma_start3A_661 : memref<128x16xf32, #tpu.memory_space<vmem>>) offsets(%dma_start3A_664 : memref<128xi32, #tpu.memory_space<vmem>>) semaphore(%arg15 : memref<!tpu.dma_semaphore, #tpu.memory_space<semaphore_mem>>)
      %add3A_668 = arith.constant 3 : i32
      %add3A_669 = arith.addi %mul3A_336, %add3A_668 : i32
      %add3A_670 = arith.constant 10 : i32
      %add3A_671 = arith.addi %add3A_669, %add3A_670 : i32
      %lt3A_672 = arith.constant 40 : i32
      %lt3A_673 = arith.cmpi slt, %add3A_671, %lt3A_672 : i32
      %add3A_674 = arith.constant 10 : i32
      %add3A_675 = arith.addi %add3A_669, %add3A_674 : i32
      %select_n3A_676 = arith.select %lt3A_673, %add3A_675, %add3A_669 : i32
      %dma_wait3A_677 = arith.constant 3 : i32
      %dma_wait3A_678 = arith.constant 0 : i32
      %dma_wait3A_679 = arith.constant 0 : i32
      %dma_wait3A_680 = tpu.memref_slice %arg8[%dma_wait3A_677, %dma_wait3A_678, %dma_wait3A_679] : memref<10x128x16xf32, #tpu.memory_space<vmem>> -> memref<1x128x16xf32, #tpu.memory_space<vmem>>
      %dma_wait3A_681 = tpu.memref_squeeze %dma_wait3A_680 : memref<1x128x16xf32, #tpu.memory_space<vmem>> -> memref<128x16xf32, #tpu.memory_space<vmem>>
      %dma_wait3A_682 = arith.constant 0 : i32
      %dma_wait3A_683 = tpu.memref_slice %arg7[%add3A_669, %dma_wait3A_682] : memref<40x128xi32, #tpu.memory_space<vmem>> -> memref<1x128xi32, #tpu.memory_space<vmem>>
      %dma_wait3A_684 = tpu.memref_squeeze %dma_wait3A_683 : memref<1x128xi32, #tpu.memory_space<vmem>> -> memref<128xi32, #tpu.memory_space<vmem>>
      %dma_wait3A_685 = arith.constant 0 : i32
      %dma_wait3A_686 = arith.constant 0 : i32
      %dma_wait3A_687 = tpu.memref_slice %arg11[%dma_wait3A_685, %dma_wait3A_686] : memref<10240x16xf32, #tpu.memory_space<vmem_shared>> -> memref<10240x16xf32, #tpu.memory_space<vmem_shared>>
      tpu.wait_indirect_dma semaphore(%arg26 : memref<!tpu.dma_semaphore, #tpu.memory_space<semaphore_mem>>) src(%dma_wait3A_681 : memref<128x16xf32, #tpu.memory_space<vmem>>) dst(%dma_wait3A_687 : memref<10240x16xf32, #tpu.memory_space<vmem_shared>>)
      %dma_start3A_688 = arith.constant 3 : i32
      %dma_start3A_689 = arith.constant 0 : i32
      %dma_start3A_690 = arith.constant 0 : i32
      %dma_start3A_691 = tpu.memref_slice %arg8[%dma_start3A_688, %dma_start3A_689, %dma_start3A_690] : memref<10x128x16xf32, #tpu.memory_space<vmem>> -> memref<1x128x16xf32, #tpu.memory_space<vmem>>
      %dma_start3A_692 = tpu.memref_squeeze %dma_start3A_691 : memref<1x128x16xf32, #tpu.memory_space<vmem>> -> memref<128x16xf32, #tpu.memory_space<vmem>>
      %dma_start3A_693 = arith.constant 0 : i32
      %dma_start3A_694 = tpu.memref_slice %arg6[%select_n3A_676, %dma_start3A_693] : memref<40x128xi32, #tpu.memory_space<vmem>> -> memref<1x128xi32, #tpu.memory_space<vmem>>
      %dma_start3A_695 = tpu.memref_squeeze %dma_start3A_694 : memref<1x128xi32, #tpu.memory_space<vmem>> -> memref<128xi32, #tpu.memory_space<vmem>>
      %dma_start3A_696 = arith.constant 0 : i32
      %dma_start3A_697 = arith.constant 0 : i32
      %dma_start3A_698 = tpu.memref_slice %arg12[%dma_start3A_696, %dma_start3A_697] : memref<10240x16xf32, #tpu.memory_space<vmem_shared>> -> memref<10240x16xf32, #tpu.memory_space<vmem_shared>>
      tpu.enqueue_indirect_dma source(%dma_start3A_698 : memref<10240x16xf32, #tpu.memory_space<vmem_shared>>) target(%dma_start3A_692 : memref<128x16xf32, #tpu.memory_space<vmem>>) offsets(%dma_start3A_695 : memref<128xi32, #tpu.memory_space<vmem>>) semaphore(%arg16 : memref<!tpu.dma_semaphore, #tpu.memory_space<semaphore_mem>>)
      %add3A_699 = arith.constant 4 : i32
      %add3A_700 = arith.addi %mul3A_336, %add3A_699 : i32
      %add3A_701 = arith.constant 10 : i32
      %add3A_702 = arith.addi %add3A_700, %add3A_701 : i32
      %lt3A_703 = arith.constant 40 : i32
      %lt3A_704 = arith.cmpi slt, %add3A_702, %lt3A_703 : i32
      %add3A_705 = arith.constant 10 : i32
      %add3A_706 = arith.addi %add3A_700, %add3A_705 : i32
      %select_n3A_707 = arith.select %lt3A_704, %add3A_706, %add3A_700 : i32
      %dma_wait3A_708 = arith.constant 4 : i32
      %dma_wait3A_709 = arith.constant 0 : i32
      %dma_wait3A_710 = arith.constant 0 : i32
      %dma_wait3A_711 = tpu.memref_slice %arg8[%dma_wait3A_708, %dma_wait3A_709, %dma_wait3A_710] : memref<10x128x16xf32, #tpu.memory_space<vmem>> -> memref<1x128x16xf32, #tpu.memory_space<vmem>>
      %dma_wait3A_712 = tpu.memref_squeeze %dma_wait3A_711 : memref<1x128x16xf32, #tpu.memory_space<vmem>> -> memref<128x16xf32, #tpu.memory_space<vmem>>
      %dma_wait3A_713 = arith.constant 0 : i32
      %dma_wait3A_714 = tpu.memref_slice %arg7[%add3A_700, %dma_wait3A_713] : memref<40x128xi32, #tpu.memory_space<vmem>> -> memref<1x128xi32, #tpu.memory_space<vmem>>
      %dma_wait3A_715 = tpu.memref_squeeze %dma_wait3A_714 : memref<1x128xi32, #tpu.memory_space<vmem>> -> memref<128xi32, #tpu.memory_space<vmem>>
      %dma_wait3A_716 = arith.constant 0 : i32
      %dma_wait3A_717 = arith.constant 0 : i32
      %dma_wait3A_718 = tpu.memref_slice %arg11[%dma_wait3A_716, %dma_wait3A_717] : memref<10240x16xf32, #tpu.memory_space<vmem_shared>> -> memref<10240x16xf32, #tpu.memory_space<vmem_shared>>
      tpu.wait_indirect_dma semaphore(%arg27 : memref<!tpu.dma_semaphore, #tpu.memory_space<semaphore_mem>>) src(%dma_wait3A_712 : memref<128x16xf32, #tpu.memory_space<vmem>>) dst(%dma_wait3A_718 : memref<10240x16xf32, #tpu.memory_space<vmem_shared>>)
      %dma_start3A_719 = arith.constant 4 : i32
      %dma_start3A_720 = arith.constant 0 : i32
      %dma_start3A_721 = arith.constant 0 : i32
      %dma_start3A_722 = tpu.memref_slice %arg8[%dma_start3A_719, %dma_start3A_720, %dma_start3A_721] : memref<10x128x16xf32, #tpu.memory_space<vmem>> -> memref<1x128x16xf32, #tpu.memory_space<vmem>>
      %dma_start3A_723 = tpu.memref_squeeze %dma_start3A_722 : memref<1x128x16xf32, #tpu.memory_space<vmem>> -> memref<128x16xf32, #tpu.memory_space<vmem>>
      %dma_start3A_724 = arith.constant 0 : i32
      %dma_start3A_725 = tpu.memref_slice %arg6[%select_n3A_707, %dma_start3A_724] : memref<40x128xi32, #tpu.memory_space<vmem>> -> memref<1x128xi32, #tpu.memory_space<vmem>>
      %dma_start3A_726 = tpu.memref_squeeze %dma_start3A_725 : memref<1x128xi32, #tpu.memory_space<vmem>> -> memref<128xi32, #tpu.memory_space<vmem>>
      %dma_start3A_727 = arith.constant 0 : i32
      %dma_start3A_728 = arith.constant 0 : i32
      %dma_start3A_729 = tpu.memref_slice %arg12[%dma_start3A_727, %dma_start3A_728] : memref<10240x16xf32, #tpu.memory_space<vmem_shared>> -> memref<10240x16xf32, #tpu.memory_space<vmem_shared>>
      tpu.enqueue_indirect_dma source(%dma_start3A_729 : memref<10240x16xf32, #tpu.memory_space<vmem_shared>>) target(%dma_start3A_723 : memref<128x16xf32, #tpu.memory_space<vmem>>) offsets(%dma_start3A_726 : memref<128xi32, #tpu.memory_space<vmem>>) semaphore(%arg17 : memref<!tpu.dma_semaphore, #tpu.memory_space<semaphore_mem>>)
      %add3A_730 = arith.constant 5 : i32
      %add3A_731 = arith.addi %mul3A_336, %add3A_730 : i32
      %add3A_732 = arith.constant 10 : i32
      %add3A_733 = arith.addi %add3A_731, %add3A_732 : i32
      %lt3A_734 = arith.constant 40 : i32
      %lt3A_735 = arith.cmpi slt, %add3A_733, %lt3A_734 : i32
      %add3A_736 = arith.constant 10 : i32
      %add3A_737 = arith.addi %add3A_731, %add3A_736 : i32
      %select_n3A_738 = arith.select %lt3A_735, %add3A_737, %add3A_731 : i32
      %dma_wait3A_739 = arith.constant 5 : i32
      %dma_wait3A_740 = arith.constant 0 : i32
      %dma_wait3A_741 = arith.constant 0 : i32
      %dma_wait3A_742 = tpu.memref_slice %arg8[%dma_wait3A_739, %dma_wait3A_740, %dma_wait3A_741] : memref<10x128x16xf32, #tpu.memory_space<vmem>> -> memref<1x128x16xf32, #tpu.memory_space<vmem>>
      %dma_wait3A_743 = tpu.memref_squeeze %dma_wait3A_742 : memref<1x128x16xf32, #tpu.memory_space<vmem>> -> memref<128x16xf32, #tpu.memory_space<vmem>>
      %dma_wait3A_744 = arith.constant 0 : i32
      %dma_wait3A_745 = tpu.memref_slice %arg7[%add3A_731, %dma_wait3A_744] : memref<40x128xi32, #tpu.memory_space<vmem>> -> memref<1x128xi32, #tpu.memory_space<vmem>>
      %dma_wait3A_746 = tpu.memref_squeeze %dma_wait3A_745 : memref<1x128xi32, #tpu.memory_space<vmem>> -> memref<128xi32, #tpu.memory_space<vmem>>
      %dma_wait3A_747 = arith.constant 0 : i32
      %dma_wait3A_748 = arith.constant 0 : i32
      %dma_wait3A_749 = tpu.memref_slice %arg11[%dma_wait3A_747, %dma_wait3A_748] : memref<10240x16xf32, #tpu.memory_space<vmem_shared>> -> memref<10240x16xf32, #tpu.memory_space<vmem_shared>>
      tpu.wait_indirect_dma semaphore(%arg28 : memref<!tpu.dma_semaphore, #tpu.memory_space<semaphore_mem>>) src(%dma_wait3A_743 : memref<128x16xf32, #tpu.memory_space<vmem>>) dst(%dma_wait3A_749 : memref<10240x16xf32, #tpu.memory_space<vmem_shared>>)
      %dma_start3A_750 = arith.constant 5 : i32
      %dma_start3A_751 = arith.constant 0 : i32
      %dma_start3A_752 = arith.constant 0 : i32
      %dma_start3A_753 = tpu.memref_slice %arg8[%dma_start3A_750, %dma_start3A_751, %dma_start3A_752] : memref<10x128x16xf32, #tpu.memory_space<vmem>> -> memref<1x128x16xf32, #tpu.memory_space<vmem>>
      %dma_start3A_754 = tpu.memref_squeeze %dma_start3A_753 : memref<1x128x16xf32, #tpu.memory_space<vmem>> -> memref<128x16xf32, #tpu.memory_space<vmem>>
      %dma_start3A_755 = arith.constant 0 : i32
      %dma_start3A_756 = tpu.memref_slice %arg6[%select_n3A_738, %dma_start3A_755] : memref<40x128xi32, #tpu.memory_space<vmem>> -> memref<1x128xi32, #tpu.memory_space<vmem>>
      %dma_start3A_757 = tpu.memref_squeeze %dma_start3A_756 : memref<1x128xi32, #tpu.memory_space<vmem>> -> memref<128xi32, #tpu.memory_space<vmem>>
      %dma_start3A_758 = arith.constant 0 : i32
      %dma_start3A_759 = arith.constant 0 : i32
      %dma_start3A_760 = tpu.memref_slice %arg12[%dma_start3A_758, %dma_start3A_759] : memref<10240x16xf32, #tpu.memory_space<vmem_shared>> -> memref<10240x16xf32, #tpu.memory_space<vmem_shared>>
      tpu.enqueue_indirect_dma source(%dma_start3A_760 : memref<10240x16xf32, #tpu.memory_space<vmem_shared>>) target(%dma_start3A_754 : memref<128x16xf32, #tpu.memory_space<vmem>>) offsets(%dma_start3A_757 : memref<128xi32, #tpu.memory_space<vmem>>) semaphore(%arg18 : memref<!tpu.dma_semaphore, #tpu.memory_space<semaphore_mem>>)
      %add3A_761 = arith.constant 6 : i32
      %add3A_762 = arith.addi %mul3A_336, %add3A_761 : i32
      %add3A_763 = arith.constant 10 : i32
      %add3A_764 = arith.addi %add3A_762, %add3A_763 : i32
      %lt3A_765 = arith.constant 40 : i32
      %lt3A_766 = arith.cmpi slt, %add3A_764, %lt3A_765 : i32
      %add3A_767 = arith.constant 10 : i32
      %add3A_768 = arith.addi %add3A_762, %add3A_767 : i32
      %select_n3A_769 = arith.select %lt3A_766, %add3A_768, %add3A_762 : i32
      %dma_wait3A_770 = arith.constant 6 : i32
      %dma_wait3A_771 = arith.constant 0 : i32
      %dma_wait3A_772 = arith.constant 0 : i32
      %dma_wait3A_773 = tpu.memref_slice %arg8[%dma_wait3A_770, %dma_wait3A_771, %dma_wait3A_772] : memref<10x128x16xf32, #tpu.memory_space<vmem>> -> memref<1x128x16xf32, #tpu.memory_space<vmem>>
      %dma_wait3A_774 = tpu.memref_squeeze %dma_wait3A_773 : memref<1x128x16xf32, #tpu.memory_space<vmem>> -> memref<128x16xf32, #tpu.memory_space<vmem>>
      %dma_wait3A_775 = arith.constant 0 : i32
      %dma_wait3A_776 = tpu.memref_slice %arg7[%add3A_762, %dma_wait3A_775] : memref<40x128xi32, #tpu.memory_space<vmem>> -> memref<1x128xi32, #tpu.memory_space<vmem>>
      %dma_wait3A_777 = tpu.memref_squeeze %dma_wait3A_776 : memref<1x128xi32, #tpu.memory_space<vmem>> -> memref<128xi32, #tpu.memory_space<vmem>>
      %dma_wait3A_778 = arith.constant 0 : i32
      %dma_wait3A_779 = arith.constant 0 : i32
      %dma_wait3A_780 = tpu.memref_slice %arg11[%dma_wait3A_778, %dma_wait3A_779] : memref<10240x16xf32, #tpu.memory_space<vmem_shared>> -> memref<10240x16xf32, #tpu.memory_space<vmem_shared>>
      tpu.wait_indirect_dma semaphore(%arg29 : memref<!tpu.dma_semaphore, #tpu.memory_space<semaphore_mem>>) src(%dma_wait3A_774 : memref<128x16xf32, #tpu.memory_space<vmem>>) dst(%dma_wait3A_780 : memref<10240x16xf32, #tpu.memory_space<vmem_shared>>)
      %dma_start3A_781 = arith.constant 6 : i32
      %dma_start3A_782 = arith.constant 0 : i32
      %dma_start3A_783 = arith.constant 0 : i32
      %dma_start3A_784 = tpu.memref_slice %arg8[%dma_start3A_781, %dma_start3A_782, %dma_start3A_783] : memref<10x128x16xf32, #tpu.memory_space<vmem>> -> memref<1x128x16xf32, #tpu.memory_space<vmem>>
      %dma_start3A_785 = tpu.memref_squeeze %dma_start3A_784 : memref<1x128x16xf32, #tpu.memory_space<vmem>> -> memref<128x16xf32, #tpu.memory_space<vmem>>
      %dma_start3A_786 = arith.constant 0 : i32
      %dma_start3A_787 = tpu.memref_slice %arg6[%select_n3A_769, %dma_start3A_786] : memref<40x128xi32, #tpu.memory_space<vmem>> -> memref<1x128xi32, #tpu.memory_space<vmem>>
      %dma_start3A_788 = tpu.memref_squeeze %dma_start3A_787 : memref<1x128xi32, #tpu.memory_space<vmem>> -> memref<128xi32, #tpu.memory_space<vmem>>
      %dma_start3A_789 = arith.constant 0 : i32
      %dma_start3A_790 = arith.constant 0 : i32
      %dma_start3A_791 = tpu.memref_slice %arg12[%dma_start3A_789, %dma_start3A_790] : memref<10240x16xf32, #tpu.memory_space<vmem_shared>> -> memref<10240x16xf32, #tpu.memory_space<vmem_shared>>
      tpu.enqueue_indirect_dma source(%dma_start3A_791 : memref<10240x16xf32, #tpu.memory_space<vmem_shared>>) target(%dma_start3A_785 : memref<128x16xf32, #tpu.memory_space<vmem>>) offsets(%dma_start3A_788 : memref<128xi32, #tpu.memory_space<vmem>>) semaphore(%arg19 : memref<!tpu.dma_semaphore, #tpu.memory_space<semaphore_mem>>)
      %add3A_792 = arith.constant 7 : i32
      %add3A_793 = arith.addi %mul3A_336, %add3A_792 : i32
      %add3A_794 = arith.constant 10 : i32
      %add3A_795 = arith.addi %add3A_793, %add3A_794 : i32
      %lt3A_796 = arith.constant 40 : i32
      %lt3A_797 = arith.cmpi slt, %add3A_795, %lt3A_796 : i32
      %add3A_798 = arith.constant 10 : i32
      %add3A_799 = arith.addi %add3A_793, %add3A_798 : i32
      %select_n3A_800 = arith.select %lt3A_797, %add3A_799, %add3A_793 : i32
      %dma_wait3A_801 = arith.constant 7 : i32
      %dma_wait3A_802 = arith.constant 0 : i32
      %dma_wait3A_803 = arith.constant 0 : i32
      %dma_wait3A_804 = tpu.memref_slice %arg8[%dma_wait3A_801, %dma_wait3A_802, %dma_wait3A_803] : memref<10x128x16xf32, #tpu.memory_space<vmem>> -> memref<1x128x16xf32, #tpu.memory_space<vmem>>
      %dma_wait3A_805 = tpu.memref_squeeze %dma_wait3A_804 : memref<1x128x16xf32, #tpu.memory_space<vmem>> -> memref<128x16xf32, #tpu.memory_space<vmem>>
      %dma_wait3A_806 = arith.constant 0 : i32
      %dma_wait3A_807 = tpu.memref_slice %arg7[%add3A_793, %dma_wait3A_806] : memref<40x128xi32, #tpu.memory_space<vmem>> -> memref<1x128xi32, #tpu.memory_space<vmem>>
      %dma_wait3A_808 = tpu.memref_squeeze %dma_wait3A_807 : memref<1x128xi32, #tpu.memory_space<vmem>> -> memref<128xi32, #tpu.memory_space<vmem>>
      %dma_wait3A_809 = arith.constant 0 : i32
      %dma_wait3A_810 = arith.constant 0 : i32
      %dma_wait3A_811 = tpu.memref_slice %arg11[%dma_wait3A_809, %dma_wait3A_810] : memref<10240x16xf32, #tpu.memory_space<vmem_shared>> -> memref<10240x16xf32, #tpu.memory_space<vmem_shared>>
      tpu.wait_indirect_dma semaphore(%arg30 : memref<!tpu.dma_semaphore, #tpu.memory_space<semaphore_mem>>) src(%dma_wait3A_805 : memref<128x16xf32, #tpu.memory_space<vmem>>) dst(%dma_wait3A_811 : memref<10240x16xf32, #tpu.memory_space<vmem_shared>>)
      %dma_start3A_812 = arith.constant 7 : i32
      %dma_start3A_813 = arith.constant 0 : i32
      %dma_start3A_814 = arith.constant 0 : i32
      %dma_start3A_815 = tpu.memref_slice %arg8[%dma_start3A_812, %dma_start3A_813, %dma_start3A_814] : memref<10x128x16xf32, #tpu.memory_space<vmem>> -> memref<1x128x16xf32, #tpu.memory_space<vmem>>
      %dma_start3A_816 = tpu.memref_squeeze %dma_start3A_815 : memref<1x128x16xf32, #tpu.memory_space<vmem>> -> memref<128x16xf32, #tpu.memory_space<vmem>>
      %dma_start3A_817 = arith.constant 0 : i32
      %dma_start3A_818 = tpu.memref_slice %arg6[%select_n3A_800, %dma_start3A_817] : memref<40x128xi32, #tpu.memory_space<vmem>> -> memref<1x128xi32, #tpu.memory_space<vmem>>
      %dma_start3A_819 = tpu.memref_squeeze %dma_start3A_818 : memref<1x128xi32, #tpu.memory_space<vmem>> -> memref<128xi32, #tpu.memory_space<vmem>>
      %dma_start3A_820 = arith.constant 0 : i32
      %dma_start3A_821 = arith.constant 0 : i32
      %dma_start3A_822 = tpu.memref_slice %arg12[%dma_start3A_820, %dma_start3A_821] : memref<10240x16xf32, #tpu.memory_space<vmem_shared>> -> memref<10240x16xf32, #tpu.memory_space<vmem_shared>>
      tpu.enqueue_indirect_dma source(%dma_start3A_822 : memref<10240x16xf32, #tpu.memory_space<vmem_shared>>) target(%dma_start3A_816 : memref<128x16xf32, #tpu.memory_space<vmem>>) offsets(%dma_start3A_819 : memref<128xi32, #tpu.memory_space<vmem>>) semaphore(%arg20 : memref<!tpu.dma_semaphore, #tpu.memory_space<semaphore_mem>>)
      %add3A_823 = arith.constant 8 : i32
      %add3A_824 = arith.addi %mul3A_336, %add3A_823 : i32
      %add3A_825 = arith.constant 10 : i32
      %add3A_826 = arith.addi %add3A_824, %add3A_825 : i32
      %lt3A_827 = arith.constant 40 : i32
      %lt3A_828 = arith.cmpi slt, %add3A_826, %lt3A_827 : i32
      %add3A_829 = arith.constant 10 : i32
      %add3A_830 = arith.addi %add3A_824, %add3A_829 : i32
      %select_n3A_831 = arith.select %lt3A_828, %add3A_830, %add3A_824 : i32
      %dma_wait3A_832 = arith.constant 8 : i32
      %dma_wait3A_833 = arith.constant 0 : i32
      %dma_wait3A_834 = arith.constant 0 : i32
      %dma_wait3A_835 = tpu.memref_slice %arg8[%dma_wait3A_832, %dma_wait3A_833, %dma_wait3A_834] : memref<10x128x16xf32, #tpu.memory_space<vmem>> -> memref<1x128x16xf32, #tpu.memory_space<vmem>>
      %dma_wait3A_836 = tpu.memref_squeeze %dma_wait3A_835 : memref<1x128x16xf32, #tpu.memory_space<vmem>> -> memref<128x16xf32, #tpu.memory_space<vmem>>
      %dma_wait3A_837 = arith.constant 0 : i32
      %dma_wait3A_838 = tpu.memref_slice %arg7[%add3A_824, %dma_wait3A_837] : memref<40x128xi32, #tpu.memory_space<vmem>> -> memref<1x128xi32, #tpu.memory_space<vmem>>
      %dma_wait3A_839 = tpu.memref_squeeze %dma_wait3A_838 : memref<1x128xi32, #tpu.memory_space<vmem>> -> memref<128xi32, #tpu.memory_space<vmem>>
      %dma_wait3A_840 = arith.constant 0 : i32
      %dma_wait3A_841 = arith.constant 0 : i32
      %dma_wait3A_842 = tpu.memref_slice %arg11[%dma_wait3A_840, %dma_wait3A_841] : memref<10240x16xf32, #tpu.memory_space<vmem_shared>> -> memref<10240x16xf32, #tpu.memory_space<vmem_shared>>
      tpu.wait_indirect_dma semaphore(%arg31 : memref<!tpu.dma_semaphore, #tpu.memory_space<semaphore_mem>>) src(%dma_wait3A_836 : memref<128x16xf32, #tpu.memory_space<vmem>>) dst(%dma_wait3A_842 : memref<10240x16xf32, #tpu.memory_space<vmem_shared>>)
      %dma_start3A_843 = arith.constant 8 : i32
      %dma_start3A_844 = arith.constant 0 : i32
      %dma_start3A_845 = arith.constant 0 : i32
      %dma_start3A_846 = tpu.memref_slice %arg8[%dma_start3A_843, %dma_start3A_844, %dma_start3A_845] : memref<10x128x16xf32, #tpu.memory_space<vmem>> -> memref<1x128x16xf32, #tpu.memory_space<vmem>>
      %dma_start3A_847 = tpu.memref_squeeze %dma_start3A_846 : memref<1x128x16xf32, #tpu.memory_space<vmem>> -> memref<128x16xf32, #tpu.memory_space<vmem>>
      %dma_start3A_848 = arith.constant 0 : i32
      %dma_start3A_849 = tpu.memref_slice %arg6[%select_n3A_831, %dma_start3A_848] : memref<40x128xi32, #tpu.memory_space<vmem>> -> memref<1x128xi32, #tpu.memory_space<vmem>>
      %dma_start3A_850 = tpu.memref_squeeze %dma_start3A_849 : memref<1x128xi32, #tpu.memory_space<vmem>> -> memref<128xi32, #tpu.memory_space<vmem>>
      %dma_start3A_851 = arith.constant 0 : i32
      %dma_start3A_852 = arith.constant 0 : i32
      %dma_start3A_853 = tpu.memref_slice %arg12[%dma_start3A_851, %dma_start3A_852] : memref<10240x16xf32, #tpu.memory_space<vmem_shared>> -> memref<10240x16xf32, #tpu.memory_space<vmem_shared>>
      tpu.enqueue_indirect_dma source(%dma_start3A_853 : memref<10240x16xf32, #tpu.memory_space<vmem_shared>>) target(%dma_start3A_847 : memref<128x16xf32, #tpu.memory_space<vmem>>) offsets(%dma_start3A_850 : memref<128xi32, #tpu.memory_space<vmem>>) semaphore(%arg21 : memref<!tpu.dma_semaphore, #tpu.memory_space<semaphore_mem>>)
      %add3A_854 = arith.constant 9 : i32
      %add3A_855 = arith.addi %mul3A_336, %add3A_854 : i32
      %add3A_856 = arith.constant 10 : i32
      %add3A_857 = arith.addi %add3A_855, %add3A_856 : i32
      %lt3A_858 = arith.constant 40 : i32
      %lt3A_859 = arith.cmpi slt, %add3A_857, %lt3A_858 : i32
      %add3A_860 = arith.constant 10 : i32
      %add3A_861 = arith.addi %add3A_855, %add3A_860 : i32
      %select_n3A_862 = arith.select %lt3A_859, %add3A_861, %add3A_855 : i32
      %dma_wait3A_863 = arith.constant 9 : i32
      %dma_wait3A_864 = arith.constant 0 : i32
      %dma_wait3A_865 = arith.constant 0 : i32
      %dma_wait3A_866 = tpu.memref_slice %arg8[%dma_wait3A_863, %dma_wait3A_864, %dma_wait3A_865] : memref<10x128x16xf32, #tpu.memory_space<vmem>> -> memref<1x128x16xf32, #tpu.memory_space<vmem>>
      %dma_wait3A_867 = tpu.memref_squeeze %dma_wait3A_866 : memref<1x128x16xf32, #tpu.memory_space<vmem>> -> memref<128x16xf32, #tpu.memory_space<vmem>>
      %dma_wait3A_868 = arith.constant 0 : i32
      %dma_wait3A_869 = tpu.memref_slice %arg7[%add3A_855, %dma_wait3A_868] : memref<40x128xi32, #tpu.memory_space<vmem>> -> memref<1x128xi32, #tpu.memory_space<vmem>>
      %dma_wait3A_870 = tpu.memref_squeeze %dma_wait3A_869 : memref<1x128xi32, #tpu.memory_space<vmem>> -> memref<128xi32, #tpu.memory_space<vmem>>
      %dma_wait3A_871 = arith.constant 0 : i32
      %dma_wait3A_872 = arith.constant 0 : i32
      %dma_wait3A_873 = tpu.memref_slice %arg11[%dma_wait3A_871, %dma_wait3A_872] : memref<10240x16xf32, #tpu.memory_space<vmem_shared>> -> memref<10240x16xf32, #tpu.memory_space<vmem_shared>>
      tpu.wait_indirect_dma semaphore(%arg32 : memref<!tpu.dma_semaphore, #tpu.memory_space<semaphore_mem>>) src(%dma_wait3A_867 : memref<128x16xf32, #tpu.memory_space<vmem>>) dst(%dma_wait3A_873 : memref<10240x16xf32, #tpu.memory_space<vmem_shared>>)
      %dma_start3A_874 = arith.constant 9 : i32
      %dma_start3A_875 = arith.constant 0 : i32
      %dma_start3A_876 = arith.constant 0 : i32
      %dma_start3A_877 = tpu.memref_slice %arg8[%dma_start3A_874, %dma_start3A_875, %dma_start3A_876] : memref<10x128x16xf32, #tpu.memory_space<vmem>> -> memref<1x128x16xf32, #tpu.memory_space<vmem>>
      %dma_start3A_878 = tpu.memref_squeeze %dma_start3A_877 : memref<1x128x16xf32, #tpu.memory_space<vmem>> -> memref<128x16xf32, #tpu.memory_space<vmem>>
      %dma_start3A_879 = arith.constant 0 : i32
      %dma_start3A_880 = tpu.memref_slice %arg6[%select_n3A_862, %dma_start3A_879] : memref<40x128xi32, #tpu.memory_space<vmem>> -> memref<1x128xi32, #tpu.memory_space<vmem>>
      %dma_start3A_881 = tpu.memref_squeeze %dma_start3A_880 : memref<1x128xi32, #tpu.memory_space<vmem>> -> memref<128xi32, #tpu.memory_space<vmem>>
      %dma_start3A_882 = arith.constant 0 : i32
      %dma_start3A_883 = arith.constant 0 : i32
      %dma_start3A_884 = tpu.memref_slice %arg12[%dma_start3A_882, %dma_start3A_883] : memref<10240x16xf32, #tpu.memory_space<vmem_shared>> -> memref<10240x16xf32, #tpu.memory_space<vmem_shared>>
      tpu.enqueue_indirect_dma source(%dma_start3A_884 : memref<10240x16xf32, #tpu.memory_space<vmem_shared>>) target(%dma_start3A_878 : memref<128x16xf32, #tpu.memory_space<vmem>>) offsets(%dma_start3A_881 : memref<128xi32, #tpu.memory_space<vmem>>) semaphore(%arg22 : memref<!tpu.dma_semaphore, #tpu.memory_space<semaphore_mem>>)
    }
    %scan3A_208 = arith.constant 4 : i32
    %dma_wait3A_209 = arith.constant 0 : i32
    %dma_wait3A_210 = arith.constant 0 : i32
    %dma_wait3A_211 = arith.constant 0 : i32
    %dma_wait3A_212 = arith.constant 0 : i32
    %dma_wait3A_213 = tpu.memref_slice %arg8[%dma_wait3A_210, %dma_wait3A_211, %dma_wait3A_212] : memref<10x128x16xf32, #tpu.memory_space<vmem>> -> memref<1x128x16xf32, #tpu.memory_space<vmem>>
    %dma_wait3A_214 = tpu.memref_squeeze %dma_wait3A_213 : memref<1x128x16xf32, #tpu.memory_space<vmem>> -> memref<128x16xf32, #tpu.memory_space<vmem>>
    %dma_wait3A_215 = arith.constant 0 : i32
    %dma_wait3A_216 = tpu.memref_slice %arg6[%dma_wait3A_209, %dma_wait3A_215] : memref<40x128xi32, #tpu.memory_space<vmem>> -> memref<1x128xi32, #tpu.memory_space<vmem>>
    %dma_wait3A_217 = tpu.memref_squeeze %dma_wait3A_216 : memref<1x128xi32, #tpu.memory_space<vmem>> -> memref<128xi32, #tpu.memory_space<vmem>>
    %dma_wait3A_218 = arith.constant 0 : i32
    %dma_wait3A_219 = arith.constant 0 : i32
    %dma_wait3A_220 = tpu.memref_slice %arg12[%dma_wait3A_218, %dma_wait3A_219] : memref<10240x16xf32, #tpu.memory_space<vmem_shared>> -> memref<10240x16xf32, #tpu.memory_space<vmem_shared>>
    tpu.wait_indirect_dma semaphore(%arg13 : memref<!tpu.dma_semaphore, #tpu.memory_space<semaphore_mem>>) src(%dma_wait3A_220 : memref<10240x16xf32, #tpu.memory_space<vmem_shared>>) dst(%dma_wait3A_214 : memref<128x16xf32, #tpu.memory_space<vmem>>)
    %dma_wait3A_221 = arith.constant 1 : i32
    %dma_wait3A_222 = arith.constant 1 : i32
    %dma_wait3A_223 = arith.constant 0 : i32
    %dma_wait3A_224 = arith.constant 0 : i32
    %dma_wait3A_225 = tpu.memref_slice %arg8[%dma_wait3A_222, %dma_wait3A_223, %dma_wait3A_224] : memref<10x128x16xf32, #tpu.memory_space<vmem>> -> memref<1x128x16xf32, #tpu.memory_space<vmem>>
    %dma_wait3A_226 = tpu.memref_squeeze %dma_wait3A_225 : memref<1x128x16xf32, #tpu.memory_space<vmem>> -> memref<128x16xf32, #tpu.memory_space<vmem>>
    %dma_wait3A_227 = arith.constant 0 : i32
    %dma_wait3A_228 = tpu.memref_slice %arg6[%dma_wait3A_221, %dma_wait3A_227] : memref<40x128xi32, #tpu.memory_space<vmem>> -> memref<1x128xi32, #tpu.memory_space<vmem>>
    %dma_wait3A_229 = tpu.memref_squeeze %dma_wait3A_228 : memref<1x128xi32, #tpu.memory_space<vmem>> -> memref<128xi32, #tpu.memory_space<vmem>>
    %dma_wait3A_230 = arith.constant 0 : i32
    %dma_wait3A_231 = arith.constant 0 : i32
    %dma_wait3A_232 = tpu.memref_slice %arg12[%dma_wait3A_230, %dma_wait3A_231] : memref<10240x16xf32, #tpu.memory_space<vmem_shared>> -> memref<10240x16xf32, #tpu.memory_space<vmem_shared>>
    tpu.wait_indirect_dma semaphore(%arg14 : memref<!tpu.dma_semaphore, #tpu.memory_space<semaphore_mem>>) src(%dma_wait3A_232 : memref<10240x16xf32, #tpu.memory_space<vmem_shared>>) dst(%dma_wait3A_226 : memref<128x16xf32, #tpu.memory_space<vmem>>)
    %dma_wait3A_233 = arith.constant 2 : i32
    %dma_wait3A_234 = arith.constant 2 : i32
    %dma_wait3A_235 = arith.constant 0 : i32
    %dma_wait3A_236 = arith.constant 0 : i32
    %dma_wait3A_237 = tpu.memref_slice %arg8[%dma_wait3A_234, %dma_wait3A_235, %dma_wait3A_236] : memref<10x128x16xf32, #tpu.memory_space<vmem>> -> memref<1x128x16xf32, #tpu.memory_space<vmem>>
    %dma_wait3A_238 = tpu.memref_squeeze %dma_wait3A_237 : memref<1x128x16xf32, #tpu.memory_space<vmem>> -> memref<128x16xf32, #tpu.memory_space<vmem>>
    %dma_wait3A_239 = arith.constant 0 : i32
    %dma_wait3A_240 = tpu.memref_slice %arg6[%dma_wait3A_233, %dma_wait3A_239] : memref<40x128xi32, #tpu.memory_space<vmem>> -> memref<1x128xi32, #tpu.memory_space<vmem>>
    %dma_wait3A_241 = tpu.memref_squeeze %dma_wait3A_240 : memref<1x128xi32, #tpu.memory_space<vmem>> -> memref<128xi32, #tpu.memory_space<vmem>>
    %dma_wait3A_242 = arith.constant 0 : i32
    %dma_wait3A_243 = arith.constant 0 : i32
    %dma_wait3A_244 = tpu.memref_slice %arg12[%dma_wait3A_242, %dma_wait3A_243] : memref<10240x16xf32, #tpu.memory_space<vmem_shared>> -> memref<10240x16xf32, #tpu.memory_space<vmem_shared>>
    tpu.wait_indirect_dma semaphore(%arg15 : memref<!tpu.dma_semaphore, #tpu.memory_space<semaphore_mem>>) src(%dma_wait3A_244 : memref<10240x16xf32, #tpu.memory_space<vmem_shared>>) dst(%dma_wait3A_238 : memref<128x16xf32, #tpu.memory_space<vmem>>)
    %dma_wait3A_245 = arith.constant 3 : i32
    %dma_wait3A_246 = arith.constant 3 : i32
    %dma_wait3A_247 = arith.constant 0 : i32
    %dma_wait3A_248 = arith.constant 0 : i32
    %dma_wait3A_249 = tpu.memref_slice %arg8[%dma_wait3A_246, %dma_wait3A_247, %dma_wait3A_248] : memref<10x128x16xf32, #tpu.memory_space<vmem>> -> memref<1x128x16xf32, #tpu.memory_space<vmem>>
    %dma_wait3A_250 = tpu.memref_squeeze %dma_wait3A_249 : memref<1x128x16xf32, #tpu.memory_space<vmem>> -> memref<128x16xf32, #tpu.memory_space<vmem>>
    %dma_wait3A_251 = arith.constant 0 : i32
    %dma_wait3A_252 = tpu.memref_slice %arg6[%dma_wait3A_245, %dma_wait3A_251] : memref<40x128xi32, #tpu.memory_space<vmem>> -> memref<1x128xi32, #tpu.memory_space<vmem>>
    %dma_wait3A_253 = tpu.memref_squeeze %dma_wait3A_252 : memref<1x128xi32, #tpu.memory_space<vmem>> -> memref<128xi32, #tpu.memory_space<vmem>>
    %dma_wait3A_254 = arith.constant 0 : i32
    %dma_wait3A_255 = arith.constant 0 : i32
    %dma_wait3A_256 = tpu.memref_slice %arg12[%dma_wait3A_254, %dma_wait3A_255] : memref<10240x16xf32, #tpu.memory_space<vmem_shared>> -> memref<10240x16xf32, #tpu.memory_space<vmem_shared>>
    tpu.wait_indirect_dma semaphore(%arg16 : memref<!tpu.dma_semaphore, #tpu.memory_space<semaphore_mem>>) src(%dma_wait3A_256 : memref<10240x16xf32, #tpu.memory_space<vmem_shared>>) dst(%dma_wait3A_250 : memref<128x16xf32, #tpu.memory_space<vmem>>)
    %dma_wait3A_257 = arith.constant 4 : i32
    %dma_wait3A_258 = arith.constant 4 : i32
    %dma_wait3A_259 = arith.constant 0 : i32
    %dma_wait3A_260 = arith.constant 0 : i32
    %dma_wait3A_261 = tpu.memref_slice %arg8[%dma_wait3A_258, %dma_wait3A_259, %dma_wait3A_260] : memref<10x128x16xf32, #tpu.memory_space<vmem>> -> memref<1x128x16xf32, #tpu.memory_space<vmem>>
    %dma_wait3A_262 = tpu.memref_squeeze %dma_wait3A_261 : memref<1x128x16xf32, #tpu.memory_space<vmem>> -> memref<128x16xf32, #tpu.memory_space<vmem>>
    %dma_wait3A_263 = arith.constant 0 : i32
    %dma_wait3A_264 = tpu.memref_slice %arg6[%dma_wait3A_257, %dma_wait3A_263] : memref<40x128xi32, #tpu.memory_space<vmem>> -> memref<1x128xi32, #tpu.memory_space<vmem>>
    %dma_wait3A_265 = tpu.memref_squeeze %dma_wait3A_264 : memref<1x128xi32, #tpu.memory_space<vmem>> -> memref<128xi32, #tpu.memory_space<vmem>>
    %dma_wait3A_266 = arith.constant 0 : i32
    %dma_wait3A_267 = arith.constant 0 : i32
    %dma_wait3A_268 = tpu.memref_slice %arg12[%dma_wait3A_266, %dma_wait3A_267] : memref<10240x16xf32, #tpu.memory_space<vmem_shared>> -> memref<10240x16xf32, #tpu.memory_space<vmem_shared>>
    tpu.wait_indirect_dma semaphore(%arg17 : memref<!tpu.dma_semaphore, #tpu.memory_space<semaphore_mem>>) src(%dma_wait3A_268 : memref<10240x16xf32, #tpu.memory_space<vmem_shared>>) dst(%dma_wait3A_262 : memref<128x16xf32, #tpu.memory_space<vmem>>)
    %dma_wait3A_269 = arith.constant 5 : i32
    %dma_wait3A_270 = arith.constant 5 : i32
    %dma_wait3A_271 = arith.constant 0 : i32
    %dma_wait3A_272 = arith.constant 0 : i32
    %dma_wait3A_273 = tpu.memref_slice %arg8[%dma_wait3A_270, %dma_wait3A_271, %dma_wait3A_272] : memref<10x128x16xf32, #tpu.memory_space<vmem>> -> memref<1x128x16xf32, #tpu.memory_space<vmem>>
    %dma_wait3A_274 = tpu.memref_squeeze %dma_wait3A_273 : memref<1x128x16xf32, #tpu.memory_space<vmem>> -> memref<128x16xf32, #tpu.memory_space<vmem>>
    %dma_wait3A_275 = arith.constant 0 : i32
    %dma_wait3A_276 = tpu.memref_slice %arg6[%dma_wait3A_269, %dma_wait3A_275] : memref<40x128xi32, #tpu.memory_space<vmem>> -> memref<1x128xi32, #tpu.memory_space<vmem>>
    %dma_wait3A_277 = tpu.memref_squeeze %dma_wait3A_276 : memref<1x128xi32, #tpu.memory_space<vmem>> -> memref<128xi32, #tpu.memory_space<vmem>>
    %dma_wait3A_278 = arith.constant 0 : i32
    %dma_wait3A_279 = arith.constant 0 : i32
    %dma_wait3A_280 = tpu.memref_slice %arg12[%dma_wait3A_278, %dma_wait3A_279] : memref<10240x16xf32, #tpu.memory_space<vmem_shared>> -> memref<10240x16xf32, #tpu.memory_space<vmem_shared>>
    tpu.wait_indirect_dma semaphore(%arg18 : memref<!tpu.dma_semaphore, #tpu.memory_space<semaphore_mem>>) src(%dma_wait3A_280 : memref<10240x16xf32, #tpu.memory_space<vmem_shared>>) dst(%dma_wait3A_274 : memref<128x16xf32, #tpu.memory_space<vmem>>)
    %dma_wait3A_281 = arith.constant 6 : i32
    %dma_wait3A_282 = arith.constant 6 : i32
    %dma_wait3A_283 = arith.constant 0 : i32
    %dma_wait3A_284 = arith.constant 0 : i32
    %dma_wait3A_285 = tpu.memref_slice %arg8[%dma_wait3A_282, %dma_wait3A_283, %dma_wait3A_284] : memref<10x128x16xf32, #tpu.memory_space<vmem>> -> memref<1x128x16xf32, #tpu.memory_space<vmem>>
    %dma_wait3A_286 = tpu.memref_squeeze %dma_wait3A_285 : memref<1x128x16xf32, #tpu.memory_space<vmem>> -> memref<128x16xf32, #tpu.memory_space<vmem>>
    %dma_wait3A_287 = arith.constant 0 : i32
    %dma_wait3A_288 = tpu.memref_slice %arg6[%dma_wait3A_281, %dma_wait3A_287] : memref<40x128xi32, #tpu.memory_space<vmem>> -> memref<1x128xi32, #tpu.memory_space<vmem>>
    %dma_wait3A_289 = tpu.memref_squeeze %dma_wait3A_288 : memref<1x128xi32, #tpu.memory_space<vmem>> -> memref<128xi32, #tpu.memory_space<vmem>>
    %dma_wait3A_290 = arith.constant 0 : i32
    %dma_wait3A_291 = arith.constant 0 : i32
    %dma_wait3A_292 = tpu.memref_slice %arg12[%dma_wait3A_290, %dma_wait3A_291] : memref<10240x16xf32, #tpu.memory_space<vmem_shared>> -> memref<10240x16xf32, #tpu.memory_space<vmem_shared>>
    tpu.wait_indirect_dma semaphore(%arg19 : memref<!tpu.dma_semaphore, #tpu.memory_space<semaphore_mem>>) src(%dma_wait3A_292 : memref<10240x16xf32, #tpu.memory_space<vmem_shared>>) dst(%dma_wait3A_286 : memref<128x16xf32, #tpu.memory_space<vmem>>)
    %dma_wait3A_293 = arith.constant 7 : i32
    %dma_wait3A_294 = arith.constant 7 : i32
    %dma_wait3A_295 = arith.constant 0 : i32
    %dma_wait3A_296 = arith.constant 0 : i32
    %dma_wait3A_297 = tpu.memref_slice %arg8[%dma_wait3A_294, %dma_wait3A_295, %dma_wait3A_296] : memref<10x128x16xf32, #tpu.memory_space<vmem>> -> memref<1x128x16xf32, #tpu.memory_space<vmem>>
    %dma_wait3A_298 = tpu.memref_squeeze %dma_wait3A_297 : memref<1x128x16xf32, #tpu.memory_space<vmem>> -> memref<128x16xf32, #tpu.memory_space<vmem>>
    %dma_wait3A_299 = arith.constant 0 : i32
    %dma_wait3A_300 = tpu.memref_slice %arg6[%dma_wait3A_293, %dma_wait3A_299] : memref<40x128xi32, #tpu.memory_space<vmem>> -> memref<1x128xi32, #tpu.memory_space<vmem>>
    %dma_wait3A_301 = tpu.memref_squeeze %dma_wait3A_300 : memref<1x128xi32, #tpu.memory_space<vmem>> -> memref<128xi32, #tpu.memory_space<vmem>>
    %dma_wait3A_302 = arith.constant 0 : i32
    %dma_wait3A_303 = arith.constant 0 : i32
    %dma_wait3A_304 = tpu.memref_slice %arg12[%dma_wait3A_302, %dma_wait3A_303] : memref<10240x16xf32, #tpu.memory_space<vmem_shared>> -> memref<10240x16xf32, #tpu.memory_space<vmem_shared>>
    tpu.wait_indirect_dma semaphore(%arg20 : memref<!tpu.dma_semaphore, #tpu.memory_space<semaphore_mem>>) src(%dma_wait3A_304 : memref<10240x16xf32, #tpu.memory_space<vmem_shared>>) dst(%dma_wait3A_298 : memref<128x16xf32, #tpu.memory_space<vmem>>)
    %dma_wait3A_305 = arith.constant 8 : i32
    %dma_wait3A_306 = arith.constant 8 : i32
    %dma_wait3A_307 = arith.constant 0 : i32
    %dma_wait3A_308 = arith.constant 0 : i32
    %dma_wait3A_309 = tpu.memref_slice %arg8[%dma_wait3A_306, %dma_wait3A_307, %dma_wait3A_308] : memref<10x128x16xf32, #tpu.memory_space<vmem>> -> memref<1x128x16xf32, #tpu.memory_space<vmem>>
    %dma_wait3A_310 = tpu.memref_squeeze %dma_wait3A_309 : memref<1x128x16xf32, #tpu.memory_space<vmem>> -> memref<128x16xf32, #tpu.memory_space<vmem>>
    %dma_wait3A_311 = arith.constant 0 : i32
    %dma_wait3A_312 = tpu.memref_slice %arg6[%dma_wait3A_305, %dma_wait3A_311] : memref<40x128xi32, #tpu.memory_space<vmem>> -> memref<1x128xi32, #tpu.memory_space<vmem>>
    %dma_wait3A_313 = tpu.memref_squeeze %dma_wait3A_312 : memref<1x128xi32, #tpu.memory_space<vmem>> -> memref<128xi32, #tpu.memory_space<vmem>>
    %dma_wait3A_314 = arith.constant 0 : i32
    %dma_wait3A_315 = arith.constant 0 : i32
    %dma_wait3A_316 = tpu.memref_slice %arg12[%dma_wait3A_314, %dma_wait3A_315] : memref<10240x16xf32, #tpu.memory_space<vmem_shared>> -> memref<10240x16xf32, #tpu.memory_space<vmem_shared>>
    tpu.wait_indirect_dma semaphore(%arg21 : memref<!tpu.dma_semaphore, #tpu.memory_space<semaphore_mem>>) src(%dma_wait3A_316 : memref<10240x16xf32, #tpu.memory_space<vmem_shared>>) dst(%dma_wait3A_310 : memref<128x16xf32, #tpu.memory_space<vmem>>)
    %dma_wait3A_317 = arith.constant 9 : i32
    %dma_wait3A_318 = arith.constant 9 : i32
    %dma_wait3A_319 = arith.constant 0 : i32
    %dma_wait3A_320 = arith.constant 0 : i32
    %dma_wait3A_321 = tpu.memref_slice %arg8[%dma_wait3A_318, %dma_wait3A_319, %dma_wait3A_320] : memref<10x128x16xf32, #tpu.memory_space<vmem>> -> memref<1x128x16xf32, #tpu.memory_space<vmem>>
    %dma_wait3A_322 = tpu.memref_squeeze %dma_wait3A_321 : memref<1x128x16xf32, #tpu.memory_space<vmem>> -> memref<128x16xf32, #tpu.memory_space<vmem>>
    %dma_wait3A_323 = arith.constant 0 : i32
    %dma_wait3A_324 = tpu.memref_slice %arg6[%dma_wait3A_317, %dma_wait3A_323] : memref<40x128xi32, #tpu.memory_space<vmem>> -> memref<1x128xi32, #tpu.memory_space<vmem>>
    %dma_wait3A_325 = tpu.memref_squeeze %dma_wait3A_324 : memref<1x128xi32, #tpu.memory_space<vmem>> -> memref<128xi32, #tpu.memory_space<vmem>>
    %dma_wait3A_326 = arith.constant 0 : i32
    %dma_wait3A_327 = arith.constant 0 : i32
    %dma_wait3A_328 = tpu.memref_slice %arg12[%dma_wait3A_326, %dma_wait3A_327] : memref<10240x16xf32, #tpu.memory_space<vmem_shared>> -> memref<10240x16xf32, #tpu.memory_space<vmem_shared>>
    tpu.wait_indirect_dma semaphore(%arg22 : memref<!tpu.dma_semaphore, #tpu.memory_space<semaphore_mem>>) src(%dma_wait3A_328 : memref<10240x16xf32, #tpu.memory_space<vmem_shared>>) dst(%dma_wait3A_322 : memref<128x16xf32, #tpu.memory_space<vmem>>)
    %barrier3A_329 = arith.constant 0 : index
    tpu.barrier barrier_id(%barrier3A_329)
    %mul3A_330 = arith.constant 625 : i32
    %mul3A_331 = arith.muli %arg1, %mul3A_330 : i32
    "tpu.region"() ({
      %run_scoped3A_334 = tpu.sem_alloc : memref<!tpu.dma_semaphore, #tpu.memory_space<semaphore_mem>>
      %dma_start3A_335 = arith.constant 0 : i32
      %dma_start3A_336 = arith.constant 0 : i32
      %dma_start3A_337 = tpu.memref_slice %arg10[%dma_start3A_335, %dma_start3A_336] : memref<640x16xf32, #tpu.memory_space<vmem>> -> memref<625x16xf32, #tpu.memory_space<vmem>>
      %dma_start3A_338 = arith.constant 0 : i32
      %dma_start3A_339 = tpu.memref_slice %arg11[%mul3A_331, %dma_start3A_338] : memref<10240x16xf32, #tpu.memory_space<vmem_shared>> -> memref<625x16xf32, #tpu.memory_space<vmem_shared>>
      %dma_start3A_340 = arith.constant 0 : i32
      %dma_start3A_341 = arith.constant 0 : i32
      %dma_start3A_342 = tpu.memref_slice %arg10[%dma_start3A_340, %dma_start3A_341] : memref<640x16xf32, #tpu.memory_space<vmem>> -> memref<625x16xf32, #tpu.memory_space<vmem>>
      %dma_start3A_343 = arith.constant 0 : i32
      %dma_start3A_344 = tpu.memref_slice %arg11[%mul3A_331, %dma_start3A_343] : memref<10240x16xf32, #tpu.memory_space<vmem_shared>> -> memref<625x16xf32, #tpu.memory_space<vmem_shared>>
      tpu.enqueue_dma source(%dma_start3A_344 : memref<625x16xf32, #tpu.memory_space<vmem_shared>>) target(%dma_start3A_342 : memref<625x16xf32, #tpu.memory_space<vmem>>) target_semaphore(%run_scoped3A_334 : memref<!tpu.dma_semaphore, #tpu.memory_space<semaphore_mem>>)
      %dma_wait3A_345 = arith.constant 0 : i32
      %dma_wait3A_346 = arith.constant 0 : i32
      %dma_wait3A_347 = tpu.memref_slice %arg10[%dma_wait3A_345, %dma_wait3A_346] : memref<640x16xf32, #tpu.memory_space<vmem>> -> memref<625x16xf32, #tpu.memory_space<vmem>>
      %dma_wait3A_348 = arith.constant 0 : i32
      %dma_wait3A_349 = tpu.memref_slice %arg11[%mul3A_331, %dma_wait3A_348] : memref<10240x16xf32, #tpu.memory_space<vmem_shared>> -> memref<625x16xf32, #tpu.memory_space<vmem_shared>>
      %dma_wait3A_350 = arith.constant 0 : i32
      %dma_wait3A_351 = arith.constant 0 : i32
      %dma_wait3A_352 = tpu.memref_slice %arg10[%dma_wait3A_350, %dma_wait3A_351] : memref<640x16xf32, #tpu.memory_space<vmem>> -> memref<625x16xf32, #tpu.memory_space<vmem>>
      %dma_wait3A_353 = arith.constant 0 : i32
      %dma_wait3A_354 = tpu.memref_slice %arg11[%mul3A_331, %dma_wait3A_353] : memref<10240x16xf32, #tpu.memory_space<vmem_shared>> -> memref<625x16xf32, #tpu.memory_space<vmem_shared>>
      tpu.wait_dma2 semaphore(%run_scoped3A_334 : memref<!tpu.dma_semaphore, #tpu.memory_space<semaphore_mem>>) src(%dma_wait3A_354 : memref<625x16xf32, #tpu.memory_space<vmem_shared>>) dst(%dma_wait3A_352 : memref<625x16xf32, #tpu.memory_space<vmem>>)
      tpu.yield
    }) : () -> ()
    %mul3A_332 = arith.constant 625 : i32
    %mul3A_333 = arith.muli %arg1, %mul3A_332 : i32
    "tpu.region"() ({
      %run_scoped3A_334 = tpu.sem_alloc : memref<!tpu.dma_semaphore, #tpu.memory_space<semaphore_mem>>
      %dma_start3A_335 = arith.constant 0 : i32
      %dma_start3A_336 = arith.constant 0 : i32
      %dma_start3A_337 = tpu.memref_slice %arg10[%dma_start3A_335, %dma_start3A_336] : memref<640x16xf32, #tpu.memory_space<vmem>> -> memref<625x16xf32, #tpu.memory_space<vmem>>
      %dma_start3A_338 = arith.constant 0 : i32
      %dma_start3A_339 = tpu.memref_slice %arg5[%arg0, %mul3A_333, %dma_start3A_338] : memref<2x10000x16xf32, #tpu.memory_space<hbm>> -> memref<1x625x16xf32, #tpu.memory_space<hbm>>
      %dma_start3A_340 = tpu.memref_squeeze %dma_start3A_339 : memref<1x625x16xf32, #tpu.memory_space<hbm>> -> memref<625x16xf32, #tpu.memory_space<hbm>>
      %dma_start3A_341 = arith.constant 0 : i32
      %dma_start3A_342 = tpu.memref_slice %arg5[%arg0, %mul3A_333, %dma_start3A_341] : memref<2x10000x16xf32, #tpu.memory_space<hbm>> -> memref<1x625x16xf32, #tpu.memory_space<hbm>>
      %dma_start3A_343 = tpu.memref_squeeze %dma_start3A_342 : memref<1x625x16xf32, #tpu.memory_space<hbm>> -> memref<625x16xf32, #tpu.memory_space<hbm>>
      %dma_start3A_344 = arith.constant 0 : i32
      %dma_start3A_345 = arith.constant 0 : i32
      %dma_start3A_346 = tpu.memref_slice %arg10[%dma_start3A_344, %dma_start3A_345] : memref<640x16xf32, #tpu.memory_space<vmem>> -> memref<625x16xf32, #tpu.memory_space<vmem>>
      tpu.enqueue_dma source(%dma_start3A_346 : memref<625x16xf32, #tpu.memory_space<vmem>>) target(%dma_start3A_343 : memref<625x16xf32, #tpu.memory_space<hbm>>) target_semaphore(%run_scoped3A_334 : memref<!tpu.dma_semaphore, #tpu.memory_space<semaphore_mem>>)
      %dma_wait3A_347 = arith.constant 0 : i32
      %dma_wait3A_348 = arith.constant 0 : i32
      %dma_wait3A_349 = tpu.memref_slice %arg10[%dma_wait3A_347, %dma_wait3A_348] : memref<640x16xf32, #tpu.memory_space<vmem>> -> memref<625x16xf32, #tpu.memory_space<vmem>>
      %dma_wait3A_350 = arith.constant 0 : i32
      %dma_wait3A_351 = tpu.memref_slice %arg5[%arg0, %mul3A_333, %dma_wait3A_350] : memref<2x10000x16xf32, #tpu.memory_space<hbm>> -> memref<1x625x16xf32, #tpu.memory_space<hbm>>
      %dma_wait3A_352 = tpu.memref_squeeze %dma_wait3A_351 : memref<1x625x16xf32, #tpu.memory_space<hbm>> -> memref<625x16xf32, #tpu.memory_space<hbm>>
      %dma_wait3A_353 = arith.constant 0 : i32
      %dma_wait3A_354 = tpu.memref_slice %arg5[%arg0, %mul3A_333, %dma_wait3A_353] : memref<2x10000x16xf32, #tpu.memory_space<hbm>> -> memref<1x625x16xf32, #tpu.memory_space<hbm>>
      %dma_wait3A_355 = tpu.memref_squeeze %dma_wait3A_354 : memref<1x625x16xf32, #tpu.memory_space<hbm>> -> memref<625x16xf32, #tpu.memory_space<hbm>>
      %dma_wait3A_356 = arith.constant 0 : i32
      %dma_wait3A_357 = arith.constant 0 : i32
      %dma_wait3A_358 = tpu.memref_slice %arg10[%dma_wait3A_356, %dma_wait3A_357] : memref<640x16xf32, #tpu.memory_space<vmem>> -> memref<625x16xf32, #tpu.memory_space<vmem>>
      tpu.wait_dma2 semaphore(%run_scoped3A_334 : memref<!tpu.dma_semaphore, #tpu.memory_space<semaphore_mem>>) src(%dma_wait3A_358 : memref<625x16xf32, #tpu.memory_space<vmem>>) dst(%dma_wait3A_355 : memref<625x16xf32, #tpu.memory_space<hbm>>)
      tpu.yield
    }) : () -> ()
    return
  }
}

#map = affine_map<(d0, d1) -> (0, 0)>
#map1 = affine_map<(d0, d1) -> (0, 0, 0, 0)>
#map2 = affine_map<(d0, d1) -> (0, 0, 0)>
module attributes {stable_mosaic.version = 14 : i64} {
  func.func @_sc_agg_body(%arg0: i32, %arg1: i32, %arg2: memref<10000x16xf32, #tpu.memory_space<hbm>>, %arg3: memref<2x32x40x128xi32, #tpu.memory_space<hbm>>, %arg4: memref<128x16xf32, #tpu.memory_space<hbm>>, %arg5: memref<2x10000x16xf32, #tpu.memory_space<hbm>>, %arg6: memref<40x128xi32, #tpu.memory_space<vmem>>, %arg7: memref<40x128xi32, #tpu.memory_space<vmem>>, %arg8: memref<10x128x16xf32, #tpu.memory_space<vmem>>, %arg9: memref<128x16xf32, #tpu.memory_space<vmem>>, %arg10: memref<640x16xf32, #tpu.memory_space<vmem>>, %arg11: memref<10240x16xf32, #tpu.memory_space<vmem_shared>>, %arg12: memref<10240x16xf32, #tpu.memory_space<vmem_shared>>, %arg13: memref<!tpu.dma_semaphore, #tpu.memory_space<semaphore_mem>>, %arg14: memref<!tpu.dma_semaphore, #tpu.memory_space<semaphore_mem>>, %arg15: memref<!tpu.dma_semaphore, #tpu.memory_space<semaphore_mem>>, %arg16: memref<!tpu.dma_semaphore, #tpu.memory_space<semaphore_mem>>, %arg17: memref<!tpu.dma_semaphore, #tpu.memory_space<semaphore_mem>>, %arg18: memref<!tpu.dma_semaphore, #tpu.memory_space<semaphore_mem>>, %arg19: memref<!tpu.dma_semaphore, #tpu.memory_space<semaphore_mem>>, %arg20: memref<!tpu.dma_semaphore, #tpu.memory_space<semaphore_mem>>, %arg21: memref<!tpu.dma_semaphore, #tpu.memory_space<semaphore_mem>>, %arg22: memref<!tpu.dma_semaphore, #tpu.memory_space<semaphore_mem>>, %arg23: memref<!tpu.dma_semaphore, #tpu.memory_space<semaphore_mem>>, %arg24: memref<!tpu.dma_semaphore, #tpu.memory_space<semaphore_mem>>, %arg25: memref<!tpu.dma_semaphore, #tpu.memory_space<semaphore_mem>>, %arg26: memref<!tpu.dma_semaphore, #tpu.memory_space<semaphore_mem>>, %arg27: memref<!tpu.dma_semaphore, #tpu.memory_space<semaphore_mem>>, %arg28: memref<!tpu.dma_semaphore, #tpu.memory_space<semaphore_mem>>, %arg29: memref<!tpu.dma_semaphore, #tpu.memory_space<semaphore_mem>>, %arg30: memref<!tpu.dma_semaphore, #tpu.memory_space<semaphore_mem>>, %arg31: memref<!tpu.dma_semaphore, #tpu.memory_space<semaphore_mem>>, %arg32: memref<!tpu.dma_semaphore, #tpu.memory_space<semaphore_mem>>, %arg33: memref<!tpu.dma_semaphore, #tpu.memory_space<semaphore_mem>>) attributes {dimension_semantics = [#tpu.dimension_semantics<core_parallel>, #tpu.dimension_semantics<subcore_parallel>], iteration_bounds = array<i64: 2, 16>, scalar_prefetch = 0 : i64, scratch_operands = 28 : i64, tpu.core_type = #tpu.core_type<sc_vector_subcore>, window_params = [{transform_indices = #map}, {transform_indices = #map1}, {transform_indices = #map}, {transform_indices = #map2}]} {
    %mul3A = arith.constant 16 : i32
    %mul3A_0 = arith.muli %arg0, %mul3A : i32
    %add3A = arith.addi %mul3A_0, %arg1 : i32
    %run_scoped3A = arith.constant 0 : i32
    "tpu.region"() ({
      %run_scoped3A_334 = tpu.sem_alloc : memref<!tpu.dma_semaphore, #tpu.memory_space<semaphore_mem>>
      %dma_start3A_335 = arith.constant 0 : i32
      %dma_start3A_336 = arith.constant 0 : i32
      %dma_start3A_337 = tpu.memref_slice %arg3[%run_scoped3A, %add3A, %dma_start3A_335, %dma_start3A_336] : memref<2x32x40x128xi32, #tpu.memory_space<hbm>> -> memref<1x1x40x128xi32, #tpu.memory_space<hbm>>
      %dma_start3A_338 = tpu.memref_squeeze %dma_start3A_337 : memref<1x1x40x128xi32, #tpu.memory_space<hbm>> -> memref<40x128xi32, #tpu.memory_space<hbm>>
      %dma_start3A_339 = arith.constant 0 : i32
      %dma_start3A_340 = arith.constant 0 : i32
      %dma_start3A_341 = tpu.memref_slice %arg3[%run_scoped3A, %add3A, %dma_start3A_339, %dma_start3A_340] : memref<2x32x40x128xi32, #tpu.memory_space<hbm>> -> memref<1x1x40x128xi32, #tpu.memory_space<hbm>>
      %dma_start3A_342 = tpu.memref_squeeze %dma_start3A_341 : memref<1x1x40x128xi32, #tpu.memory_space<hbm>> -> memref<40x128xi32, #tpu.memory_space<hbm>>
      tpu.enqueue_dma source(%dma_start3A_342 : memref<40x128xi32, #tpu.memory_space<hbm>>) target(%arg6 : memref<40x128xi32, #tpu.memory_space<vmem>>) target_semaphore(%run_scoped3A_334 : memref<!tpu.dma_semaphore, #tpu.memory_space<semaphore_mem>>)
      %dma_wait3A_343 = arith.constant 0 : i32
      %dma_wait3A_344 = arith.constant 0 : i32
      %dma_wait3A_345 = tpu.memref_slice %arg3[%run_scoped3A, %add3A, %dma_wait3A_343, %dma_wait3A_344] : memref<2x32x40x128xi32, #tpu.memory_space<hbm>> -> memref<1x1x40x128xi32, #tpu.memory_space<hbm>>
      %dma_wait3A_346 = tpu.memref_squeeze %dma_wait3A_345 : memref<1x1x40x128xi32, #tpu.memory_space<hbm>> -> memref<40x128xi32, #tpu.memory_space<hbm>>
      %dma_wait3A_347 = arith.constant 0 : i32
      %dma_wait3A_348 = arith.constant 0 : i32
      %dma_wait3A_349 = tpu.memref_slice %arg3[%run_scoped3A, %add3A, %dma_wait3A_347, %dma_wait3A_348] : memref<2x32x40x128xi32, #tpu.memory_space<hbm>> -> memref<1x1x40x128xi32, #tpu.memory_space<hbm>>
      %dma_wait3A_350 = tpu.memref_squeeze %dma_wait3A_349 : memref<1x1x40x128xi32, #tpu.memory_space<hbm>> -> memref<40x128xi32, #tpu.memory_space<hbm>>
      tpu.wait_dma2 semaphore(%run_scoped3A_334 : memref<!tpu.dma_semaphore, #tpu.memory_space<semaphore_mem>>) src(%dma_wait3A_350 : memref<40x128xi32, #tpu.memory_space<hbm>>) dst(%arg6 : memref<40x128xi32, #tpu.memory_space<vmem>>)
      tpu.yield
    }) : () -> ()
    %run_scoped3A_1 = arith.constant 1 : i32
    "tpu.region"() ({
      %run_scoped3A_334 = tpu.sem_alloc : memref<!tpu.dma_semaphore, #tpu.memory_space<semaphore_mem>>
      %dma_start3A_335 = arith.constant 0 : i32
      %dma_start3A_336 = arith.constant 0 : i32
      %dma_start3A_337 = tpu.memref_slice %arg3[%run_scoped3A_1, %add3A, %dma_start3A_335, %dma_start3A_336] : memref<2x32x40x128xi32, #tpu.memory_space<hbm>> -> memref<1x1x40x128xi32, #tpu.memory_space<hbm>>
      %dma_start3A_338 = tpu.memref_squeeze %dma_start3A_337 : memref<1x1x40x128xi32, #tpu.memory_space<hbm>> -> memref<40x128xi32, #tpu.memory_space<hbm>>
      %dma_start3A_339 = arith.constant 0 : i32
      %dma_start3A_340 = arith.constant 0 : i32
      %dma_start3A_341 = tpu.memref_slice %arg3[%run_scoped3A_1, %add3A, %dma_start3A_339, %dma_start3A_340] : memref<2x32x40x128xi32, #tpu.memory_space<hbm>> -> memref<1x1x40x128xi32, #tpu.memory_space<hbm>>
      %dma_start3A_342 = tpu.memref_squeeze %dma_start3A_341 : memref<1x1x40x128xi32, #tpu.memory_space<hbm>> -> memref<40x128xi32, #tpu.memory_space<hbm>>
      tpu.enqueue_dma source(%dma_start3A_342 : memref<40x128xi32, #tpu.memory_space<hbm>>) target(%arg7 : memref<40x128xi32, #tpu.memory_space<vmem>>) target_semaphore(%run_scoped3A_334 : memref<!tpu.dma_semaphore, #tpu.memory_space<semaphore_mem>>)
      %dma_wait3A_343 = arith.constant 0 : i32
      %dma_wait3A_344 = arith.constant 0 : i32
      %dma_wait3A_345 = tpu.memref_slice %arg3[%run_scoped3A_1, %add3A, %dma_wait3A_343, %dma_wait3A_344] : memref<2x32x40x128xi32, #tpu.memory_space<hbm>> -> memref<1x1x40x128xi32, #tpu.memory_space<hbm>>
      %dma_wait3A_346 = tpu.memref_squeeze %dma_wait3A_345 : memref<1x1x40x128xi32, #tpu.memory_space<hbm>> -> memref<40x128xi32, #tpu.memory_space<hbm>>
      %dma_wait3A_347 = arith.constant 0 : i32
      %dma_wait3A_348 = arith.constant 0 : i32
      %dma_wait3A_349 = tpu.memref_slice %arg3[%run_scoped3A_1, %add3A, %dma_wait3A_347, %dma_wait3A_348] : memref<2x32x40x128xi32, #tpu.memory_space<hbm>> -> memref<1x1x40x128xi32, #tpu.memory_space<hbm>>
      %dma_wait3A_350 = tpu.memref_squeeze %dma_wait3A_349 : memref<1x1x40x128xi32, #tpu.memory_space<hbm>> -> memref<40x128xi32, #tpu.memory_space<hbm>>
      tpu.wait_dma2 semaphore(%run_scoped3A_334 : memref<!tpu.dma_semaphore, #tpu.memory_space<semaphore_mem>>) src(%dma_wait3A_350 : memref<40x128xi32, #tpu.memory_space<hbm>>) dst(%arg7 : memref<40x128xi32, #tpu.memory_space<vmem>>)
      tpu.yield
    }) : () -> ()
    %mul3A_2 = arith.constant 625 : i32
    %mul3A_3 = arith.muli %arg1, %mul3A_2 : i32
    "tpu.region"() ({
      %run_scoped3A_334 = tpu.sem_alloc : memref<!tpu.dma_semaphore, #tpu.memory_space<semaphore_mem>>
      %dma_start3A_335 = arith.constant 0 : i32
      %dma_start3A_336 = arith.constant 0 : i32
      %dma_start3A_337 = tpu.memref_slice %arg10[%dma_start3A_335, %dma_start3A_336] : memref<640x16xf32, #tpu.memory_space<vmem>> -> memref<625x16xf32, #tpu.memory_space<vmem>>
      %dma_start3A_338 = arith.constant 0 : i32
      %dma_start3A_339 = tpu.memref_slice %arg2[%mul3A_3, %dma_start3A_338] : memref<10000x16xf32, #tpu.memory_space<hbm>> -> memref<625x16xf32, #tpu.memory_space<hbm>>
      %dma_start3A_340 = arith.constant 0 : i32
      %dma_start3A_341 = arith.constant 0 : i32
      %dma_start3A_342 = tpu.memref_slice %arg10[%dma_start3A_340, %dma_start3A_341] : memref<640x16xf32, #tpu.memory_space<vmem>> -> memref<625x16xf32, #tpu.memory_space<vmem>>
      %dma_start3A_343 = arith.constant 0 : i32
      %dma_start3A_344 = tpu.memref_slice %arg2[%mul3A_3, %dma_start3A_343] : memref<10000x16xf32, #tpu.memory_space<hbm>> -> memref<625x16xf32, #tpu.memory_space<hbm>>
      tpu.enqueue_dma source(%dma_start3A_344 : memref<625x16xf32, #tpu.memory_space<hbm>>) target(%dma_start3A_342 : memref<625x16xf32, #tpu.memory_space<vmem>>) target_semaphore(%run_scoped3A_334 : memref<!tpu.dma_semaphore, #tpu.memory_space<semaphore_mem>>)
      %dma_wait3A_345 = arith.constant 0 : i32
      %dma_wait3A_346 = arith.constant 0 : i32
      %dma_wait3A_347 = tpu.memref_slice %arg10[%dma_wait3A_345, %dma_wait3A_346] : memref<640x16xf32, #tpu.memory_space<vmem>> -> memref<625x16xf32, #tpu.memory_space<vmem>>
      %dma_wait3A_348 = arith.constant 0 : i32
      %dma_wait3A_349 = tpu.memref_slice %arg2[%mul3A_3, %dma_wait3A_348] : memref<10000x16xf32, #tpu.memory_space<hbm>> -> memref<625x16xf32, #tpu.memory_space<hbm>>
      %dma_wait3A_350 = arith.constant 0 : i32
      %dma_wait3A_351 = arith.constant 0 : i32
      %dma_wait3A_352 = tpu.memref_slice %arg10[%dma_wait3A_350, %dma_wait3A_351] : memref<640x16xf32, #tpu.memory_space<vmem>> -> memref<625x16xf32, #tpu.memory_space<vmem>>
      %dma_wait3A_353 = arith.constant 0 : i32
      %dma_wait3A_354 = tpu.memref_slice %arg2[%mul3A_3, %dma_wait3A_353] : memref<10000x16xf32, #tpu.memory_space<hbm>> -> memref<625x16xf32, #tpu.memory_space<hbm>>
      tpu.wait_dma2 semaphore(%run_scoped3A_334 : memref<!tpu.dma_semaphore, #tpu.memory_space<semaphore_mem>>) src(%dma_wait3A_354 : memref<625x16xf32, #tpu.memory_space<hbm>>) dst(%dma_wait3A_352 : memref<625x16xf32, #tpu.memory_space<vmem>>)
      tpu.yield
    }) : () -> ()
    %mul3A_4 = arith.constant 625 : i32
    %mul3A_5 = arith.muli %arg1, %mul3A_4 : i32
    "tpu.region"() ({
      %run_scoped3A_334 = tpu.sem_alloc : memref<!tpu.dma_semaphore, #tpu.memory_space<semaphore_mem>>
      %dma_start3A_335 = arith.constant 0 : i32
      %dma_start3A_336 = arith.constant 0 : i32
      %dma_start3A_337 = tpu.memref_slice %arg10[%dma_start3A_335, %dma_start3A_336] : memref<640x16xf32, #tpu.memory_space<vmem>> -> memref<625x16xf32, #tpu.memory_space<vmem>>
      %dma_start3A_338 = arith.constant 0 : i32
      %dma_start3A_339 = tpu.memref_slice %arg12[%mul3A_5, %dma_start3A_338] : memref<10240x16xf32, #tpu.memory_space<vmem_shared>> -> memref<625x16xf32, #tpu.memory_space<vmem_shared>>
      %dma_start3A_340 = arith.constant 0 : i32
      %dma_start3A_341 = tpu.memref_slice %arg12[%mul3A_5, %dma_start3A_340] : memref<10240x16xf32, #tpu.memory_space<vmem_shared>> -> memref<625x16xf32, #tpu.memory_space<vmem_shared>>
      %dma_start3A_342 = arith.constant 0 : i32
      %dma_start3A_343 = arith.constant 0 : i32
      %dma_start3A_344 = tpu.memref_slice %arg10[%dma_start3A_342, %dma_start3A_343] : memref<640x16xf32, #tpu.memory_space<vmem>> -> memref<625x16xf32, #tpu.memory_space<vmem>>
      tpu.enqueue_dma source(%dma_start3A_344 : memref<625x16xf32, #tpu.memory_space<vmem>>) target(%dma_start3A_341 : memref<625x16xf32, #tpu.memory_space<vmem_shared>>) target_semaphore(%run_scoped3A_334 : memref<!tpu.dma_semaphore, #tpu.memory_space<semaphore_mem>>)
      %dma_wait3A_345 = arith.constant 0 : i32
      %dma_wait3A_346 = arith.constant 0 : i32
      %dma_wait3A_347 = tpu.memref_slice %arg10[%dma_wait3A_345, %dma_wait3A_346] : memref<640x16xf32, #tpu.memory_space<vmem>> -> memref<625x16xf32, #tpu.memory_space<vmem>>
      %dma_wait3A_348 = arith.constant 0 : i32
      %dma_wait3A_349 = tpu.memref_slice %arg12[%mul3A_5, %dma_wait3A_348] : memref<10240x16xf32, #tpu.memory_space<vmem_shared>> -> memref<625x16xf32, #tpu.memory_space<vmem_shared>>
      %dma_wait3A_350 = arith.constant 0 : i32
      %dma_wait3A_351 = tpu.memref_slice %arg12[%mul3A_5, %dma_wait3A_350] : memref<10240x16xf32, #tpu.memory_space<vmem_shared>> -> memref<625x16xf32, #tpu.memory_space<vmem_shared>>
      %dma_wait3A_352 = arith.constant 0 : i32
      %dma_wait3A_353 = arith.constant 0 : i32
      %dma_wait3A_354 = tpu.memref_slice %arg10[%dma_wait3A_352, %dma_wait3A_353] : memref<640x16xf32, #tpu.memory_space<vmem>> -> memref<625x16xf32, #tpu.memory_space<vmem>>
      tpu.wait_dma2 semaphore(%run_scoped3A_334 : memref<!tpu.dma_semaphore, #tpu.memory_space<semaphore_mem>>) src(%dma_wait3A_354 : memref<625x16xf32, #tpu.memory_space<vmem>>) dst(%dma_wait3A_351 : memref<625x16xf32, #tpu.memory_space<vmem_shared>>)
      tpu.yield
    }) : () -> ()
    "tpu.region"() ({
      %run_scoped3A_334 = tpu.sem_alloc : memref<!tpu.dma_semaphore, #tpu.memory_space<semaphore_mem>>
      tpu.enqueue_dma source(%arg4 : memref<128x16xf32, #tpu.memory_space<hbm>>) target(%arg9 : memref<128x16xf32, #tpu.memory_space<vmem>>) target_semaphore(%run_scoped3A_334 : memref<!tpu.dma_semaphore, #tpu.memory_space<semaphore_mem>>)
      tpu.wait_dma2 semaphore(%run_scoped3A_334 : memref<!tpu.dma_semaphore, #tpu.memory_space<semaphore_mem>>) src(%arg4 : memref<128x16xf32, #tpu.memory_space<hbm>>) dst(%arg9 : memref<128x16xf32, #tpu.memory_space<vmem>>)
      tpu.yield
    }) : () -> ()
    %mul3A_6 = arith.constant 640 : i32
    %mul3A_7 = arith.muli %arg1, %mul3A_6 : i32
    %add3A_8 = arith.constant 0 : i32
    %add3A_9 = arith.addi %mul3A_7, %add3A_8 : i32
    %dma_start3A = arith.constant 0 : i32
    %dma_start3A_10 = tpu.memref_slice %arg11[%add3A_9, %dma_start3A] : memref<10240x16xf32, #tpu.memory_space<vmem_shared>> -> memref<128x16xf32, #tpu.memory_space<vmem_shared>>
    %dma_start3A_11 = arith.constant 0 : i32
    %dma_start3A_12 = tpu.memref_slice %arg11[%add3A_9, %dma_start3A_11] : memref<10240x16xf32, #tpu.memory_space<vmem_shared>> -> memref<128x16xf32, #tpu.memory_space<vmem_shared>>
    tpu.enqueue_dma source(%arg9 : memref<128x16xf32, #tpu.memory_space<vmem>>) target(%dma_start3A_12 : memref<128x16xf32, #tpu.memory_space<vmem_shared>>) target_semaphore(%arg33 : memref<!tpu.dma_semaphore, #tpu.memory_space<semaphore_mem>>)
    %mul3A_13 = arith.constant 640 : i32
    %mul3A_14 = arith.muli %arg1, %mul3A_13 : i32
    %add3A_15 = arith.constant 128 : i32
    %add3A_16 = arith.addi %mul3A_14, %add3A_15 : i32
    %dma_start3A_17 = arith.constant 0 : i32
    %dma_start3A_18 = tpu.memref_slice %arg11[%add3A_16, %dma_start3A_17] : memref<10240x16xf32, #tpu.memory_space<vmem_shared>> -> memref<128x16xf32, #tpu.memory_space<vmem_shared>>
    %dma_start3A_19 = arith.constant 0 : i32
    %dma_start3A_20 = tpu.memref_slice %arg11[%add3A_16, %dma_start3A_19] : memref<10240x16xf32, #tpu.memory_space<vmem_shared>> -> memref<128x16xf32, #tpu.memory_space<vmem_shared>>
    tpu.enqueue_dma source(%arg9 : memref<128x16xf32, #tpu.memory_space<vmem>>) target(%dma_start3A_20 : memref<128x16xf32, #tpu.memory_space<vmem_shared>>) target_semaphore(%arg33 : memref<!tpu.dma_semaphore, #tpu.memory_space<semaphore_mem>>)
    %mul3A_21 = arith.constant 640 : i32
    %mul3A_22 = arith.muli %arg1, %mul3A_21 : i32
    %add3A_23 = arith.constant 256 : i32
    %add3A_24 = arith.addi %mul3A_22, %add3A_23 : i32
    %dma_start3A_25 = arith.constant 0 : i32
    %dma_start3A_26 = tpu.memref_slice %arg11[%add3A_24, %dma_start3A_25] : memref<10240x16xf32, #tpu.memory_space<vmem_shared>> -> memref<128x16xf32, #tpu.memory_space<vmem_shared>>
    %dma_start3A_27 = arith.constant 0 : i32
    %dma_start3A_28 = tpu.memref_slice %arg11[%add3A_24, %dma_start3A_27] : memref<10240x16xf32, #tpu.memory_space<vmem_shared>> -> memref<128x16xf32, #tpu.memory_space<vmem_shared>>
    tpu.enqueue_dma source(%arg9 : memref<128x16xf32, #tpu.memory_space<vmem>>) target(%dma_start3A_28 : memref<128x16xf32, #tpu.memory_space<vmem_shared>>) target_semaphore(%arg33 : memref<!tpu.dma_semaphore, #tpu.memory_space<semaphore_mem>>)
    %mul3A_29 = arith.constant 640 : i32
    %mul3A_30 = arith.muli %arg1, %mul3A_29 : i32
    %add3A_31 = arith.constant 384 : i32
    %add3A_32 = arith.addi %mul3A_30, %add3A_31 : i32
    %dma_start3A_33 = arith.constant 0 : i32
    %dma_start3A_34 = tpu.memref_slice %arg11[%add3A_32, %dma_start3A_33] : memref<10240x16xf32, #tpu.memory_space<vmem_shared>> -> memref<128x16xf32, #tpu.memory_space<vmem_shared>>
    %dma_start3A_35 = arith.constant 0 : i32
    %dma_start3A_36 = tpu.memref_slice %arg11[%add3A_32, %dma_start3A_35] : memref<10240x16xf32, #tpu.memory_space<vmem_shared>> -> memref<128x16xf32, #tpu.memory_space<vmem_shared>>
    tpu.enqueue_dma source(%arg9 : memref<128x16xf32, #tpu.memory_space<vmem>>) target(%dma_start3A_36 : memref<128x16xf32, #tpu.memory_space<vmem_shared>>) target_semaphore(%arg33 : memref<!tpu.dma_semaphore, #tpu.memory_space<semaphore_mem>>)
    %mul3A_37 = arith.constant 640 : i32
    %mul3A_38 = arith.muli %arg1, %mul3A_37 : i32
    %add3A_39 = arith.constant 512 : i32
    %add3A_40 = arith.addi %mul3A_38, %add3A_39 : i32
    %dma_start3A_41 = arith.constant 0 : i32
    %dma_start3A_42 = tpu.memref_slice %arg11[%add3A_40, %dma_start3A_41] : memref<10240x16xf32, #tpu.memory_space<vmem_shared>> -> memref<128x16xf32, #tpu.memory_space<vmem_shared>>
    %dma_start3A_43 = arith.constant 0 : i32
    %dma_start3A_44 = tpu.memref_slice %arg11[%add3A_40, %dma_start3A_43] : memref<10240x16xf32, #tpu.memory_space<vmem_shared>> -> memref<128x16xf32, #tpu.memory_space<vmem_shared>>
    tpu.enqueue_dma source(%arg9 : memref<128x16xf32, #tpu.memory_space<vmem>>) target(%dma_start3A_44 : memref<128x16xf32, #tpu.memory_space<vmem_shared>>) target_semaphore(%arg33 : memref<!tpu.dma_semaphore, #tpu.memory_space<semaphore_mem>>)
    %mul3A_45 = arith.constant 640 : i32
    %mul3A_46 = arith.muli %arg1, %mul3A_45 : i32
    %add3A_47 = arith.constant 0 : i32
    %add3A_48 = arith.addi %mul3A_46, %add3A_47 : i32
    %dma_wait3A = arith.constant 0 : i32
    %dma_wait3A_49 = tpu.memref_slice %arg11[%add3A_48, %dma_wait3A] : memref<10240x16xf32, #tpu.memory_space<vmem_shared>> -> memref<128x16xf32, #tpu.memory_space<vmem_shared>>
    %dma_wait3A_50 = arith.constant 0 : i32
    %dma_wait3A_51 = tpu.memref_slice %arg11[%add3A_48, %dma_wait3A_50] : memref<10240x16xf32, #tpu.memory_space<vmem_shared>> -> memref<128x16xf32, #tpu.memory_space<vmem_shared>>
    tpu.wait_dma2 semaphore(%arg33 : memref<!tpu.dma_semaphore, #tpu.memory_space<semaphore_mem>>) src(%arg9 : memref<128x16xf32, #tpu.memory_space<vmem>>) dst(%dma_wait3A_51 : memref<128x16xf32, #tpu.memory_space<vmem_shared>>)
    %mul3A_52 = arith.constant 640 : i32
    %mul3A_53 = arith.muli %arg1, %mul3A_52 : i32
    %add3A_54 = arith.constant 128 : i32
    %add3A_55 = arith.addi %mul3A_53, %add3A_54 : i32
    %dma_wait3A_56 = arith.constant 0 : i32
    %dma_wait3A_57 = tpu.memref_slice %arg11[%add3A_55, %dma_wait3A_56] : memref<10240x16xf32, #tpu.memory_space<vmem_shared>> -> memref<128x16xf32, #tpu.memory_space<vmem_shared>>
    %dma_wait3A_58 = arith.constant 0 : i32
    %dma_wait3A_59 = tpu.memref_slice %arg11[%add3A_55, %dma_wait3A_58] : memref<10240x16xf32, #tpu.memory_space<vmem_shared>> -> memref<128x16xf32, #tpu.memory_space<vmem_shared>>
    tpu.wait_dma2 semaphore(%arg33 : memref<!tpu.dma_semaphore, #tpu.memory_space<semaphore_mem>>) src(%arg9 : memref<128x16xf32, #tpu.memory_space<vmem>>) dst(%dma_wait3A_59 : memref<128x16xf32, #tpu.memory_space<vmem_shared>>)
    %mul3A_60 = arith.constant 640 : i32
    %mul3A_61 = arith.muli %arg1, %mul3A_60 : i32
    %add3A_62 = arith.constant 256 : i32
    %add3A_63 = arith.addi %mul3A_61, %add3A_62 : i32
    %dma_wait3A_64 = arith.constant 0 : i32
    %dma_wait3A_65 = tpu.memref_slice %arg11[%add3A_63, %dma_wait3A_64] : memref<10240x16xf32, #tpu.memory_space<vmem_shared>> -> memref<128x16xf32, #tpu.memory_space<vmem_shared>>
    %dma_wait3A_66 = arith.constant 0 : i32
    %dma_wait3A_67 = tpu.memref_slice %arg11[%add3A_63, %dma_wait3A_66] : memref<10240x16xf32, #tpu.memory_space<vmem_shared>> -> memref<128x16xf32, #tpu.memory_space<vmem_shared>>
    tpu.wait_dma2 semaphore(%arg33 : memref<!tpu.dma_semaphore, #tpu.memory_space<semaphore_mem>>) src(%arg9 : memref<128x16xf32, #tpu.memory_space<vmem>>) dst(%dma_wait3A_67 : memref<128x16xf32, #tpu.memory_space<vmem_shared>>)
    %mul3A_68 = arith.constant 640 : i32
    %mul3A_69 = arith.muli %arg1, %mul3A_68 : i32
    %add3A_70 = arith.constant 384 : i32
    %add3A_71 = arith.addi %mul3A_69, %add3A_70 : i32
    %dma_wait3A_72 = arith.constant 0 : i32
    %dma_wait3A_73 = tpu.memref_slice %arg11[%add3A_71, %dma_wait3A_72] : memref<10240x16xf32, #tpu.memory_space<vmem_shared>> -> memref<128x16xf32, #tpu.memory_space<vmem_shared>>
    %dma_wait3A_74 = arith.constant 0 : i32
    %dma_wait3A_75 = tpu.memref_slice %arg11[%add3A_71, %dma_wait3A_74] : memref<10240x16xf32, #tpu.memory_space<vmem_shared>> -> memref<128x16xf32, #tpu.memory_space<vmem_shared>>
    tpu.wait_dma2 semaphore(%arg33 : memref<!tpu.dma_semaphore, #tpu.memory_space<semaphore_mem>>) src(%arg9 : memref<128x16xf32, #tpu.memory_space<vmem>>) dst(%dma_wait3A_75 : memref<128x16xf32, #tpu.memory_space<vmem_shared>>)
    %mul3A_76 = arith.constant 640 : i32
    %mul3A_77 = arith.muli %arg1, %mul3A_76 : i32
    %add3A_78 = arith.constant 512 : i32
    %add3A_79 = arith.addi %mul3A_77, %add3A_78 : i32
    %dma_wait3A_80 = arith.constant 0 : i32
    %dma_wait3A_81 = tpu.memref_slice %arg11[%add3A_79, %dma_wait3A_80] : memref<10240x16xf32, #tpu.memory_space<vmem_shared>> -> memref<128x16xf32, #tpu.memory_space<vmem_shared>>
    %dma_wait3A_82 = arith.constant 0 : i32
    %dma_wait3A_83 = tpu.memref_slice %arg11[%add3A_79, %dma_wait3A_82] : memref<10240x16xf32, #tpu.memory_space<vmem_shared>> -> memref<128x16xf32, #tpu.memory_space<vmem_shared>>
    tpu.wait_dma2 semaphore(%arg33 : memref<!tpu.dma_semaphore, #tpu.memory_space<semaphore_mem>>) src(%arg9 : memref<128x16xf32, #tpu.memory_space<vmem>>) dst(%dma_wait3A_83 : memref<128x16xf32, #tpu.memory_space<vmem_shared>>)
    %barrier3A = arith.constant 0 : index
    tpu.barrier barrier_id(%barrier3A)
    %dma_start3A_84 = arith.constant 0 : i32
    %dma_start3A_85 = arith.constant 0 : i32
    %dma_start3A_86 = arith.constant 0 : i32
    %dma_start3A_87 = arith.constant 0 : i32
    %dma_start3A_88 = tpu.memref_slice %arg8[%dma_start3A_85, %dma_start3A_86, %dma_start3A_87] : memref<10x128x16xf32, #tpu.memory_space<vmem>> -> memref<1x128x16xf32, #tpu.memory_space<vmem>>
    %dma_start3A_89 = tpu.memref_squeeze %dma_start3A_88 : memref<1x128x16xf32, #tpu.memory_space<vmem>> -> memref<128x16xf32, #tpu.memory_space<vmem>>
    %dma_start3A_90 = arith.constant 0 : i32
    %dma_start3A_91 = tpu.memref_slice %arg6[%dma_start3A_84, %dma_start3A_90] : memref<40x128xi32, #tpu.memory_space<vmem>> -> memref<1x128xi32, #tpu.memory_space<vmem>>
    %dma_start3A_92 = tpu.memref_squeeze %dma_start3A_91 : memref<1x128xi32, #tpu.memory_space<vmem>> -> memref<128xi32, #tpu.memory_space<vmem>>
    %dma_start3A_93 = arith.constant 0 : i32
    %dma_start3A_94 = arith.constant 0 : i32
    %dma_start3A_95 = tpu.memref_slice %arg12[%dma_start3A_93, %dma_start3A_94] : memref<10240x16xf32, #tpu.memory_space<vmem_shared>> -> memref<10240x16xf32, #tpu.memory_space<vmem_shared>>
    tpu.enqueue_indirect_dma source(%dma_start3A_95 : memref<10240x16xf32, #tpu.memory_space<vmem_shared>>) target(%dma_start3A_89 : memref<128x16xf32, #tpu.memory_space<vmem>>) offsets(%dma_start3A_92 : memref<128xi32, #tpu.memory_space<vmem>>) semaphore(%arg13 : memref<!tpu.dma_semaphore, #tpu.memory_space<semaphore_mem>>)
    %dma_start3A_96 = arith.constant 1 : i32
    %dma_start3A_97 = arith.constant 1 : i32
    %dma_start3A_98 = arith.constant 0 : i32
    %dma_start3A_99 = arith.constant 0 : i32
    %dma_start3A_100 = tpu.memref_slice %arg8[%dma_start3A_97, %dma_start3A_98, %dma_start3A_99] : memref<10x128x16xf32, #tpu.memory_space<vmem>> -> memref<1x128x16xf32, #tpu.memory_space<vmem>>
    %dma_start3A_101 = tpu.memref_squeeze %dma_start3A_100 : memref<1x128x16xf32, #tpu.memory_space<vmem>> -> memref<128x16xf32, #tpu.memory_space<vmem>>
    %dma_start3A_102 = arith.constant 0 : i32
    %dma_start3A_103 = tpu.memref_slice %arg6[%dma_start3A_96, %dma_start3A_102] : memref<40x128xi32, #tpu.memory_space<vmem>> -> memref<1x128xi32, #tpu.memory_space<vmem>>
    %dma_start3A_104 = tpu.memref_squeeze %dma_start3A_103 : memref<1x128xi32, #tpu.memory_space<vmem>> -> memref<128xi32, #tpu.memory_space<vmem>>
    %dma_start3A_105 = arith.constant 0 : i32
    %dma_start3A_106 = arith.constant 0 : i32
    %dma_start3A_107 = tpu.memref_slice %arg12[%dma_start3A_105, %dma_start3A_106] : memref<10240x16xf32, #tpu.memory_space<vmem_shared>> -> memref<10240x16xf32, #tpu.memory_space<vmem_shared>>
    tpu.enqueue_indirect_dma source(%dma_start3A_107 : memref<10240x16xf32, #tpu.memory_space<vmem_shared>>) target(%dma_start3A_101 : memref<128x16xf32, #tpu.memory_space<vmem>>) offsets(%dma_start3A_104 : memref<128xi32, #tpu.memory_space<vmem>>) semaphore(%arg14 : memref<!tpu.dma_semaphore, #tpu.memory_space<semaphore_mem>>)
    %dma_start3A_108 = arith.constant 2 : i32
    %dma_start3A_109 = arith.constant 2 : i32
    %dma_start3A_110 = arith.constant 0 : i32
    %dma_start3A_111 = arith.constant 0 : i32
    %dma_start3A_112 = tpu.memref_slice %arg8[%dma_start3A_109, %dma_start3A_110, %dma_start3A_111] : memref<10x128x16xf32, #tpu.memory_space<vmem>> -> memref<1x128x16xf32, #tpu.memory_space<vmem>>
    %dma_start3A_113 = tpu.memref_squeeze %dma_start3A_112 : memref<1x128x16xf32, #tpu.memory_space<vmem>> -> memref<128x16xf32, #tpu.memory_space<vmem>>
    %dma_start3A_114 = arith.constant 0 : i32
    %dma_start3A_115 = tpu.memref_slice %arg6[%dma_start3A_108, %dma_start3A_114] : memref<40x128xi32, #tpu.memory_space<vmem>> -> memref<1x128xi32, #tpu.memory_space<vmem>>
    %dma_start3A_116 = tpu.memref_squeeze %dma_start3A_115 : memref<1x128xi32, #tpu.memory_space<vmem>> -> memref<128xi32, #tpu.memory_space<vmem>>
    %dma_start3A_117 = arith.constant 0 : i32
    %dma_start3A_118 = arith.constant 0 : i32
    %dma_start3A_119 = tpu.memref_slice %arg12[%dma_start3A_117, %dma_start3A_118] : memref<10240x16xf32, #tpu.memory_space<vmem_shared>> -> memref<10240x16xf32, #tpu.memory_space<vmem_shared>>
    tpu.enqueue_indirect_dma source(%dma_start3A_119 : memref<10240x16xf32, #tpu.memory_space<vmem_shared>>) target(%dma_start3A_113 : memref<128x16xf32, #tpu.memory_space<vmem>>) offsets(%dma_start3A_116 : memref<128xi32, #tpu.memory_space<vmem>>) semaphore(%arg15 : memref<!tpu.dma_semaphore, #tpu.memory_space<semaphore_mem>>)
    %dma_start3A_120 = arith.constant 3 : i32
    %dma_start3A_121 = arith.constant 3 : i32
    %dma_start3A_122 = arith.constant 0 : i32
    %dma_start3A_123 = arith.constant 0 : i32
    %dma_start3A_124 = tpu.memref_slice %arg8[%dma_start3A_121, %dma_start3A_122, %dma_start3A_123] : memref<10x128x16xf32, #tpu.memory_space<vmem>> -> memref<1x128x16xf32, #tpu.memory_space<vmem>>
    %dma_start3A_125 = tpu.memref_squeeze %dma_start3A_124 : memref<1x128x16xf32, #tpu.memory_space<vmem>> -> memref<128x16xf32, #tpu.memory_space<vmem>>
    %dma_start3A_126 = arith.constant 0 : i32
    %dma_start3A_127 = tpu.memref_slice %arg6[%dma_start3A_120, %dma_start3A_126] : memref<40x128xi32, #tpu.memory_space<vmem>> -> memref<1x128xi32, #tpu.memory_space<vmem>>
    %dma_start3A_128 = tpu.memref_squeeze %dma_start3A_127 : memref<1x128xi32, #tpu.memory_space<vmem>> -> memref<128xi32, #tpu.memory_space<vmem>>
    %dma_start3A_129 = arith.constant 0 : i32
    %dma_start3A_130 = arith.constant 0 : i32
    %dma_start3A_131 = tpu.memref_slice %arg12[%dma_start3A_129, %dma_start3A_130] : memref<10240x16xf32, #tpu.memory_space<vmem_shared>> -> memref<10240x16xf32, #tpu.memory_space<vmem_shared>>
    tpu.enqueue_indirect_dma source(%dma_start3A_131 : memref<10240x16xf32, #tpu.memory_space<vmem_shared>>) target(%dma_start3A_125 : memref<128x16xf32, #tpu.memory_space<vmem>>) offsets(%dma_start3A_128 : memref<128xi32, #tpu.memory_space<vmem>>) semaphore(%arg16 : memref<!tpu.dma_semaphore, #tpu.memory_space<semaphore_mem>>)
    %dma_start3A_132 = arith.constant 4 : i32
    %dma_start3A_133 = arith.constant 4 : i32
    %dma_start3A_134 = arith.constant 0 : i32
    %dma_start3A_135 = arith.constant 0 : i32
    %dma_start3A_136 = tpu.memref_slice %arg8[%dma_start3A_133, %dma_start3A_134, %dma_start3A_135] : memref<10x128x16xf32, #tpu.memory_space<vmem>> -> memref<1x128x16xf32, #tpu.memory_space<vmem>>
    %dma_start3A_137 = tpu.memref_squeeze %dma_start3A_136 : memref<1x128x16xf32, #tpu.memory_space<vmem>> -> memref<128x16xf32, #tpu.memory_space<vmem>>
    %dma_start3A_138 = arith.constant 0 : i32
    %dma_start3A_139 = tpu.memref_slice %arg6[%dma_start3A_132, %dma_start3A_138] : memref<40x128xi32, #tpu.memory_space<vmem>> -> memref<1x128xi32, #tpu.memory_space<vmem>>
    %dma_start3A_140 = tpu.memref_squeeze %dma_start3A_139 : memref<1x128xi32, #tpu.memory_space<vmem>> -> memref<128xi32, #tpu.memory_space<vmem>>
    %dma_start3A_141 = arith.constant 0 : i32
    %dma_start3A_142 = arith.constant 0 : i32
    %dma_start3A_143 = tpu.memref_slice %arg12[%dma_start3A_141, %dma_start3A_142] : memref<10240x16xf32, #tpu.memory_space<vmem_shared>> -> memref<10240x16xf32, #tpu.memory_space<vmem_shared>>
    tpu.enqueue_indirect_dma source(%dma_start3A_143 : memref<10240x16xf32, #tpu.memory_space<vmem_shared>>) target(%dma_start3A_137 : memref<128x16xf32, #tpu.memory_space<vmem>>) offsets(%dma_start3A_140 : memref<128xi32, #tpu.memory_space<vmem>>) semaphore(%arg17 : memref<!tpu.dma_semaphore, #tpu.memory_space<semaphore_mem>>)
    %dma_start3A_144 = arith.constant 5 : i32
    %dma_start3A_145 = arith.constant 5 : i32
    %dma_start3A_146 = arith.constant 0 : i32
    %dma_start3A_147 = arith.constant 0 : i32
    %dma_start3A_148 = tpu.memref_slice %arg8[%dma_start3A_145, %dma_start3A_146, %dma_start3A_147] : memref<10x128x16xf32, #tpu.memory_space<vmem>> -> memref<1x128x16xf32, #tpu.memory_space<vmem>>
    %dma_start3A_149 = tpu.memref_squeeze %dma_start3A_148 : memref<1x128x16xf32, #tpu.memory_space<vmem>> -> memref<128x16xf32, #tpu.memory_space<vmem>>
    %dma_start3A_150 = arith.constant 0 : i32
    %dma_start3A_151 = tpu.memref_slice %arg6[%dma_start3A_144, %dma_start3A_150] : memref<40x128xi32, #tpu.memory_space<vmem>> -> memref<1x128xi32, #tpu.memory_space<vmem>>
    %dma_start3A_152 = tpu.memref_squeeze %dma_start3A_151 : memref<1x128xi32, #tpu.memory_space<vmem>> -> memref<128xi32, #tpu.memory_space<vmem>>
    %dma_start3A_153 = arith.constant 0 : i32
    %dma_start3A_154 = arith.constant 0 : i32
    %dma_start3A_155 = tpu.memref_slice %arg12[%dma_start3A_153, %dma_start3A_154] : memref<10240x16xf32, #tpu.memory_space<vmem_shared>> -> memref<10240x16xf32, #tpu.memory_space<vmem_shared>>
    tpu.enqueue_indirect_dma source(%dma_start3A_155 : memref<10240x16xf32, #tpu.memory_space<vmem_shared>>) target(%dma_start3A_149 : memref<128x16xf32, #tpu.memory_space<vmem>>) offsets(%dma_start3A_152 : memref<128xi32, #tpu.memory_space<vmem>>) semaphore(%arg18 : memref<!tpu.dma_semaphore, #tpu.memory_space<semaphore_mem>>)
    %dma_start3A_156 = arith.constant 6 : i32
    %dma_start3A_157 = arith.constant 6 : i32
    %dma_start3A_158 = arith.constant 0 : i32
    %dma_start3A_159 = arith.constant 0 : i32
    %dma_start3A_160 = tpu.memref_slice %arg8[%dma_start3A_157, %dma_start3A_158, %dma_start3A_159] : memref<10x128x16xf32, #tpu.memory_space<vmem>> -> memref<1x128x16xf32, #tpu.memory_space<vmem>>
    %dma_start3A_161 = tpu.memref_squeeze %dma_start3A_160 : memref<1x128x16xf32, #tpu.memory_space<vmem>> -> memref<128x16xf32, #tpu.memory_space<vmem>>
    %dma_start3A_162 = arith.constant 0 : i32
    %dma_start3A_163 = tpu.memref_slice %arg6[%dma_start3A_156, %dma_start3A_162] : memref<40x128xi32, #tpu.memory_space<vmem>> -> memref<1x128xi32, #tpu.memory_space<vmem>>
    %dma_start3A_164 = tpu.memref_squeeze %dma_start3A_163 : memref<1x128xi32, #tpu.memory_space<vmem>> -> memref<128xi32, #tpu.memory_space<vmem>>
    %dma_start3A_165 = arith.constant 0 : i32
    %dma_start3A_166 = arith.constant 0 : i32
    %dma_start3A_167 = tpu.memref_slice %arg12[%dma_start3A_165, %dma_start3A_166] : memref<10240x16xf32, #tpu.memory_space<vmem_shared>> -> memref<10240x16xf32, #tpu.memory_space<vmem_shared>>
    tpu.enqueue_indirect_dma source(%dma_start3A_167 : memref<10240x16xf32, #tpu.memory_space<vmem_shared>>) target(%dma_start3A_161 : memref<128x16xf32, #tpu.memory_space<vmem>>) offsets(%dma_start3A_164 : memref<128xi32, #tpu.memory_space<vmem>>) semaphore(%arg19 : memref<!tpu.dma_semaphore, #tpu.memory_space<semaphore_mem>>)
    %dma_start3A_168 = arith.constant 7 : i32
    %dma_start3A_169 = arith.constant 7 : i32
    %dma_start3A_170 = arith.constant 0 : i32
    %dma_start3A_171 = arith.constant 0 : i32
    %dma_start3A_172 = tpu.memref_slice %arg8[%dma_start3A_169, %dma_start3A_170, %dma_start3A_171] : memref<10x128x16xf32, #tpu.memory_space<vmem>> -> memref<1x128x16xf32, #tpu.memory_space<vmem>>
    %dma_start3A_173 = tpu.memref_squeeze %dma_start3A_172 : memref<1x128x16xf32, #tpu.memory_space<vmem>> -> memref<128x16xf32, #tpu.memory_space<vmem>>
    %dma_start3A_174 = arith.constant 0 : i32
    %dma_start3A_175 = tpu.memref_slice %arg6[%dma_start3A_168, %dma_start3A_174] : memref<40x128xi32, #tpu.memory_space<vmem>> -> memref<1x128xi32, #tpu.memory_space<vmem>>
    %dma_start3A_176 = tpu.memref_squeeze %dma_start3A_175 : memref<1x128xi32, #tpu.memory_space<vmem>> -> memref<128xi32, #tpu.memory_space<vmem>>
    %dma_start3A_177 = arith.constant 0 : i32
    %dma_start3A_178 = arith.constant 0 : i32
    %dma_start3A_179 = tpu.memref_slice %arg12[%dma_start3A_177, %dma_start3A_178] : memref<10240x16xf32, #tpu.memory_space<vmem_shared>> -> memref<10240x16xf32, #tpu.memory_space<vmem_shared>>
    tpu.enqueue_indirect_dma source(%dma_start3A_179 : memref<10240x16xf32, #tpu.memory_space<vmem_shared>>) target(%dma_start3A_173 : memref<128x16xf32, #tpu.memory_space<vmem>>) offsets(%dma_start3A_176 : memref<128xi32, #tpu.memory_space<vmem>>) semaphore(%arg20 : memref<!tpu.dma_semaphore, #tpu.memory_space<semaphore_mem>>)
    %dma_start3A_180 = arith.constant 8 : i32
    %dma_start3A_181 = arith.constant 8 : i32
    %dma_start3A_182 = arith.constant 0 : i32
    %dma_start3A_183 = arith.constant 0 : i32
    %dma_start3A_184 = tpu.memref_slice %arg8[%dma_start3A_181, %dma_start3A_182, %dma_start3A_183] : memref<10x128x16xf32, #tpu.memory_space<vmem>> -> memref<1x128x16xf32, #tpu.memory_space<vmem>>
    %dma_start3A_185 = tpu.memref_squeeze %dma_start3A_184 : memref<1x128x16xf32, #tpu.memory_space<vmem>> -> memref<128x16xf32, #tpu.memory_space<vmem>>
    %dma_start3A_186 = arith.constant 0 : i32
    %dma_start3A_187 = tpu.memref_slice %arg6[%dma_start3A_180, %dma_start3A_186] : memref<40x128xi32, #tpu.memory_space<vmem>> -> memref<1x128xi32, #tpu.memory_space<vmem>>
    %dma_start3A_188 = tpu.memref_squeeze %dma_start3A_187 : memref<1x128xi32, #tpu.memory_space<vmem>> -> memref<128xi32, #tpu.memory_space<vmem>>
    %dma_start3A_189 = arith.constant 0 : i32
    %dma_start3A_190 = arith.constant 0 : i32
    %dma_start3A_191 = tpu.memref_slice %arg12[%dma_start3A_189, %dma_start3A_190] : memref<10240x16xf32, #tpu.memory_space<vmem_shared>> -> memref<10240x16xf32, #tpu.memory_space<vmem_shared>>
    tpu.enqueue_indirect_dma source(%dma_start3A_191 : memref<10240x16xf32, #tpu.memory_space<vmem_shared>>) target(%dma_start3A_185 : memref<128x16xf32, #tpu.memory_space<vmem>>) offsets(%dma_start3A_188 : memref<128xi32, #tpu.memory_space<vmem>>) semaphore(%arg21 : memref<!tpu.dma_semaphore, #tpu.memory_space<semaphore_mem>>)
    %dma_start3A_192 = arith.constant 9 : i32
    %dma_start3A_193 = arith.constant 9 : i32
    %dma_start3A_194 = arith.constant 0 : i32
    %dma_start3A_195 = arith.constant 0 : i32
    %dma_start3A_196 = tpu.memref_slice %arg8[%dma_start3A_193, %dma_start3A_194, %dma_start3A_195] : memref<10x128x16xf32, #tpu.memory_space<vmem>> -> memref<1x128x16xf32, #tpu.memory_space<vmem>>
    %dma_start3A_197 = tpu.memref_squeeze %dma_start3A_196 : memref<1x128x16xf32, #tpu.memory_space<vmem>> -> memref<128x16xf32, #tpu.memory_space<vmem>>
    %dma_start3A_198 = arith.constant 0 : i32
    %dma_start3A_199 = tpu.memref_slice %arg6[%dma_start3A_192, %dma_start3A_198] : memref<40x128xi32, #tpu.memory_space<vmem>> -> memref<1x128xi32, #tpu.memory_space<vmem>>
    %dma_start3A_200 = tpu.memref_squeeze %dma_start3A_199 : memref<1x128xi32, #tpu.memory_space<vmem>> -> memref<128xi32, #tpu.memory_space<vmem>>
    %dma_start3A_201 = arith.constant 0 : i32
    %dma_start3A_202 = arith.constant 0 : i32
    %dma_start3A_203 = tpu.memref_slice %arg12[%dma_start3A_201, %dma_start3A_202] : memref<10240x16xf32, #tpu.memory_space<vmem_shared>> -> memref<10240x16xf32, #tpu.memory_space<vmem_shared>>
    tpu.enqueue_indirect_dma source(%dma_start3A_203 : memref<10240x16xf32, #tpu.memory_space<vmem_shared>>) target(%dma_start3A_197 : memref<128x16xf32, #tpu.memory_space<vmem>>) offsets(%dma_start3A_200 : memref<128xi32, #tpu.memory_space<vmem>>) semaphore(%arg22 : memref<!tpu.dma_semaphore, #tpu.memory_space<semaphore_mem>>)
    %scan3A = arith.constant 0 : i32
    %scan3A_204 = arith.constant 0 : i32
    %scan3A_205 = arith.constant 4 : i32
    %scan3A_206 = arith.addi %scan3A_204, %scan3A_205 : i32
    %scan3A_207 = arith.constant 1 : i32
    scf.for %scan3A_334 = %scan3A_204 to %scan3A_206 step %scan3A_207  : i32 {
      %mul3A_335 = arith.constant 10 : i32
      %mul3A_336 = arith.muli %scan3A_334, %mul3A_335 : i32
      %add3A_337 = arith.constant 0 : i32
      %add3A_338 = arith.addi %mul3A_336, %add3A_337 : i32
      %dma_wait3A_339 = arith.constant 0 : i32
      %dma_wait3A_340 = arith.constant 0 : i32
      %dma_wait3A_341 = arith.constant 0 : i32
      %dma_wait3A_342 = tpu.memref_slice %arg8[%dma_wait3A_339, %dma_wait3A_340, %dma_wait3A_341] : memref<10x128x16xf32, #tpu.memory_space<vmem>> -> memref<1x128x16xf32, #tpu.memory_space<vmem>>
      %dma_wait3A_343 = tpu.memref_squeeze %dma_wait3A_342 : memref<1x128x16xf32, #tpu.memory_space<vmem>> -> memref<128x16xf32, #tpu.memory_space<vmem>>
      %dma_wait3A_344 = arith.constant 0 : i32
      %dma_wait3A_345 = tpu.memref_slice %arg6[%add3A_338, %dma_wait3A_344] : memref<40x128xi32, #tpu.memory_space<vmem>> -> memref<1x128xi32, #tpu.memory_space<vmem>>
      %dma_wait3A_346 = tpu.memref_squeeze %dma_wait3A_345 : memref<1x128xi32, #tpu.memory_space<vmem>> -> memref<128xi32, #tpu.memory_space<vmem>>
      %dma_wait3A_347 = arith.constant 0 : i32
      %dma_wait3A_348 = arith.constant 0 : i32
      %dma_wait3A_349 = tpu.memref_slice %arg12[%dma_wait3A_347, %dma_wait3A_348] : memref<10240x16xf32, #tpu.memory_space<vmem_shared>> -> memref<10240x16xf32, #tpu.memory_space<vmem_shared>>
      tpu.wait_indirect_dma semaphore(%arg13 : memref<!tpu.dma_semaphore, #tpu.memory_space<semaphore_mem>>) src(%dma_wait3A_349 : memref<10240x16xf32, #tpu.memory_space<vmem_shared>>) dst(%dma_wait3A_343 : memref<128x16xf32, #tpu.memory_space<vmem>>)
      %dma_start3A_350 = arith.constant 0 : i32
      %dma_start3A_351 = arith.constant 0 : i32
      %dma_start3A_352 = arith.constant 0 : i32
      %dma_start3A_353 = tpu.memref_slice %arg8[%dma_start3A_350, %dma_start3A_351, %dma_start3A_352] : memref<10x128x16xf32, #tpu.memory_space<vmem>> -> memref<1x128x16xf32, #tpu.memory_space<vmem>>
      %dma_start3A_354 = tpu.memref_squeeze %dma_start3A_353 : memref<1x128x16xf32, #tpu.memory_space<vmem>> -> memref<128x16xf32, #tpu.memory_space<vmem>>
      %dma_start3A_355 = arith.constant 0 : i32
      %dma_start3A_356 = tpu.memref_slice %arg7[%add3A_338, %dma_start3A_355] : memref<40x128xi32, #tpu.memory_space<vmem>> -> memref<1x128xi32, #tpu.memory_space<vmem>>
      %dma_start3A_357 = tpu.memref_squeeze %dma_start3A_356 : memref<1x128xi32, #tpu.memory_space<vmem>> -> memref<128xi32, #tpu.memory_space<vmem>>
      %dma_start3A_358 = arith.constant 0 : i32
      %dma_start3A_359 = arith.constant 0 : i32
      %dma_start3A_360 = tpu.memref_slice %arg11[%dma_start3A_358, %dma_start3A_359] : memref<10240x16xf32, #tpu.memory_space<vmem_shared>> -> memref<10240x16xf32, #tpu.memory_space<vmem_shared>>
      tpu.enqueue_indirect_dma source(%dma_start3A_354 : memref<128x16xf32, #tpu.memory_space<vmem>>) target(%dma_start3A_360 : memref<10240x16xf32, #tpu.memory_space<vmem_shared>>) offsets(%dma_start3A_357 : memref<128xi32, #tpu.memory_space<vmem>>) semaphore(%arg23 : memref<!tpu.dma_semaphore, #tpu.memory_space<semaphore_mem>>) {add = true}
      %add3A_361 = arith.constant 1 : i32
      %add3A_362 = arith.addi %mul3A_336, %add3A_361 : i32
      %dma_wait3A_363 = arith.constant 1 : i32
      %dma_wait3A_364 = arith.constant 0 : i32
      %dma_wait3A_365 = arith.constant 0 : i32
      %dma_wait3A_366 = tpu.memref_slice %arg8[%dma_wait3A_363, %dma_wait3A_364, %dma_wait3A_365] : memref<10x128x16xf32, #tpu.memory_space<vmem>> -> memref<1x128x16xf32, #tpu.memory_space<vmem>>
      %dma_wait3A_367 = tpu.memref_squeeze %dma_wait3A_366 : memref<1x128x16xf32, #tpu.memory_space<vmem>> -> memref<128x16xf32, #tpu.memory_space<vmem>>
      %dma_wait3A_368 = arith.constant 0 : i32
      %dma_wait3A_369 = tpu.memref_slice %arg6[%add3A_362, %dma_wait3A_368] : memref<40x128xi32, #tpu.memory_space<vmem>> -> memref<1x128xi32, #tpu.memory_space<vmem>>
      %dma_wait3A_370 = tpu.memref_squeeze %dma_wait3A_369 : memref<1x128xi32, #tpu.memory_space<vmem>> -> memref<128xi32, #tpu.memory_space<vmem>>
      %dma_wait3A_371 = arith.constant 0 : i32
      %dma_wait3A_372 = arith.constant 0 : i32
      %dma_wait3A_373 = tpu.memref_slice %arg12[%dma_wait3A_371, %dma_wait3A_372] : memref<10240x16xf32, #tpu.memory_space<vmem_shared>> -> memref<10240x16xf32, #tpu.memory_space<vmem_shared>>
      tpu.wait_indirect_dma semaphore(%arg14 : memref<!tpu.dma_semaphore, #tpu.memory_space<semaphore_mem>>) src(%dma_wait3A_373 : memref<10240x16xf32, #tpu.memory_space<vmem_shared>>) dst(%dma_wait3A_367 : memref<128x16xf32, #tpu.memory_space<vmem>>)
      %dma_start3A_374 = arith.constant 1 : i32
      %dma_start3A_375 = arith.constant 0 : i32
      %dma_start3A_376 = arith.constant 0 : i32
      %dma_start3A_377 = tpu.memref_slice %arg8[%dma_start3A_374, %dma_start3A_375, %dma_start3A_376] : memref<10x128x16xf32, #tpu.memory_space<vmem>> -> memref<1x128x16xf32, #tpu.memory_space<vmem>>
      %dma_start3A_378 = tpu.memref_squeeze %dma_start3A_377 : memref<1x128x16xf32, #tpu.memory_space<vmem>> -> memref<128x16xf32, #tpu.memory_space<vmem>>
      %dma_start3A_379 = arith.constant 0 : i32
      %dma_start3A_380 = tpu.memref_slice %arg7[%add3A_362, %dma_start3A_379] : memref<40x128xi32, #tpu.memory_space<vmem>> -> memref<1x128xi32, #tpu.memory_space<vmem>>
      %dma_start3A_381 = tpu.memref_squeeze %dma_start3A_380 : memref<1x128xi32, #tpu.memory_space<vmem>> -> memref<128xi32, #tpu.memory_space<vmem>>
      %dma_start3A_382 = arith.constant 0 : i32
      %dma_start3A_383 = arith.constant 0 : i32
      %dma_start3A_384 = tpu.memref_slice %arg11[%dma_start3A_382, %dma_start3A_383] : memref<10240x16xf32, #tpu.memory_space<vmem_shared>> -> memref<10240x16xf32, #tpu.memory_space<vmem_shared>>
      tpu.enqueue_indirect_dma source(%dma_start3A_378 : memref<128x16xf32, #tpu.memory_space<vmem>>) target(%dma_start3A_384 : memref<10240x16xf32, #tpu.memory_space<vmem_shared>>) offsets(%dma_start3A_381 : memref<128xi32, #tpu.memory_space<vmem>>) semaphore(%arg24 : memref<!tpu.dma_semaphore, #tpu.memory_space<semaphore_mem>>) {add = true}
      %add3A_385 = arith.constant 2 : i32
      %add3A_386 = arith.addi %mul3A_336, %add3A_385 : i32
      %dma_wait3A_387 = arith.constant 2 : i32
      %dma_wait3A_388 = arith.constant 0 : i32
      %dma_wait3A_389 = arith.constant 0 : i32
      %dma_wait3A_390 = tpu.memref_slice %arg8[%dma_wait3A_387, %dma_wait3A_388, %dma_wait3A_389] : memref<10x128x16xf32, #tpu.memory_space<vmem>> -> memref<1x128x16xf32, #tpu.memory_space<vmem>>
      %dma_wait3A_391 = tpu.memref_squeeze %dma_wait3A_390 : memref<1x128x16xf32, #tpu.memory_space<vmem>> -> memref<128x16xf32, #tpu.memory_space<vmem>>
      %dma_wait3A_392 = arith.constant 0 : i32
      %dma_wait3A_393 = tpu.memref_slice %arg6[%add3A_386, %dma_wait3A_392] : memref<40x128xi32, #tpu.memory_space<vmem>> -> memref<1x128xi32, #tpu.memory_space<vmem>>
      %dma_wait3A_394 = tpu.memref_squeeze %dma_wait3A_393 : memref<1x128xi32, #tpu.memory_space<vmem>> -> memref<128xi32, #tpu.memory_space<vmem>>
      %dma_wait3A_395 = arith.constant 0 : i32
      %dma_wait3A_396 = arith.constant 0 : i32
      %dma_wait3A_397 = tpu.memref_slice %arg12[%dma_wait3A_395, %dma_wait3A_396] : memref<10240x16xf32, #tpu.memory_space<vmem_shared>> -> memref<10240x16xf32, #tpu.memory_space<vmem_shared>>
      tpu.wait_indirect_dma semaphore(%arg15 : memref<!tpu.dma_semaphore, #tpu.memory_space<semaphore_mem>>) src(%dma_wait3A_397 : memref<10240x16xf32, #tpu.memory_space<vmem_shared>>) dst(%dma_wait3A_391 : memref<128x16xf32, #tpu.memory_space<vmem>>)
      %dma_start3A_398 = arith.constant 2 : i32
      %dma_start3A_399 = arith.constant 0 : i32
      %dma_start3A_400 = arith.constant 0 : i32
      %dma_start3A_401 = tpu.memref_slice %arg8[%dma_start3A_398, %dma_start3A_399, %dma_start3A_400] : memref<10x128x16xf32, #tpu.memory_space<vmem>> -> memref<1x128x16xf32, #tpu.memory_space<vmem>>
      %dma_start3A_402 = tpu.memref_squeeze %dma_start3A_401 : memref<1x128x16xf32, #tpu.memory_space<vmem>> -> memref<128x16xf32, #tpu.memory_space<vmem>>
      %dma_start3A_403 = arith.constant 0 : i32
      %dma_start3A_404 = tpu.memref_slice %arg7[%add3A_386, %dma_start3A_403] : memref<40x128xi32, #tpu.memory_space<vmem>> -> memref<1x128xi32, #tpu.memory_space<vmem>>
      %dma_start3A_405 = tpu.memref_squeeze %dma_start3A_404 : memref<1x128xi32, #tpu.memory_space<vmem>> -> memref<128xi32, #tpu.memory_space<vmem>>
      %dma_start3A_406 = arith.constant 0 : i32
      %dma_start3A_407 = arith.constant 0 : i32
      %dma_start3A_408 = tpu.memref_slice %arg11[%dma_start3A_406, %dma_start3A_407] : memref<10240x16xf32, #tpu.memory_space<vmem_shared>> -> memref<10240x16xf32, #tpu.memory_space<vmem_shared>>
      tpu.enqueue_indirect_dma source(%dma_start3A_402 : memref<128x16xf32, #tpu.memory_space<vmem>>) target(%dma_start3A_408 : memref<10240x16xf32, #tpu.memory_space<vmem_shared>>) offsets(%dma_start3A_405 : memref<128xi32, #tpu.memory_space<vmem>>) semaphore(%arg25 : memref<!tpu.dma_semaphore, #tpu.memory_space<semaphore_mem>>) {add = true}
      %add3A_409 = arith.constant 3 : i32
      %add3A_410 = arith.addi %mul3A_336, %add3A_409 : i32
      %dma_wait3A_411 = arith.constant 3 : i32
      %dma_wait3A_412 = arith.constant 0 : i32
      %dma_wait3A_413 = arith.constant 0 : i32
      %dma_wait3A_414 = tpu.memref_slice %arg8[%dma_wait3A_411, %dma_wait3A_412, %dma_wait3A_413] : memref<10x128x16xf32, #tpu.memory_space<vmem>> -> memref<1x128x16xf32, #tpu.memory_space<vmem>>
      %dma_wait3A_415 = tpu.memref_squeeze %dma_wait3A_414 : memref<1x128x16xf32, #tpu.memory_space<vmem>> -> memref<128x16xf32, #tpu.memory_space<vmem>>
      %dma_wait3A_416 = arith.constant 0 : i32
      %dma_wait3A_417 = tpu.memref_slice %arg6[%add3A_410, %dma_wait3A_416] : memref<40x128xi32, #tpu.memory_space<vmem>> -> memref<1x128xi32, #tpu.memory_space<vmem>>
      %dma_wait3A_418 = tpu.memref_squeeze %dma_wait3A_417 : memref<1x128xi32, #tpu.memory_space<vmem>> -> memref<128xi32, #tpu.memory_space<vmem>>
      %dma_wait3A_419 = arith.constant 0 : i32
      %dma_wait3A_420 = arith.constant 0 : i32
      %dma_wait3A_421 = tpu.memref_slice %arg12[%dma_wait3A_419, %dma_wait3A_420] : memref<10240x16xf32, #tpu.memory_space<vmem_shared>> -> memref<10240x16xf32, #tpu.memory_space<vmem_shared>>
      tpu.wait_indirect_dma semaphore(%arg16 : memref<!tpu.dma_semaphore, #tpu.memory_space<semaphore_mem>>) src(%dma_wait3A_421 : memref<10240x16xf32, #tpu.memory_space<vmem_shared>>) dst(%dma_wait3A_415 : memref<128x16xf32, #tpu.memory_space<vmem>>)
      %dma_start3A_422 = arith.constant 3 : i32
      %dma_start3A_423 = arith.constant 0 : i32
      %dma_start3A_424 = arith.constant 0 : i32
      %dma_start3A_425 = tpu.memref_slice %arg8[%dma_start3A_422, %dma_start3A_423, %dma_start3A_424] : memref<10x128x16xf32, #tpu.memory_space<vmem>> -> memref<1x128x16xf32, #tpu.memory_space<vmem>>
      %dma_start3A_426 = tpu.memref_squeeze %dma_start3A_425 : memref<1x128x16xf32, #tpu.memory_space<vmem>> -> memref<128x16xf32, #tpu.memory_space<vmem>>
      %dma_start3A_427 = arith.constant 0 : i32
      %dma_start3A_428 = tpu.memref_slice %arg7[%add3A_410, %dma_start3A_427] : memref<40x128xi32, #tpu.memory_space<vmem>> -> memref<1x128xi32, #tpu.memory_space<vmem>>
      %dma_start3A_429 = tpu.memref_squeeze %dma_start3A_428 : memref<1x128xi32, #tpu.memory_space<vmem>> -> memref<128xi32, #tpu.memory_space<vmem>>
      %dma_start3A_430 = arith.constant 0 : i32
      %dma_start3A_431 = arith.constant 0 : i32
      %dma_start3A_432 = tpu.memref_slice %arg11[%dma_start3A_430, %dma_start3A_431] : memref<10240x16xf32, #tpu.memory_space<vmem_shared>> -> memref<10240x16xf32, #tpu.memory_space<vmem_shared>>
      tpu.enqueue_indirect_dma source(%dma_start3A_426 : memref<128x16xf32, #tpu.memory_space<vmem>>) target(%dma_start3A_432 : memref<10240x16xf32, #tpu.memory_space<vmem_shared>>) offsets(%dma_start3A_429 : memref<128xi32, #tpu.memory_space<vmem>>) semaphore(%arg26 : memref<!tpu.dma_semaphore, #tpu.memory_space<semaphore_mem>>) {add = true}
      %add3A_433 = arith.constant 4 : i32
      %add3A_434 = arith.addi %mul3A_336, %add3A_433 : i32
      %dma_wait3A_435 = arith.constant 4 : i32
      %dma_wait3A_436 = arith.constant 0 : i32
      %dma_wait3A_437 = arith.constant 0 : i32
      %dma_wait3A_438 = tpu.memref_slice %arg8[%dma_wait3A_435, %dma_wait3A_436, %dma_wait3A_437] : memref<10x128x16xf32, #tpu.memory_space<vmem>> -> memref<1x128x16xf32, #tpu.memory_space<vmem>>
      %dma_wait3A_439 = tpu.memref_squeeze %dma_wait3A_438 : memref<1x128x16xf32, #tpu.memory_space<vmem>> -> memref<128x16xf32, #tpu.memory_space<vmem>>
      %dma_wait3A_440 = arith.constant 0 : i32
      %dma_wait3A_441 = tpu.memref_slice %arg6[%add3A_434, %dma_wait3A_440] : memref<40x128xi32, #tpu.memory_space<vmem>> -> memref<1x128xi32, #tpu.memory_space<vmem>>
      %dma_wait3A_442 = tpu.memref_squeeze %dma_wait3A_441 : memref<1x128xi32, #tpu.memory_space<vmem>> -> memref<128xi32, #tpu.memory_space<vmem>>
      %dma_wait3A_443 = arith.constant 0 : i32
      %dma_wait3A_444 = arith.constant 0 : i32
      %dma_wait3A_445 = tpu.memref_slice %arg12[%dma_wait3A_443, %dma_wait3A_444] : memref<10240x16xf32, #tpu.memory_space<vmem_shared>> -> memref<10240x16xf32, #tpu.memory_space<vmem_shared>>
      tpu.wait_indirect_dma semaphore(%arg17 : memref<!tpu.dma_semaphore, #tpu.memory_space<semaphore_mem>>) src(%dma_wait3A_445 : memref<10240x16xf32, #tpu.memory_space<vmem_shared>>) dst(%dma_wait3A_439 : memref<128x16xf32, #tpu.memory_space<vmem>>)
      %dma_start3A_446 = arith.constant 4 : i32
      %dma_start3A_447 = arith.constant 0 : i32
      %dma_start3A_448 = arith.constant 0 : i32
      %dma_start3A_449 = tpu.memref_slice %arg8[%dma_start3A_446, %dma_start3A_447, %dma_start3A_448] : memref<10x128x16xf32, #tpu.memory_space<vmem>> -> memref<1x128x16xf32, #tpu.memory_space<vmem>>
      %dma_start3A_450 = tpu.memref_squeeze %dma_start3A_449 : memref<1x128x16xf32, #tpu.memory_space<vmem>> -> memref<128x16xf32, #tpu.memory_space<vmem>>
      %dma_start3A_451 = arith.constant 0 : i32
      %dma_start3A_452 = tpu.memref_slice %arg7[%add3A_434, %dma_start3A_451] : memref<40x128xi32, #tpu.memory_space<vmem>> -> memref<1x128xi32, #tpu.memory_space<vmem>>
      %dma_start3A_453 = tpu.memref_squeeze %dma_start3A_452 : memref<1x128xi32, #tpu.memory_space<vmem>> -> memref<128xi32, #tpu.memory_space<vmem>>
      %dma_start3A_454 = arith.constant 0 : i32
      %dma_start3A_455 = arith.constant 0 : i32
      %dma_start3A_456 = tpu.memref_slice %arg11[%dma_start3A_454, %dma_start3A_455] : memref<10240x16xf32, #tpu.memory_space<vmem_shared>> -> memref<10240x16xf32, #tpu.memory_space<vmem_shared>>
      tpu.enqueue_indirect_dma source(%dma_start3A_450 : memref<128x16xf32, #tpu.memory_space<vmem>>) target(%dma_start3A_456 : memref<10240x16xf32, #tpu.memory_space<vmem_shared>>) offsets(%dma_start3A_453 : memref<128xi32, #tpu.memory_space<vmem>>) semaphore(%arg27 : memref<!tpu.dma_semaphore, #tpu.memory_space<semaphore_mem>>) {add = true}
      %add3A_457 = arith.constant 5 : i32
      %add3A_458 = arith.addi %mul3A_336, %add3A_457 : i32
      %dma_wait3A_459 = arith.constant 5 : i32
      %dma_wait3A_460 = arith.constant 0 : i32
      %dma_wait3A_461 = arith.constant 0 : i32
      %dma_wait3A_462 = tpu.memref_slice %arg8[%dma_wait3A_459, %dma_wait3A_460, %dma_wait3A_461] : memref<10x128x16xf32, #tpu.memory_space<vmem>> -> memref<1x128x16xf32, #tpu.memory_space<vmem>>
      %dma_wait3A_463 = tpu.memref_squeeze %dma_wait3A_462 : memref<1x128x16xf32, #tpu.memory_space<vmem>> -> memref<128x16xf32, #tpu.memory_space<vmem>>
      %dma_wait3A_464 = arith.constant 0 : i32
      %dma_wait3A_465 = tpu.memref_slice %arg6[%add3A_458, %dma_wait3A_464] : memref<40x128xi32, #tpu.memory_space<vmem>> -> memref<1x128xi32, #tpu.memory_space<vmem>>
      %dma_wait3A_466 = tpu.memref_squeeze %dma_wait3A_465 : memref<1x128xi32, #tpu.memory_space<vmem>> -> memref<128xi32, #tpu.memory_space<vmem>>
      %dma_wait3A_467 = arith.constant 0 : i32
      %dma_wait3A_468 = arith.constant 0 : i32
      %dma_wait3A_469 = tpu.memref_slice %arg12[%dma_wait3A_467, %dma_wait3A_468] : memref<10240x16xf32, #tpu.memory_space<vmem_shared>> -> memref<10240x16xf32, #tpu.memory_space<vmem_shared>>
      tpu.wait_indirect_dma semaphore(%arg18 : memref<!tpu.dma_semaphore, #tpu.memory_space<semaphore_mem>>) src(%dma_wait3A_469 : memref<10240x16xf32, #tpu.memory_space<vmem_shared>>) dst(%dma_wait3A_463 : memref<128x16xf32, #tpu.memory_space<vmem>>)
      %dma_start3A_470 = arith.constant 5 : i32
      %dma_start3A_471 = arith.constant 0 : i32
      %dma_start3A_472 = arith.constant 0 : i32
      %dma_start3A_473 = tpu.memref_slice %arg8[%dma_start3A_470, %dma_start3A_471, %dma_start3A_472] : memref<10x128x16xf32, #tpu.memory_space<vmem>> -> memref<1x128x16xf32, #tpu.memory_space<vmem>>
      %dma_start3A_474 = tpu.memref_squeeze %dma_start3A_473 : memref<1x128x16xf32, #tpu.memory_space<vmem>> -> memref<128x16xf32, #tpu.memory_space<vmem>>
      %dma_start3A_475 = arith.constant 0 : i32
      %dma_start3A_476 = tpu.memref_slice %arg7[%add3A_458, %dma_start3A_475] : memref<40x128xi32, #tpu.memory_space<vmem>> -> memref<1x128xi32, #tpu.memory_space<vmem>>
      %dma_start3A_477 = tpu.memref_squeeze %dma_start3A_476 : memref<1x128xi32, #tpu.memory_space<vmem>> -> memref<128xi32, #tpu.memory_space<vmem>>
      %dma_start3A_478 = arith.constant 0 : i32
      %dma_start3A_479 = arith.constant 0 : i32
      %dma_start3A_480 = tpu.memref_slice %arg11[%dma_start3A_478, %dma_start3A_479] : memref<10240x16xf32, #tpu.memory_space<vmem_shared>> -> memref<10240x16xf32, #tpu.memory_space<vmem_shared>>
      tpu.enqueue_indirect_dma source(%dma_start3A_474 : memref<128x16xf32, #tpu.memory_space<vmem>>) target(%dma_start3A_480 : memref<10240x16xf32, #tpu.memory_space<vmem_shared>>) offsets(%dma_start3A_477 : memref<128xi32, #tpu.memory_space<vmem>>) semaphore(%arg28 : memref<!tpu.dma_semaphore, #tpu.memory_space<semaphore_mem>>) {add = true}
      %add3A_481 = arith.constant 6 : i32
      %add3A_482 = arith.addi %mul3A_336, %add3A_481 : i32
      %dma_wait3A_483 = arith.constant 6 : i32
      %dma_wait3A_484 = arith.constant 0 : i32
      %dma_wait3A_485 = arith.constant 0 : i32
      %dma_wait3A_486 = tpu.memref_slice %arg8[%dma_wait3A_483, %dma_wait3A_484, %dma_wait3A_485] : memref<10x128x16xf32, #tpu.memory_space<vmem>> -> memref<1x128x16xf32, #tpu.memory_space<vmem>>
      %dma_wait3A_487 = tpu.memref_squeeze %dma_wait3A_486 : memref<1x128x16xf32, #tpu.memory_space<vmem>> -> memref<128x16xf32, #tpu.memory_space<vmem>>
      %dma_wait3A_488 = arith.constant 0 : i32
      %dma_wait3A_489 = tpu.memref_slice %arg6[%add3A_482, %dma_wait3A_488] : memref<40x128xi32, #tpu.memory_space<vmem>> -> memref<1x128xi32, #tpu.memory_space<vmem>>
      %dma_wait3A_490 = tpu.memref_squeeze %dma_wait3A_489 : memref<1x128xi32, #tpu.memory_space<vmem>> -> memref<128xi32, #tpu.memory_space<vmem>>
      %dma_wait3A_491 = arith.constant 0 : i32
      %dma_wait3A_492 = arith.constant 0 : i32
      %dma_wait3A_493 = tpu.memref_slice %arg12[%dma_wait3A_491, %dma_wait3A_492] : memref<10240x16xf32, #tpu.memory_space<vmem_shared>> -> memref<10240x16xf32, #tpu.memory_space<vmem_shared>>
      tpu.wait_indirect_dma semaphore(%arg19 : memref<!tpu.dma_semaphore, #tpu.memory_space<semaphore_mem>>) src(%dma_wait3A_493 : memref<10240x16xf32, #tpu.memory_space<vmem_shared>>) dst(%dma_wait3A_487 : memref<128x16xf32, #tpu.memory_space<vmem>>)
      %dma_start3A_494 = arith.constant 6 : i32
      %dma_start3A_495 = arith.constant 0 : i32
      %dma_start3A_496 = arith.constant 0 : i32
      %dma_start3A_497 = tpu.memref_slice %arg8[%dma_start3A_494, %dma_start3A_495, %dma_start3A_496] : memref<10x128x16xf32, #tpu.memory_space<vmem>> -> memref<1x128x16xf32, #tpu.memory_space<vmem>>
      %dma_start3A_498 = tpu.memref_squeeze %dma_start3A_497 : memref<1x128x16xf32, #tpu.memory_space<vmem>> -> memref<128x16xf32, #tpu.memory_space<vmem>>
      %dma_start3A_499 = arith.constant 0 : i32
      %dma_start3A_500 = tpu.memref_slice %arg7[%add3A_482, %dma_start3A_499] : memref<40x128xi32, #tpu.memory_space<vmem>> -> memref<1x128xi32, #tpu.memory_space<vmem>>
      %dma_start3A_501 = tpu.memref_squeeze %dma_start3A_500 : memref<1x128xi32, #tpu.memory_space<vmem>> -> memref<128xi32, #tpu.memory_space<vmem>>
      %dma_start3A_502 = arith.constant 0 : i32
      %dma_start3A_503 = arith.constant 0 : i32
      %dma_start3A_504 = tpu.memref_slice %arg11[%dma_start3A_502, %dma_start3A_503] : memref<10240x16xf32, #tpu.memory_space<vmem_shared>> -> memref<10240x16xf32, #tpu.memory_space<vmem_shared>>
      tpu.enqueue_indirect_dma source(%dma_start3A_498 : memref<128x16xf32, #tpu.memory_space<vmem>>) target(%dma_start3A_504 : memref<10240x16xf32, #tpu.memory_space<vmem_shared>>) offsets(%dma_start3A_501 : memref<128xi32, #tpu.memory_space<vmem>>) semaphore(%arg29 : memref<!tpu.dma_semaphore, #tpu.memory_space<semaphore_mem>>) {add = true}
      %add3A_505 = arith.constant 7 : i32
      %add3A_506 = arith.addi %mul3A_336, %add3A_505 : i32
      %dma_wait3A_507 = arith.constant 7 : i32
      %dma_wait3A_508 = arith.constant 0 : i32
      %dma_wait3A_509 = arith.constant 0 : i32
      %dma_wait3A_510 = tpu.memref_slice %arg8[%dma_wait3A_507, %dma_wait3A_508, %dma_wait3A_509] : memref<10x128x16xf32, #tpu.memory_space<vmem>> -> memref<1x128x16xf32, #tpu.memory_space<vmem>>
      %dma_wait3A_511 = tpu.memref_squeeze %dma_wait3A_510 : memref<1x128x16xf32, #tpu.memory_space<vmem>> -> memref<128x16xf32, #tpu.memory_space<vmem>>
      %dma_wait3A_512 = arith.constant 0 : i32
      %dma_wait3A_513 = tpu.memref_slice %arg6[%add3A_506, %dma_wait3A_512] : memref<40x128xi32, #tpu.memory_space<vmem>> -> memref<1x128xi32, #tpu.memory_space<vmem>>
      %dma_wait3A_514 = tpu.memref_squeeze %dma_wait3A_513 : memref<1x128xi32, #tpu.memory_space<vmem>> -> memref<128xi32, #tpu.memory_space<vmem>>
      %dma_wait3A_515 = arith.constant 0 : i32
      %dma_wait3A_516 = arith.constant 0 : i32
      %dma_wait3A_517 = tpu.memref_slice %arg12[%dma_wait3A_515, %dma_wait3A_516] : memref<10240x16xf32, #tpu.memory_space<vmem_shared>> -> memref<10240x16xf32, #tpu.memory_space<vmem_shared>>
      tpu.wait_indirect_dma semaphore(%arg20 : memref<!tpu.dma_semaphore, #tpu.memory_space<semaphore_mem>>) src(%dma_wait3A_517 : memref<10240x16xf32, #tpu.memory_space<vmem_shared>>) dst(%dma_wait3A_511 : memref<128x16xf32, #tpu.memory_space<vmem>>)
      %dma_start3A_518 = arith.constant 7 : i32
      %dma_start3A_519 = arith.constant 0 : i32
      %dma_start3A_520 = arith.constant 0 : i32
      %dma_start3A_521 = tpu.memref_slice %arg8[%dma_start3A_518, %dma_start3A_519, %dma_start3A_520] : memref<10x128x16xf32, #tpu.memory_space<vmem>> -> memref<1x128x16xf32, #tpu.memory_space<vmem>>
      %dma_start3A_522 = tpu.memref_squeeze %dma_start3A_521 : memref<1x128x16xf32, #tpu.memory_space<vmem>> -> memref<128x16xf32, #tpu.memory_space<vmem>>
      %dma_start3A_523 = arith.constant 0 : i32
      %dma_start3A_524 = tpu.memref_slice %arg7[%add3A_506, %dma_start3A_523] : memref<40x128xi32, #tpu.memory_space<vmem>> -> memref<1x128xi32, #tpu.memory_space<vmem>>
      %dma_start3A_525 = tpu.memref_squeeze %dma_start3A_524 : memref<1x128xi32, #tpu.memory_space<vmem>> -> memref<128xi32, #tpu.memory_space<vmem>>
      %dma_start3A_526 = arith.constant 0 : i32
      %dma_start3A_527 = arith.constant 0 : i32
      %dma_start3A_528 = tpu.memref_slice %arg11[%dma_start3A_526, %dma_start3A_527] : memref<10240x16xf32, #tpu.memory_space<vmem_shared>> -> memref<10240x16xf32, #tpu.memory_space<vmem_shared>>
      tpu.enqueue_indirect_dma source(%dma_start3A_522 : memref<128x16xf32, #tpu.memory_space<vmem>>) target(%dma_start3A_528 : memref<10240x16xf32, #tpu.memory_space<vmem_shared>>) offsets(%dma_start3A_525 : memref<128xi32, #tpu.memory_space<vmem>>) semaphore(%arg30 : memref<!tpu.dma_semaphore, #tpu.memory_space<semaphore_mem>>) {add = true}
      %add3A_529 = arith.constant 8 : i32
      %add3A_530 = arith.addi %mul3A_336, %add3A_529 : i32
      %dma_wait3A_531 = arith.constant 8 : i32
      %dma_wait3A_532 = arith.constant 0 : i32
      %dma_wait3A_533 = arith.constant 0 : i32
      %dma_wait3A_534 = tpu.memref_slice %arg8[%dma_wait3A_531, %dma_wait3A_532, %dma_wait3A_533] : memref<10x128x16xf32, #tpu.memory_space<vmem>> -> memref<1x128x16xf32, #tpu.memory_space<vmem>>
      %dma_wait3A_535 = tpu.memref_squeeze %dma_wait3A_534 : memref<1x128x16xf32, #tpu.memory_space<vmem>> -> memref<128x16xf32, #tpu.memory_space<vmem>>
      %dma_wait3A_536 = arith.constant 0 : i32
      %dma_wait3A_537 = tpu.memref_slice %arg6[%add3A_530, %dma_wait3A_536] : memref<40x128xi32, #tpu.memory_space<vmem>> -> memref<1x128xi32, #tpu.memory_space<vmem>>
      %dma_wait3A_538 = tpu.memref_squeeze %dma_wait3A_537 : memref<1x128xi32, #tpu.memory_space<vmem>> -> memref<128xi32, #tpu.memory_space<vmem>>
      %dma_wait3A_539 = arith.constant 0 : i32
      %dma_wait3A_540 = arith.constant 0 : i32
      %dma_wait3A_541 = tpu.memref_slice %arg12[%dma_wait3A_539, %dma_wait3A_540] : memref<10240x16xf32, #tpu.memory_space<vmem_shared>> -> memref<10240x16xf32, #tpu.memory_space<vmem_shared>>
      tpu.wait_indirect_dma semaphore(%arg21 : memref<!tpu.dma_semaphore, #tpu.memory_space<semaphore_mem>>) src(%dma_wait3A_541 : memref<10240x16xf32, #tpu.memory_space<vmem_shared>>) dst(%dma_wait3A_535 : memref<128x16xf32, #tpu.memory_space<vmem>>)
      %dma_start3A_542 = arith.constant 8 : i32
      %dma_start3A_543 = arith.constant 0 : i32
      %dma_start3A_544 = arith.constant 0 : i32
      %dma_start3A_545 = tpu.memref_slice %arg8[%dma_start3A_542, %dma_start3A_543, %dma_start3A_544] : memref<10x128x16xf32, #tpu.memory_space<vmem>> -> memref<1x128x16xf32, #tpu.memory_space<vmem>>
      %dma_start3A_546 = tpu.memref_squeeze %dma_start3A_545 : memref<1x128x16xf32, #tpu.memory_space<vmem>> -> memref<128x16xf32, #tpu.memory_space<vmem>>
      %dma_start3A_547 = arith.constant 0 : i32
      %dma_start3A_548 = tpu.memref_slice %arg7[%add3A_530, %dma_start3A_547] : memref<40x128xi32, #tpu.memory_space<vmem>> -> memref<1x128xi32, #tpu.memory_space<vmem>>
      %dma_start3A_549 = tpu.memref_squeeze %dma_start3A_548 : memref<1x128xi32, #tpu.memory_space<vmem>> -> memref<128xi32, #tpu.memory_space<vmem>>
      %dma_start3A_550 = arith.constant 0 : i32
      %dma_start3A_551 = arith.constant 0 : i32
      %dma_start3A_552 = tpu.memref_slice %arg11[%dma_start3A_550, %dma_start3A_551] : memref<10240x16xf32, #tpu.memory_space<vmem_shared>> -> memref<10240x16xf32, #tpu.memory_space<vmem_shared>>
      tpu.enqueue_indirect_dma source(%dma_start3A_546 : memref<128x16xf32, #tpu.memory_space<vmem>>) target(%dma_start3A_552 : memref<10240x16xf32, #tpu.memory_space<vmem_shared>>) offsets(%dma_start3A_549 : memref<128xi32, #tpu.memory_space<vmem>>) semaphore(%arg31 : memref<!tpu.dma_semaphore, #tpu.memory_space<semaphore_mem>>) {add = true}
      %add3A_553 = arith.constant 9 : i32
      %add3A_554 = arith.addi %mul3A_336, %add3A_553 : i32
      %dma_wait3A_555 = arith.constant 9 : i32
      %dma_wait3A_556 = arith.constant 0 : i32
      %dma_wait3A_557 = arith.constant 0 : i32
      %dma_wait3A_558 = tpu.memref_slice %arg8[%dma_wait3A_555, %dma_wait3A_556, %dma_wait3A_557] : memref<10x128x16xf32, #tpu.memory_space<vmem>> -> memref<1x128x16xf32, #tpu.memory_space<vmem>>
      %dma_wait3A_559 = tpu.memref_squeeze %dma_wait3A_558 : memref<1x128x16xf32, #tpu.memory_space<vmem>> -> memref<128x16xf32, #tpu.memory_space<vmem>>
      %dma_wait3A_560 = arith.constant 0 : i32
      %dma_wait3A_561 = tpu.memref_slice %arg6[%add3A_554, %dma_wait3A_560] : memref<40x128xi32, #tpu.memory_space<vmem>> -> memref<1x128xi32, #tpu.memory_space<vmem>>
      %dma_wait3A_562 = tpu.memref_squeeze %dma_wait3A_561 : memref<1x128xi32, #tpu.memory_space<vmem>> -> memref<128xi32, #tpu.memory_space<vmem>>
      %dma_wait3A_563 = arith.constant 0 : i32
      %dma_wait3A_564 = arith.constant 0 : i32
      %dma_wait3A_565 = tpu.memref_slice %arg12[%dma_wait3A_563, %dma_wait3A_564] : memref<10240x16xf32, #tpu.memory_space<vmem_shared>> -> memref<10240x16xf32, #tpu.memory_space<vmem_shared>>
      tpu.wait_indirect_dma semaphore(%arg22 : memref<!tpu.dma_semaphore, #tpu.memory_space<semaphore_mem>>) src(%dma_wait3A_565 : memref<10240x16xf32, #tpu.memory_space<vmem_shared>>) dst(%dma_wait3A_559 : memref<128x16xf32, #tpu.memory_space<vmem>>)
      %dma_start3A_566 = arith.constant 9 : i32
      %dma_start3A_567 = arith.constant 0 : i32
      %dma_start3A_568 = arith.constant 0 : i32
      %dma_start3A_569 = tpu.memref_slice %arg8[%dma_start3A_566, %dma_start3A_567, %dma_start3A_568] : memref<10x128x16xf32, #tpu.memory_space<vmem>> -> memref<1x128x16xf32, #tpu.memory_space<vmem>>
      %dma_start3A_570 = tpu.memref_squeeze %dma_start3A_569 : memref<1x128x16xf32, #tpu.memory_space<vmem>> -> memref<128x16xf32, #tpu.memory_space<vmem>>
      %dma_start3A_571 = arith.constant 0 : i32
      %dma_start3A_572 = tpu.memref_slice %arg7[%add3A_554, %dma_start3A_571] : memref<40x128xi32, #tpu.memory_space<vmem>> -> memref<1x128xi32, #tpu.memory_space<vmem>>
      %dma_start3A_573 = tpu.memref_squeeze %dma_start3A_572 : memref<1x128xi32, #tpu.memory_space<vmem>> -> memref<128xi32, #tpu.memory_space<vmem>>
      %dma_start3A_574 = arith.constant 0 : i32
      %dma_start3A_575 = arith.constant 0 : i32
      %dma_start3A_576 = tpu.memref_slice %arg11[%dma_start3A_574, %dma_start3A_575] : memref<10240x16xf32, #tpu.memory_space<vmem_shared>> -> memref<10240x16xf32, #tpu.memory_space<vmem_shared>>
      tpu.enqueue_indirect_dma source(%dma_start3A_570 : memref<128x16xf32, #tpu.memory_space<vmem>>) target(%dma_start3A_576 : memref<10240x16xf32, #tpu.memory_space<vmem_shared>>) offsets(%dma_start3A_573 : memref<128xi32, #tpu.memory_space<vmem>>) semaphore(%arg32 : memref<!tpu.dma_semaphore, #tpu.memory_space<semaphore_mem>>) {add = true}
      %add3A_577 = arith.constant 0 : i32
      %add3A_578 = arith.addi %mul3A_336, %add3A_577 : i32
      %add3A_579 = arith.constant 10 : i32
      %add3A_580 = arith.addi %add3A_578, %add3A_579 : i32
      %lt3A = arith.constant 40 : i32
      %lt3A_581 = arith.cmpi slt, %add3A_580, %lt3A : i32
      %add3A_582 = arith.constant 10 : i32
      %add3A_583 = arith.addi %add3A_578, %add3A_582 : i32
      %select_n3A = arith.select %lt3A_581, %add3A_583, %add3A_578 : i32
      %dma_wait3A_584 = arith.constant 0 : i32
      %dma_wait3A_585 = arith.constant 0 : i32
      %dma_wait3A_586 = arith.constant 0 : i32
      %dma_wait3A_587 = tpu.memref_slice %arg8[%dma_wait3A_584, %dma_wait3A_585, %dma_wait3A_586] : memref<10x128x16xf32, #tpu.memory_space<vmem>> -> memref<1x128x16xf32, #tpu.memory_space<vmem>>
      %dma_wait3A_588 = tpu.memref_squeeze %dma_wait3A_587 : memref<1x128x16xf32, #tpu.memory_space<vmem>> -> memref<128x16xf32, #tpu.memory_space<vmem>>
      %dma_wait3A_589 = arith.constant 0 : i32
      %dma_wait3A_590 = tpu.memref_slice %arg7[%add3A_578, %dma_wait3A_589] : memref<40x128xi32, #tpu.memory_space<vmem>> -> memref<1x128xi32, #tpu.memory_space<vmem>>
      %dma_wait3A_591 = tpu.memref_squeeze %dma_wait3A_590 : memref<1x128xi32, #tpu.memory_space<vmem>> -> memref<128xi32, #tpu.memory_space<vmem>>
      %dma_wait3A_592 = arith.constant 0 : i32
      %dma_wait3A_593 = arith.constant 0 : i32
      %dma_wait3A_594 = tpu.memref_slice %arg11[%dma_wait3A_592, %dma_wait3A_593] : memref<10240x16xf32, #tpu.memory_space<vmem_shared>> -> memref<10240x16xf32, #tpu.memory_space<vmem_shared>>
      tpu.wait_indirect_dma semaphore(%arg23 : memref<!tpu.dma_semaphore, #tpu.memory_space<semaphore_mem>>) src(%dma_wait3A_588 : memref<128x16xf32, #tpu.memory_space<vmem>>) dst(%dma_wait3A_594 : memref<10240x16xf32, #tpu.memory_space<vmem_shared>>)
      %dma_start3A_595 = arith.constant 0 : i32
      %dma_start3A_596 = arith.constant 0 : i32
      %dma_start3A_597 = arith.constant 0 : i32
      %dma_start3A_598 = tpu.memref_slice %arg8[%dma_start3A_595, %dma_start3A_596, %dma_start3A_597] : memref<10x128x16xf32, #tpu.memory_space<vmem>> -> memref<1x128x16xf32, #tpu.memory_space<vmem>>
      %dma_start3A_599 = tpu.memref_squeeze %dma_start3A_598 : memref<1x128x16xf32, #tpu.memory_space<vmem>> -> memref<128x16xf32, #tpu.memory_space<vmem>>
      %dma_start3A_600 = arith.constant 0 : i32
      %dma_start3A_601 = tpu.memref_slice %arg6[%select_n3A, %dma_start3A_600] : memref<40x128xi32, #tpu.memory_space<vmem>> -> memref<1x128xi32, #tpu.memory_space<vmem>>
      %dma_start3A_602 = tpu.memref_squeeze %dma_start3A_601 : memref<1x128xi32, #tpu.memory_space<vmem>> -> memref<128xi32, #tpu.memory_space<vmem>>
      %dma_start3A_603 = arith.constant 0 : i32
      %dma_start3A_604 = arith.constant 0 : i32
      %dma_start3A_605 = tpu.memref_slice %arg12[%dma_start3A_603, %dma_start3A_604] : memref<10240x16xf32, #tpu.memory_space<vmem_shared>> -> memref<10240x16xf32, #tpu.memory_space<vmem_shared>>
      tpu.enqueue_indirect_dma source(%dma_start3A_605 : memref<10240x16xf32, #tpu.memory_space<vmem_shared>>) target(%dma_start3A_599 : memref<128x16xf32, #tpu.memory_space<vmem>>) offsets(%dma_start3A_602 : memref<128xi32, #tpu.memory_space<vmem>>) semaphore(%arg13 : memref<!tpu.dma_semaphore, #tpu.memory_space<semaphore_mem>>)
      %add3A_606 = arith.constant 1 : i32
      %add3A_607 = arith.addi %mul3A_336, %add3A_606 : i32
      %add3A_608 = arith.constant 10 : i32
      %add3A_609 = arith.addi %add3A_607, %add3A_608 : i32
      %lt3A_610 = arith.constant 40 : i32
      %lt3A_611 = arith.cmpi slt, %add3A_609, %lt3A_610 : i32
      %add3A_612 = arith.constant 10 : i32
      %add3A_613 = arith.addi %add3A_607, %add3A_612 : i32
      %select_n3A_614 = arith.select %lt3A_611, %add3A_613, %add3A_607 : i32
      %dma_wait3A_615 = arith.constant 1 : i32
      %dma_wait3A_616 = arith.constant 0 : i32
      %dma_wait3A_617 = arith.constant 0 : i32
      %dma_wait3A_618 = tpu.memref_slice %arg8[%dma_wait3A_615, %dma_wait3A_616, %dma_wait3A_617] : memref<10x128x16xf32, #tpu.memory_space<vmem>> -> memref<1x128x16xf32, #tpu.memory_space<vmem>>
      %dma_wait3A_619 = tpu.memref_squeeze %dma_wait3A_618 : memref<1x128x16xf32, #tpu.memory_space<vmem>> -> memref<128x16xf32, #tpu.memory_space<vmem>>
      %dma_wait3A_620 = arith.constant 0 : i32
      %dma_wait3A_621 = tpu.memref_slice %arg7[%add3A_607, %dma_wait3A_620] : memref<40x128xi32, #tpu.memory_space<vmem>> -> memref<1x128xi32, #tpu.memory_space<vmem>>
      %dma_wait3A_622 = tpu.memref_squeeze %dma_wait3A_621 : memref<1x128xi32, #tpu.memory_space<vmem>> -> memref<128xi32, #tpu.memory_space<vmem>>
      %dma_wait3A_623 = arith.constant 0 : i32
      %dma_wait3A_624 = arith.constant 0 : i32
      %dma_wait3A_625 = tpu.memref_slice %arg11[%dma_wait3A_623, %dma_wait3A_624] : memref<10240x16xf32, #tpu.memory_space<vmem_shared>> -> memref<10240x16xf32, #tpu.memory_space<vmem_shared>>
      tpu.wait_indirect_dma semaphore(%arg24 : memref<!tpu.dma_semaphore, #tpu.memory_space<semaphore_mem>>) src(%dma_wait3A_619 : memref<128x16xf32, #tpu.memory_space<vmem>>) dst(%dma_wait3A_625 : memref<10240x16xf32, #tpu.memory_space<vmem_shared>>)
      %dma_start3A_626 = arith.constant 1 : i32
      %dma_start3A_627 = arith.constant 0 : i32
      %dma_start3A_628 = arith.constant 0 : i32
      %dma_start3A_629 = tpu.memref_slice %arg8[%dma_start3A_626, %dma_start3A_627, %dma_start3A_628] : memref<10x128x16xf32, #tpu.memory_space<vmem>> -> memref<1x128x16xf32, #tpu.memory_space<vmem>>
      %dma_start3A_630 = tpu.memref_squeeze %dma_start3A_629 : memref<1x128x16xf32, #tpu.memory_space<vmem>> -> memref<128x16xf32, #tpu.memory_space<vmem>>
      %dma_start3A_631 = arith.constant 0 : i32
      %dma_start3A_632 = tpu.memref_slice %arg6[%select_n3A_614, %dma_start3A_631] : memref<40x128xi32, #tpu.memory_space<vmem>> -> memref<1x128xi32, #tpu.memory_space<vmem>>
      %dma_start3A_633 = tpu.memref_squeeze %dma_start3A_632 : memref<1x128xi32, #tpu.memory_space<vmem>> -> memref<128xi32, #tpu.memory_space<vmem>>
      %dma_start3A_634 = arith.constant 0 : i32
      %dma_start3A_635 = arith.constant 0 : i32
      %dma_start3A_636 = tpu.memref_slice %arg12[%dma_start3A_634, %dma_start3A_635] : memref<10240x16xf32, #tpu.memory_space<vmem_shared>> -> memref<10240x16xf32, #tpu.memory_space<vmem_shared>>
      tpu.enqueue_indirect_dma source(%dma_start3A_636 : memref<10240x16xf32, #tpu.memory_space<vmem_shared>>) target(%dma_start3A_630 : memref<128x16xf32, #tpu.memory_space<vmem>>) offsets(%dma_start3A_633 : memref<128xi32, #tpu.memory_space<vmem>>) semaphore(%arg14 : memref<!tpu.dma_semaphore, #tpu.memory_space<semaphore_mem>>)
      %add3A_637 = arith.constant 2 : i32
      %add3A_638 = arith.addi %mul3A_336, %add3A_637 : i32
      %add3A_639 = arith.constant 10 : i32
      %add3A_640 = arith.addi %add3A_638, %add3A_639 : i32
      %lt3A_641 = arith.constant 40 : i32
      %lt3A_642 = arith.cmpi slt, %add3A_640, %lt3A_641 : i32
      %add3A_643 = arith.constant 10 : i32
      %add3A_644 = arith.addi %add3A_638, %add3A_643 : i32
      %select_n3A_645 = arith.select %lt3A_642, %add3A_644, %add3A_638 : i32
      %dma_wait3A_646 = arith.constant 2 : i32
      %dma_wait3A_647 = arith.constant 0 : i32
      %dma_wait3A_648 = arith.constant 0 : i32
      %dma_wait3A_649 = tpu.memref_slice %arg8[%dma_wait3A_646, %dma_wait3A_647, %dma_wait3A_648] : memref<10x128x16xf32, #tpu.memory_space<vmem>> -> memref<1x128x16xf32, #tpu.memory_space<vmem>>
      %dma_wait3A_650 = tpu.memref_squeeze %dma_wait3A_649 : memref<1x128x16xf32, #tpu.memory_space<vmem>> -> memref<128x16xf32, #tpu.memory_space<vmem>>
      %dma_wait3A_651 = arith.constant 0 : i32
      %dma_wait3A_652 = tpu.memref_slice %arg7[%add3A_638, %dma_wait3A_651] : memref<40x128xi32, #tpu.memory_space<vmem>> -> memref<1x128xi32, #tpu.memory_space<vmem>>
      %dma_wait3A_653 = tpu.memref_squeeze %dma_wait3A_652 : memref<1x128xi32, #tpu.memory_space<vmem>> -> memref<128xi32, #tpu.memory_space<vmem>>
      %dma_wait3A_654 = arith.constant 0 : i32
      %dma_wait3A_655 = arith.constant 0 : i32
      %dma_wait3A_656 = tpu.memref_slice %arg11[%dma_wait3A_654, %dma_wait3A_655] : memref<10240x16xf32, #tpu.memory_space<vmem_shared>> -> memref<10240x16xf32, #tpu.memory_space<vmem_shared>>
      tpu.wait_indirect_dma semaphore(%arg25 : memref<!tpu.dma_semaphore, #tpu.memory_space<semaphore_mem>>) src(%dma_wait3A_650 : memref<128x16xf32, #tpu.memory_space<vmem>>) dst(%dma_wait3A_656 : memref<10240x16xf32, #tpu.memory_space<vmem_shared>>)
      %dma_start3A_657 = arith.constant 2 : i32
      %dma_start3A_658 = arith.constant 0 : i32
      %dma_start3A_659 = arith.constant 0 : i32
      %dma_start3A_660 = tpu.memref_slice %arg8[%dma_start3A_657, %dma_start3A_658, %dma_start3A_659] : memref<10x128x16xf32, #tpu.memory_space<vmem>> -> memref<1x128x16xf32, #tpu.memory_space<vmem>>
      %dma_start3A_661 = tpu.memref_squeeze %dma_start3A_660 : memref<1x128x16xf32, #tpu.memory_space<vmem>> -> memref<128x16xf32, #tpu.memory_space<vmem>>
      %dma_start3A_662 = arith.constant 0 : i32
      %dma_start3A_663 = tpu.memref_slice %arg6[%select_n3A_645, %dma_start3A_662] : memref<40x128xi32, #tpu.memory_space<vmem>> -> memref<1x128xi32, #tpu.memory_space<vmem>>
      %dma_start3A_664 = tpu.memref_squeeze %dma_start3A_663 : memref<1x128xi32, #tpu.memory_space<vmem>> -> memref<128xi32, #tpu.memory_space<vmem>>
      %dma_start3A_665 = arith.constant 0 : i32
      %dma_start3A_666 = arith.constant 0 : i32
      %dma_start3A_667 = tpu.memref_slice %arg12[%dma_start3A_665, %dma_start3A_666] : memref<10240x16xf32, #tpu.memory_space<vmem_shared>> -> memref<10240x16xf32, #tpu.memory_space<vmem_shared>>
      tpu.enqueue_indirect_dma source(%dma_start3A_667 : memref<10240x16xf32, #tpu.memory_space<vmem_shared>>) target(%dma_start3A_661 : memref<128x16xf32, #tpu.memory_space<vmem>>) offsets(%dma_start3A_664 : memref<128xi32, #tpu.memory_space<vmem>>) semaphore(%arg15 : memref<!tpu.dma_semaphore, #tpu.memory_space<semaphore_mem>>)
      %add3A_668 = arith.constant 3 : i32
      %add3A_669 = arith.addi %mul3A_336, %add3A_668 : i32
      %add3A_670 = arith.constant 10 : i32
      %add3A_671 = arith.addi %add3A_669, %add3A_670 : i32
      %lt3A_672 = arith.constant 40 : i32
      %lt3A_673 = arith.cmpi slt, %add3A_671, %lt3A_672 : i32
      %add3A_674 = arith.constant 10 : i32
      %add3A_675 = arith.addi %add3A_669, %add3A_674 : i32
      %select_n3A_676 = arith.select %lt3A_673, %add3A_675, %add3A_669 : i32
      %dma_wait3A_677 = arith.constant 3 : i32
      %dma_wait3A_678 = arith.constant 0 : i32
      %dma_wait3A_679 = arith.constant 0 : i32
      %dma_wait3A_680 = tpu.memref_slice %arg8[%dma_wait3A_677, %dma_wait3A_678, %dma_wait3A_679] : memref<10x128x16xf32, #tpu.memory_space<vmem>> -> memref<1x128x16xf32, #tpu.memory_space<vmem>>
      %dma_wait3A_681 = tpu.memref_squeeze %dma_wait3A_680 : memref<1x128x16xf32, #tpu.memory_space<vmem>> -> memref<128x16xf32, #tpu.memory_space<vmem>>
      %dma_wait3A_682 = arith.constant 0 : i32
      %dma_wait3A_683 = tpu.memref_slice %arg7[%add3A_669, %dma_wait3A_682] : memref<40x128xi32, #tpu.memory_space<vmem>> -> memref<1x128xi32, #tpu.memory_space<vmem>>
      %dma_wait3A_684 = tpu.memref_squeeze %dma_wait3A_683 : memref<1x128xi32, #tpu.memory_space<vmem>> -> memref<128xi32, #tpu.memory_space<vmem>>
      %dma_wait3A_685 = arith.constant 0 : i32
      %dma_wait3A_686 = arith.constant 0 : i32
      %dma_wait3A_687 = tpu.memref_slice %arg11[%dma_wait3A_685, %dma_wait3A_686] : memref<10240x16xf32, #tpu.memory_space<vmem_shared>> -> memref<10240x16xf32, #tpu.memory_space<vmem_shared>>
      tpu.wait_indirect_dma semaphore(%arg26 : memref<!tpu.dma_semaphore, #tpu.memory_space<semaphore_mem>>) src(%dma_wait3A_681 : memref<128x16xf32, #tpu.memory_space<vmem>>) dst(%dma_wait3A_687 : memref<10240x16xf32, #tpu.memory_space<vmem_shared>>)
      %dma_start3A_688 = arith.constant 3 : i32
      %dma_start3A_689 = arith.constant 0 : i32
      %dma_start3A_690 = arith.constant 0 : i32
      %dma_start3A_691 = tpu.memref_slice %arg8[%dma_start3A_688, %dma_start3A_689, %dma_start3A_690] : memref<10x128x16xf32, #tpu.memory_space<vmem>> -> memref<1x128x16xf32, #tpu.memory_space<vmem>>
      %dma_start3A_692 = tpu.memref_squeeze %dma_start3A_691 : memref<1x128x16xf32, #tpu.memory_space<vmem>> -> memref<128x16xf32, #tpu.memory_space<vmem>>
      %dma_start3A_693 = arith.constant 0 : i32
      %dma_start3A_694 = tpu.memref_slice %arg6[%select_n3A_676, %dma_start3A_693] : memref<40x128xi32, #tpu.memory_space<vmem>> -> memref<1x128xi32, #tpu.memory_space<vmem>>
      %dma_start3A_695 = tpu.memref_squeeze %dma_start3A_694 : memref<1x128xi32, #tpu.memory_space<vmem>> -> memref<128xi32, #tpu.memory_space<vmem>>
      %dma_start3A_696 = arith.constant 0 : i32
      %dma_start3A_697 = arith.constant 0 : i32
      %dma_start3A_698 = tpu.memref_slice %arg12[%dma_start3A_696, %dma_start3A_697] : memref<10240x16xf32, #tpu.memory_space<vmem_shared>> -> memref<10240x16xf32, #tpu.memory_space<vmem_shared>>
      tpu.enqueue_indirect_dma source(%dma_start3A_698 : memref<10240x16xf32, #tpu.memory_space<vmem_shared>>) target(%dma_start3A_692 : memref<128x16xf32, #tpu.memory_space<vmem>>) offsets(%dma_start3A_695 : memref<128xi32, #tpu.memory_space<vmem>>) semaphore(%arg16 : memref<!tpu.dma_semaphore, #tpu.memory_space<semaphore_mem>>)
      %add3A_699 = arith.constant 4 : i32
      %add3A_700 = arith.addi %mul3A_336, %add3A_699 : i32
      %add3A_701 = arith.constant 10 : i32
      %add3A_702 = arith.addi %add3A_700, %add3A_701 : i32
      %lt3A_703 = arith.constant 40 : i32
      %lt3A_704 = arith.cmpi slt, %add3A_702, %lt3A_703 : i32
      %add3A_705 = arith.constant 10 : i32
      %add3A_706 = arith.addi %add3A_700, %add3A_705 : i32
      %select_n3A_707 = arith.select %lt3A_704, %add3A_706, %add3A_700 : i32
      %dma_wait3A_708 = arith.constant 4 : i32
      %dma_wait3A_709 = arith.constant 0 : i32
      %dma_wait3A_710 = arith.constant 0 : i32
      %dma_wait3A_711 = tpu.memref_slice %arg8[%dma_wait3A_708, %dma_wait3A_709, %dma_wait3A_710] : memref<10x128x16xf32, #tpu.memory_space<vmem>> -> memref<1x128x16xf32, #tpu.memory_space<vmem>>
      %dma_wait3A_712 = tpu.memref_squeeze %dma_wait3A_711 : memref<1x128x16xf32, #tpu.memory_space<vmem>> -> memref<128x16xf32, #tpu.memory_space<vmem>>
      %dma_wait3A_713 = arith.constant 0 : i32
      %dma_wait3A_714 = tpu.memref_slice %arg7[%add3A_700, %dma_wait3A_713] : memref<40x128xi32, #tpu.memory_space<vmem>> -> memref<1x128xi32, #tpu.memory_space<vmem>>
      %dma_wait3A_715 = tpu.memref_squeeze %dma_wait3A_714 : memref<1x128xi32, #tpu.memory_space<vmem>> -> memref<128xi32, #tpu.memory_space<vmem>>
      %dma_wait3A_716 = arith.constant 0 : i32
      %dma_wait3A_717 = arith.constant 0 : i32
      %dma_wait3A_718 = tpu.memref_slice %arg11[%dma_wait3A_716, %dma_wait3A_717] : memref<10240x16xf32, #tpu.memory_space<vmem_shared>> -> memref<10240x16xf32, #tpu.memory_space<vmem_shared>>
      tpu.wait_indirect_dma semaphore(%arg27 : memref<!tpu.dma_semaphore, #tpu.memory_space<semaphore_mem>>) src(%dma_wait3A_712 : memref<128x16xf32, #tpu.memory_space<vmem>>) dst(%dma_wait3A_718 : memref<10240x16xf32, #tpu.memory_space<vmem_shared>>)
      %dma_start3A_719 = arith.constant 4 : i32
      %dma_start3A_720 = arith.constant 0 : i32
      %dma_start3A_721 = arith.constant 0 : i32
      %dma_start3A_722 = tpu.memref_slice %arg8[%dma_start3A_719, %dma_start3A_720, %dma_start3A_721] : memref<10x128x16xf32, #tpu.memory_space<vmem>> -> memref<1x128x16xf32, #tpu.memory_space<vmem>>
      %dma_start3A_723 = tpu.memref_squeeze %dma_start3A_722 : memref<1x128x16xf32, #tpu.memory_space<vmem>> -> memref<128x16xf32, #tpu.memory_space<vmem>>
      %dma_start3A_724 = arith.constant 0 : i32
      %dma_start3A_725 = tpu.memref_slice %arg6[%select_n3A_707, %dma_start3A_724] : memref<40x128xi32, #tpu.memory_space<vmem>> -> memref<1x128xi32, #tpu.memory_space<vmem>>
      %dma_start3A_726 = tpu.memref_squeeze %dma_start3A_725 : memref<1x128xi32, #tpu.memory_space<vmem>> -> memref<128xi32, #tpu.memory_space<vmem>>
      %dma_start3A_727 = arith.constant 0 : i32
      %dma_start3A_728 = arith.constant 0 : i32
      %dma_start3A_729 = tpu.memref_slice %arg12[%dma_start3A_727, %dma_start3A_728] : memref<10240x16xf32, #tpu.memory_space<vmem_shared>> -> memref<10240x16xf32, #tpu.memory_space<vmem_shared>>
      tpu.enqueue_indirect_dma source(%dma_start3A_729 : memref<10240x16xf32, #tpu.memory_space<vmem_shared>>) target(%dma_start3A_723 : memref<128x16xf32, #tpu.memory_space<vmem>>) offsets(%dma_start3A_726 : memref<128xi32, #tpu.memory_space<vmem>>) semaphore(%arg17 : memref<!tpu.dma_semaphore, #tpu.memory_space<semaphore_mem>>)
      %add3A_730 = arith.constant 5 : i32
      %add3A_731 = arith.addi %mul3A_336, %add3A_730 : i32
      %add3A_732 = arith.constant 10 : i32
      %add3A_733 = arith.addi %add3A_731, %add3A_732 : i32
      %lt3A_734 = arith.constant 40 : i32
      %lt3A_735 = arith.cmpi slt, %add3A_733, %lt3A_734 : i32
      %add3A_736 = arith.constant 10 : i32
      %add3A_737 = arith.addi %add3A_731, %add3A_736 : i32
      %select_n3A_738 = arith.select %lt3A_735, %add3A_737, %add3A_731 : i32
      %dma_wait3A_739 = arith.constant 5 : i32
      %dma_wait3A_740 = arith.constant 0 : i32
      %dma_wait3A_741 = arith.constant 0 : i32
      %dma_wait3A_742 = tpu.memref_slice %arg8[%dma_wait3A_739, %dma_wait3A_740, %dma_wait3A_741] : memref<10x128x16xf32, #tpu.memory_space<vmem>> -> memref<1x128x16xf32, #tpu.memory_space<vmem>>
      %dma_wait3A_743 = tpu.memref_squeeze %dma_wait3A_742 : memref<1x128x16xf32, #tpu.memory_space<vmem>> -> memref<128x16xf32, #tpu.memory_space<vmem>>
      %dma_wait3A_744 = arith.constant 0 : i32
      %dma_wait3A_745 = tpu.memref_slice %arg7[%add3A_731, %dma_wait3A_744] : memref<40x128xi32, #tpu.memory_space<vmem>> -> memref<1x128xi32, #tpu.memory_space<vmem>>
      %dma_wait3A_746 = tpu.memref_squeeze %dma_wait3A_745 : memref<1x128xi32, #tpu.memory_space<vmem>> -> memref<128xi32, #tpu.memory_space<vmem>>
      %dma_wait3A_747 = arith.constant 0 : i32
      %dma_wait3A_748 = arith.constant 0 : i32
      %dma_wait3A_749 = tpu.memref_slice %arg11[%dma_wait3A_747, %dma_wait3A_748] : memref<10240x16xf32, #tpu.memory_space<vmem_shared>> -> memref<10240x16xf32, #tpu.memory_space<vmem_shared>>
      tpu.wait_indirect_dma semaphore(%arg28 : memref<!tpu.dma_semaphore, #tpu.memory_space<semaphore_mem>>) src(%dma_wait3A_743 : memref<128x16xf32, #tpu.memory_space<vmem>>) dst(%dma_wait3A_749 : memref<10240x16xf32, #tpu.memory_space<vmem_shared>>)
      %dma_start3A_750 = arith.constant 5 : i32
      %dma_start3A_751 = arith.constant 0 : i32
      %dma_start3A_752 = arith.constant 0 : i32
      %dma_start3A_753 = tpu.memref_slice %arg8[%dma_start3A_750, %dma_start3A_751, %dma_start3A_752] : memref<10x128x16xf32, #tpu.memory_space<vmem>> -> memref<1x128x16xf32, #tpu.memory_space<vmem>>
      %dma_start3A_754 = tpu.memref_squeeze %dma_start3A_753 : memref<1x128x16xf32, #tpu.memory_space<vmem>> -> memref<128x16xf32, #tpu.memory_space<vmem>>
      %dma_start3A_755 = arith.constant 0 : i32
      %dma_start3A_756 = tpu.memref_slice %arg6[%select_n3A_738, %dma_start3A_755] : memref<40x128xi32, #tpu.memory_space<vmem>> -> memref<1x128xi32, #tpu.memory_space<vmem>>
      %dma_start3A_757 = tpu.memref_squeeze %dma_start3A_756 : memref<1x128xi32, #tpu.memory_space<vmem>> -> memref<128xi32, #tpu.memory_space<vmem>>
      %dma_start3A_758 = arith.constant 0 : i32
      %dma_start3A_759 = arith.constant 0 : i32
      %dma_start3A_760 = tpu.memref_slice %arg12[%dma_start3A_758, %dma_start3A_759] : memref<10240x16xf32, #tpu.memory_space<vmem_shared>> -> memref<10240x16xf32, #tpu.memory_space<vmem_shared>>
      tpu.enqueue_indirect_dma source(%dma_start3A_760 : memref<10240x16xf32, #tpu.memory_space<vmem_shared>>) target(%dma_start3A_754 : memref<128x16xf32, #tpu.memory_space<vmem>>) offsets(%dma_start3A_757 : memref<128xi32, #tpu.memory_space<vmem>>) semaphore(%arg18 : memref<!tpu.dma_semaphore, #tpu.memory_space<semaphore_mem>>)
      %add3A_761 = arith.constant 6 : i32
      %add3A_762 = arith.addi %mul3A_336, %add3A_761 : i32
      %add3A_763 = arith.constant 10 : i32
      %add3A_764 = arith.addi %add3A_762, %add3A_763 : i32
      %lt3A_765 = arith.constant 40 : i32
      %lt3A_766 = arith.cmpi slt, %add3A_764, %lt3A_765 : i32
      %add3A_767 = arith.constant 10 : i32
      %add3A_768 = arith.addi %add3A_762, %add3A_767 : i32
      %select_n3A_769 = arith.select %lt3A_766, %add3A_768, %add3A_762 : i32
      %dma_wait3A_770 = arith.constant 6 : i32
      %dma_wait3A_771 = arith.constant 0 : i32
      %dma_wait3A_772 = arith.constant 0 : i32
      %dma_wait3A_773 = tpu.memref_slice %arg8[%dma_wait3A_770, %dma_wait3A_771, %dma_wait3A_772] : memref<10x128x16xf32, #tpu.memory_space<vmem>> -> memref<1x128x16xf32, #tpu.memory_space<vmem>>
      %dma_wait3A_774 = tpu.memref_squeeze %dma_wait3A_773 : memref<1x128x16xf32, #tpu.memory_space<vmem>> -> memref<128x16xf32, #tpu.memory_space<vmem>>
      %dma_wait3A_775 = arith.constant 0 : i32
      %dma_wait3A_776 = tpu.memref_slice %arg7[%add3A_762, %dma_wait3A_775] : memref<40x128xi32, #tpu.memory_space<vmem>> -> memref<1x128xi32, #tpu.memory_space<vmem>>
      %dma_wait3A_777 = tpu.memref_squeeze %dma_wait3A_776 : memref<1x128xi32, #tpu.memory_space<vmem>> -> memref<128xi32, #tpu.memory_space<vmem>>
      %dma_wait3A_778 = arith.constant 0 : i32
      %dma_wait3A_779 = arith.constant 0 : i32
      %dma_wait3A_780 = tpu.memref_slice %arg11[%dma_wait3A_778, %dma_wait3A_779] : memref<10240x16xf32, #tpu.memory_space<vmem_shared>> -> memref<10240x16xf32, #tpu.memory_space<vmem_shared>>
      tpu.wait_indirect_dma semaphore(%arg29 : memref<!tpu.dma_semaphore, #tpu.memory_space<semaphore_mem>>) src(%dma_wait3A_774 : memref<128x16xf32, #tpu.memory_space<vmem>>) dst(%dma_wait3A_780 : memref<10240x16xf32, #tpu.memory_space<vmem_shared>>)
      %dma_start3A_781 = arith.constant 6 : i32
      %dma_start3A_782 = arith.constant 0 : i32
      %dma_start3A_783 = arith.constant 0 : i32
      %dma_start3A_784 = tpu.memref_slice %arg8[%dma_start3A_781, %dma_start3A_782, %dma_start3A_783] : memref<10x128x16xf32, #tpu.memory_space<vmem>> -> memref<1x128x16xf32, #tpu.memory_space<vmem>>
      %dma_start3A_785 = tpu.memref_squeeze %dma_start3A_784 : memref<1x128x16xf32, #tpu.memory_space<vmem>> -> memref<128x16xf32, #tpu.memory_space<vmem>>
      %dma_start3A_786 = arith.constant 0 : i32
      %dma_start3A_787 = tpu.memref_slice %arg6[%select_n3A_769, %dma_start3A_786] : memref<40x128xi32, #tpu.memory_space<vmem>> -> memref<1x128xi32, #tpu.memory_space<vmem>>
      %dma_start3A_788 = tpu.memref_squeeze %dma_start3A_787 : memref<1x128xi32, #tpu.memory_space<vmem>> -> memref<128xi32, #tpu.memory_space<vmem>>
      %dma_start3A_789 = arith.constant 0 : i32
      %dma_start3A_790 = arith.constant 0 : i32
      %dma_start3A_791 = tpu.memref_slice %arg12[%dma_start3A_789, %dma_start3A_790] : memref<10240x16xf32, #tpu.memory_space<vmem_shared>> -> memref<10240x16xf32, #tpu.memory_space<vmem_shared>>
      tpu.enqueue_indirect_dma source(%dma_start3A_791 : memref<10240x16xf32, #tpu.memory_space<vmem_shared>>) target(%dma_start3A_785 : memref<128x16xf32, #tpu.memory_space<vmem>>) offsets(%dma_start3A_788 : memref<128xi32, #tpu.memory_space<vmem>>) semaphore(%arg19 : memref<!tpu.dma_semaphore, #tpu.memory_space<semaphore_mem>>)
      %add3A_792 = arith.constant 7 : i32
      %add3A_793 = arith.addi %mul3A_336, %add3A_792 : i32
      %add3A_794 = arith.constant 10 : i32
      %add3A_795 = arith.addi %add3A_793, %add3A_794 : i32
      %lt3A_796 = arith.constant 40 : i32
      %lt3A_797 = arith.cmpi slt, %add3A_795, %lt3A_796 : i32
      %add3A_798 = arith.constant 10 : i32
      %add3A_799 = arith.addi %add3A_793, %add3A_798 : i32
      %select_n3A_800 = arith.select %lt3A_797, %add3A_799, %add3A_793 : i32
      %dma_wait3A_801 = arith.constant 7 : i32
      %dma_wait3A_802 = arith.constant 0 : i32
      %dma_wait3A_803 = arith.constant 0 : i32
      %dma_wait3A_804 = tpu.memref_slice %arg8[%dma_wait3A_801, %dma_wait3A_802, %dma_wait3A_803] : memref<10x128x16xf32, #tpu.memory_space<vmem>> -> memref<1x128x16xf32, #tpu.memory_space<vmem>>
      %dma_wait3A_805 = tpu.memref_squeeze %dma_wait3A_804 : memref<1x128x16xf32, #tpu.memory_space<vmem>> -> memref<128x16xf32, #tpu.memory_space<vmem>>
      %dma_wait3A_806 = arith.constant 0 : i32
      %dma_wait3A_807 = tpu.memref_slice %arg7[%add3A_793, %dma_wait3A_806] : memref<40x128xi32, #tpu.memory_space<vmem>> -> memref<1x128xi32, #tpu.memory_space<vmem>>
      %dma_wait3A_808 = tpu.memref_squeeze %dma_wait3A_807 : memref<1x128xi32, #tpu.memory_space<vmem>> -> memref<128xi32, #tpu.memory_space<vmem>>
      %dma_wait3A_809 = arith.constant 0 : i32
      %dma_wait3A_810 = arith.constant 0 : i32
      %dma_wait3A_811 = tpu.memref_slice %arg11[%dma_wait3A_809, %dma_wait3A_810] : memref<10240x16xf32, #tpu.memory_space<vmem_shared>> -> memref<10240x16xf32, #tpu.memory_space<vmem_shared>>
      tpu.wait_indirect_dma semaphore(%arg30 : memref<!tpu.dma_semaphore, #tpu.memory_space<semaphore_mem>>) src(%dma_wait3A_805 : memref<128x16xf32, #tpu.memory_space<vmem>>) dst(%dma_wait3A_811 : memref<10240x16xf32, #tpu.memory_space<vmem_shared>>)
      %dma_start3A_812 = arith.constant 7 : i32
      %dma_start3A_813 = arith.constant 0 : i32
      %dma_start3A_814 = arith.constant 0 : i32
      %dma_start3A_815 = tpu.memref_slice %arg8[%dma_start3A_812, %dma_start3A_813, %dma_start3A_814] : memref<10x128x16xf32, #tpu.memory_space<vmem>> -> memref<1x128x16xf32, #tpu.memory_space<vmem>>
      %dma_start3A_816 = tpu.memref_squeeze %dma_start3A_815 : memref<1x128x16xf32, #tpu.memory_space<vmem>> -> memref<128x16xf32, #tpu.memory_space<vmem>>
      %dma_start3A_817 = arith.constant 0 : i32
      %dma_start3A_818 = tpu.memref_slice %arg6[%select_n3A_800, %dma_start3A_817] : memref<40x128xi32, #tpu.memory_space<vmem>> -> memref<1x128xi32, #tpu.memory_space<vmem>>
      %dma_start3A_819 = tpu.memref_squeeze %dma_start3A_818 : memref<1x128xi32, #tpu.memory_space<vmem>> -> memref<128xi32, #tpu.memory_space<vmem>>
      %dma_start3A_820 = arith.constant 0 : i32
      %dma_start3A_821 = arith.constant 0 : i32
      %dma_start3A_822 = tpu.memref_slice %arg12[%dma_start3A_820, %dma_start3A_821] : memref<10240x16xf32, #tpu.memory_space<vmem_shared>> -> memref<10240x16xf32, #tpu.memory_space<vmem_shared>>
      tpu.enqueue_indirect_dma source(%dma_start3A_822 : memref<10240x16xf32, #tpu.memory_space<vmem_shared>>) target(%dma_start3A_816 : memref<128x16xf32, #tpu.memory_space<vmem>>) offsets(%dma_start3A_819 : memref<128xi32, #tpu.memory_space<vmem>>) semaphore(%arg20 : memref<!tpu.dma_semaphore, #tpu.memory_space<semaphore_mem>>)
      %add3A_823 = arith.constant 8 : i32
      %add3A_824 = arith.addi %mul3A_336, %add3A_823 : i32
      %add3A_825 = arith.constant 10 : i32
      %add3A_826 = arith.addi %add3A_824, %add3A_825 : i32
      %lt3A_827 = arith.constant 40 : i32
      %lt3A_828 = arith.cmpi slt, %add3A_826, %lt3A_827 : i32
      %add3A_829 = arith.constant 10 : i32
      %add3A_830 = arith.addi %add3A_824, %add3A_829 : i32
      %select_n3A_831 = arith.select %lt3A_828, %add3A_830, %add3A_824 : i32
      %dma_wait3A_832 = arith.constant 8 : i32
      %dma_wait3A_833 = arith.constant 0 : i32
      %dma_wait3A_834 = arith.constant 0 : i32
      %dma_wait3A_835 = tpu.memref_slice %arg8[%dma_wait3A_832, %dma_wait3A_833, %dma_wait3A_834] : memref<10x128x16xf32, #tpu.memory_space<vmem>> -> memref<1x128x16xf32, #tpu.memory_space<vmem>>
      %dma_wait3A_836 = tpu.memref_squeeze %dma_wait3A_835 : memref<1x128x16xf32, #tpu.memory_space<vmem>> -> memref<128x16xf32, #tpu.memory_space<vmem>>
      %dma_wait3A_837 = arith.constant 0 : i32
      %dma_wait3A_838 = tpu.memref_slice %arg7[%add3A_824, %dma_wait3A_837] : memref<40x128xi32, #tpu.memory_space<vmem>> -> memref<1x128xi32, #tpu.memory_space<vmem>>
      %dma_wait3A_839 = tpu.memref_squeeze %dma_wait3A_838 : memref<1x128xi32, #tpu.memory_space<vmem>> -> memref<128xi32, #tpu.memory_space<vmem>>
      %dma_wait3A_840 = arith.constant 0 : i32
      %dma_wait3A_841 = arith.constant 0 : i32
      %dma_wait3A_842 = tpu.memref_slice %arg11[%dma_wait3A_840, %dma_wait3A_841] : memref<10240x16xf32, #tpu.memory_space<vmem_shared>> -> memref<10240x16xf32, #tpu.memory_space<vmem_shared>>
      tpu.wait_indirect_dma semaphore(%arg31 : memref<!tpu.dma_semaphore, #tpu.memory_space<semaphore_mem>>) src(%dma_wait3A_836 : memref<128x16xf32, #tpu.memory_space<vmem>>) dst(%dma_wait3A_842 : memref<10240x16xf32, #tpu.memory_space<vmem_shared>>)
      %dma_start3A_843 = arith.constant 8 : i32
      %dma_start3A_844 = arith.constant 0 : i32
      %dma_start3A_845 = arith.constant 0 : i32
      %dma_start3A_846 = tpu.memref_slice %arg8[%dma_start3A_843, %dma_start3A_844, %dma_start3A_845] : memref<10x128x16xf32, #tpu.memory_space<vmem>> -> memref<1x128x16xf32, #tpu.memory_space<vmem>>
      %dma_start3A_847 = tpu.memref_squeeze %dma_start3A_846 : memref<1x128x16xf32, #tpu.memory_space<vmem>> -> memref<128x16xf32, #tpu.memory_space<vmem>>
      %dma_start3A_848 = arith.constant 0 : i32
      %dma_start3A_849 = tpu.memref_slice %arg6[%select_n3A_831, %dma_start3A_848] : memref<40x128xi32, #tpu.memory_space<vmem>> -> memref<1x128xi32, #tpu.memory_space<vmem>>
      %dma_start3A_850 = tpu.memref_squeeze %dma_start3A_849 : memref<1x128xi32, #tpu.memory_space<vmem>> -> memref<128xi32, #tpu.memory_space<vmem>>
      %dma_start3A_851 = arith.constant 0 : i32
      %dma_start3A_852 = arith.constant 0 : i32
      %dma_start3A_853 = tpu.memref_slice %arg12[%dma_start3A_851, %dma_start3A_852] : memref<10240x16xf32, #tpu.memory_space<vmem_shared>> -> memref<10240x16xf32, #tpu.memory_space<vmem_shared>>
      tpu.enqueue_indirect_dma source(%dma_start3A_853 : memref<10240x16xf32, #tpu.memory_space<vmem_shared>>) target(%dma_start3A_847 : memref<128x16xf32, #tpu.memory_space<vmem>>) offsets(%dma_start3A_850 : memref<128xi32, #tpu.memory_space<vmem>>) semaphore(%arg21 : memref<!tpu.dma_semaphore, #tpu.memory_space<semaphore_mem>>)
      %add3A_854 = arith.constant 9 : i32
      %add3A_855 = arith.addi %mul3A_336, %add3A_854 : i32
      %add3A_856 = arith.constant 10 : i32
      %add3A_857 = arith.addi %add3A_855, %add3A_856 : i32
      %lt3A_858 = arith.constant 40 : i32
      %lt3A_859 = arith.cmpi slt, %add3A_857, %lt3A_858 : i32
      %add3A_860 = arith.constant 10 : i32
      %add3A_861 = arith.addi %add3A_855, %add3A_860 : i32
      %select_n3A_862 = arith.select %lt3A_859, %add3A_861, %add3A_855 : i32
      %dma_wait3A_863 = arith.constant 9 : i32
      %dma_wait3A_864 = arith.constant 0 : i32
      %dma_wait3A_865 = arith.constant 0 : i32
      %dma_wait3A_866 = tpu.memref_slice %arg8[%dma_wait3A_863, %dma_wait3A_864, %dma_wait3A_865] : memref<10x128x16xf32, #tpu.memory_space<vmem>> -> memref<1x128x16xf32, #tpu.memory_space<vmem>>
      %dma_wait3A_867 = tpu.memref_squeeze %dma_wait3A_866 : memref<1x128x16xf32, #tpu.memory_space<vmem>> -> memref<128x16xf32, #tpu.memory_space<vmem>>
      %dma_wait3A_868 = arith.constant 0 : i32
      %dma_wait3A_869 = tpu.memref_slice %arg7[%add3A_855, %dma_wait3A_868] : memref<40x128xi32, #tpu.memory_space<vmem>> -> memref<1x128xi32, #tpu.memory_space<vmem>>
      %dma_wait3A_870 = tpu.memref_squeeze %dma_wait3A_869 : memref<1x128xi32, #tpu.memory_space<vmem>> -> memref<128xi32, #tpu.memory_space<vmem>>
      %dma_wait3A_871 = arith.constant 0 : i32
      %dma_wait3A_872 = arith.constant 0 : i32
      %dma_wait3A_873 = tpu.memref_slice %arg11[%dma_wait3A_871, %dma_wait3A_872] : memref<10240x16xf32, #tpu.memory_space<vmem_shared>> -> memref<10240x16xf32, #tpu.memory_space<vmem_shared>>
      tpu.wait_indirect_dma semaphore(%arg32 : memref<!tpu.dma_semaphore, #tpu.memory_space<semaphore_mem>>) src(%dma_wait3A_867 : memref<128x16xf32, #tpu.memory_space<vmem>>) dst(%dma_wait3A_873 : memref<10240x16xf32, #tpu.memory_space<vmem_shared>>)
      %dma_start3A_874 = arith.constant 9 : i32
      %dma_start3A_875 = arith.constant 0 : i32
      %dma_start3A_876 = arith.constant 0 : i32
      %dma_start3A_877 = tpu.memref_slice %arg8[%dma_start3A_874, %dma_start3A_875, %dma_start3A_876] : memref<10x128x16xf32, #tpu.memory_space<vmem>> -> memref<1x128x16xf32, #tpu.memory_space<vmem>>
      %dma_start3A_878 = tpu.memref_squeeze %dma_start3A_877 : memref<1x128x16xf32, #tpu.memory_space<vmem>> -> memref<128x16xf32, #tpu.memory_space<vmem>>
      %dma_start3A_879 = arith.constant 0 : i32
      %dma_start3A_880 = tpu.memref_slice %arg6[%select_n3A_862, %dma_start3A_879] : memref<40x128xi32, #tpu.memory_space<vmem>> -> memref<1x128xi32, #tpu.memory_space<vmem>>
      %dma_start3A_881 = tpu.memref_squeeze %dma_start3A_880 : memref<1x128xi32, #tpu.memory_space<vmem>> -> memref<128xi32, #tpu.memory_space<vmem>>
      %dma_start3A_882 = arith.constant 0 : i32
      %dma_start3A_883 = arith.constant 0 : i32
      %dma_start3A_884 = tpu.memref_slice %arg12[%dma_start3A_882, %dma_start3A_883] : memref<10240x16xf32, #tpu.memory_space<vmem_shared>> -> memref<10240x16xf32, #tpu.memory_space<vmem_shared>>
      tpu.enqueue_indirect_dma source(%dma_start3A_884 : memref<10240x16xf32, #tpu.memory_space<vmem_shared>>) target(%dma_start3A_878 : memref<128x16xf32, #tpu.memory_space<vmem>>) offsets(%dma_start3A_881 : memref<128xi32, #tpu.memory_space<vmem>>) semaphore(%arg22 : memref<!tpu.dma_semaphore, #tpu.memory_space<semaphore_mem>>)
    }
    %scan3A_208 = arith.constant 4 : i32
    %dma_wait3A_209 = arith.constant 0 : i32
    %dma_wait3A_210 = arith.constant 0 : i32
    %dma_wait3A_211 = arith.constant 0 : i32
    %dma_wait3A_212 = arith.constant 0 : i32
    %dma_wait3A_213 = tpu.memref_slice %arg8[%dma_wait3A_210, %dma_wait3A_211, %dma_wait3A_212] : memref<10x128x16xf32, #tpu.memory_space<vmem>> -> memref<1x128x16xf32, #tpu.memory_space<vmem>>
    %dma_wait3A_214 = tpu.memref_squeeze %dma_wait3A_213 : memref<1x128x16xf32, #tpu.memory_space<vmem>> -> memref<128x16xf32, #tpu.memory_space<vmem>>
    %dma_wait3A_215 = arith.constant 0 : i32
    %dma_wait3A_216 = tpu.memref_slice %arg6[%dma_wait3A_209, %dma_wait3A_215] : memref<40x128xi32, #tpu.memory_space<vmem>> -> memref<1x128xi32, #tpu.memory_space<vmem>>
    %dma_wait3A_217 = tpu.memref_squeeze %dma_wait3A_216 : memref<1x128xi32, #tpu.memory_space<vmem>> -> memref<128xi32, #tpu.memory_space<vmem>>
    %dma_wait3A_218 = arith.constant 0 : i32
    %dma_wait3A_219 = arith.constant 0 : i32
    %dma_wait3A_220 = tpu.memref_slice %arg12[%dma_wait3A_218, %dma_wait3A_219] : memref<10240x16xf32, #tpu.memory_space<vmem_shared>> -> memref<10240x16xf32, #tpu.memory_space<vmem_shared>>
    tpu.wait_indirect_dma semaphore(%arg13 : memref<!tpu.dma_semaphore, #tpu.memory_space<semaphore_mem>>) src(%dma_wait3A_220 : memref<10240x16xf32, #tpu.memory_space<vmem_shared>>) dst(%dma_wait3A_214 : memref<128x16xf32, #tpu.memory_space<vmem>>)
    %dma_wait3A_221 = arith.constant 1 : i32
    %dma_wait3A_222 = arith.constant 1 : i32
    %dma_wait3A_223 = arith.constant 0 : i32
    %dma_wait3A_224 = arith.constant 0 : i32
    %dma_wait3A_225 = tpu.memref_slice %arg8[%dma_wait3A_222, %dma_wait3A_223, %dma_wait3A_224] : memref<10x128x16xf32, #tpu.memory_space<vmem>> -> memref<1x128x16xf32, #tpu.memory_space<vmem>>
    %dma_wait3A_226 = tpu.memref_squeeze %dma_wait3A_225 : memref<1x128x16xf32, #tpu.memory_space<vmem>> -> memref<128x16xf32, #tpu.memory_space<vmem>>
    %dma_wait3A_227 = arith.constant 0 : i32
    %dma_wait3A_228 = tpu.memref_slice %arg6[%dma_wait3A_221, %dma_wait3A_227] : memref<40x128xi32, #tpu.memory_space<vmem>> -> memref<1x128xi32, #tpu.memory_space<vmem>>
    %dma_wait3A_229 = tpu.memref_squeeze %dma_wait3A_228 : memref<1x128xi32, #tpu.memory_space<vmem>> -> memref<128xi32, #tpu.memory_space<vmem>>
    %dma_wait3A_230 = arith.constant 0 : i32
    %dma_wait3A_231 = arith.constant 0 : i32
    %dma_wait3A_232 = tpu.memref_slice %arg12[%dma_wait3A_230, %dma_wait3A_231] : memref<10240x16xf32, #tpu.memory_space<vmem_shared>> -> memref<10240x16xf32, #tpu.memory_space<vmem_shared>>
    tpu.wait_indirect_dma semaphore(%arg14 : memref<!tpu.dma_semaphore, #tpu.memory_space<semaphore_mem>>) src(%dma_wait3A_232 : memref<10240x16xf32, #tpu.memory_space<vmem_shared>>) dst(%dma_wait3A_226 : memref<128x16xf32, #tpu.memory_space<vmem>>)
    %dma_wait3A_233 = arith.constant 2 : i32
    %dma_wait3A_234 = arith.constant 2 : i32
    %dma_wait3A_235 = arith.constant 0 : i32
    %dma_wait3A_236 = arith.constant 0 : i32
    %dma_wait3A_237 = tpu.memref_slice %arg8[%dma_wait3A_234, %dma_wait3A_235, %dma_wait3A_236] : memref<10x128x16xf32, #tpu.memory_space<vmem>> -> memref<1x128x16xf32, #tpu.memory_space<vmem>>
    %dma_wait3A_238 = tpu.memref_squeeze %dma_wait3A_237 : memref<1x128x16xf32, #tpu.memory_space<vmem>> -> memref<128x16xf32, #tpu.memory_space<vmem>>
    %dma_wait3A_239 = arith.constant 0 : i32
    %dma_wait3A_240 = tpu.memref_slice %arg6[%dma_wait3A_233, %dma_wait3A_239] : memref<40x128xi32, #tpu.memory_space<vmem>> -> memref<1x128xi32, #tpu.memory_space<vmem>>
    %dma_wait3A_241 = tpu.memref_squeeze %dma_wait3A_240 : memref<1x128xi32, #tpu.memory_space<vmem>> -> memref<128xi32, #tpu.memory_space<vmem>>
    %dma_wait3A_242 = arith.constant 0 : i32
    %dma_wait3A_243 = arith.constant 0 : i32
    %dma_wait3A_244 = tpu.memref_slice %arg12[%dma_wait3A_242, %dma_wait3A_243] : memref<10240x16xf32, #tpu.memory_space<vmem_shared>> -> memref<10240x16xf32, #tpu.memory_space<vmem_shared>>
    tpu.wait_indirect_dma semaphore(%arg15 : memref<!tpu.dma_semaphore, #tpu.memory_space<semaphore_mem>>) src(%dma_wait3A_244 : memref<10240x16xf32, #tpu.memory_space<vmem_shared>>) dst(%dma_wait3A_238 : memref<128x16xf32, #tpu.memory_space<vmem>>)
    %dma_wait3A_245 = arith.constant 3 : i32
    %dma_wait3A_246 = arith.constant 3 : i32
    %dma_wait3A_247 = arith.constant 0 : i32
    %dma_wait3A_248 = arith.constant 0 : i32
    %dma_wait3A_249 = tpu.memref_slice %arg8[%dma_wait3A_246, %dma_wait3A_247, %dma_wait3A_248] : memref<10x128x16xf32, #tpu.memory_space<vmem>> -> memref<1x128x16xf32, #tpu.memory_space<vmem>>
    %dma_wait3A_250 = tpu.memref_squeeze %dma_wait3A_249 : memref<1x128x16xf32, #tpu.memory_space<vmem>> -> memref<128x16xf32, #tpu.memory_space<vmem>>
    %dma_wait3A_251 = arith.constant 0 : i32
    %dma_wait3A_252 = tpu.memref_slice %arg6[%dma_wait3A_245, %dma_wait3A_251] : memref<40x128xi32, #tpu.memory_space<vmem>> -> memref<1x128xi32, #tpu.memory_space<vmem>>
    %dma_wait3A_253 = tpu.memref_squeeze %dma_wait3A_252 : memref<1x128xi32, #tpu.memory_space<vmem>> -> memref<128xi32, #tpu.memory_space<vmem>>
    %dma_wait3A_254 = arith.constant 0 : i32
    %dma_wait3A_255 = arith.constant 0 : i32
    %dma_wait3A_256 = tpu.memref_slice %arg12[%dma_wait3A_254, %dma_wait3A_255] : memref<10240x16xf32, #tpu.memory_space<vmem_shared>> -> memref<10240x16xf32, #tpu.memory_space<vmem_shared>>
    tpu.wait_indirect_dma semaphore(%arg16 : memref<!tpu.dma_semaphore, #tpu.memory_space<semaphore_mem>>) src(%dma_wait3A_256 : memref<10240x16xf32, #tpu.memory_space<vmem_shared>>) dst(%dma_wait3A_250 : memref<128x16xf32, #tpu.memory_space<vmem>>)
    %dma_wait3A_257 = arith.constant 4 : i32
    %dma_wait3A_258 = arith.constant 4 : i32
    %dma_wait3A_259 = arith.constant 0 : i32
    %dma_wait3A_260 = arith.constant 0 : i32
    %dma_wait3A_261 = tpu.memref_slice %arg8[%dma_wait3A_258, %dma_wait3A_259, %dma_wait3A_260] : memref<10x128x16xf32, #tpu.memory_space<vmem>> -> memref<1x128x16xf32, #tpu.memory_space<vmem>>
    %dma_wait3A_262 = tpu.memref_squeeze %dma_wait3A_261 : memref<1x128x16xf32, #tpu.memory_space<vmem>> -> memref<128x16xf32, #tpu.memory_space<vmem>>
    %dma_wait3A_263 = arith.constant 0 : i32
    %dma_wait3A_264 = tpu.memref_slice %arg6[%dma_wait3A_257, %dma_wait3A_263] : memref<40x128xi32, #tpu.memory_space<vmem>> -> memref<1x128xi32, #tpu.memory_space<vmem>>
    %dma_wait3A_265 = tpu.memref_squeeze %dma_wait3A_264 : memref<1x128xi32, #tpu.memory_space<vmem>> -> memref<128xi32, #tpu.memory_space<vmem>>
    %dma_wait3A_266 = arith.constant 0 : i32
    %dma_wait3A_267 = arith.constant 0 : i32
    %dma_wait3A_268 = tpu.memref_slice %arg12[%dma_wait3A_266, %dma_wait3A_267] : memref<10240x16xf32, #tpu.memory_space<vmem_shared>> -> memref<10240x16xf32, #tpu.memory_space<vmem_shared>>
    tpu.wait_indirect_dma semaphore(%arg17 : memref<!tpu.dma_semaphore, #tpu.memory_space<semaphore_mem>>) src(%dma_wait3A_268 : memref<10240x16xf32, #tpu.memory_space<vmem_shared>>) dst(%dma_wait3A_262 : memref<128x16xf32, #tpu.memory_space<vmem>>)
    %dma_wait3A_269 = arith.constant 5 : i32
    %dma_wait3A_270 = arith.constant 5 : i32
    %dma_wait3A_271 = arith.constant 0 : i32
    %dma_wait3A_272 = arith.constant 0 : i32
    %dma_wait3A_273 = tpu.memref_slice %arg8[%dma_wait3A_270, %dma_wait3A_271, %dma_wait3A_272] : memref<10x128x16xf32, #tpu.memory_space<vmem>> -> memref<1x128x16xf32, #tpu.memory_space<vmem>>
    %dma_wait3A_274 = tpu.memref_squeeze %dma_wait3A_273 : memref<1x128x16xf32, #tpu.memory_space<vmem>> -> memref<128x16xf32, #tpu.memory_space<vmem>>
    %dma_wait3A_275 = arith.constant 0 : i32
    %dma_wait3A_276 = tpu.memref_slice %arg6[%dma_wait3A_269, %dma_wait3A_275] : memref<40x128xi32, #tpu.memory_space<vmem>> -> memref<1x128xi32, #tpu.memory_space<vmem>>
    %dma_wait3A_277 = tpu.memref_squeeze %dma_wait3A_276 : memref<1x128xi32, #tpu.memory_space<vmem>> -> memref<128xi32, #tpu.memory_space<vmem>>
    %dma_wait3A_278 = arith.constant 0 : i32
    %dma_wait3A_279 = arith.constant 0 : i32
    %dma_wait3A_280 = tpu.memref_slice %arg12[%dma_wait3A_278, %dma_wait3A_279] : memref<10240x16xf32, #tpu.memory_space<vmem_shared>> -> memref<10240x16xf32, #tpu.memory_space<vmem_shared>>
    tpu.wait_indirect_dma semaphore(%arg18 : memref<!tpu.dma_semaphore, #tpu.memory_space<semaphore_mem>>) src(%dma_wait3A_280 : memref<10240x16xf32, #tpu.memory_space<vmem_shared>>) dst(%dma_wait3A_274 : memref<128x16xf32, #tpu.memory_space<vmem>>)
    %dma_wait3A_281 = arith.constant 6 : i32
    %dma_wait3A_282 = arith.constant 6 : i32
    %dma_wait3A_283 = arith.constant 0 : i32
    %dma_wait3A_284 = arith.constant 0 : i32
    %dma_wait3A_285 = tpu.memref_slice %arg8[%dma_wait3A_282, %dma_wait3A_283, %dma_wait3A_284] : memref<10x128x16xf32, #tpu.memory_space<vmem>> -> memref<1x128x16xf32, #tpu.memory_space<vmem>>
    %dma_wait3A_286 = tpu.memref_squeeze %dma_wait3A_285 : memref<1x128x16xf32, #tpu.memory_space<vmem>> -> memref<128x16xf32, #tpu.memory_space<vmem>>
    %dma_wait3A_287 = arith.constant 0 : i32
    %dma_wait3A_288 = tpu.memref_slice %arg6[%dma_wait3A_281, %dma_wait3A_287] : memref<40x128xi32, #tpu.memory_space<vmem>> -> memref<1x128xi32, #tpu.memory_space<vmem>>
    %dma_wait3A_289 = tpu.memref_squeeze %dma_wait3A_288 : memref<1x128xi32, #tpu.memory_space<vmem>> -> memref<128xi32, #tpu.memory_space<vmem>>
    %dma_wait3A_290 = arith.constant 0 : i32
    %dma_wait3A_291 = arith.constant 0 : i32
    %dma_wait3A_292 = tpu.memref_slice %arg12[%dma_wait3A_290, %dma_wait3A_291] : memref<10240x16xf32, #tpu.memory_space<vmem_shared>> -> memref<10240x16xf32, #tpu.memory_space<vmem_shared>>
    tpu.wait_indirect_dma semaphore(%arg19 : memref<!tpu.dma_semaphore, #tpu.memory_space<semaphore_mem>>) src(%dma_wait3A_292 : memref<10240x16xf32, #tpu.memory_space<vmem_shared>>) dst(%dma_wait3A_286 : memref<128x16xf32, #tpu.memory_space<vmem>>)
    %dma_wait3A_293 = arith.constant 7 : i32
    %dma_wait3A_294 = arith.constant 7 : i32
    %dma_wait3A_295 = arith.constant 0 : i32
    %dma_wait3A_296 = arith.constant 0 : i32
    %dma_wait3A_297 = tpu.memref_slice %arg8[%dma_wait3A_294, %dma_wait3A_295, %dma_wait3A_296] : memref<10x128x16xf32, #tpu.memory_space<vmem>> -> memref<1x128x16xf32, #tpu.memory_space<vmem>>
    %dma_wait3A_298 = tpu.memref_squeeze %dma_wait3A_297 : memref<1x128x16xf32, #tpu.memory_space<vmem>> -> memref<128x16xf32, #tpu.memory_space<vmem>>
    %dma_wait3A_299 = arith.constant 0 : i32
    %dma_wait3A_300 = tpu.memref_slice %arg6[%dma_wait3A_293, %dma_wait3A_299] : memref<40x128xi32, #tpu.memory_space<vmem>> -> memref<1x128xi32, #tpu.memory_space<vmem>>
    %dma_wait3A_301 = tpu.memref_squeeze %dma_wait3A_300 : memref<1x128xi32, #tpu.memory_space<vmem>> -> memref<128xi32, #tpu.memory_space<vmem>>
    %dma_wait3A_302 = arith.constant 0 : i32
    %dma_wait3A_303 = arith.constant 0 : i32
    %dma_wait3A_304 = tpu.memref_slice %arg12[%dma_wait3A_302, %dma_wait3A_303] : memref<10240x16xf32, #tpu.memory_space<vmem_shared>> -> memref<10240x16xf32, #tpu.memory_space<vmem_shared>>
    tpu.wait_indirect_dma semaphore(%arg20 : memref<!tpu.dma_semaphore, #tpu.memory_space<semaphore_mem>>) src(%dma_wait3A_304 : memref<10240x16xf32, #tpu.memory_space<vmem_shared>>) dst(%dma_wait3A_298 : memref<128x16xf32, #tpu.memory_space<vmem>>)
    %dma_wait3A_305 = arith.constant 8 : i32
    %dma_wait3A_306 = arith.constant 8 : i32
    %dma_wait3A_307 = arith.constant 0 : i32
    %dma_wait3A_308 = arith.constant 0 : i32
    %dma_wait3A_309 = tpu.memref_slice %arg8[%dma_wait3A_306, %dma_wait3A_307, %dma_wait3A_308] : memref<10x128x16xf32, #tpu.memory_space<vmem>> -> memref<1x128x16xf32, #tpu.memory_space<vmem>>
    %dma_wait3A_310 = tpu.memref_squeeze %dma_wait3A_309 : memref<1x128x16xf32, #tpu.memory_space<vmem>> -> memref<128x16xf32, #tpu.memory_space<vmem>>
    %dma_wait3A_311 = arith.constant 0 : i32
    %dma_wait3A_312 = tpu.memref_slice %arg6[%dma_wait3A_305, %dma_wait3A_311] : memref<40x128xi32, #tpu.memory_space<vmem>> -> memref<1x128xi32, #tpu.memory_space<vmem>>
    %dma_wait3A_313 = tpu.memref_squeeze %dma_wait3A_312 : memref<1x128xi32, #tpu.memory_space<vmem>> -> memref<128xi32, #tpu.memory_space<vmem>>
    %dma_wait3A_314 = arith.constant 0 : i32
    %dma_wait3A_315 = arith.constant 0 : i32
    %dma_wait3A_316 = tpu.memref_slice %arg12[%dma_wait3A_314, %dma_wait3A_315] : memref<10240x16xf32, #tpu.memory_space<vmem_shared>> -> memref<10240x16xf32, #tpu.memory_space<vmem_shared>>
    tpu.wait_indirect_dma semaphore(%arg21 : memref<!tpu.dma_semaphore, #tpu.memory_space<semaphore_mem>>) src(%dma_wait3A_316 : memref<10240x16xf32, #tpu.memory_space<vmem_shared>>) dst(%dma_wait3A_310 : memref<128x16xf32, #tpu.memory_space<vmem>>)
    %dma_wait3A_317 = arith.constant 9 : i32
    %dma_wait3A_318 = arith.constant 9 : i32
    %dma_wait3A_319 = arith.constant 0 : i32
    %dma_wait3A_320 = arith.constant 0 : i32
    %dma_wait3A_321 = tpu.memref_slice %arg8[%dma_wait3A_318, %dma_wait3A_319, %dma_wait3A_320] : memref<10x128x16xf32, #tpu.memory_space<vmem>> -> memref<1x128x16xf32, #tpu.memory_space<vmem>>
    %dma_wait3A_322 = tpu.memref_squeeze %dma_wait3A_321 : memref<1x128x16xf32, #tpu.memory_space<vmem>> -> memref<128x16xf32, #tpu.memory_space<vmem>>
    %dma_wait3A_323 = arith.constant 0 : i32
    %dma_wait3A_324 = tpu.memref_slice %arg6[%dma_wait3A_317, %dma_wait3A_323] : memref<40x128xi32, #tpu.memory_space<vmem>> -> memref<1x128xi32, #tpu.memory_space<vmem>>
    %dma_wait3A_325 = tpu.memref_squeeze %dma_wait3A_324 : memref<1x128xi32, #tpu.memory_space<vmem>> -> memref<128xi32, #tpu.memory_space<vmem>>
    %dma_wait3A_326 = arith.constant 0 : i32
    %dma_wait3A_327 = arith.constant 0 : i32
    %dma_wait3A_328 = tpu.memref_slice %arg12[%dma_wait3A_326, %dma_wait3A_327] : memref<10240x16xf32, #tpu.memory_space<vmem_shared>> -> memref<10240x16xf32, #tpu.memory_space<vmem_shared>>
    tpu.wait_indirect_dma semaphore(%arg22 : memref<!tpu.dma_semaphore, #tpu.memory_space<semaphore_mem>>) src(%dma_wait3A_328 : memref<10240x16xf32, #tpu.memory_space<vmem_shared>>) dst(%dma_wait3A_322 : memref<128x16xf32, #tpu.memory_space<vmem>>)
    %barrier3A_329 = arith.constant 0 : index
    tpu.barrier barrier_id(%barrier3A_329)
    %mul3A_330 = arith.constant 625 : i32
    %mul3A_331 = arith.muli %arg1, %mul3A_330 : i32
    "tpu.region"() ({
      %run_scoped3A_334 = tpu.sem_alloc : memref<!tpu.dma_semaphore, #tpu.memory_space<semaphore_mem>>
      %dma_start3A_335 = arith.constant 0 : i32
      %dma_start3A_336 = arith.constant 0 : i32
      %dma_start3A_337 = tpu.memref_slice %arg10[%dma_start3A_335, %dma_start3A_336] : memref<640x16xf32, #tpu.memory_space<vmem>> -> memref<625x16xf32, #tpu.memory_space<vmem>>
      %dma_start3A_338 = arith.constant 0 : i32
      %dma_start3A_339 = tpu.memref_slice %arg11[%mul3A_331, %dma_start3A_338] : memref<10240x16xf32, #tpu.memory_space<vmem_shared>> -> memref<625x16xf32, #tpu.memory_space<vmem_shared>>
      %dma_start3A_340 = arith.constant 0 : i32
      %dma_start3A_341 = arith.constant 0 : i32
      %dma_start3A_342 = tpu.memref_slice %arg10[%dma_start3A_340, %dma_start3A_341] : memref<640x16xf32, #tpu.memory_space<vmem>> -> memref<625x16xf32, #tpu.memory_space<vmem>>
      %dma_start3A_343 = arith.constant 0 : i32
      %dma_start3A_344 = tpu.memref_slice %arg11[%mul3A_331, %dma_start3A_343] : memref<10240x16xf32, #tpu.memory_space<vmem_shared>> -> memref<625x16xf32, #tpu.memory_space<vmem_shared>>
      tpu.enqueue_dma source(%dma_start3A_344 : memref<625x16xf32, #tpu.memory_space<vmem_shared>>) target(%dma_start3A_342 : memref<625x16xf32, #tpu.memory_space<vmem>>) target_semaphore(%run_scoped3A_334 : memref<!tpu.dma_semaphore, #tpu.memory_space<semaphore_mem>>)
      %dma_wait3A_345 = arith.constant 0 : i32
      %dma_wait3A_346 = arith.constant 0 : i32
      %dma_wait3A_347 = tpu.memref_slice %arg10[%dma_wait3A_345, %dma_wait3A_346] : memref<640x16xf32, #tpu.memory_space<vmem>> -> memref<625x16xf32, #tpu.memory_space<vmem>>
      %dma_wait3A_348 = arith.constant 0 : i32
      %dma_wait3A_349 = tpu.memref_slice %arg11[%mul3A_331, %dma_wait3A_348] : memref<10240x16xf32, #tpu.memory_space<vmem_shared>> -> memref<625x16xf32, #tpu.memory_space<vmem_shared>>
      %dma_wait3A_350 = arith.constant 0 : i32
      %dma_wait3A_351 = arith.constant 0 : i32
      %dma_wait3A_352 = tpu.memref_slice %arg10[%dma_wait3A_350, %dma_wait3A_351] : memref<640x16xf32, #tpu.memory_space<vmem>> -> memref<625x16xf32, #tpu.memory_space<vmem>>
      %dma_wait3A_353 = arith.constant 0 : i32
      %dma_wait3A_354 = tpu.memref_slice %arg11[%mul3A_331, %dma_wait3A_353] : memref<10240x16xf32, #tpu.memory_space<vmem_shared>> -> memref<625x16xf32, #tpu.memory_space<vmem_shared>>
      tpu.wait_dma2 semaphore(%run_scoped3A_334 : memref<!tpu.dma_semaphore, #tpu.memory_space<semaphore_mem>>) src(%dma_wait3A_354 : memref<625x16xf32, #tpu.memory_space<vmem_shared>>) dst(%dma_wait3A_352 : memref<625x16xf32, #tpu.memory_space<vmem>>)
      tpu.yield
    }) : () -> ()
    %mul3A_332 = arith.constant 625 : i32
    %mul3A_333 = arith.muli %arg1, %mul3A_332 : i32
    "tpu.region"() ({
      %run_scoped3A_334 = tpu.sem_alloc : memref<!tpu.dma_semaphore, #tpu.memory_space<semaphore_mem>>
      %dma_start3A_335 = arith.constant 0 : i32
      %dma_start3A_336 = arith.constant 0 : i32
      %dma_start3A_337 = tpu.memref_slice %arg10[%dma_start3A_335, %dma_start3A_336] : memref<640x16xf32, #tpu.memory_space<vmem>> -> memref<625x16xf32, #tpu.memory_space<vmem>>
      %dma_start3A_338 = arith.constant 0 : i32
      %dma_start3A_339 = tpu.memref_slice %arg5[%arg0, %mul3A_333, %dma_start3A_338] : memref<2x10000x16xf32, #tpu.memory_space<hbm>> -> memref<1x625x16xf32, #tpu.memory_space<hbm>>
      %dma_start3A_340 = tpu.memref_squeeze %dma_start3A_339 : memref<1x625x16xf32, #tpu.memory_space<hbm>> -> memref<625x16xf32, #tpu.memory_space<hbm>>
      %dma_start3A_341 = arith.constant 0 : i32
      %dma_start3A_342 = tpu.memref_slice %arg5[%arg0, %mul3A_333, %dma_start3A_341] : memref<2x10000x16xf32, #tpu.memory_space<hbm>> -> memref<1x625x16xf32, #tpu.memory_space<hbm>>
      %dma_start3A_343 = tpu.memref_squeeze %dma_start3A_342 : memref<1x625x16xf32, #tpu.memory_space<hbm>> -> memref<625x16xf32, #tpu.memory_space<hbm>>
      %dma_start3A_344 = arith.constant 0 : i32
      %dma_start3A_345 = arith.constant 0 : i32
      %dma_start3A_346 = tpu.memref_slice %arg10[%dma_start3A_344, %dma_start3A_345] : memref<640x16xf32, #tpu.memory_space<vmem>> -> memref<625x16xf32, #tpu.memory_space<vmem>>
      tpu.enqueue_dma source(%dma_start3A_346 : memref<625x16xf32, #tpu.memory_space<vmem>>) target(%dma_start3A_343 : memref<625x16xf32, #tpu.memory_space<hbm>>) target_semaphore(%run_scoped3A_334 : memref<!tpu.dma_semaphore, #tpu.memory_space<semaphore_mem>>)
      %dma_wait3A_347 = arith.constant 0 : i32
      %dma_wait3A_348 = arith.constant 0 : i32
      %dma_wait3A_349 = tpu.memref_slice %arg10[%dma_wait3A_347, %dma_wait3A_348] : memref<640x16xf32, #tpu.memory_space<vmem>> -> memref<625x16xf32, #tpu.memory_space<vmem>>
      %dma_wait3A_350 = arith.constant 0 : i32
      %dma_wait3A_351 = tpu.memref_slice %arg5[%arg0, %mul3A_333, %dma_wait3A_350] : memref<2x10000x16xf32, #tpu.memory_space<hbm>> -> memref<1x625x16xf32, #tpu.memory_space<hbm>>
      %dma_wait3A_352 = tpu.memref_squeeze %dma_wait3A_351 : memref<1x625x16xf32, #tpu.memory_space<hbm>> -> memref<625x16xf32, #tpu.memory_space<hbm>>
      %dma_wait3A_353 = arith.constant 0 : i32
      %dma_wait3A_354 = tpu.memref_slice %arg5[%arg0, %mul3A_333, %dma_wait3A_353] : memref<2x10000x16xf32, #tpu.memory_space<hbm>> -> memref<1x625x16xf32, #tpu.memory_space<hbm>>
      %dma_wait3A_355 = tpu.memref_squeeze %dma_wait3A_354 : memref<1x625x16xf32, #tpu.memory_space<hbm>> -> memref<625x16xf32, #tpu.memory_space<hbm>>
      %dma_wait3A_356 = arith.constant 0 : i32
      %dma_wait3A_357 = arith.constant 0 : i32
      %dma_wait3A_358 = tpu.memref_slice %arg10[%dma_wait3A_356, %dma_wait3A_357] : memref<640x16xf32, #tpu.memory_space<vmem>> -> memref<625x16xf32, #tpu.memory_space<vmem>>
      tpu.wait_dma2 semaphore(%run_scoped3A_334 : memref<!tpu.dma_semaphore, #tpu.memory_space<semaphore_mem>>) src(%dma_wait3A_358 : memref<625x16xf32, #tpu.memory_space<vmem>>) dst(%dma_wait3A_355 : memref<625x16xf32, #tpu.memory_space<hbm>>)
      tpu.yield
    }) : () -> ()
    return
  }
}

module attributes {stable_mosaic.version = 14 : i64} {
  func.func @_mm1_body(%arg0: memref<10000x256xf32, #tpu.memory_space<vmem>>, %arg1: memref<2048x128xf32, #tpu.memory_space<vmem>>, %arg2: memref<1250x128xf32, #tpu.memory_space<vmem>>) attributes {dimension_semantics = [], scalar_prefetch = 0 : i64, scratch_operands = 0 : i64, tpu.core_type = #tpu.core_type<tc>} {
    %get3A = arith.constant 0 : index
    %get3A_0 = arith.constant 0 : index
    %get3A_1 = vector.load %arg0[%get3A, %get3A_0] : memref<10000x256xf32, #tpu.memory_space<vmem>>, vector<10000x256xf32>
    %reshape3A = vector.shape_cast %get3A_1 : vector<10000x256xf32> to vector<1250x2048xf32>
    %get3A_2 = arith.constant 0 : index
    %get3A_3 = arith.constant 0 : index
    %get3A_4 = vector.load %arg1[%get3A_2, %get3A_3] : memref<2048x128xf32, #tpu.memory_space<vmem>>, vector<2048x128xf32>
    %dot_general3A = arith.constant dense<0.000000e+00> : vector<1250x128xf32>
    %dot_general3A_5 = tpu.matmul %reshape3A, %get3A_4, %dot_general3A {dimension_numbers = #tpu.dot_dimension_numbers<[1], [0], [0], [1], [0, 0, 1, 1], [], []>, transpose_lhs_hint = false} : vector<1250x2048xf32>, vector<2048x128xf32>, vector<1250x128xf32> -> vector<1250x128xf32>
    %swap3A = arith.constant 0 : index
    %swap3A_6 = arith.constant 0 : index
    %swap3A_7 = vector.load %arg2[%swap3A, %swap3A_6] : memref<1250x128xf32, #tpu.memory_space<vmem>>, vector<1250x128xf32>
    tpu.vector_store %arg2[%swap3A, %swap3A_6], %dot_general3A_5 {strides = array<i32>} : memref<1250x128xf32, #tpu.memory_space<vmem>>, vector<1250x128xf32>,
    return
  }
}

module attributes {stable_mosaic.version = 14 : i64} {
  func.func @_scale1_body(%arg0: memref<1250x128xf32, #tpu.memory_space<vmem>>, %arg1: memref<2x1250x128xf32, #tpu.memory_space<vmem>>, %arg2: memref<1250x128xf32, #tpu.memory_space<vmem>>, %arg3: memref<1250x128xf32, #tpu.memory_space<vmem>>, %arg4: memref<1250x128xf32, #tpu.memory_space<vmem>>, %arg5: memref<1250x128xf32, #tpu.memory_space<vmem>>) attributes {dimension_semantics = [], scalar_prefetch = 0 : i64, scratch_operands = 0 : i64, tpu.core_type = #tpu.core_type<tc>} {
    %get3A = arith.constant 0 : index
    %get3A_0 = arith.constant 0 : index
    %get3A_1 = arith.constant 0 : index
    %get3A_2 = vector.load %arg1[%get3A, %get3A_0, %get3A_1] : memref<2x1250x128xf32, #tpu.memory_space<vmem>>, vector<1x1250x128xf32>
    %get3A_3 = vector.shape_cast %get3A_2 : vector<1x1250x128xf32> to vector<1250x128xf32>
    %get3A_4 = arith.constant 1 : index
    %get3A_5 = arith.constant 0 : index
    %get3A_6 = arith.constant 0 : index
    %get3A_7 = vector.load %arg1[%get3A_4, %get3A_5, %get3A_6] : memref<2x1250x128xf32, #tpu.memory_space<vmem>>, vector<1x1250x128xf32>
    %get3A_8 = vector.shape_cast %get3A_7 : vector<1x1250x128xf32> to vector<1250x128xf32>
    %add3A = arith.addf %get3A_3, %get3A_8 : vector<1250x128xf32>
    %add3A_9 = arith.constant 1.000000e+00 : f32
    %add3A_10 = vector.broadcast %add3A_9 : f32 to vector<1250x128xf32>
    %add3A_11 = arith.addf %add3A, %add3A_10 : vector<1250x128xf32>
    %rsqrt3A = math.rsqrt %add3A_11 : vector<1250x128xf32>
    %div3A = arith.constant 1.000000e+00 : f32
    %div3A_12 = vector.broadcast %div3A : f32 to vector<1250x128xf32>
    %div3A_13 = arith.divf %div3A_12, %add3A_11 : vector<1250x128xf32>
    %get3A_14 = arith.constant 0 : index
    %get3A_15 = arith.constant 0 : index
    %get3A_16 = vector.load %arg0[%get3A_14, %get3A_15] : memref<1250x128xf32, #tpu.memory_space<vmem>>, vector<1250x128xf32>
    %mul3A = arith.mulf %get3A_16, %rsqrt3A : vector<1250x128xf32>
    %swap3A = arith.constant 0 : index
    %swap3A_17 = arith.constant 0 : index
    %swap3A_18 = vector.load %arg2[%swap3A, %swap3A_17] : memref<1250x128xf32, #tpu.memory_space<vmem>>, vector<1250x128xf32>
    tpu.vector_store %arg2[%swap3A, %swap3A_17], %mul3A {strides = array<i32>} : memref<1250x128xf32, #tpu.memory_space<vmem>>, vector<1250x128xf32>,
    %mul3A_19 = arith.mulf %get3A_16, %div3A_13 : vector<1250x128xf32>
    %swap3A_20 = arith.constant 0 : index
    %swap3A_21 = arith.constant 0 : index
    %swap3A_22 = vector.load %arg3[%swap3A_20, %swap3A_21] : memref<1250x128xf32, #tpu.memory_space<vmem>>, vector<1250x128xf32>
    tpu.vector_store %arg3[%swap3A_20, %swap3A_21], %mul3A_19 {strides = array<i32>} : memref<1250x128xf32, #tpu.memory_space<vmem>>, vector<1250x128xf32>,
    %swap3A_23 = arith.constant 0 : index
    %swap3A_24 = arith.constant 0 : index
    %swap3A_25 = vector.load %arg4[%swap3A_23, %swap3A_24] : memref<1250x128xf32, #tpu.memory_space<vmem>>, vector<1250x128xf32>
    tpu.vector_store %arg4[%swap3A_23, %swap3A_24], %rsqrt3A {strides = array<i32>} : memref<1250x128xf32, #tpu.memory_space<vmem>>, vector<1250x128xf32>,
    %swap3A_26 = arith.constant 0 : index
    %swap3A_27 = arith.constant 0 : index
    %swap3A_28 = vector.load %arg5[%swap3A_26, %swap3A_27] : memref<1250x128xf32, #tpu.memory_space<vmem>>, vector<1250x128xf32>
    tpu.vector_store %arg5[%swap3A_26, %swap3A_27], %div3A_13 {strides = array<i32>} : memref<1250x128xf32, #tpu.memory_space<vmem>>, vector<1250x128xf32>,
    return
  }
}

module attributes {stable_mosaic.version = 14 : i64} {
  func.func @_mm2_body(%arg0: memref<2x1250x128xf32, #tpu.memory_space<vmem>>, %arg1: memref<1250x128xf32, #tpu.memory_space<vmem>>, %arg2: memref<1250x128xf32, #tpu.memory_space<vmem>>, %arg3: memref<1250x128xf32, #tpu.memory_space<vmem>>, %arg4: memref<1x128xf32, #tpu.memory_space<vmem>>, %arg5: memref<128x128xf32, #tpu.memory_space<vmem>>, %arg6: memref<1250x128xf32, #tpu.memory_space<vmem>>, %arg7: memref<1250x128xf32, #tpu.memory_space<vmem>>) attributes {dimension_semantics = [], scalar_prefetch = 0 : i64, scratch_operands = 0 : i64, tpu.core_type = #tpu.core_type<tc>} {
    %get3A = arith.constant 0 : index
    %get3A_0 = arith.constant 0 : index
    %get3A_1 = vector.load %arg2[%get3A, %get3A_0] : memref<1250x128xf32, #tpu.memory_space<vmem>>, vector<1250x128xf32>
    %get3A_2 = arith.constant 0 : index
    %get3A_3 = arith.constant 0 : index
    %get3A_4 = arith.constant 0 : index
    %get3A_5 = vector.load %arg0[%get3A_2, %get3A_3, %get3A_4] : memref<2x1250x128xf32, #tpu.memory_space<vmem>>, vector<1x1250x128xf32>
    %get3A_6 = vector.shape_cast %get3A_5 : vector<1x1250x128xf32> to vector<1250x128xf32>
    %get3A_7 = arith.constant 1 : index
    %get3A_8 = arith.constant 0 : index
    %get3A_9 = arith.constant 0 : index
    %get3A_10 = vector.load %arg0[%get3A_7, %get3A_8, %get3A_9] : memref<2x1250x128xf32, #tpu.memory_space<vmem>>, vector<1x1250x128xf32>
    %get3A_11 = vector.shape_cast %get3A_10 : vector<1x1250x128xf32> to vector<1250x128xf32>
    %add3A = arith.addf %get3A_6, %get3A_11 : vector<1250x128xf32>
    %mul3A = arith.mulf %get3A_1, %add3A : vector<1250x128xf32>
    %get3A_12 = arith.constant 0 : index
    %get3A_13 = arith.constant 0 : index
    %get3A_14 = vector.load %arg1[%get3A_12, %get3A_13] : memref<1250x128xf32, #tpu.memory_space<vmem>>, vector<1250x128xf32>
    %add3A_15 = arith.addf %mul3A, %get3A_14 : vector<1250x128xf32>
    %get3A_16 = arith.constant 0 : index
    %get3A_17 = arith.constant 0 : index
    %get3A_18 = vector.load %arg4[%get3A_16, %get3A_17] : memref<1x128xf32, #tpu.memory_space<vmem>>, vector<1x128xf32>
    %add3A_19 = vector.broadcast %get3A_18 : vector<1x128xf32> to vector<1250x128xf32>
    %add3A_20 = arith.addf %add3A_15, %add3A_19 : vector<1250x128xf32>
    %max3A = arith.constant 0.000000e+00 : f32
    %max3A_21 = vector.broadcast %max3A : f32 to vector<1250x128xf32>
    %max3A_22 = arith.maximumf %add3A_20, %max3A_21 : vector<1250x128xf32>
    %get3A_23 = arith.constant 0 : index
    %get3A_24 = arith.constant 0 : index
    %get3A_25 = vector.load %arg5[%get3A_23, %get3A_24] : memref<128x128xf32, #tpu.memory_space<vmem>>, vector<128x128xf32>
    %dot_general3A = arith.constant dense<0.000000e+00> : vector<1250x128xf32>
    %dot_general3A_26 = tpu.matmul %max3A_22, %get3A_25, %dot_general3A {dimension_numbers = #tpu.dot_dimension_numbers<[1], [0], [0], [1], [0, 0, 1, 1], [], []>, transpose_lhs_hint = false} : vector<1250x128xf32>, vector<128x128xf32>, vector<1250x128xf32> -> vector<1250x128xf32>
    %mul3A_27 = arith.mulf %dot_general3A_26, %get3A_1 : vector<1250x128xf32>
    %swap3A = arith.constant 0 : index
    %swap3A_28 = arith.constant 0 : index
    %swap3A_29 = vector.load %arg6[%swap3A, %swap3A_28] : memref<1250x128xf32, #tpu.memory_space<vmem>>, vector<1250x128xf32>
    tpu.vector_store %arg6[%swap3A, %swap3A_28], %mul3A_27 {strides = array<i32>} : memref<1250x128xf32, #tpu.memory_space<vmem>>, vector<1250x128xf32>,
    %get3A_30 = arith.constant 0 : index
    %get3A_31 = arith.constant 0 : index
    %get3A_32 = vector.load %arg3[%get3A_30, %get3A_31] : memref<1250x128xf32, #tpu.memory_space<vmem>>, vector<1250x128xf32>
    %mul3A_33 = arith.mulf %dot_general3A_26, %get3A_32 : vector<1250x128xf32>
    %swap3A_34 = arith.constant 0 : index
    %swap3A_35 = arith.constant 0 : index
    %swap3A_36 = vector.load %arg7[%swap3A_34, %swap3A_35] : memref<1250x128xf32, #tpu.memory_space<vmem>>, vector<1250x128xf32>
    tpu.vector_store %arg7[%swap3A_34, %swap3A_35], %mul3A_33 {strides = array<i32>} : memref<1250x128xf32, #tpu.memory_space<vmem>>, vector<1250x128xf32>,
    return
  }
}

module attributes {stable_mosaic.version = 14 : i64} {
  func.func @_out_body(%arg0: memref<2x1250x128xf32, #tpu.memory_space<vmem>>, %arg1: memref<1250x128xf32, #tpu.memory_space<vmem>>, %arg2: memref<1250x128xf32, #tpu.memory_space<vmem>>, %arg3: memref<1x128xf32, #tpu.memory_space<vmem>>, %arg4: memref<128x128xf32, #tpu.memory_space<vmem>>, %arg5: memref<1250x128xf32, #tpu.memory_space<vmem>>) attributes {dimension_semantics = [], scalar_prefetch = 0 : i64, scratch_operands = 0 : i64, tpu.core_type = #tpu.core_type<tc>} {
    %get3A = arith.constant 0 : index
    %get3A_0 = arith.constant 0 : index
    %get3A_1 = vector.load %arg2[%get3A, %get3A_0] : memref<1250x128xf32, #tpu.memory_space<vmem>>, vector<1250x128xf32>
    %get3A_2 = arith.constant 0 : index
    %get3A_3 = arith.constant 0 : index
    %get3A_4 = arith.constant 0 : index
    %get3A_5 = vector.load %arg0[%get3A_2, %get3A_3, %get3A_4] : memref<2x1250x128xf32, #tpu.memory_space<vmem>>, vector<1x1250x128xf32>
    %get3A_6 = vector.shape_cast %get3A_5 : vector<1x1250x128xf32> to vector<1250x128xf32>
    %get3A_7 = arith.constant 1 : index
    %get3A_8 = arith.constant 0 : index
    %get3A_9 = arith.constant 0 : index
    %get3A_10 = vector.load %arg0[%get3A_7, %get3A_8, %get3A_9] : memref<2x1250x128xf32, #tpu.memory_space<vmem>>, vector<1x1250x128xf32>
    %get3A_11 = vector.shape_cast %get3A_10 : vector<1x1250x128xf32> to vector<1250x128xf32>
    %add3A = arith.addf %get3A_6, %get3A_11 : vector<1250x128xf32>
    %mul3A = arith.mulf %get3A_1, %add3A : vector<1250x128xf32>
    %get3A_12 = arith.constant 0 : index
    %get3A_13 = arith.constant 0 : index
    %get3A_14 = vector.load %arg1[%get3A_12, %get3A_13] : memref<1250x128xf32, #tpu.memory_space<vmem>>, vector<1250x128xf32>
    %add3A_15 = arith.addf %mul3A, %get3A_14 : vector<1250x128xf32>
    %get3A_16 = arith.constant 0 : index
    %get3A_17 = arith.constant 0 : index
    %get3A_18 = vector.load %arg3[%get3A_16, %get3A_17] : memref<1x128xf32, #tpu.memory_space<vmem>>, vector<1x128xf32>
    %add3A_19 = vector.broadcast %get3A_18 : vector<1x128xf32> to vector<1250x128xf32>
    %add3A_20 = arith.addf %add3A_15, %add3A_19 : vector<1250x128xf32>
    %reduce_max3A = arith.constant dense<0xFF800000> : vector<1250xf32>
    %reduce_max3A_21 = vector.multi_reduction <maximumf>, %add3A_20, %reduce_max3A [1] : vector<1250x128xf32> to vector<1250xf32>
    %broadcast_in_dim3A = vector.shape_cast %reduce_max3A_21 : vector<1250xf32> to vector<1250x1xf32>
    %sub3A = vector.broadcast %broadcast_in_dim3A : vector<1250x1xf32> to vector<1250x128xf32>
    %sub3A_22 = arith.subf %add3A_20, %sub3A : vector<1250x128xf32>
    %exp3A = math.exp %sub3A_22 : vector<1250x128xf32>
    %get3A_23 = arith.constant 0 : index
    %get3A_24 = arith.constant 0 : index
    %get3A_25 = vector.load %arg4[%get3A_23, %get3A_24] : memref<128x128xf32, #tpu.memory_space<vmem>>, vector<128x128xf32>
    %dot_general3A = arith.constant dense<0.000000e+00> : vector<1250x128xf32>
    %dot_general3A_26 = tpu.matmul %exp3A, %get3A_25, %dot_general3A {dimension_numbers = #tpu.dot_dimension_numbers<[1], [0], [0], [1], [0, 0, 1, 1], [], []>, transpose_lhs_hint = false} : vector<1250x128xf32>, vector<128x128xf32>, vector<1250x128xf32> -> vector<1250x128xf32>
    %sub3A_27 = vector.broadcast %broadcast_in_dim3A : vector<1250x1xf32> to vector<1250x128xf32>
    %sub3A_28 = arith.subf %add3A_20, %sub3A_27 : vector<1250x128xf32>
    %log3A = math.log %dot_general3A_26 : vector<1250x128xf32>
    %sub3A_29 = arith.subf %sub3A_28, %log3A : vector<1250x128xf32>
    %swap3A = arith.constant 0 : index
    %swap3A_30 = arith.constant 0 : index
    %swap3A_31 = vector.load %arg5[%swap3A, %swap3A_30] : memref<1250x128xf32, #tpu.memory_space<vmem>>, vector<1250x128xf32>
    tpu.vector_store %arg5[%swap3A, %swap3A_30], %sub3A_29 {strides = array<i32>} : memref<1250x128xf32, #tpu.memory_space<vmem>>, vector<1250x128xf32>,
    return
  }
}

</mosaic_0001>

<sc_bundles>
// kernel: kernel.12.cloned.1.call-start
scs
__scs_entry_jumppad:
0x0: {  	(pc) =	sbr.rel $0x88, $3  }
0x1: {  	(tag) =	ssettag $0x0;
	lr =	simm.s32 $0x1  }
0x2: {  	[smem:$0x3F9B] =	sst lr;
	_ =	strace $0xD0000000  }
0x3: {  	_ = 	snop  }
0x4: {  	_ = 	snop  }
0x5: {  	_ = 	snop  }
0x6: {  	_ = 	snop  }
0x7: {  	_ = 	snop  }
__scs_overlays_trampoline_lowered:
0x8: {  	[smem:$0x3FAA] =	sst s0  }
0x9: {  	[smem:$0x3FAB] =	sst s1  }
0xa: {  	[smem:$0x3FAC] =	sst s2  }
0xb: {  	[smem:$0x3FAD] =	sst s3  }
0xc: {  	[smem:$0x3FAE] =	sst s4  }
0xd: {  	[smem:$0x3FAF] =	sst s5  }
0xe: {  	[smem:$0x3FB0] =	sst s6  }
0xf: {  	[smem:$0x3FB1] =	sst s7  }
0x10: {  	[smem:$0x3FB2] =	sst s8  }
0x11: {  	[smem:$0x3FB3] =	sst s9;
	s0 =	simm.s32 @!p0 $0x0  }
0x12: {  	s1 =	sld [smem:$0x3F99];
	s0 =	simm.s32 @p0 $0x1  }
0x13: {  	[smem:$0x3FB4] =	sst s0;
	s0 =	simm.s32 @!p1 $0x0  }
0x14: {  	s2 =	sld [smem:$0x3F98];
	s0 =	simm.s32 @p1 $0x1  }
0x15: {  	[smem:$0x3FB5] =	sst s0;
	s0 =	simm.s32 @!p2 $0x0  }
0x16: {  	s3 =	sld [smem:$0x3FDB];
	s0 =	simm.s32 @p2 $0x1  }
0x17: {  	s4 =	simm.s32 $0x1BF5;
	[smem:$0x3FB7] =	sst s0  }
0x18: {  	s0 =	sld [smem:$0x3F9A];
	_ =	swait.ge [sflag:s4], $0x0  }
0x19: {  	s7 =	sld [smem:$0x3F9B]  }
0x1a: {  	s8 =	sadd.s32 $0xFFFFE003, lr  }
0x1b: {  	s9 =	sadd.s32 $0xFFFFFEF7, lr;
	s5 =	simm.s32 $0xFFFFFFFF;
	p2 =	slt.u32 s8, $0xFFFFF086  }
0x1c: {  	p1 =	slt.u32 s9, $0xF7A;
	s5 =	simm.s32 @!p2 $0x0  }
0x1d: {  	s5 =	simm.s32 @p1 $0x1;
	p0 =	seq.s32 s7, s2  }
0x1e: {  	s7 =	smul.u32 @!p0 $0xF7A, s2;
	p2 =	seq.s32 @!p0 s5, $0x0  }
0x1f: {  	s9 =	smul.u32 $0xF7A, s1;
	s8 =	simm.s32 @!p0 $0x1BF5;
	p2 =	por !p2, p0  }
0x20: {  	[sflag:s8] =	ssyncset.s32 @!p0 $0xFFFFF086;
	s6 =	sadd.s32 @!p0 s3, s7;
	s7 =	simm.s32 @!p0 $0x108  }
0x21: {  	s3 =	sadd.s32 s3, s9;
	s6 =	sadd.s32 @!p0 $0x88, s6;
	s7 =	simm.s32 @p2 $0x1082  }
0x22: {  	[simem:s7], [sflag:s8] =	dma.local @!p0 [hbm:s6], $0xF7A  }
0x23: {  	s9 =	sor.u32 $0xD0000000, s2;
	s6 =	simm.s32 $0x108;
	_ =	swait.ge @!p0 [sflag:s8], $0x0  }
0x24: {  	s3 =	sadd.s32 $0x88, s3;
	s6 =	simm.s32 @!p1 $0x1082;
	[sflag:s4] =	ssyncset.s32 $0xFFFFF086  }
0x25: {  	[simem:s6], [sflag:s4] =	dma.local [hbm:s3], $0xF7A  }
0x26: {  	[smem:$0x3F9B] =	sst s1;
	(tag) =	ssettag s2;
	_ =	strace s9  }
0x27: {  	s1 =	sld [smem:$0x3FAB]  }
0x28: {  	s2 =	sld [smem:$0x3FAC]  }
0x29: {  	s4 =	sld [smem:$0x3FAE]  }
0x2a: {  	p0 =	seq.s32 s5, $0x0;
	s5 =	sld [smem:$0x3FAF]  }
0x2b: {  	s6 =	sld [smem:$0x3FB0]  }
0x2c: {  	s7 =	sld [smem:$0x3FB1]  }
0x2d: {  	s3 =	simm.s32 $0x108;
	s8 =	sld [smem:$0x3FB2]  }
0x2e: {  	s3 =	simm.s32 @!p0 $0x1082;
	s9 =	sld [smem:$0x3FB3]  }
0x2f: {  	lr =	sadd.s32 s0, s3;
	s0 =	sld [smem:$0x3FAA]  }
0x30: {  	s3 =	sld [smem:$0x3FAD]  }
0x31: {  	[smem:$0x3FB6] =	sst s10  }
0x32: {  	s10 =	sld [smem:$0x3FB4];
	_ =	sdelay $0x3  }
0x33: {  	p0 =	seq.s32 s10, $0x1;
	s10 =	sld [smem:$0x3FB6];
	_ =	sdelay $0x3  }
0x34: {  	[smem:$0x3FB6] =	sst s10  }
0x35: {  	s10 =	sld [smem:$0x3FB5];
	_ =	sdelay $0x3  }
0x36: {  	p1 =	seq.s32 s10, $0x1;
	s10 =	sld [smem:$0x3FB6];
	_ =	sdelay $0x3  }
0x37: {  	[smem:$0x3FB6] =	sst s10  }
0x38: {  	s10 =	sld [smem:$0x3FB7]  }
0x39: {  	_ = 	snop;
	(pc) =	sbr.ind lr, $3  }
0x3a: {  	_ = 	snop  }
0x3b: {  	_ = 	snop  }
0x3c: {  	p2 =	seq.s32 s10, $0x1;
	s10 =	sld [smem:$0x3FB6]  }
0x3d: {  	_ =	shalt  }
0x3e: {  	_ =	shalt  }
0x3f: {  	_ =	shalt  }
0x40: {  	_ =	shalt  }
0x41: {  	_ =	shalt  }
0x42: {  	_ =	shalt  }
0x43: {  	_ =	shalt  }
0x44: {  	_ =	shalt  }
0x45: {  	_ =	shalt  }
0x46: {  	_ =	shalt  }
0x47: {  	_ =	shalt  }
0x48: {  	_ =	shalt  }
0x49: {  	_ =	shalt  }
0x4a: {  	_ =	shalt  }
0x4b: {  	_ =	shalt  }
0x4c: {  	_ =	shalt  }
0x4d: {  	_ =	shalt  }
0x4e: {  	_ =	shalt  }
0x4f: {  	_ =	shalt  }
0x50: {  	_ =	shalt  }
0x51: {  	_ =	shalt  }
0x52: {  	_ =	shalt  }
0x53: {  	_ =	shalt  }
0x54: {  	_ =	shalt  }
0x55: {  	_ =	shalt  }
0x56: {  	_ =	shalt  }
0x57: {  	_ =	shalt  }
0x58: {  	_ =	shalt  }
0x59: {  	_ =	shalt  }
0x5a: {  	_ =	shalt  }
0x5b: {  	_ =	shalt  }
0x5c: {  	_ =	shalt  }
0x5d: {  	_ =	shalt  }
0x5e: {  	_ =	shalt  }
0x5f: {  	_ =	shalt  }
0x60: {  	_ =	shalt  }
0x61: {  	_ =	shalt  }
0x62: {  	_ =	shalt  }
0x63: {  	_ =	shalt  }
0x64: {  	_ =	shalt  }
0x65: {  	_ =	shalt  }
0x66: {  	_ =	shalt  }
0x67: {  	_ =	shalt  }
0x68: {  	_ =	shalt  }
0x69: {  	_ =	shalt  }
0x6a: {  	_ =	shalt  }
0x6b: {  	_ =	shalt  }
0x6c: {  	_ =	shalt  }
0x6d: {  	_ =	shalt  }
0x6e: {  	_ =	shalt  }
0x6f: {  	_ =	shalt  }
0x70: {  	_ =	shalt  }
0x71: {  	_ =	shalt  }
0x72: {  	_ =	shalt  }
0x73: {  	_ =	shalt  }
0x74: {  	_ =	shalt  }
0x75: {  	_ =	shalt  }
0x76: {  	_ =	shalt  }
0x77: {  	_ =	shalt  }
0x78: {  	_ =	shalt  }
0x79: {  	_ =	shalt  }
0x7a: {  	_ =	shalt  }
0x7b: {  	_ =	shalt  }
0x7c: {  	_ =	shalt  }
0x7d: {  	_ =	shalt  }
0x7e: {  	_ =	shalt  }
0x7f: {  	_ =	shalt  }
0x80: {  	_ =	shalt  }
0x81: {  	_ =	shalt  }
0x82: {  	_ =	shalt  }
0x83: {  	_ =	shalt  }
0x84: {  	_ =	shalt  }
0x85: {  	_ =	shalt  }
0x86: {  	_ =	shalt  }
0x87: {  	_ =	shalt  }
.Lfunc_end0:
.L_simem_size_0:
called_computation.1_lowered:
.L_overlay_start_0:
0x88: {  	s2 =	sld [smem:$0x3FD9]  }
0x89: {  	s3 =	sld [smem:$0x3FFE];
	_ =	sdelay $0x1  }
0x8a: {  	s1 =	srdreg.scid  }
0x8b: {  	s0 =	sand.u32 $0x1, s1  }
0x8c: {  	s17 =	sshll.u32 s0, $0xA;
	s2 =	sadd.s32 s3, s2  }
0x8d: {  	s2 =	sadd.s32 s2, s17  }
0x8e: {  	[smem:$0x3FC2] =	sst s2  }
0x8f: {  	_ = 	snop  }
0x90: {  	s2 =	sld [smem:$0x3FD0];
	(tm) =	ssettm $0x1  }
0x91: {  	s18 =	sld [smem:$0x3FFB];
	_ =	sdelay $0x3  }
0x92: {  	_ =	strace s18  }
0x93: {  	s3 =	sld [smem:$0x3FFC];
	_ =	sdelay $0x3  }
0x94: {  	_ =	strace s3  }
0x95: {  	s3 =	sld [smem:$0x3FFD];
	_ =	sdelay $0x3  }
0x96: {  	_ =	strace s3  }
0x97: {  	_ =	strace $0x8FFFFFFF  }
0x98: {  	s19 =	sld [smem:$0x3FDB];
	_ =	sdelay $0x1  }
0x99: {  	s4 =	simm.s32 $_scs_section_size  }
0x9a: {  	s5 =	simm.s32 $_size__tile_overlayer_lowered;
	s6 =	simm.s32 $_tile_overlayer_lowered  }
0x9b: {  	s22 =	simm.s32 $0x1BFF;
	s21 =	sshll.u32 s6, $0x1;
	s3 =	sadd.s32 s4, s19  }
0x9c: {  	s7 =	simm.s32 $0x0;
	s20 =	sshll.u32 s5, $0x1;
	s5 =	sadd.s32 s21, s3  }
0x9d: {  	[timem:s7], [sflag:s22] =	dma.local [hbm:s5], s20  }
0x9e: {  	_ =	swait.ge [sflag:s22], s20  }
0x9f: {  	s4 =	ssub.s32 $0x0, s20;
	[sflag:s22] =	ssyncset.done $0x0  }
0xa0: {  	[sflag:s22] =	ssyncadd.s32 s4;
	_ =	sdelay $0x1  }
0xa1: {  	s23 =	simm.s32 $0x1B8B  }
0xa2: {  	_ =	swait.ge [sflag:s23], $0x1  }
0xa3: {  	[sflag:s23] =	ssyncset.done $0x0  }
0xa4: {  	s25 =	simm.s32 $0x1B8E;
	s24 =	sld [smem:$0x3FFE];
	[sflag:s23] =	ssyncadd.s32 $0xFFFFFFFF  }
0xa5: {  	s26 =	simm.s32 $execute0_lowered;
	[smem:$0x3FD2] =	sst s25  }
0xa6: {  	s5 =	sshll.u32 s26, $0x1;
	_ =	strace $0x80000049;
	[dreg:$0x1] =	wrdreg $0xFFFFFFFF  }
0xa7: {  	s28 =	simm.s32 $_size_execute0_lowered;
	s3 =	sadd.s32 s3, s5;
	[dreg:$0x0] =	wrdreg $0x0  }
0xa8: {  	s5 =	sshll.u32 s28, $0x1;
	[dreg:$0x2] =	wrdreg s3  }
0xa9: {  	[dreg:$0x3] =	wrdreg s5  }
0xaa: {  	[dreg:$0x4] =	wrdreg $0xC0  }
0xab: {  	_ =	task [dreg:s7], $0x5FFFF  }
0xac: {  	[dreg:$0x1] =	wrdreg $0xFFFFFFFF  }
0xad: {  	[dreg:$0x0] =	wrdreg $0x60  }
0xae: {  	[dreg:$0x2] =	wrdreg s2  }
0xaf: {  	[dreg:$0x3] =	wrdreg s24  }
0xb0: {  	[dreg:$0x4] =	wrdreg $0xD0000  }
0xb1: {  	[dreg:$0x5] =	wrdreg $0xA8000  }
0xb2: {  	[dreg:$0x6] =	wrdreg $0x9  }
0xb3: {  	_ =	task.clear_ibuf [dreg:s7], $0x7FFFF;
	_ =	strace $0x90000049  }
0xb4: {  	s29 =	simm.s32 $0x9;
	_ =	strace $0x8000004B  }
0xb5: {  	_ =	swait.ge [sflag:s29], $0x1  }
0xb6: {  	[sflag:s29] =	ssyncadd.s32 $0xFFFFFFFF  }
0xb7: {  	_ =	strace $0x9000004B  }
0xb8: {  	_ =	sfence  }
0xb9: {  	s30 =	sld [smem:$0x0];
	_ =	sdelay $0x2  }
0xba: {  	s31 =	sshll.u32 s1, $0xD;
	s1 =	sshrl.u32 s1, $0x2  }
0xbb: {  	s3 =	sand.u32 $0x4000, s31;
	s1 =	sadd.s32 s1, s30  }
0xbc: {  	s0 =	sor.u32 s3, s0;
	s1 =	sshll.u32 s1, $0x11  }
0xbd: {  	s0 =	sor.u32 s1, s0  }
0xbe: {  	s0 =	sadd.s32 $0x8F2B, s0  }
0xbf: {  	[sflag:s0] =	ssyncadd.remote.s32 $0x1  }
0xc0: {  	_ =	sfence.sel $0xFFFF  }
0xc1: {  	[dreg:$0x0] =	wrdreg $0xFFFFFFFF;
	(pc) =	sbr.abs _section_cstart, $3  }
0xc2: {  	[dreg:$0x1] =	wrdreg $0xFFFFFFFF  }
0xc3: {  	_ =	task.clear_ibuf [dreg:s7], $0x2FFFF;
	_ =	strace $0x9FFFFFFF  }
0xc4: {  	(tm) =	ssettm $0x7FFFFFFF  }
0xc5: {  	_ =	shalt  }
tec
execute0_lowered:
.L_overlay_start_1:
0x0: {  	(tag) =	ssettag $0x1  }
0x1: {  	s0 =	srdreg.scid;
	s1 =	rddreg [dreg:$0x0]  }
0x2: {  	s8 =	stileid.u32;
	s4 =	rddreg [dreg:$0x1];
	s19 =	simm.s32 $0x0  }
0x3: {  	s28 =	simm.s32 $0x16;
	s30 =	simm.s32 $0x8000;
	s13 =	simm.s32 $0x8  }
0x4: {  	s14 =	simm.s32 $0x9;
	s15 =	simm.s32 $0xA;
	s31 =	simm.s32 $0x2800  }
0x5: {  	s12 =	simm.s32 $0x6800;
	s0 =	sand.u32 $0x1, s0;
	s6 =	smul.u32 $0x2710, s8  }
0x6: {  	[smem:$0x7FF] =	sst s19;
	s9 =	sadd.s32 $0xBE00, s4;
	s2 =	sshll.u32 s0, $0x4  }
0x7: {  	s7 =	smul.u32 $0x27100, s0;
	s0 =	ssub.s32 $0x2, s0;
	s3 =	sor.u32 s8, s2  }
0x8: {  	s2 =	rddreg [dreg:$0x2];
	s8 =	smul.u32 $0xA000, s8;
	s16 =	sshrl.u32 s0, $0x1  }
0x9: {  	s20 =	sshrl.u32 s6, $0x3;
	s5 =	smul.u32 $0x1400, s3;
	s3 =	rddreg [dreg:$0x3]  }
0xa: {  	_ =	strace $0x8000004A;
	[dreg:$0x5] =	wrdreg s9;
	s1 =	sadd.s32 s1, s20  }
0xb: {  	s7 =	sadd.s32 s6, s7;
	s21 =	sadd.s32 s6, s2;
	[dreg:$0x9] =	wrdreg s1  }
0xc: {  	s0 =	ssub.s32 s0, s16;
	[dreg:$0xa] =	wrdreg s21;
	s26 =	sadd.s32 s6, s3  }
0xd: {  	s7 =	sshrl.u32 s7, $0x3;
	s0 =	smax.u32 s0, $0x1;
	[dreg:$0xf] =	wrdreg s26  }
0xe: {  	s18 =	sshrl.u32 s8, $0x2;
	s5 =	sshrl.u32 s5, $0x3;
	[dreg:$0x11] =	wrdreg s0  }
0xf: {  	s5 =	sadd.s32 s5, s4;
	s4 =	sadd.s32 s7, s4;
	s7 =	sadd.s32 s18, s3  }
0x10: {  	s16 =	simm.s32 $0xB;
	s17 =	sadd.s32 $0x1E00, s5;
	[dreg:$0x8] =	wrdreg s7  }
0x11: {  	s20 =	simm.s32 $0xE;
	s5 =	sadd.s32 $0x6E00, s5;
	[dreg:$0x6] =	wrdreg s17  }
0x12: {  	s8 =	simm.s32 $0xD;
	s22 =	sadd.s32 $0x800, s7;
	[dreg:$0x7] =	wrdreg s5  }
0x13: {  	s21 =	simm.s32 $0x10;
	s23 =	sadd.s32 $0x1000, s7;
	[dreg:$0xb] =	wrdreg s22  }
0x14: {  	s0 =	simm.s32 $0x0;
	s24 =	sadd.s32 $0x1800, s7;
	[dreg:$0xc] =	wrdreg s23  }
0x15: {  	s18 =	simm.s32 $0x12;
	s25 =	sadd.s32 $0x2000, s7;
	[dreg:$0xd] =	wrdreg s24  }
0x16: {  	s29 =	sadd.s32 $0xC000, s4;
	s4 =	simm.s32 $0xF;
	[dreg:$0xe] =	wrdreg s25  }
0x17: {  	[dreg:$0x10] =	wrdreg s29;
	s23 =	simm.s32 $0x80;
	s17 =	simm.s32 $0xC  }
0x18: {  	s22 =	simm.s32 $0x11;
	s24 =	simm.s32 $0x13;
	s25 =	simm.s32 $0x14  }
.LBB2_1:
0x19: {  	[dreg:$0x12] =	wrdreg s0  }
0x1a: {  	s1 =	rddreg [dreg:$0x6]  }
0x1b: {  	[tilespmem:s19], [sflag:$0x16] =	stream.linear.gather [hbm4b:s1+s19], $0x1400, $0x38;
	[tilespmem:$0xF800] =	vst v63  }
0x1c: {  	_ =	swait.ge [sflag:s28], $0x1400  }
0x1d: {  	[sflag:s28] =	ssyncset.done $0x0  }
0x1e: {  	s29 =	simm.s32 $0x1400;
	s6 =	rddreg [dreg:$0x7];
	[sflag:s28] =	ssyncadd.s32 $0xFFFFEC00  }
0x1f: {  	[tilespmem:s29], [sflag:$0x16] =	stream.linear.gather [hbm4b:s6+s19], $0x1400, $0x38;
	[tilespmem:$0xF800] =	vst v63  }
0x20: {  	_ =	swait.ge [sflag:s28], $0x1400  }
0x21: {  	[sflag:s28] =	ssyncset.done $0x0  }
0x22: {  	s7 =	rddreg [dreg:$0x9];
	[sflag:s28] =	ssyncadd.s32 $0xFFFFEC00  }
0x23: {  	[tilespmem:s30], [sflag:$0x16] =	stream.linear.gather [hbm4b:s7+s19], $0x2710, $0x38;
	[tilespmem:$0xF800] =	vst v63  }
0x24: {  	_ =	swait.ge [sflag:s28], $0x2710  }
0x25: {  	[sflag:s28] =	ssyncset.done $0x0  }
0x26: {  	s9 =	rddreg [dreg:$0xa];
	[sflag:s28] =	ssyncadd.s32 $0xFFFFD8F0  }
0x27: {  	[spmem:s9] =	stream.linear.scatter [tilespmem:s30], [sflag:$0x16], $0x2710, $0x38;
	[tilespmem:$0xF800] =	vst v63  }
0x28: {  	_ =	swait.ge [sflag:s28], $0x2710  }
0x29: {  	[sflag:s28] =	ssyncset.done $0x0  }
0x2a: {  	s29 =	simm.s32 $0x7800;
	s10 =	rddreg [dreg:$0x5];
	[sflag:s28] =	ssyncadd.s32 $0xFFFFD8F0  }
0x2b: {  	[tilespmem:s29], [sflag:$0x16] =	stream.linear.gather [hbm4b:s10+s19], $0x800, $0x38;
	[tilespmem:$0xF800] =	vst v63  }
0x2c: {  	_ =	swait.ge [sflag:s28], $0x800  }
0x2d: {  	[sflag:s28] =	ssyncset.done $0x0  }
0x2e: {  	s11 =	rddreg [dreg:$0x8];
	[sflag:s28] =	ssyncadd.s32 $0xFFFFF800  }
0x2f: {  	[spmem:s11] =	stream.linear.scatter [tilespmem:s29], [sflag:$0x15], $0x800, $0x38;
	[tilespmem:$0xF800] =	vst v63  }
0x30: {  	s26 =	rddreg [dreg:$0xb]  }
0x31: {  	[spmem:s26] =	stream.linear.scatter [tilespmem:s29], [sflag:$0x15], $0x800, $0x38;
	[tilespmem:$0xF800] =	vst v63  }
0x32: {  	s30 =	rddreg [dreg:$0xc]  }
0x33: {  	[spmem:s30] =	stream.linear.scatter [tilespmem:s29], [sflag:$0x15], $0x800, $0x38;
	[tilespmem:$0xF800] =	vst v63  }
0x34: {  	s0 =	rddreg [dreg:$0xd]  }
0x35: {  	[spmem:s0] =	stream.linear.scatter [tilespmem:s29], [sflag:$0x15], $0x800, $0x38;
	[tilespmem:$0xF800] =	vst v63  }
0x36: {  	s6 =	simm.s32 $0x15;
	s5 =	rddreg [dreg:$0xe]  }
0x37: {  	[spmem:s5] =	stream.linear.scatter [tilespmem:s29], [sflag:$0x15], $0x800, $0x38;
	[tilespmem:$0xF800] =	vst v63  }
0x38: {  	_ =	swait.ge [sflag:s6], $0x800  }
0x39: {  	[sflag:s6] =	ssyncset.done $0x0  }
0x3a: {  	[sflag:s6] =	ssyncadd.s32 $0xFFFFF800  }
0x3b: {  	_ =	swait.ge [sflag:s6], $0x800  }
0x3c: {  	[sflag:s6] =	ssyncset.done $0x0  }
0x3d: {  	[sflag:s6] =	ssyncadd.s32 $0xFFFFF800  }
0x3e: {  	_ =	swait.ge [sflag:s6], $0x800  }
0x3f: {  	[sflag:s6] =	ssyncset.done $0x0  }
0x40: {  	[sflag:s6] =	ssyncadd.s32 $0xFFFFF800  }
0x41: {  	_ =	swait.ge [sflag:s6], $0x800  }
0x42: {  	[sflag:s6] =	ssyncset.done $0x0  }
0x43: {  	[sflag:s6] =	ssyncadd.s32 $0xFFFFF800  }
0x44: {  	_ =	swait.ge [sflag:s6], $0x800  }
0x45: {  	[sflag:s6] =	ssyncset.done $0x0  }
0x46: {  	[sflag:s6] =	ssyncadd.s32 $0xFFFFF800  }
0x47: {  	s26 =	simm.s32 $0x2800;
	[bflag:$0x0] =	sbarrier.arrive $0xFFFF  }
0x48: {  	[tilespmem:s26], [sflag:$0x1] =	stream.indirect.gather [spmem:s2], $0x10, s19, s23, $0xb8;
	[tilespmem:$0xF800] =	vst v63  }
0x49: {  	s29 =	simm.s32 $0x3000  }
0x4a: {  	[tilespmem:s29], [sflag:$0x2] =	stream.indirect.gather [spmem:s2], $0x10, s23, s23, $0xb8;
	[tilespmem:$0xF800] =	vst v63  }
0x4b: {  	s7 =	simm.s32 $0x100;
	s5 =	simm.s32 $0x3800  }
0x4c: {  	[tilespmem:s5], [sflag:$0x3] =	stream.indirect.gather [spmem:s2], $0x10, s7, s23, $0xb8;
	[tilespmem:$0xF800] =	vst v63  }
0x4d: {  	s9 =	simm.s32 $0x180;
	s6 =	simm.s32 $0x4000  }
0x4e: {  	[tilespmem:s6], [sflag:$0x4] =	stream.indirect.gather [spmem:s2], $0x10, s9, s23, $0xb8;
	[tilespmem:$0xF800] =	vst v63  }
0x4f: {  	s10 =	simm.s32 $0x200;
	s7 =	simm.s32 $0x4800  }
0x50: {  	[tilespmem:s7], [sflag:$0x5] =	stream.indirect.gather [spmem:s2], $0x10, s10, s23, $0xb8;
	[tilespmem:$0xF800] =	vst v63  }
0x51: {  	s11 =	simm.s32 $0x280;
	s9 =	simm.s32 $0x5000  }
0x52: {  	[tilespmem:s9], [sflag:$0x6] =	stream.indirect.gather [spmem:s2], $0x10, s11, s23, $0xb8;
	[tilespmem:$0xF800] =	vst v63  }
0x53: {  	s19 =	simm.s32 $0x300;
	s10 =	simm.s32 $0x5800  }
0x54: {  	[tilespmem:s10], [sflag:$0x7] =	stream.indirect.gather [spmem:s2], $0x10, s19, s23, $0xb8;
	[tilespmem:$0xF800] =	vst v63  }
0x55: {  	s30 =	simm.s32 $0x380;
	s19 =	simm.s32 $0x6000  }
0x56: {  	[tilespmem:s19], [sflag:$0x8] =	stream.indirect.gather [spmem:s2], $0x10, s30, s23, $0xb8;
	[tilespmem:$0xF800] =	vst v63  }
0x57: {  	s0 =	simm.s32 $0x400;
	s11 =	simm.s32 $0x6800  }
0x58: {  	[tilespmem:s11], [sflag:$0x9] =	stream.indirect.gather [spmem:s2], $0x10, s0, s23, $0xb8;
	[tilespmem:$0xF800] =	vst v63  }
0x59: {  	s30 =	simm.s32 $0x480;
	s0 =	simm.s32 $0x7000  }
0x5a: {  	[tilespmem:s0], [sflag:$0xA] =	stream.indirect.gather [spmem:s2], $0x10, s30, s23, $0xb8;
	[tilespmem:$0xF800] =	vst v63  }
0x5b: {  	s30 =	simm.s32 $0x1  }
0x5c: {  	_ =	swait.ge [sflag:s30], $0x800  }
0x5d: {  	[sflag:s30] =	ssyncset.done $0x0  }
0x5e: {  	[sflag:s30] =	ssyncadd.s32 $0xFFFFF800;
	s30 =	simm.s32 $0x1400  }
0x5f: {  	[spmem:s3] =	stream.indirect.scatter.add.f32 [tilespmem:s26], [sflag:$0xB], $0x10, s30, s23, $0xb8;
	[tilespmem:$0xF800] =	vst v63  }
0x60: {  	s30 =	simm.s32 $0x2  }
0x61: {  	_ =	swait.ge [sflag:s30], $0x800  }
0x62: {  	[sflag:s30] =	ssyncset.done $0x0  }
0x63: {  	[sflag:s30] =	ssyncadd.s32 $0xFFFFF800;
	s30 =	simm.s32 $0x1480  }
0x64: {  	[spmem:s3] =	stream.indirect.scatter.add.f32 [tilespmem:s29], [sflag:$0xC], $0x10, s30, s23, $0xb8;
	[tilespmem:$0xF800] =	vst v63  }
0x65: {  	s30 =	simm.s32 $0x3  }
0x66: {  	_ =	swait.ge [sflag:s30], $0x800  }
0x67: {  	[sflag:s30] =	ssyncset.done $0x0  }
0x68: {  	[sflag:s30] =	ssyncadd.s32 $0xFFFFF800;
	s30 =	simm.s32 $0x1500  }
0x69: {  	[spmem:s3] =	stream.indirect.scatter.add.f32 [tilespmem:s5], [sflag:$0xD], $0x10, s30, s23, $0xb8;
	[tilespmem:$0xF800] =	vst v63  }
0x6a: {  	s30 =	simm.s32 $0x4  }
0x6b: {  	_ =	swait.ge [sflag:s30], $0x800  }
0x6c: {  	[sflag:s30] =	ssyncset.done $0x0  }
0x6d: {  	[sflag:s30] =	ssyncadd.s32 $0xFFFFF800;
	s30 =	simm.s32 $0x1580  }
0x6e: {  	[spmem:s3] =	stream.indirect.scatter.add.f32 [tilespmem:s6], [sflag:$0xE], $0x10, s30, s23, $0xb8;
	[tilespmem:$0xF800] =	vst v63  }
0x6f: {  	s30 =	simm.s32 $0x5  }
0x70: {  	_ =	swait.ge [sflag:s30], $0x800  }
0x71: {  	[sflag:s30] =	ssyncset.done $0x0  }
0x72: {  	[sflag:s30] =	ssyncadd.s32 $0xFFFFF800;
	s30 =	simm.s32 $0x1600  }
0x73: {  	[spmem:s3] =	stream.indirect.scatter.add.f32 [tilespmem:s7], [sflag:$0xF], $0x10, s30, s23, $0xb8;
	[tilespmem:$0xF800] =	vst v63  }
0x74: {  	s30 =	simm.s32 $0x6  }
0x75: {  	_ =	swait.ge [sflag:s30], $0x800  }
0x76: {  	[sflag:s30] =	ssyncset.done $0x0  }
0x77: {  	[sflag:s30] =	ssyncadd.s32 $0xFFFFF800;
	s30 =	simm.s32 $0x1680  }
0x78: {  	[spmem:s3] =	stream.indirect.scatter.add.f32 [tilespmem:s9], [sflag:$0x10], $0x10, s30, s23, $0xb8;
	[tilespmem:$0xF800] =	vst v63  }
0x79: {  	s30 =	simm.s32 $0x7  }
0x7a: {  	_ =	swait.ge [sflag:s30], $0x800  }
0x7b: {  	[sflag:s30] =	ssyncset.done $0x0  }
0x7c: {  	[sflag:s30] =	ssyncadd.s32 $0xFFFFF800;
	s30 =	simm.s32 $0x1700  }
0x7d: {  	[spmem:s3] =	stream.indirect.scatter.add.f32 [tilespmem:s10], [sflag:$0x11], $0x10, s30, s23, $0xb8;
	[tilespmem:$0xF800] =	vst v63  }
0x7e: {  	_ =	swait.ge [sflag:s13], $0x800  }
0x7f: {  	[sflag:s13] =	ssyncset.done $0x0  }
0x80: {  	s30 =	simm.s32 $0x1780;
	[sflag:s13] =	ssyncadd.s32 $0xFFFFF800  }
0x81: {  	[spmem:s3] =	stream.indirect.scatter.add.f32 [tilespmem:s19], [sflag:$0x12], $0x10, s30, s23, $0xb8;
	[tilespmem:$0xF800] =	vst v63  }
0x82: {  	_ =	swait.ge [sflag:s14], $0x800  }
0x83: {  	[sflag:s14] =	ssyncset.done $0x0  }
0x84: {  	s30 =	simm.s32 $0x1800;
	[sflag:s14] =	ssyncadd.s32 $0xFFFFF800  }
0x85: {  	[spmem:s3] =	stream.indirect.scatter.add.f32 [tilespmem:s11], [sflag:$0x13], $0x10, s30, s23, $0xb8;
	[tilespmem:$0xF800] =	vst v63  }
0x86: {  	_ =	swait.ge [sflag:s15], $0x800  }
0x87: {  	[sflag:s15] =	ssyncset.done $0x0  }
0x88: {  	s30 =	simm.s32 $0x1880;
	[sflag:s15] =	ssyncadd.s32 $0xFFFFF800  }
0x89: {  	[spmem:s3] =	stream.indirect.scatter.add.f32 [tilespmem:s0], [sflag:$0x14], $0x10, s30, s23, $0xb8;
	[tilespmem:$0xF800] =	vst v63  }
0x8a: {  	p0 =	por $0x0, $0x0;
	s1 =	simm.s32 $0x1400;
	_ =	swait.ge [sflag:s16], $0x800  }
0x8b: {  	s1 =	simm.s32 @p0 $0x3C00;
	[sflag:s16] =	ssyncset.done $0x0  }
0x8c: {  	s1 =	sshra.s32 s1, $0x2;
	[sflag:s16] =	ssyncadd.s32 $0xFFFFF800  }
0x8d: {  	[tilespmem:s26], [sflag:$0x1] =	stream.indirect.gather [spmem:s2], $0x10, s1, s23, $0xb8;
	[tilespmem:$0xF800] =	vst v63  }
0x8e: {  	s1 =	simm.s32 $0x1600;
	_ =	swait.ge [sflag:s17], $0x800  }
0x8f: {  	s1 =	simm.s32 @p0 $0x3E00;
	[sflag:s17] =	ssyncset.done $0x0  }
0x90: {  	s1 =	sshra.s32 s1, $0x2;
	[sflag:s17] =	ssyncadd.s32 $0xFFFFF800  }
0x91: {  	[tilespmem:s29], [sflag:$0x2] =	stream.indirect.gather [spmem:s2], $0x10, s1, s23, $0xb8;
	[tilespmem:$0xF800] =	vst v63  }
0x92: {  	s1 =	simm.s32 $0x1800;
	_ =	swait.ge [sflag:s8], $0x800  }
0x93: {  	s1 =	simm.s32 @p0 $0x4000;
	[sflag:s8] =	ssyncset.done $0x0  }
0x94: {  	s1 =	sshra.s32 s1, $0x2;
	[sflag:s8] =	ssyncadd.s32 $0xFFFFF800  }
0x95: {  	[tilespmem:s5], [sflag:$0x3] =	stream.indirect.gather [spmem:s2], $0x10, s1, s23, $0xb8;
	[tilespmem:$0xF800] =	vst v63  }
0x96: {  	s1 =	simm.s32 $0x1A00;
	_ =	swait.ge [sflag:s20], $0x800  }
0x97: {  	s1 =	simm.s32 @p0 $0x4200;
	[sflag:s20] =	ssyncset.done $0x0  }
0x98: {  	s1 =	sshra.s32 s1, $0x2;
	[sflag:s20] =	ssyncadd.s32 $0xFFFFF800  }
0x99: {  	[tilespmem:s6], [sflag:$0x4] =	stream.indirect.gather [spmem:s2], $0x10, s1, s23, $0xb8;
	[tilespmem:$0xF800] =	vst v63  }
0x9a: {  	s1 =	simm.s32 $0x1C00;
	_ =	swait.ge [sflag:s4], $0x800  }
0x9b: {  	s1 =	simm.s32 @p0 $0x4400;
	[sflag:s4] =	ssyncset.done $0x0  }
0x9c: {  	s1 =	sshra.s32 s1, $0x2;
	[sflag:s4] =	ssyncadd.s32 $0xFFFFF800  }
0x9d: {  	[tilespmem:s7], [sflag:$0x5] =	stream.indirect.gather [spmem:s2], $0x10, s1, s23, $0xb8;
	[tilespmem:$0xF800] =	vst v63  }
0x9e: {  	s1 =	simm.s32 $0x1E00;
	_ =	swait.ge [sflag:s21], $0x800  }
0x9f: {  	s1 =	simm.s32 @p0 $0x4600;
	[sflag:s21] =	ssyncset.done $0x0  }
0xa0: {  	s1 =	sshra.s32 s1, $0x2;
	[sflag:s21] =	ssyncadd.s32 $0xFFFFF800  }
0xa1: {  	[tilespmem:s9], [sflag:$0x6] =	stream.indirect.gather [spmem:s2], $0x10, s1, s23, $0xb8;
	[tilespmem:$0xF800] =	vst v63  }
0xa2: {  	s1 =	simm.s32 $0x2000;
	_ =	swait.ge [sflag:s22], $0x800  }
0xa3: {  	s1 =	simm.s32 @p0 $0x4800;
	[sflag:s22] =	ssyncset.done $0x0  }
0xa4: {  	s1 =	sshra.s32 s1, $0x2;
	[sflag:s22] =	ssyncadd.s32 $0xFFFFF800  }
0xa5: {  	[tilespmem:s10], [sflag:$0x7] =	stream.indirect.gather [spmem:s2], $0x10, s1, s23, $0xb8;
	[tilespmem:$0xF800] =	vst v63  }
0xa6: {  	s1 =	simm.s32 $0x2200;
	_ =	swait.ge [sflag:s18], $0x800  }
0xa7: {  	s1 =	simm.s32 @p0 $0x4A00;
	[sflag:s18] =	ssyncset.done $0x0  }
0xa8: {  	s1 =	sshra.s32 s1, $0x2;
	[sflag:s18] =	ssyncadd.s32 $0xFFFFF800  }
0xa9: {  	[tilespmem:s19], [sflag:$0x8] =	stream.indirect.gather [spmem:s2], $0x10, s1, s23, $0xb8;
	[tilespmem:$0xF800] =	vst v63  }
0xaa: {  	s1 =	simm.s32 $0x2400;
	_ =	swait.ge [sflag:s24], $0x800  }
0xab: {  	s1 =	simm.s32 @p0 $0x4C00;
	[sflag:s24] =	ssyncset.done $0x0  }
0xac: {  	s1 =	sshra.s32 s1, $0x2;
	[sflag:s24] =	ssyncadd.s32 $0xFFFFF800  }
0xad: {  	[tilespmem:s11], [sflag:$0x9] =	stream.indirect.gather [spmem:s2], $0x10, s1, s23, $0xb8;
	[tilespmem:$0xF800] =	vst v63  }
0xae: {  	s1 =	simm.s32 $0x2600;
	_ =	swait.ge [sflag:s25], $0x800  }
0xaf: {  	s1 =	simm.s32 @p0 $0x4E00;
	[sflag:s25] =	ssyncset.done $0x0  }
0xb0: {  	s28 =	simm.s32 $0x3A00;
	s1 =	sshra.s32 s1, $0x2;
	[sflag:s25] =	ssyncadd.s32 $0xFFFFF800  }
.LBB2_2:
0xb1: {  	s0 =	simm.s32 $0x7000;
	s30 =	smov.u32 s28;
	s5 =	simm.s32 $0x1  }
0xb2: {  	[tilespmem:s0], [sflag:$0xA] =	stream.indirect.gather [spmem:s2], $0x10, s1, s23, $0xb8;
	[tilespmem:$0xF800] =	vst v63  }
0xb3: {  	p0 =	sne.s32 s28, $0x6200;
	s28 =	sadd.s32 $0x1400, s28;
	_ =	swait.ge [sflag:s5], $0x800  }
0xb4: {  	s1 =	sshra.s32 s30, $0x2;
	[sflag:s5] =	ssyncset.done $0x0  }
0xb5: {  	s19 =	sadd.s32 $0xA80, s1;
	[sflag:s5] =	ssyncadd.s32 $0xFFFFF800;
	s5 =	simm.s32 $0x2  }
0xb6: {  	[spmem:s3] =	stream.indirect.scatter.add.f32 [tilespmem:s31], [sflag:$0xB], $0x10, s19, s23, $0xb8;
	[tilespmem:$0xF800] =	vst v63  }
0xb7: {  	_ =	swait.ge [sflag:s5], $0x800  }
0xb8: {  	[sflag:s5] =	ssyncset.done $0x0  }
0xb9: {  	s19 =	sadd.s32 $0xB00, s1;
	[sflag:s5] =	ssyncadd.s32 $0xFFFFF800;
	s5 =	simm.s32 $0x3  }
0xba: {  	[spmem:s3] =	stream.indirect.scatter.add.f32 [tilespmem:s29], [sflag:$0xC], $0x10, s19, s23, $0xb8;
	[tilespmem:$0xF800] =	vst v63  }
0xbb: {  	_ =	swait.ge [sflag:s5], $0x800  }
0xbc: {  	s6 =	simm.s32 $0x4;
	[sflag:s5] =	ssyncset.done $0x0  }
0xbd: {  	s19 =	sadd.s32 $0xB80, s1;
	[sflag:s5] =	ssyncadd.s32 $0xFFFFF800;
	s5 =	simm.s32 $0x3800  }
0xbe: {  	[spmem:s3] =	stream.indirect.scatter.add.f32 [tilespmem:s5], [sflag:$0xD], $0x10, s19, s23, $0xb8;
	[tilespmem:$0xF800] =	vst v63  }
0xbf: {  	_ =	swait.ge [sflag:s6], $0x800  }
0xc0: {  	s7 =	simm.s32 $0x5;
	[sflag:s6] =	ssyncset.done $0x0  }
0xc1: {  	s19 =	sadd.s32 $0xC00, s1;
	[sflag:s6] =	ssyncadd.s32 $0xFFFFF800;
	s6 =	simm.s32 $0x4000  }
0xc2: {  	[spmem:s3] =	stream.indirect.scatter.add.f32 [tilespmem:s6], [sflag:$0xE], $0x10, s19, s23, $0xb8;
	[tilespmem:$0xF800] =	vst v63  }
0xc3: {  	_ =	swait.ge [sflag:s7], $0x800  }
0xc4: {  	s9 =	simm.s32 $0x6;
	[sflag:s7] =	ssyncset.done $0x0  }
0xc5: {  	s19 =	sadd.s32 $0xC80, s1;
	[sflag:s7] =	ssyncadd.s32 $0xFFFFF800;
	s7 =	simm.s32 $0x4800  }
0xc6: {  	[spmem:s3] =	stream.indirect.scatter.add.f32 [tilespmem:s7], [sflag:$0xF], $0x10, s19, s23, $0xb8;
	[tilespmem:$0xF800] =	vst v63  }
0xc7: {  	_ =	swait.ge [sflag:s9], $0x800  }
0xc8: {  	s10 =	simm.s32 $0x7;
	[sflag:s9] =	ssyncset.done $0x0  }
0xc9: {  	s19 =	sadd.s32 $0xD00, s1;
	[sflag:s9] =	ssyncadd.s32 $0xFFFFF800;
	s9 =	simm.s32 $0x5000  }
0xca: {  	[spmem:s3] =	stream.indirect.scatter.add.f32 [tilespmem:s9], [sflag:$0x10], $0x10, s19, s23, $0xb8;
	[tilespmem:$0xF800] =	vst v63  }
0xcb: {  	_ =	swait.ge [sflag:s10], $0x800  }
0xcc: {  	[sflag:s10] =	ssyncset.done $0x0  }
0xcd: {  	s19 =	sadd.s32 $0xD80, s1;
	[sflag:s10] =	ssyncadd.s32 $0xFFFFF800;
	s10 =	simm.s32 $0x5800  }
0xce: {  	[spmem:s3] =	stream.indirect.scatter.add.f32 [tilespmem:s10], [sflag:$0x11], $0x10, s19, s23, $0xb8;
	[tilespmem:$0xF800] =	vst v63  }
0xcf: {  	_ =	swait.ge [sflag:s13], $0x800  }
0xd0: {  	[sflag:s13] =	ssyncset.done $0x0  }
0xd1: {  	s11 =	simm.s32 $0x6000;
	s19 =	sadd.s32 $0xE00, s1;
	[sflag:s13] =	ssyncadd.s32 $0xFFFFF800  }
0xd2: {  	[spmem:s3] =	stream.indirect.scatter.add.f32 [tilespmem:s11], [sflag:$0x12], $0x10, s19, s23, $0xb8;
	[tilespmem:$0xF800] =	vst v63  }
0xd3: {  	_ =	swait.ge [sflag:s14], $0x800  }
0xd4: {  	[sflag:s14] =	ssyncset.done $0x0  }
0xd5: {  	s19 =	sadd.s32 $0xE80, s1;
	[sflag:s14] =	ssyncadd.s32 $0xFFFFF800  }
0xd6: {  	[spmem:s3] =	stream.indirect.scatter.add.f32 [tilespmem:s12], [sflag:$0x13], $0x10, s19, s23, $0xb8;
	[tilespmem:$0xF800] =	vst v63  }
0xd7: {  	_ =	swait.ge [sflag:s15], $0x800  }
0xd8: {  	s26 =	simm.s32 $0x7000;
	s19 =	sadd.s32 $0xFFFFF600, s30;
	[sflag:s15] =	ssyncset.done $0x0  }
0xd9: {  	s29 =	sadd.s32 $0xFFFFF000, s30;
	s1 =	sadd.s32 $0xF00, s1;
	[sflag:s15] =	ssyncadd.s32 $0xFFFFF800  }
0xda: {  	[spmem:s3] =	stream.indirect.scatter.add.f32 [tilespmem:s0], [sflag:$0x14], $0x10, s1, s23, $0xb8;
	[tilespmem:$0xF800] =	vst v63  }
0xdb: {  	p1 =	seq.s32 s30, $0x6200;
	s1 =	sadd.s32 $0xFFFFEE00, s30;
	_ =	swait.ge [sflag:s16], $0x800  }
0xdc: {  	s29 =	simm.s32 @p1 $0x3E00;
	s1 =	simm.s32 @p1 $0x3C00;
	[sflag:s16] =	ssyncset.done $0x0  }
0xdd: {  	s19 =	simm.s32 @p1 $0x4400;
	s1 =	sshra.s32 s1, $0x2;
	[sflag:s16] =	ssyncadd.s32 $0xFFFFF800  }
0xde: {  	[tilespmem:s31], [sflag:$0x1] =	stream.indirect.gather [spmem:s2], $0x10, s1, s23, $0xb8;
	[tilespmem:$0xF800] =	vst v63  }
0xdf: {  	_ =	swait.ge [sflag:s17], $0x800  }
0xe0: {  	[sflag:s17] =	ssyncset.done $0x0  }
0xe1: {  	s1 =	sshra.s32 s29, $0x2;
	s29 =	simm.s32 $0x3000;
	[sflag:s17] =	ssyncadd.s32 $0xFFFFF800  }
0xe2: {  	[tilespmem:s29], [sflag:$0x2] =	stream.indirect.gather [spmem:s2], $0x10, s1, s23, $0xb8;
	[tilespmem:$0xF800] =	vst v63  }
0xe3: {  	s1 =	sadd.s32 $0xFFFFF200, s30;
	_ =	swait.ge [sflag:s8], $0x800  }
0xe4: {  	s1 =	simm.s32 @p1 $0x4000;
	[sflag:s8] =	ssyncset.done $0x0  }
0xe5: {  	s1 =	sshra.s32 s1, $0x2;
	[sflag:s8] =	ssyncadd.s32 $0xFFFFF800  }
0xe6: {  	[tilespmem:s5], [sflag:$0x3] =	stream.indirect.gather [spmem:s2], $0x10, s1, s23, $0xb8;
	[tilespmem:$0xF800] =	vst v63  }
0xe7: {  	s1 =	sadd.s32 $0xFFFFF400, s30;
	_ =	swait.ge [sflag:s20], $0x800  }
0xe8: {  	s1 =	simm.s32 @p1 $0x4200;
	[sflag:s20] =	ssyncset.done $0x0  }
0xe9: {  	s1 =	sshra.s32 s1, $0x2;
	[sflag:s20] =	ssyncadd.s32 $0xFFFFF800  }
0xea: {  	[tilespmem:s6], [sflag:$0x4] =	stream.indirect.gather [spmem:s2], $0x10, s1, s23, $0xb8;
	[tilespmem:$0xF800] =	vst v63  }
0xeb: {  	_ =	swait.ge [sflag:s4], $0x800  }
0xec: {  	[sflag:s4] =	ssyncset.done $0x0  }
0xed: {  	s1 =	sshra.s32 s19, $0x2;
	[sflag:s4] =	ssyncadd.s32 $0xFFFFF800  }
0xee: {  	[tilespmem:s7], [sflag:$0x5] =	stream.indirect.gather [spmem:s2], $0x10, s1, s23, $0xb8;
	[tilespmem:$0xF800] =	vst v63  }
0xef: {  	s1 =	sadd.s32 $0xFFFFF800, s30;
	_ =	swait.ge [sflag:s21], $0x800  }
0xf0: {  	s1 =	simm.s32 @p1 $0x4600;
	[sflag:s21] =	ssyncset.done $0x0  }
0xf1: {  	s1 =	sshra.s32 s1, $0x2;
	[sflag:s21] =	ssyncadd.s32 $0xFFFFF800  }
0xf2: {  	[tilespmem:s9], [sflag:$0x6] =	stream.indirect.gather [spmem:s2], $0x10, s1, s23, $0xb8;
	[tilespmem:$0xF800] =	vst v63  }
0xf3: {  	s1 =	sadd.s32 $0xFFFFFA00, s30;
	_ =	swait.ge [sflag:s22], $0x800  }
0xf4: {  	s1 =	simm.s32 @p1 $0x4800;
	[sflag:s22] =	ssyncset.done $0x0  }
0xf5: {  	s1 =	sshra.s32 s1, $0x2;
	[sflag:s22] =	ssyncadd.s32 $0xFFFFF800  }
0xf6: {  	[tilespmem:s10], [sflag:$0x7] =	stream.indirect.gather [spmem:s2], $0x10, s1, s23, $0xb8;
	[tilespmem:$0xF800] =	vst v63  }
0xf7: {  	s1 =	sadd.s32 $0xFFFFFC00, s30;
	_ =	swait.ge [sflag:s18], $0x800  }
0xf8: {  	s1 =	simm.s32 @p1 $0x4A00;
	[sflag:s18] =	ssyncset.done $0x0  }
0xf9: {  	s1 =	sshra.s32 s1, $0x2;
	[sflag:s18] =	ssyncadd.s32 $0xFFFFF800  }
0xfa: {  	[tilespmem:s11], [sflag:$0x8] =	stream.indirect.gather [spmem:s2], $0x10, s1, s23, $0xb8;
	[tilespmem:$0xF800] =	vst v63  }
0xfb: {  	s1 =	sadd.s32 $0xFFFFFE00, s30;
	_ =	swait.ge [sflag:s24], $0x800  }
0xfc: {  	s1 =	simm.s32 @p1 $0x4C00;
	[sflag:s24] =	ssyncset.done $0x0  }
.Ltmp0:
0xfd: {  	s1 =	sshra.s32 s1, $0x2;
	[sflag:s24] =	ssyncadd.s32 $0xFFFFF800;
	(pc) =	sbr.rel @p0 .LBB2_2-.Ltmp0, $4  }
0xfe: {  	[tilespmem:s12], [sflag:$0x9] =	stream.indirect.gather [spmem:s2], $0x10, s1, s23, $0xb8;
	[tilespmem:$0xF800] =	vst v63  }
0xff: {  	_ =	swait.ge [sflag:s25], $0x800  }
0x100: {  	s30 =	simm.s32 @p1 $0x4E00;
	[sflag:s25] =	ssyncset.done $0x0  }
0x101: {  	s1 =	sshra.s32 s30, $0x2;
	[sflag:s25] =	ssyncadd.s32 $0xFFFFF800  }
0x102: {  	[tilespmem:s26], [sflag:$0xA] =	stream.indirect.gather [spmem:s2], $0x10, s1, s23, $0xb8;
	[tilespmem:$0xF800] =	vst v63  }
0x103: {  	s0 =	simm.s32 $0x1  }
0x104: {  	_ =	swait.ge [sflag:s0], $0x800  }
0x105: {  	[sflag:s0] =	ssyncset.done $0x0  }
0x106: {  	s29 =	simm.s32 $0x2;
	[sflag:s0] =	ssyncadd.s32 $0xFFFFF800  }
0x107: {  	_ =	swait.ge [sflag:s29], $0x800  }
0x108: {  	[sflag:s29] =	ssyncset.done $0x0  }
0x109: {  	s1 =	simm.s32 $0x3;
	[sflag:s29] =	ssyncadd.s32 $0xFFFFF800  }
0x10a: {  	_ =	swait.ge [sflag:s1], $0x800  }
0x10b: {  	[sflag:s1] =	ssyncset.done $0x0  }
0x10c: {  	s5 =	simm.s32 $0x4;
	[sflag:s1] =	ssyncadd.s32 $0xFFFFF800  }
0x10d: {  	_ =	swait.ge [sflag:s5], $0x800  }
0x10e: {  	[sflag:s5] =	ssyncset.done $0x0  }
0x10f: {  	s6 =	simm.s32 $0x5;
	[sflag:s5] =	ssyncadd.s32 $0xFFFFF800  }
0x110: {  	_ =	swait.ge [sflag:s6], $0x800  }
0x111: {  	[sflag:s6] =	ssyncset.done $0x0  }
0x112: {  	s7 =	simm.s32 $0x6;
	[sflag:s6] =	ssyncadd.s32 $0xFFFFF800  }
0x113: {  	_ =	swait.ge [sflag:s7], $0x800  }
0x114: {  	[sflag:s7] =	ssyncset.done $0x0  }
0x115: {  	s9 =	simm.s32 $0x7;
	[sflag:s7] =	ssyncadd.s32 $0xFFFFF800  }
0x116: {  	_ =	swait.ge [sflag:s9], $0x800  }
0x117: {  	[sflag:s9] =	ssyncset.done $0x0  }
0x118: {  	[sflag:s9] =	ssyncadd.s32 $0xFFFFF800  }
0x119: {  	_ =	swait.ge [sflag:s13], $0x800  }
0x11a: {  	[sflag:s13] =	ssyncset.done $0x0  }
0x11b: {  	[sflag:s13] =	ssyncadd.s32 $0xFFFFF800  }
0x11c: {  	_ =	swait.ge [sflag:s14], $0x800  }
0x11d: {  	[sflag:s14] =	ssyncset.done $0x0  }
0x11e: {  	[sflag:s14] =	ssyncadd.s32 $0xFFFFF800  }
0x11f: {  	_ =	swait.ge [sflag:s15], $0x800  }
0x120: {  	[sflag:s15] =	ssyncset.done $0x0  }
0x121: {  	[sflag:s15] =	ssyncadd.s32 $0xFFFFF800  }
0x122: {  	[bflag:$0x0] =	sbarrier.arrive $0xFFFF  }
0x123: {  	s30 =	simm.s32 $0x8000;
	s28 =	simm.s32 $0x16;
	s10 =	rddreg [dreg:$0xf]  }
0x124: {  	[tilespmem:s30], [sflag:$0x16] =	stream.linear.gather [spmem:s10], $0x2710, $0x38;
	[tilespmem:$0xF800] =	vst v63  }
0x125: {  	_ =	swait.ge [sflag:s28], $0x2710  }
0x126: {  	[sflag:s28] =	ssyncset.done $0x0  }
0x127: {  	s19 =	simm.s32 $0x0;
	s11 =	rddreg [dreg:$0x10];
	[sflag:s28] =	ssyncadd.s32 $0xFFFFD8F0  }
0x128: {  	[hbm4b:s11+s19] =	stream.linear.scatter [tilespmem:s30], [sflag:$0x16], $0x2710, $0x38;
	[tilespmem:$0xF800] =	vst v63  }
0x129: {  	_ =	swait.ge [sflag:s28], $0x2710  }
0x12a: {  	s26 =	rddreg [dreg:$0x12]  }
0x12b: {  	s29 =	rddreg [dreg:$0x11];
	s0 =	sadd.s32 $0x1, s26  }
0x12c: {  	p0 =	sne.s32 s0, s29  }
.Ltmp1:
0x12d: {  	_ = 	snop;
	(pc) =	sbr.rel @p0 .LBB2_1-.Ltmp1, $3  }
0x12e: {  	_ =	sdelay $0x1  }
0x12f: {  	[sflag:s28] =	ssyncset.done $0x0  }
0x130: {  	[sflag:s28] =	ssyncadd.s32 $0xFFFFD8F0  }
0x131: {  	_ =	sfence.sel $0x180000  }
0x132: {  	[bflag:$0x0] =	sbarrier.arrive $0xFFFF  }
0x133: {  	_ =	strace $0x9000004A  }
0x134: {  	s0 =	stileid.u32;
	[bflag:$0x2] =	sbarrier.arrive $0xFFFF  }
0x135: {  	p0 =	sne.s32 s0, $0x0;
	s0 =	rddreg [dreg:$0x4]  }
0x136: {  	s0 =	sadd.s32 @!p0 $0x100000, s0  }
0x137: {  	[sflag:s0] =	ssyncadd.tile.s32 @!p0 $0x1;
	_ =	shalt  }
.Lfunc_end2:
_tile_overlayer_lowered:
.L_overlay_start_2:
0x138: {  	(tag) =	ssettag $0x2  }
0x139: {  	s0 =	rddreg [dreg:$0x0];
	s2 =	stileid.u32  }
0x13a: {  	s1 =	rddreg [dreg:$0x1];
	p0 =	sne.s32 s2, $0x0  }
0x13b: {  	s3 =	rddreg [dreg:$0x2];
	[bflag:$0x3] =	sbarrier.arrive $0xFFFF;
	s2 =	simm.s32 @!p0 $0x1C16  }
0x13c: {  	[timem:s3], [sflag:s2] =	dma.local @!p0 [hbm:s0], s1  }
0x13d: {  	s0 =	simm.s32 @!p0 $0x16  }
0x13e: {  	_ =	swait.ge @!p0 [sflag:s0], s1  }
0x13f: {  	s1 =	ssub.s32 @!p0 $0x0, s1;
	[sflag:s0] =	ssyncset.done @!p0 $0x0  }
0x140: {  	[sflag:s0] =	ssyncadd.s32 @!p0 s1  }
0x141: {  	[bflag:$0x3] =	sbarrier.arrive $0xFFFF  }
0x142: {  	_ =	shalt  }

// kernel: kernel.15.cloned.1.call-start
scs
__scs_entry_jumppad:
0x0: {  	(pc) =	sbr.rel $0x88, $3  }
0x1: {  	(tag) =	ssettag $0x0;
	lr =	simm.s32 $0x1  }
0x2: {  	[smem:$0x3F9B] =	sst lr;
	_ =	strace $0xD0000000  }
0x3: {  	_ = 	snop  }
0x4: {  	_ = 	snop  }
0x5: {  	_ = 	snop  }
0x6: {  	_ = 	snop  }
0x7: {  	_ = 	snop  }
__scs_overlays_trampoline_lowered:
0x8: {  	[smem:$0x3FAA] =	sst s0  }
0x9: {  	[smem:$0x3FAB] =	sst s1  }
0xa: {  	[smem:$0x3FAC] =	sst s2  }
0xb: {  	[smem:$0x3FAD] =	sst s3  }
0xc: {  	[smem:$0x3FAE] =	sst s4  }
0xd: {  	[smem:$0x3FAF] =	sst s5  }
0xe: {  	[smem:$0x3FB0] =	sst s6  }
0xf: {  	[smem:$0x3FB1] =	sst s7  }
0x10: {  	[smem:$0x3FB2] =	sst s8  }
0x11: {  	[smem:$0x3FB3] =	sst s9;
	s0 =	simm.s32 @!p0 $0x0  }
0x12: {  	s1 =	sld [smem:$0x3F99];
	s0 =	simm.s32 @p0 $0x1  }
0x13: {  	[smem:$0x3FB4] =	sst s0;
	s0 =	simm.s32 @!p1 $0x0  }
0x14: {  	s2 =	sld [smem:$0x3F98];
	s0 =	simm.s32 @p1 $0x1  }
0x15: {  	[smem:$0x3FB5] =	sst s0;
	s0 =	simm.s32 @!p2 $0x0  }
0x16: {  	s3 =	sld [smem:$0x3FDB];
	s0 =	simm.s32 @p2 $0x1  }
0x17: {  	s4 =	simm.s32 $0x1BF5;
	[smem:$0x3FB7] =	sst s0  }
0x18: {  	s0 =	sld [smem:$0x3F9A];
	_ =	swait.ge [sflag:s4], $0x0  }
0x19: {  	s7 =	sld [smem:$0x3F9B]  }
0x1a: {  	s8 =	sadd.s32 $0xFFFFE003, lr  }
0x1b: {  	s9 =	sadd.s32 $0xFFFFFEF7, lr;
	s5 =	simm.s32 $0xFFFFFFFF;
	p2 =	slt.u32 s8, $0xFFFFF086  }
0x1c: {  	p1 =	slt.u32 s9, $0xF7A;
	s5 =	simm.s32 @!p2 $0x0  }
0x1d: {  	s5 =	simm.s32 @p1 $0x1;
	p0 =	seq.s32 s7, s2  }
0x1e: {  	s7 =	smul.u32 @!p0 $0xF7A, s2;
	p2 =	seq.s32 @!p0 s5, $0x0  }
0x1f: {  	s9 =	smul.u32 $0xF7A, s1;
	s8 =	simm.s32 @!p0 $0x1BF5;
	p2 =	por !p2, p0  }
0x20: {  	[sflag:s8] =	ssyncset.s32 @!p0 $0xFFFFF086;
	s6 =	sadd.s32 @!p0 s3, s7;
	s7 =	simm.s32 @!p0 $0x108  }
0x21: {  	s3 =	sadd.s32 s3, s9;
	s6 =	sadd.s32 @!p0 $0x88, s6;
	s7 =	simm.s32 @p2 $0x1082  }
0x22: {  	[simem:s7], [sflag:s8] =	dma.local @!p0 [hbm:s6], $0xF7A  }
0x23: {  	s9 =	sor.u32 $0xD0000000, s2;
	s6 =	simm.s32 $0x108;
	_ =	swait.ge @!p0 [sflag:s8], $0x0  }
0x24: {  	s3 =	sadd.s32 $0x88, s3;
	s6 =	simm.s32 @!p1 $0x1082;
	[sflag:s4] =	ssyncset.s32 $0xFFFFF086  }
0x25: {  	[simem:s6], [sflag:s4] =	dma.local [hbm:s3], $0xF7A  }
0x26: {  	[smem:$0x3F9B] =	sst s1;
	(tag) =	ssettag s2;
	_ =	strace s9  }
0x27: {  	s1 =	sld [smem:$0x3FAB]  }
0x28: {  	s2 =	sld [smem:$0x3FAC]  }
0x29: {  	s4 =	sld [smem:$0x3FAE]  }
0x2a: {  	p0 =	seq.s32 s5, $0x0;
	s5 =	sld [smem:$0x3FAF]  }
0x2b: {  	s6 =	sld [smem:$0x3FB0]  }
0x2c: {  	s7 =	sld [smem:$0x3FB1]  }
0x2d: {  	s3 =	simm.s32 $0x108;
	s8 =	sld [smem:$0x3FB2]  }
0x2e: {  	s3 =	simm.s32 @!p0 $0x1082;
	s9 =	sld [smem:$0x3FB3]  }
0x2f: {  	lr =	sadd.s32 s0, s3;
	s0 =	sld [smem:$0x3FAA]  }
0x30: {  	s3 =	sld [smem:$0x3FAD]  }
0x31: {  	[smem:$0x3FB6] =	sst s10  }
0x32: {  	s10 =	sld [smem:$0x3FB4];
	_ =	sdelay $0x3  }
0x33: {  	p0 =	seq.s32 s10, $0x1;
	s10 =	sld [smem:$0x3FB6];
	_ =	sdelay $0x3  }
0x34: {  	[smem:$0x3FB6] =	sst s10  }
0x35: {  	s10 =	sld [smem:$0x3FB5];
	_ =	sdelay $0x3  }
0x36: {  	p1 =	seq.s32 s10, $0x1;
	s10 =	sld [smem:$0x3FB6];
	_ =	sdelay $0x3  }
0x37: {  	[smem:$0x3FB6] =	sst s10  }
0x38: {  	s10 =	sld [smem:$0x3FB7]  }
0x39: {  	_ = 	snop;
	(pc) =	sbr.ind lr, $3  }
0x3a: {  	_ = 	snop  }
0x3b: {  	_ = 	snop  }
0x3c: {  	p2 =	seq.s32 s10, $0x1;
	s10 =	sld [smem:$0x3FB6]  }
0x3d: {  	_ =	shalt  }
0x3e: {  	_ =	shalt  }
0x3f: {  	_ =	shalt  }
0x40: {  	_ =	shalt  }
0x41: {  	_ =	shalt  }
0x42: {  	_ =	shalt  }
0x43: {  	_ =	shalt  }
0x44: {  	_ =	shalt  }
0x45: {  	_ =	shalt  }
0x46: {  	_ =	shalt  }
0x47: {  	_ =	shalt  }
0x48: {  	_ =	shalt  }
0x49: {  	_ =	shalt  }
0x4a: {  	_ =	shalt  }
0x4b: {  	_ =	shalt  }
0x4c: {  	_ =	shalt  }
0x4d: {  	_ =	shalt  }
0x4e: {  	_ =	shalt  }
0x4f: {  	_ =	shalt  }
0x50: {  	_ =	shalt  }
0x51: {  	_ =	shalt  }
0x52: {  	_ =	shalt  }
0x53: {  	_ =	shalt  }
0x54: {  	_ =	shalt  }
0x55: {  	_ =	shalt  }
0x56: {  	_ =	shalt  }
0x57: {  	_ =	shalt  }
0x58: {  	_ =	shalt  }
0x59: {  	_ =	shalt  }
0x5a: {  	_ =	shalt  }
0x5b: {  	_ =	shalt  }
0x5c: {  	_ =	shalt  }
0x5d: {  	_ =	shalt  }
0x5e: {  	_ =	shalt  }
0x5f: {  	_ =	shalt  }
0x60: {  	_ =	shalt  }
0x61: {  	_ =	shalt  }
0x62: {  	_ =	shalt  }
0x63: {  	_ =	shalt  }
0x64: {  	_ =	shalt  }
0x65: {  	_ =	shalt  }
0x66: {  	_ =	shalt  }
0x67: {  	_ =	shalt  }
0x68: {  	_ =	shalt  }
0x69: {  	_ =	shalt  }
0x6a: {  	_ =	shalt  }
0x6b: {  	_ =	shalt  }
0x6c: {  	_ =	shalt  }
0x6d: {  	_ =	shalt  }
0x6e: {  	_ =	shalt  }
0x6f: {  	_ =	shalt  }
0x70: {  	_ =	shalt  }
0x71: {  	_ =	shalt  }
0x72: {  	_ =	shalt  }
0x73: {  	_ =	shalt  }
0x74: {  	_ =	shalt  }
0x75: {  	_ =	shalt  }
0x76: {  	_ =	shalt  }
0x77: {  	_ =	shalt  }
0x78: {  	_ =	shalt  }
0x79: {  	_ =	shalt  }
0x7a: {  	_ =	shalt  }
0x7b: {  	_ =	shalt  }
0x7c: {  	_ =	shalt  }
0x7d: {  	_ =	shalt  }
0x7e: {  	_ =	shalt  }
0x7f: {  	_ =	shalt  }
0x80: {  	_ =	shalt  }
0x81: {  	_ =	shalt  }
0x82: {  	_ =	shalt  }
0x83: {  	_ =	shalt  }
0x84: {  	_ =	shalt  }
0x85: {  	_ =	shalt  }
0x86: {  	_ =	shalt  }
0x87: {  	_ =	shalt  }
.Lfunc_end0:
.L_simem_size_0:
called_computation.2_lowered:
.L_overlay_start_0:
0x88: {  	s2 =	sld [smem:$0x3FD9]  }
0x89: {  	s3 =	sld [smem:$0x3FFE];
	_ =	sdelay $0x1  }
0x8a: {  	s1 =	srdreg.scid  }
0x8b: {  	s0 =	sand.u32 $0x1, s1  }
0x8c: {  	s17 =	sshll.u32 s0, $0xA;
	s2 =	sadd.s32 s3, s2  }
0x8d: {  	s2 =	sadd.s32 s2, s17  }
0x8e: {  	[smem:$0x3FC2] =	sst s2  }
0x8f: {  	_ = 	snop  }
0x90: {  	s2 =	sld [smem:$0x3FD0];
	(tm) =	ssettm $0x1  }
0x91: {  	s18 =	sld [smem:$0x3FFB];
	_ =	sdelay $0x3  }
0x92: {  	_ =	strace s18  }
0x93: {  	s3 =	sld [smem:$0x3FFC];
	_ =	sdelay $0x3  }
0x94: {  	_ =	strace s3  }
0x95: {  	s3 =	sld [smem:$0x3FFD];
	_ =	sdelay $0x3  }
0x96: {  	_ =	strace s3  }
0x97: {  	_ =	strace $0x8FFFFFFF  }
0x98: {  	s19 =	sld [smem:$0x3FDB];
	_ =	sdelay $0x1  }
0x99: {  	s4 =	simm.s32 $_scs_section_size  }
0x9a: {  	s5 =	simm.s32 $_size__tile_overlayer_lowered;
	s6 =	simm.s32 $_tile_overlayer_lowered  }
0x9b: {  	s22 =	simm.s32 $0x1BFF;
	s21 =	sshll.u32 s6, $0x1;
	s3 =	sadd.s32 s4, s19  }
0x9c: {  	s7 =	simm.s32 $0x0;
	s20 =	sshll.u32 s5, $0x1;
	s5 =	sadd.s32 s21, s3  }
0x9d: {  	[timem:s7], [sflag:s22] =	dma.local [hbm:s5], s20  }
0x9e: {  	_ =	swait.ge [sflag:s22], s20  }
0x9f: {  	s4 =	ssub.s32 $0x0, s20;
	[sflag:s22] =	ssyncset.done $0x0  }
0xa0: {  	[sflag:s22] =	ssyncadd.s32 s4;
	_ =	sdelay $0x1  }
0xa1: {  	s23 =	simm.s32 $0x1B8B  }
0xa2: {  	_ =	swait.ge [sflag:s23], $0x1  }
0xa3: {  	[sflag:s23] =	ssyncset.done $0x0  }
0xa4: {  	s25 =	simm.s32 $0x1B8E;
	s24 =	sld [smem:$0x3FFE];
	[sflag:s23] =	ssyncadd.s32 $0xFFFFFFFF  }
0xa5: {  	s26 =	simm.s32 $execute0_lowered;
	[smem:$0x3FD2] =	sst s25  }
0xa6: {  	s5 =	sshll.u32 s26, $0x1;
	_ =	strace $0x8000004C;
	[dreg:$0x1] =	wrdreg $0xFFFFFFFF  }
0xa7: {  	s28 =	simm.s32 $_size_execute0_lowered;
	s3 =	sadd.s32 s3, s5;
	[dreg:$0x0] =	wrdreg $0x0  }
0xa8: {  	s5 =	sshll.u32 s28, $0x1;
	[dreg:$0x2] =	wrdreg s3  }
0xa9: {  	[dreg:$0x3] =	wrdreg s5  }
0xaa: {  	[dreg:$0x4] =	wrdreg $0xC0  }
0xab: {  	_ =	task [dreg:s7], $0x5FFFF  }
0xac: {  	[dreg:$0x1] =	wrdreg $0xFFFFFFFF  }
0xad: {  	[dreg:$0x0] =	wrdreg $0x60  }
0xae: {  	[dreg:$0x2] =	wrdreg s2  }
0xaf: {  	[dreg:$0x3] =	wrdreg s24  }
0xb0: {  	[dreg:$0x4] =	wrdreg $0xD0000  }
0xb1: {  	[dreg:$0x5] =	wrdreg $0xA8000  }
0xb2: {  	[dreg:$0x6] =	wrdreg $0x9  }
0xb3: {  	_ =	task.clear_ibuf [dreg:s7], $0x7FFFF;
	_ =	strace $0x9000004C  }
0xb4: {  	s29 =	simm.s32 $0x9;
	_ =	strace $0x8000004E  }
0xb5: {  	_ =	swait.ge [sflag:s29], $0x1  }
0xb6: {  	[sflag:s29] =	ssyncadd.s32 $0xFFFFFFFF  }
0xb7: {  	_ =	strace $0x9000004E  }
0xb8: {  	_ =	sfence  }
0xb9: {  	s30 =	sld [smem:$0x0];
	_ =	sdelay $0x2  }
0xba: {  	s31 =	sshll.u32 s1, $0xD;
	s1 =	sshrl.u32 s1, $0x2  }
0xbb: {  	s3 =	sand.u32 $0x4000, s31;
	s1 =	sadd.s32 s1, s30  }
0xbc: {  	s0 =	sor.u32 s3, s0;
	s1 =	sshll.u32 s1, $0x11  }
0xbd: {  	s0 =	sor.u32 s1, s0  }
0xbe: {  	s0 =	sadd.s32 $0x8F2B, s0  }
0xbf: {  	[sflag:s0] =	ssyncadd.remote.s32 $0x1  }
0xc0: {  	_ =	sfence.sel $0xFFFF  }
0xc1: {  	[dreg:$0x0] =	wrdreg $0xFFFFFFFF;
	(pc) =	sbr.abs _section_cstart, $3  }
0xc2: {  	[dreg:$0x1] =	wrdreg $0xFFFFFFFF  }
0xc3: {  	_ =	task.clear_ibuf [dreg:s7], $0x2FFFF;
	_ =	strace $0x9FFFFFFF  }
0xc4: {  	(tm) =	ssettm $0x7FFFFFFF  }
0xc5: {  	_ =	shalt  }
tec
execute0_lowered:
.L_overlay_start_1:
0x0: {  	(tag) =	ssettag $0x1  }
0x1: {  	s0 =	srdreg.scid;
	s1 =	rddreg [dreg:$0x0]  }
0x2: {  	s8 =	stileid.u32;
	s4 =	rddreg [dreg:$0x1];
	s19 =	simm.s32 $0x0  }
0x3: {  	s28 =	simm.s32 $0x16;
	s30 =	simm.s32 $0x8000;
	s13 =	simm.s32 $0x8  }
0x4: {  	s14 =	simm.s32 $0x9;
	s15 =	simm.s32 $0xA;
	s31 =	simm.s32 $0x2800  }
0x5: {  	s12 =	simm.s32 $0x6800;
	s0 =	sand.u32 $0x1, s0;
	s6 =	smul.u32 $0x2710, s8  }
0x6: {  	[smem:$0x7FF] =	sst s19;
	s9 =	sadd.s32 $0xBE00, s4;
	s2 =	sshll.u32 s0, $0x4  }
0x7: {  	s7 =	smul.u32 $0x27100, s0;
	s0 =	ssub.s32 $0x2, s0;
	s3 =	sor.u32 s8, s2  }
0x8: {  	s2 =	rddreg [dreg:$0x2];
	s8 =	smul.u32 $0xA000, s8;
	s16 =	sshrl.u32 s0, $0x1  }
0x9: {  	s20 =	sshrl.u32 s6, $0x3;
	s5 =	smul.u32 $0x1400, s3;
	s3 =	rddreg [dreg:$0x3]  }
0xa: {  	_ =	strace $0x8000004D;
	[dreg:$0x5] =	wrdreg s9;
	s1 =	sadd.s32 s1, s20  }
0xb: {  	s7 =	sadd.s32 s6, s7;
	s21 =	sadd.s32 s6, s2;
	[dreg:$0x9] =	wrdreg s1  }
0xc: {  	s0 =	ssub.s32 s0, s16;
	[dreg:$0xa] =	wrdreg s21;
	s26 =	sadd.s32 s6, s3  }
0xd: {  	s7 =	sshrl.u32 s7, $0x3;
	s0 =	smax.u32 s0, $0x1;
	[dreg:$0xf] =	wrdreg s26  }
0xe: {  	s18 =	sshrl.u32 s8, $0x2;
	s5 =	sshrl.u32 s5, $0x3;
	[dreg:$0x11] =	wrdreg s0  }
0xf: {  	s5 =	sadd.s32 s5, s4;
	s4 =	sadd.s32 s7, s4;
	s7 =	sadd.s32 s18, s3  }
0x10: {  	s16 =	simm.s32 $0xB;
	s17 =	sadd.s32 $0x1E00, s5;
	[dreg:$0x8] =	wrdreg s7  }
0x11: {  	s20 =	simm.s32 $0xE;
	s5 =	sadd.s32 $0x6E00, s5;
	[dreg:$0x6] =	wrdreg s17  }
0x12: {  	s8 =	simm.s32 $0xD;
	s22 =	sadd.s32 $0x800, s7;
	[dreg:$0x7] =	wrdreg s5  }
0x13: {  	s21 =	simm.s32 $0x10;
	s23 =	sadd.s32 $0x1000, s7;
	[dreg:$0xb] =	wrdreg s22  }
0x14: {  	s0 =	simm.s32 $0x0;
	s24 =	sadd.s32 $0x1800, s7;
	[dreg:$0xc] =	wrdreg s23  }
0x15: {  	s18 =	simm.s32 $0x12;
	s25 =	sadd.s32 $0x2000, s7;
	[dreg:$0xd] =	wrdreg s24  }
0x16: {  	s29 =	sadd.s32 $0xC000, s4;
	s4 =	simm.s32 $0xF;
	[dreg:$0xe] =	wrdreg s25  }
0x17: {  	[dreg:$0x10] =	wrdreg s29;
	s23 =	simm.s32 $0x80;
	s17 =	simm.s32 $0xC  }
0x18: {  	s22 =	simm.s32 $0x11;
	s24 =	simm.s32 $0x13;
	s25 =	simm.s32 $0x14  }
.LBB2_1:
0x19: {  	[dreg:$0x12] =	wrdreg s0  }
0x1a: {  	s1 =	rddreg [dreg:$0x6]  }
0x1b: {  	[tilespmem:s19], [sflag:$0x16] =	stream.linear.gather [hbm4b:s1+s19], $0x1400, $0x38;
	[tilespmem:$0xF800] =	vst v63  }
0x1c: {  	_ =	swait.ge [sflag:s28], $0x1400  }
0x1d: {  	[sflag:s28] =	ssyncset.done $0x0  }
0x1e: {  	s29 =	simm.s32 $0x1400;
	s6 =	rddreg [dreg:$0x7];
	[sflag:s28] =	ssyncadd.s32 $0xFFFFEC00  }
0x1f: {  	[tilespmem:s29], [sflag:$0x16] =	stream.linear.gather [hbm4b:s6+s19], $0x1400, $0x38;
	[tilespmem:$0xF800] =	vst v63  }
0x20: {  	_ =	swait.ge [sflag:s28], $0x1400  }
0x21: {  	[sflag:s28] =	ssyncset.done $0x0  }
0x22: {  	s7 =	rddreg [dreg:$0x9];
	[sflag:s28] =	ssyncadd.s32 $0xFFFFEC00  }
0x23: {  	[tilespmem:s30], [sflag:$0x16] =	stream.linear.gather [hbm4b:s7+s19], $0x2710, $0x38;
	[tilespmem:$0xF800] =	vst v63  }
0x24: {  	_ =	swait.ge [sflag:s28], $0x2710  }
0x25: {  	[sflag:s28] =	ssyncset.done $0x0  }
0x26: {  	s9 =	rddreg [dreg:$0xa];
	[sflag:s28] =	ssyncadd.s32 $0xFFFFD8F0  }
0x27: {  	[spmem:s9] =	stream.linear.scatter [tilespmem:s30], [sflag:$0x16], $0x2710, $0x38;
	[tilespmem:$0xF800] =	vst v63  }
0x28: {  	_ =	swait.ge [sflag:s28], $0x2710  }
0x29: {  	[sflag:s28] =	ssyncset.done $0x0  }
0x2a: {  	s29 =	simm.s32 $0x7800;
	s10 =	rddreg [dreg:$0x5];
	[sflag:s28] =	ssyncadd.s32 $0xFFFFD8F0  }
0x2b: {  	[tilespmem:s29], [sflag:$0x16] =	stream.linear.gather [hbm4b:s10+s19], $0x800, $0x38;
	[tilespmem:$0xF800] =	vst v63  }
0x2c: {  	_ =	swait.ge [sflag:s28], $0x800  }
0x2d: {  	[sflag:s28] =	ssyncset.done $0x0  }
0x2e: {  	s11 =	rddreg [dreg:$0x8];
	[sflag:s28] =	ssyncadd.s32 $0xFFFFF800  }
0x2f: {  	[spmem:s11] =	stream.linear.scatter [tilespmem:s29], [sflag:$0x15], $0x800, $0x38;
	[tilespmem:$0xF800] =	vst v63  }
0x30: {  	s26 =	rddreg [dreg:$0xb]  }
0x31: {  	[spmem:s26] =	stream.linear.scatter [tilespmem:s29], [sflag:$0x15], $0x800, $0x38;
	[tilespmem:$0xF800] =	vst v63  }
0x32: {  	s30 =	rddreg [dreg:$0xc]  }
0x33: {  	[spmem:s30] =	stream.linear.scatter [tilespmem:s29], [sflag:$0x15], $0x800, $0x38;
	[tilespmem:$0xF800] =	vst v63  }
0x34: {  	s0 =	rddreg [dreg:$0xd]  }
0x35: {  	[spmem:s0] =	stream.linear.scatter [tilespmem:s29], [sflag:$0x15], $0x800, $0x38;
	[tilespmem:$0xF800] =	vst v63  }
0x36: {  	s6 =	simm.s32 $0x15;
	s5 =	rddreg [dreg:$0xe]  }
0x37: {  	[spmem:s5] =	stream.linear.scatter [tilespmem:s29], [sflag:$0x15], $0x800, $0x38;
	[tilespmem:$0xF800] =	vst v63  }
0x38: {  	_ =	swait.ge [sflag:s6], $0x800  }
0x39: {  	[sflag:s6] =	ssyncset.done $0x0  }
0x3a: {  	[sflag:s6] =	ssyncadd.s32 $0xFFFFF800  }
0x3b: {  	_ =	swait.ge [sflag:s6], $0x800  }
0x3c: {  	[sflag:s6] =	ssyncset.done $0x0  }
0x3d: {  	[sflag:s6] =	ssyncadd.s32 $0xFFFFF800  }
0x3e: {  	_ =	swait.ge [sflag:s6], $0x800  }
0x3f: {  	[sflag:s6] =	ssyncset.done $0x0  }
0x40: {  	[sflag:s6] =	ssyncadd.s32 $0xFFFFF800  }
0x41: {  	_ =	swait.ge [sflag:s6], $0x800  }
0x42: {  	[sflag:s6] =	ssyncset.done $0x0  }
0x43: {  	[sflag:s6] =	ssyncadd.s32 $0xFFFFF800  }
0x44: {  	_ =	swait.ge [sflag:s6], $0x800  }
0x45: {  	[sflag:s6] =	ssyncset.done $0x0  }
0x46: {  	[sflag:s6] =	ssyncadd.s32 $0xFFFFF800  }
0x47: {  	s26 =	simm.s32 $0x2800;
	[bflag:$0x0] =	sbarrier.arrive $0xFFFF  }
0x48: {  	[tilespmem:s26], [sflag:$0x1] =	stream.indirect.gather [spmem:s2], $0x10, s19, s23, $0xb8;
	[tilespmem:$0xF800] =	vst v63  }
0x49: {  	s29 =	simm.s32 $0x3000  }
0x4a: {  	[tilespmem:s29], [sflag:$0x2] =	stream.indirect.gather [spmem:s2], $0x10, s23, s23, $0xb8;
	[tilespmem:$0xF800] =	vst v63  }
0x4b: {  	s7 =	simm.s32 $0x100;
	s5 =	simm.s32 $0x3800  }
0x4c: {  	[tilespmem:s5], [sflag:$0x3] =	stream.indirect.gather [spmem:s2], $0x10, s7, s23, $0xb8;
	[tilespmem:$0xF800] =	vst v63  }
0x4d: {  	s9 =	simm.s32 $0x180;
	s6 =	simm.s32 $0x4000  }
0x4e: {  	[tilespmem:s6], [sflag:$0x4] =	stream.indirect.gather [spmem:s2], $0x10, s9, s23, $0xb8;
	[tilespmem:$0xF800] =	vst v63  }
0x4f: {  	s10 =	simm.s32 $0x200;
	s7 =	simm.s32 $0x4800  }
0x50: {  	[tilespmem:s7], [sflag:$0x5] =	stream.indirect.gather [spmem:s2], $0x10, s10, s23, $0xb8;
	[tilespmem:$0xF800] =	vst v63  }
0x51: {  	s11 =	simm.s32 $0x280;
	s9 =	simm.s32 $0x5000  }
0x52: {  	[tilespmem:s9], [sflag:$0x6] =	stream.indirect.gather [spmem:s2], $0x10, s11, s23, $0xb8;
	[tilespmem:$0xF800] =	vst v63  }
0x53: {  	s19 =	simm.s32 $0x300;
	s10 =	simm.s32 $0x5800  }
0x54: {  	[tilespmem:s10], [sflag:$0x7] =	stream.indirect.gather [spmem:s2], $0x10, s19, s23, $0xb8;
	[tilespmem:$0xF800] =	vst v63  }
0x55: {  	s30 =	simm.s32 $0x380;
	s19 =	simm.s32 $0x6000  }
0x56: {  	[tilespmem:s19], [sflag:$0x8] =	stream.indirect.gather [spmem:s2], $0x10, s30, s23, $0xb8;
	[tilespmem:$0xF800] =	vst v63  }
0x57: {  	s0 =	simm.s32 $0x400;
	s11 =	simm.s32 $0x6800  }
0x58: {  	[tilespmem:s11], [sflag:$0x9] =	stream.indirect.gather [spmem:s2], $0x10, s0, s23, $0xb8;
	[tilespmem:$0xF800] =	vst v63  }
0x59: {  	s30 =	simm.s32 $0x480;
	s0 =	simm.s32 $0x7000  }
0x5a: {  	[tilespmem:s0], [sflag:$0xA] =	stream.indirect.gather [spmem:s2], $0x10, s30, s23, $0xb8;
	[tilespmem:$0xF800] =	vst v63  }
0x5b: {  	s30 =	simm.s32 $0x1  }
0x5c: {  	_ =	swait.ge [sflag:s30], $0x800  }
0x5d: {  	[sflag:s30] =	ssyncset.done $0x0  }
0x5e: {  	[sflag:s30] =	ssyncadd.s32 $0xFFFFF800;
	s30 =	simm.s32 $0x1400  }
0x5f: {  	[spmem:s3] =	stream.indirect.scatter.add.f32 [tilespmem:s26], [sflag:$0xB], $0x10, s30, s23, $0xb8;
	[tilespmem:$0xF800] =	vst v63  }
0x60: {  	s30 =	simm.s32 $0x2  }
0x61: {  	_ =	swait.ge [sflag:s30], $0x800  }
0x62: {  	[sflag:s30] =	ssyncset.done $0x0  }
0x63: {  	[sflag:s30] =	ssyncadd.s32 $0xFFFFF800;
	s30 =	simm.s32 $0x1480  }
0x64: {  	[spmem:s3] =	stream.indirect.scatter.add.f32 [tilespmem:s29], [sflag:$0xC], $0x10, s30, s23, $0xb8;
	[tilespmem:$0xF800] =	vst v63  }
0x65: {  	s30 =	simm.s32 $0x3  }
0x66: {  	_ =	swait.ge [sflag:s30], $0x800  }
0x67: {  	[sflag:s30] =	ssyncset.done $0x0  }
0x68: {  	[sflag:s30] =	ssyncadd.s32 $0xFFFFF800;
	s30 =	simm.s32 $0x1500  }
0x69: {  	[spmem:s3] =	stream.indirect.scatter.add.f32 [tilespmem:s5], [sflag:$0xD], $0x10, s30, s23, $0xb8;
	[tilespmem:$0xF800] =	vst v63  }
0x6a: {  	s30 =	simm.s32 $0x4  }
0x6b: {  	_ =	swait.ge [sflag:s30], $0x800  }
0x6c: {  	[sflag:s30] =	ssyncset.done $0x0  }
0x6d: {  	[sflag:s30] =	ssyncadd.s32 $0xFFFFF800;
	s30 =	simm.s32 $0x1580  }
0x6e: {  	[spmem:s3] =	stream.indirect.scatter.add.f32 [tilespmem:s6], [sflag:$0xE], $0x10, s30, s23, $0xb8;
	[tilespmem:$0xF800] =	vst v63  }
0x6f: {  	s30 =	simm.s32 $0x5  }
0x70: {  	_ =	swait.ge [sflag:s30], $0x800  }
0x71: {  	[sflag:s30] =	ssyncset.done $0x0  }
0x72: {  	[sflag:s30] =	ssyncadd.s32 $0xFFFFF800;
	s30 =	simm.s32 $0x1600  }
0x73: {  	[spmem:s3] =	stream.indirect.scatter.add.f32 [tilespmem:s7], [sflag:$0xF], $0x10, s30, s23, $0xb8;
	[tilespmem:$0xF800] =	vst v63  }
0x74: {  	s30 =	simm.s32 $0x6  }
0x75: {  	_ =	swait.ge [sflag:s30], $0x800  }
0x76: {  	[sflag:s30] =	ssyncset.done $0x0  }
0x77: {  	[sflag:s30] =	ssyncadd.s32 $0xFFFFF800;
	s30 =	simm.s32 $0x1680  }
0x78: {  	[spmem:s3] =	stream.indirect.scatter.add.f32 [tilespmem:s9], [sflag:$0x10], $0x10, s30, s23, $0xb8;
	[tilespmem:$0xF800] =	vst v63  }
0x79: {  	s30 =	simm.s32 $0x7  }
0x7a: {  	_ =	swait.ge [sflag:s30], $0x800  }
0x7b: {  	[sflag:s30] =	ssyncset.done $0x0  }
0x7c: {  	[sflag:s30] =	ssyncadd.s32 $0xFFFFF800;
	s30 =	simm.s32 $0x1700  }
0x7d: {  	[spmem:s3] =	stream.indirect.scatter.add.f32 [tilespmem:s10], [sflag:$0x11], $0x10, s30, s23, $0xb8;
	[tilespmem:$0xF800] =	vst v63  }
0x7e: {  	_ =	swait.ge [sflag:s13], $0x800  }
0x7f: {  	[sflag:s13] =	ssyncset.done $0x0  }
0x80: {  	s30 =	simm.s32 $0x1780;
	[sflag:s13] =	ssyncadd.s32 $0xFFFFF800  }
0x81: {  	[spmem:s3] =	stream.indirect.scatter.add.f32 [tilespmem:s19], [sflag:$0x12], $0x10, s30, s23, $0xb8;
	[tilespmem:$0xF800] =	vst v63  }
0x82: {  	_ =	swait.ge [sflag:s14], $0x800  }
0x83: {  	[sflag:s14] =	ssyncset.done $0x0  }
0x84: {  	s30 =	simm.s32 $0x1800;
	[sflag:s14] =	ssyncadd.s32 $0xFFFFF800  }
0x85: {  	[spmem:s3] =	stream.indirect.scatter.add.f32 [tilespmem:s11], [sflag:$0x13], $0x10, s30, s23, $0xb8;
	[tilespmem:$0xF800] =	vst v63  }
0x86: {  	_ =	swait.ge [sflag:s15], $0x800  }
0x87: {  	[sflag:s15] =	ssyncset.done $0x0  }
0x88: {  	s30 =	simm.s32 $0x1880;
	[sflag:s15] =	ssyncadd.s32 $0xFFFFF800  }
0x89: {  	[spmem:s3] =	stream.indirect.scatter.add.f32 [tilespmem:s0], [sflag:$0x14], $0x10, s30, s23, $0xb8;
	[tilespmem:$0xF800] =	vst v63  }
0x8a: {  	p0 =	por $0x0, $0x0;
	s1 =	simm.s32 $0x1400;
	_ =	swait.ge [sflag:s16], $0x800  }
0x8b: {  	s1 =	simm.s32 @p0 $0x3C00;
	[sflag:s16] =	ssyncset.done $0x0  }
0x8c: {  	s1 =	sshra.s32 s1, $0x2;
	[sflag:s16] =	ssyncadd.s32 $0xFFFFF800  }
0x8d: {  	[tilespmem:s26], [sflag:$0x1] =	stream.indirect.gather [spmem:s2], $0x10, s1, s23, $0xb8;
	[tilespmem:$0xF800] =	vst v63  }
0x8e: {  	s1 =	simm.s32 $0x1600;
	_ =	swait.ge [sflag:s17], $0x800  }
0x8f: {  	s1 =	simm.s32 @p0 $0x3E00;
	[sflag:s17] =	ssyncset.done $0x0  }
0x90: {  	s1 =	sshra.s32 s1, $0x2;
	[sflag:s17] =	ssyncadd.s32 $0xFFFFF800  }
0x91: {  	[tilespmem:s29], [sflag:$0x2] =	stream.indirect.gather [spmem:s2], $0x10, s1, s23, $0xb8;
	[tilespmem:$0xF800] =	vst v63  }
0x92: {  	s1 =	simm.s32 $0x1800;
	_ =	swait.ge [sflag:s8], $0x800  }
0x93: {  	s1 =	simm.s32 @p0 $0x4000;
	[sflag:s8] =	ssyncset.done $0x0  }
0x94: {  	s1 =	sshra.s32 s1, $0x2;
	[sflag:s8] =	ssyncadd.s32 $0xFFFFF800  }
0x95: {  	[tilespmem:s5], [sflag:$0x3] =	stream.indirect.gather [spmem:s2], $0x10, s1, s23, $0xb8;
	[tilespmem:$0xF800] =	vst v63  }
0x96: {  	s1 =	simm.s32 $0x1A00;
	_ =	swait.ge [sflag:s20], $0x800  }
0x97: {  	s1 =	simm.s32 @p0 $0x4200;
	[sflag:s20] =	ssyncset.done $0x0  }
0x98: {  	s1 =	sshra.s32 s1, $0x2;
	[sflag:s20] =	ssyncadd.s32 $0xFFFFF800  }
0x99: {  	[tilespmem:s6], [sflag:$0x4] =	stream.indirect.gather [spmem:s2], $0x10, s1, s23, $0xb8;
	[tilespmem:$0xF800] =	vst v63  }
0x9a: {  	s1 =	simm.s32 $0x1C00;
	_ =	swait.ge [sflag:s4], $0x800  }
0x9b: {  	s1 =	simm.s32 @p0 $0x4400;
	[sflag:s4] =	ssyncset.done $0x0  }
0x9c: {  	s1 =	sshra.s32 s1, $0x2;
	[sflag:s4] =	ssyncadd.s32 $0xFFFFF800  }
0x9d: {  	[tilespmem:s7], [sflag:$0x5] =	stream.indirect.gather [spmem:s2], $0x10, s1, s23, $0xb8;
	[tilespmem:$0xF800] =	vst v63  }
0x9e: {  	s1 =	simm.s32 $0x1E00;
	_ =	swait.ge [sflag:s21], $0x800  }
0x9f: {  	s1 =	simm.s32 @p0 $0x4600;
	[sflag:s21] =	ssyncset.done $0x0  }
0xa0: {  	s1 =	sshra.s32 s1, $0x2;
	[sflag:s21] =	ssyncadd.s32 $0xFFFFF800  }
0xa1: {  	[tilespmem:s9], [sflag:$0x6] =	stream.indirect.gather [spmem:s2], $0x10, s1, s23, $0xb8;
	[tilespmem:$0xF800] =	vst v63  }
0xa2: {  	s1 =	simm.s32 $0x2000;
	_ =	swait.ge [sflag:s22], $0x800  }
0xa3: {  	s1 =	simm.s32 @p0 $0x4800;
	[sflag:s22] =	ssyncset.done $0x0  }
0xa4: {  	s1 =	sshra.s32 s1, $0x2;
	[sflag:s22] =	ssyncadd.s32 $0xFFFFF800  }
0xa5: {  	[tilespmem:s10], [sflag:$0x7] =	stream.indirect.gather [spmem:s2], $0x10, s1, s23, $0xb8;
	[tilespmem:$0xF800] =	vst v63  }
0xa6: {  	s1 =	simm.s32 $0x2200;
	_ =	swait.ge [sflag:s18], $0x800  }
0xa7: {  	s1 =	simm.s32 @p0 $0x4A00;
	[sflag:s18] =	ssyncset.done $0x0  }
0xa8: {  	s1 =	sshra.s32 s1, $0x2;
	[sflag:s18] =	ssyncadd.s32 $0xFFFFF800  }
0xa9: {  	[tilespmem:s19], [sflag:$0x8] =	stream.indirect.gather [spmem:s2], $0x10, s1, s23, $0xb8;
	[tilespmem:$0xF800] =	vst v63  }
0xaa: {  	s1 =	simm.s32 $0x2400;
	_ =	swait.ge [sflag:s24], $0x800  }
0xab: {  	s1 =	simm.s32 @p0 $0x4C00;
	[sflag:s24] =	ssyncset.done $0x0  }
0xac: {  	s1 =	sshra.s32 s1, $0x2;
	[sflag:s24] =	ssyncadd.s32 $0xFFFFF800  }
0xad: {  	[tilespmem:s11], [sflag:$0x9] =	stream.indirect.gather [spmem:s2], $0x10, s1, s23, $0xb8;
	[tilespmem:$0xF800] =	vst v63  }
0xae: {  	s1 =	simm.s32 $0x2600;
	_ =	swait.ge [sflag:s25], $0x800  }
0xaf: {  	s1 =	simm.s32 @p0 $0x4E00;
	[sflag:s25] =	ssyncset.done $0x0  }
0xb0: {  	s28 =	simm.s32 $0x3A00;
	s1 =	sshra.s32 s1, $0x2;
	[sflag:s25] =	ssyncadd.s32 $0xFFFFF800  }
.LBB2_2:
0xb1: {  	s0 =	simm.s32 $0x7000;
	s30 =	smov.u32 s28;
	s5 =	simm.s32 $0x1  }
0xb2: {  	[tilespmem:s0], [sflag:$0xA] =	stream.indirect.gather [spmem:s2], $0x10, s1, s23, $0xb8;
	[tilespmem:$0xF800] =	vst v63  }
0xb3: {  	p0 =	sne.s32 s28, $0x6200;
	s28 =	sadd.s32 $0x1400, s28;
	_ =	swait.ge [sflag:s5], $0x800  }
0xb4: {  	s1 =	sshra.s32 s30, $0x2;
	[sflag:s5] =	ssyncset.done $0x0  }
0xb5: {  	s19 =	sadd.s32 $0xA80, s1;
	[sflag:s5] =	ssyncadd.s32 $0xFFFFF800;
	s5 =	simm.s32 $0x2  }
0xb6: {  	[spmem:s3] =	stream.indirect.scatter.add.f32 [tilespmem:s31], [sflag:$0xB], $0x10, s19, s23, $0xb8;
	[tilespmem:$0xF800] =	vst v63  }
0xb7: {  	_ =	swait.ge [sflag:s5], $0x800  }
0xb8: {  	[sflag:s5] =	ssyncset.done $0x0  }
0xb9: {  	s19 =	sadd.s32 $0xB00, s1;
	[sflag:s5] =	ssyncadd.s32 $0xFFFFF800;
	s5 =	simm.s32 $0x3  }
0xba: {  	[spmem:s3] =	stream.indirect.scatter.add.f32 [tilespmem:s29], [sflag:$0xC], $0x10, s19, s23, $0xb8;
	[tilespmem:$0xF800] =	vst v63  }
0xbb: {  	_ =	swait.ge [sflag:s5], $0x800  }
0xbc: {  	s6 =	simm.s32 $0x4;
	[sflag:s5] =	ssyncset.done $0x0  }
0xbd: {  	s19 =	sadd.s32 $0xB80, s1;
	[sflag:s5] =	ssyncadd.s32 $0xFFFFF800;
	s5 =	simm.s32 $0x3800  }
0xbe: {  	[spmem:s3] =	stream.indirect.scatter.add.f32 [tilespmem:s5], [sflag:$0xD], $0x10, s19, s23, $0xb8;
	[tilespmem:$0xF800] =	vst v63  }
0xbf: {  	_ =	swait.ge [sflag:s6], $0x800  }
0xc0: {  	s7 =	simm.s32 $0x5;
	[sflag:s6] =	ssyncset.done $0x0  }
0xc1: {  	s19 =	sadd.s32 $0xC00, s1;
	[sflag:s6] =	ssyncadd.s32 $0xFFFFF800;
	s6 =	simm.s32 $0x4000  }
0xc2: {  	[spmem:s3] =	stream.indirect.scatter.add.f32 [tilespmem:s6], [sflag:$0xE], $0x10, s19, s23, $0xb8;
	[tilespmem:$0xF800] =	vst v63  }
0xc3: {  	_ =	swait.ge [sflag:s7], $0x800  }
0xc4: {  	s9 =	simm.s32 $0x6;
	[sflag:s7] =	ssyncset.done $0x0  }
0xc5: {  	s19 =	sadd.s32 $0xC80, s1;
	[sflag:s7] =	ssyncadd.s32 $0xFFFFF800;
	s7 =	simm.s32 $0x4800  }
0xc6: {  	[spmem:s3] =	stream.indirect.scatter.add.f32 [tilespmem:s7], [sflag:$0xF], $0x10, s19, s23, $0xb8;
	[tilespmem:$0xF800] =	vst v63  }
0xc7: {  	_ =	swait.ge [sflag:s9], $0x800  }
0xc8: {  	s10 =	simm.s32 $0x7;
	[sflag:s9] =	ssyncset.done $0x0  }
0xc9: {  	s19 =	sadd.s32 $0xD00, s1;
	[sflag:s9] =	ssyncadd.s32 $0xFFFFF800;
	s9 =	simm.s32 $0x5000  }
0xca: {  	[spmem:s3] =	stream.indirect.scatter.add.f32 [tilespmem:s9], [sflag:$0x10], $0x10, s19, s23, $0xb8;
	[tilespmem:$0xF800] =	vst v63  }
0xcb: {  	_ =	swait.ge [sflag:s10], $0x800  }
0xcc: {  	[sflag:s10] =	ssyncset.done $0x0  }
0xcd: {  	s19 =	sadd.s32 $0xD80, s1;
	[sflag:s10] =	ssyncadd.s32 $0xFFFFF800;
	s10 =	simm.s32 $0x5800  }
0xce: {  	[spmem:s3] =	stream.indirect.scatter.add.f32 [tilespmem:s10], [sflag:$0x11], $0x10, s19, s23, $0xb8;
	[tilespmem:$0xF800] =	vst v63  }
0xcf: {  	_ =	swait.ge [sflag:s13], $0x800  }
0xd0: {  	[sflag:s13] =	ssyncset.done $0x0  }
0xd1: {  	s11 =	simm.s32 $0x6000;
	s19 =	sadd.s32 $0xE00, s1;
	[sflag:s13] =	ssyncadd.s32 $0xFFFFF800  }
0xd2: {  	[spmem:s3] =	stream.indirect.scatter.add.f32 [tilespmem:s11], [sflag:$0x12], $0x10, s19, s23, $0xb8;
	[tilespmem:$0xF800] =	vst v63  }
0xd3: {  	_ =	swait.ge [sflag:s14], $0x800  }
0xd4: {  	[sflag:s14] =	ssyncset.done $0x0  }
0xd5: {  	s19 =	sadd.s32 $0xE80, s1;
	[sflag:s14] =	ssyncadd.s32 $0xFFFFF800  }
0xd6: {  	[spmem:s3] =	stream.indirect.scatter.add.f32 [tilespmem:s12], [sflag:$0x13], $0x10, s19, s23, $0xb8;
	[tilespmem:$0xF800] =	vst v63  }
0xd7: {  	_ =	swait.ge [sflag:s15], $0x800  }
0xd8: {  	s26 =	simm.s32 $0x7000;
	s19 =	sadd.s32 $0xFFFFF600, s30;
	[sflag:s15] =	ssyncset.done $0x0  }
0xd9: {  	s29 =	sadd.s32 $0xFFFFF000, s30;
	s1 =	sadd.s32 $0xF00, s1;
	[sflag:s15] =	ssyncadd.s32 $0xFFFFF800  }
0xda: {  	[spmem:s3] =	stream.indirect.scatter.add.f32 [tilespmem:s0], [sflag:$0x14], $0x10, s1, s23, $0xb8;
	[tilespmem:$0xF800] =	vst v63  }
0xdb: {  	p1 =	seq.s32 s30, $0x6200;
	s1 =	sadd.s32 $0xFFFFEE00, s30;
	_ =	swait.ge [sflag:s16], $0x800  }
0xdc: {  	s29 =	simm.s32 @p1 $0x3E00;
	s1 =	simm.s32 @p1 $0x3C00;
	[sflag:s16] =	ssyncset.done $0x0  }
0xdd: {  	s19 =	simm.s32 @p1 $0x4400;
	s1 =	sshra.s32 s1, $0x2;
	[sflag:s16] =	ssyncadd.s32 $0xFFFFF800  }
0xde: {  	[tilespmem:s31], [sflag:$0x1] =	stream.indirect.gather [spmem:s2], $0x10, s1, s23, $0xb8;
	[tilespmem:$0xF800] =	vst v63  }
0xdf: {  	_ =	swait.ge [sflag:s17], $0x800  }
0xe0: {  	[sflag:s17] =	ssyncset.done $0x0  }
0xe1: {  	s1 =	sshra.s32 s29, $0x2;
	s29 =	simm.s32 $0x3000;
	[sflag:s17] =	ssyncadd.s32 $0xFFFFF800  }
0xe2: {  	[tilespmem:s29], [sflag:$0x2] =	stream.indirect.gather [spmem:s2], $0x10, s1, s23, $0xb8;
	[tilespmem:$0xF800] =	vst v63  }
0xe3: {  	s1 =	sadd.s32 $0xFFFFF200, s30;
	_ =	swait.ge [sflag:s8], $0x800  }
0xe4: {  	s1 =	simm.s32 @p1 $0x4000;
	[sflag:s8] =	ssyncset.done $0x0  }
0xe5: {  	s1 =	sshra.s32 s1, $0x2;
	[sflag:s8] =	ssyncadd.s32 $0xFFFFF800  }
0xe6: {  	[tilespmem:s5], [sflag:$0x3] =	stream.indirect.gather [spmem:s2], $0x10, s1, s23, $0xb8;
	[tilespmem:$0xF800] =	vst v63  }
0xe7: {  	s1 =	sadd.s32 $0xFFFFF400, s30;
	_ =	swait.ge [sflag:s20], $0x800  }
0xe8: {  	s1 =	simm.s32 @p1 $0x4200;
	[sflag:s20] =	ssyncset.done $0x0  }
0xe9: {  	s1 =	sshra.s32 s1, $0x2;
	[sflag:s20] =	ssyncadd.s32 $0xFFFFF800  }
0xea: {  	[tilespmem:s6], [sflag:$0x4] =	stream.indirect.gather [spmem:s2], $0x10, s1, s23, $0xb8;
	[tilespmem:$0xF800] =	vst v63  }
0xeb: {  	_ =	swait.ge [sflag:s4], $0x800  }
0xec: {  	[sflag:s4] =	ssyncset.done $0x0  }
0xed: {  	s1 =	sshra.s32 s19, $0x2;
	[sflag:s4] =	ssyncadd.s32 $0xFFFFF800  }
0xee: {  	[tilespmem:s7], [sflag:$0x5] =	stream.indirect.gather [spmem:s2], $0x10, s1, s23, $0xb8;
	[tilespmem:$0xF800] =	vst v63  }
0xef: {  	s1 =	sadd.s32 $0xFFFFF800, s30;
	_ =	swait.ge [sflag:s21], $0x800  }
0xf0: {  	s1 =	simm.s32 @p1 $0x4600;
	[sflag:s21] =	ssyncset.done $0x0  }
0xf1: {  	s1 =	sshra.s32 s1, $0x2;
	[sflag:s21] =	ssyncadd.s32 $0xFFFFF800  }
0xf2: {  	[tilespmem:s9], [sflag:$0x6] =	stream.indirect.gather [spmem:s2], $0x10, s1, s23, $0xb8;
	[tilespmem:$0xF800] =	vst v63  }
0xf3: {  	s1 =	sadd.s32 $0xFFFFFA00, s30;
	_ =	swait.ge [sflag:s22], $0x800  }
0xf4: {  	s1 =	simm.s32 @p1 $0x4800;
	[sflag:s22] =	ssyncset.done $0x0  }
0xf5: {  	s1 =	sshra.s32 s1, $0x2;
	[sflag:s22] =	ssyncadd.s32 $0xFFFFF800  }
0xf6: {  	[tilespmem:s10], [sflag:$0x7] =	stream.indirect.gather [spmem:s2], $0x10, s1, s23, $0xb8;
	[tilespmem:$0xF800] =	vst v63  }
0xf7: {  	s1 =	sadd.s32 $0xFFFFFC00, s30;
	_ =	swait.ge [sflag:s18], $0x800  }
0xf8: {  	s1 =	simm.s32 @p1 $0x4A00;
	[sflag:s18] =	ssyncset.done $0x0  }
0xf9: {  	s1 =	sshra.s32 s1, $0x2;
	[sflag:s18] =	ssyncadd.s32 $0xFFFFF800  }
0xfa: {  	[tilespmem:s11], [sflag:$0x8] =	stream.indirect.gather [spmem:s2], $0x10, s1, s23, $0xb8;
	[tilespmem:$0xF800] =	vst v63  }
0xfb: {  	s1 =	sadd.s32 $0xFFFFFE00, s30;
	_ =	swait.ge [sflag:s24], $0x800  }
0xfc: {  	s1 =	simm.s32 @p1 $0x4C00;
	[sflag:s24] =	ssyncset.done $0x0  }
.Ltmp0:
0xfd: {  	s1 =	sshra.s32 s1, $0x2;
	[sflag:s24] =	ssyncadd.s32 $0xFFFFF800;
	(pc) =	sbr.rel @p0 .LBB2_2-.Ltmp0, $4  }
0xfe: {  	[tilespmem:s12], [sflag:$0x9] =	stream.indirect.gather [spmem:s2], $0x10, s1, s23, $0xb8;
	[tilespmem:$0xF800] =	vst v63  }
0xff: {  	_ =	swait.ge [sflag:s25], $0x800  }
0x100: {  	s30 =	simm.s32 @p1 $0x4E00;
	[sflag:s25] =	ssyncset.done $0x0  }
0x101: {  	s1 =	sshra.s32 s30, $0x2;
	[sflag:s25] =	ssyncadd.s32 $0xFFFFF800  }
0x102: {  	[tilespmem:s26], [sflag:$0xA] =	stream.indirect.gather [spmem:s2], $0x10, s1, s23, $0xb8;
	[tilespmem:$0xF800] =	vst v63  }
0x103: {  	s0 =	simm.s32 $0x1  }
0x104: {  	_ =	swait.ge [sflag:s0], $0x800  }
0x105: {  	[sflag:s0] =	ssyncset.done $0x0  }
0x106: {  	s29 =	simm.s32 $0x2;
	[sflag:s0] =	ssyncadd.s32 $0xFFFFF800  }
0x107: {  	_ =	swait.ge [sflag:s29], $0x800  }
0x108: {  	[sflag:s29] =	ssyncset.done $0x0  }
0x109: {  	s1 =	simm.s32 $0x3;
	[sflag:s29] =	ssyncadd.s32 $0xFFFFF800  }
0x10a: {  	_ =	swait.ge [sflag:s1], $0x800  }
0x10b: {  	[sflag:s1] =	ssyncset.done $0x0  }
0x10c: {  	s5 =	simm.s32 $0x4;
	[sflag:s1] =	ssyncadd.s32 $0xFFFFF800  }
0x10d: {  	_ =	swait.ge [sflag:s5], $0x800  }
0x10e: {  	[sflag:s5] =	ssyncset.done $0x0  }
0x10f: {  	s6 =	simm.s32 $0x5;
	[sflag:s5] =	ssyncadd.s32 $0xFFFFF800  }
0x110: {  	_ =	swait.ge [sflag:s6], $0x800  }
0x111: {  	[sflag:s6] =	ssyncset.done $0x0  }
0x112: {  	s7 =	simm.s32 $0x6;
	[sflag:s6] =	ssyncadd.s32 $0xFFFFF800  }
0x113: {  	_ =	swait.ge [sflag:s7], $0x800  }
0x114: {  	[sflag:s7] =	ssyncset.done $0x0  }
0x115: {  	s9 =	simm.s32 $0x7;
	[sflag:s7] =	ssyncadd.s32 $0xFFFFF800  }
0x116: {  	_ =	swait.ge [sflag:s9], $0x800  }
0x117: {  	[sflag:s9] =	ssyncset.done $0x0  }
0x118: {  	[sflag:s9] =	ssyncadd.s32 $0xFFFFF800  }
0x119: {  	_ =	swait.ge [sflag:s13], $0x800  }
0x11a: {  	[sflag:s13] =	ssyncset.done $0x0  }
0x11b: {  	[sflag:s13] =	ssyncadd.s32 $0xFFFFF800  }
0x11c: {  	_ =	swait.ge [sflag:s14], $0x800  }
0x11d: {  	[sflag:s14] =	ssyncset.done $0x0  }
0x11e: {  	[sflag:s14] =	ssyncadd.s32 $0xFFFFF800  }
0x11f: {  	_ =	swait.ge [sflag:s15], $0x800  }
0x120: {  	[sflag:s15] =	ssyncset.done $0x0  }
0x121: {  	[sflag:s15] =	ssyncadd.s32 $0xFFFFF800  }
0x122: {  	[bflag:$0x0] =	sbarrier.arrive $0xFFFF  }
0x123: {  	s30 =	simm.s32 $0x8000;
	s28 =	simm.s32 $0x16;
	s10 =	rddreg [dreg:$0xf]  }
0x124: {  	[tilespmem:s30], [sflag:$0x16] =	stream.linear.gather [spmem:s10], $0x2710, $0x38;
	[tilespmem:$0xF800] =	vst v63  }
0x125: {  	_ =	swait.ge [sflag:s28], $0x2710  }
0x126: {  	[sflag:s28] =	ssyncset.done $0x0  }
0x127: {  	s19 =	simm.s32 $0x0;
	s11 =	rddreg [dreg:$0x10];
	[sflag:s28] =	ssyncadd.s32 $0xFFFFD8F0  }
0x128: {  	[hbm4b:s11+s19] =	stream.linear.scatter [tilespmem:s30], [sflag:$0x16], $0x2710, $0x38;
	[tilespmem:$0xF800] =	vst v63  }
0x129: {  	_ =	swait.ge [sflag:s28], $0x2710  }
0x12a: {  	s26 =	rddreg [dreg:$0x12]  }
0x12b: {  	s29 =	rddreg [dreg:$0x11];
	s0 =	sadd.s32 $0x1, s26  }
0x12c: {  	p0 =	sne.s32 s0, s29  }
.Ltmp1:
0x12d: {  	_ = 	snop;
	(pc) =	sbr.rel @p0 .LBB2_1-.Ltmp1, $3  }
0x12e: {  	_ =	sdelay $0x1  }
0x12f: {  	[sflag:s28] =	ssyncset.done $0x0  }
0x130: {  	[sflag:s28] =	ssyncadd.s32 $0xFFFFD8F0  }
0x131: {  	_ =	sfence.sel $0x180000  }
0x132: {  	[bflag:$0x0] =	sbarrier.arrive $0xFFFF  }
0x133: {  	_ =	strace $0x9000004D  }
0x134: {  	s0 =	stileid.u32;
	[bflag:$0x2] =	sbarrier.arrive $0xFFFF  }
0x135: {  	p0 =	sne.s32 s0, $0x0;
	s0 =	rddreg [dreg:$0x4]  }
0x136: {  	s0 =	sadd.s32 @!p0 $0x100000, s0  }
0x137: {  	[sflag:s0] =	ssyncadd.tile.s32 @!p0 $0x1;
	_ =	shalt  }
.Lfunc_end2:
_tile_overlayer_lowered:
.L_overlay_start_2:
0x138: {  	(tag) =	ssettag $0x2  }
0x139: {  	s0 =	rddreg [dreg:$0x0];
	s2 =	stileid.u32  }
0x13a: {  	s1 =	rddreg [dreg:$0x1];
	p0 =	sne.s32 s2, $0x0  }
0x13b: {  	s3 =	rddreg [dreg:$0x2];
	[bflag:$0x3] =	sbarrier.arrive $0xFFFF;
	s2 =	simm.s32 @!p0 $0x1C16  }
0x13c: {  	[timem:s3], [sflag:s2] =	dma.local @!p0 [hbm:s0], s1  }
0x13d: {  	s0 =	simm.s32 @!p0 $0x16  }
0x13e: {  	_ =	swait.ge @!p0 [sflag:s0], s1  }
0x13f: {  	s1 =	ssub.s32 @!p0 $0x0, s1;
	[sflag:s0] =	ssyncset.done @!p0 $0x0  }
0x140: {  	[sflag:s0] =	ssyncadd.s32 @!p0 s1  }
0x141: {  	[bflag:$0x3] =	sbarrier.arrive $0xFFFF  }
0x142: {  	_ =	shalt  }

// kernel: kernel.9.cloned.1.call-start
scs
__scs_entry_jumppad:
0x0: {  	(pc) =	sbr.rel $0x88, $3  }
0x1: {  	(tag) =	ssettag $0x0;
	lr =	simm.s32 $0x1  }
0x2: {  	[smem:$0x3F9B] =	sst lr;
	_ =	strace $0xD0000000  }
0x3: {  	_ = 	snop  }
0x4: {  	_ = 	snop  }
0x5: {  	_ = 	snop  }
0x6: {  	_ = 	snop  }
0x7: {  	_ = 	snop  }
__scs_overlays_trampoline_lowered:
0x8: {  	[smem:$0x3FAA] =	sst s0  }
0x9: {  	[smem:$0x3FAB] =	sst s1  }
0xa: {  	[smem:$0x3FAC] =	sst s2  }
0xb: {  	[smem:$0x3FAD] =	sst s3  }
0xc: {  	[smem:$0x3FAE] =	sst s4  }
0xd: {  	[smem:$0x3FAF] =	sst s5  }
0xe: {  	[smem:$0x3FB0] =	sst s6  }
0xf: {  	[smem:$0x3FB1] =	sst s7  }
0x10: {  	[smem:$0x3FB2] =	sst s8  }
0x11: {  	[smem:$0x3FB3] =	sst s9;
	s0 =	simm.s32 @!p0 $0x0  }
0x12: {  	s1 =	sld [smem:$0x3F99];
	s0 =	simm.s32 @p0 $0x1  }
0x13: {  	[smem:$0x3FB4] =	sst s0;
	s0 =	simm.s32 @!p1 $0x0  }
0x14: {  	s2 =	sld [smem:$0x3F98];
	s0 =	simm.s32 @p1 $0x1  }
0x15: {  	[smem:$0x3FB5] =	sst s0;
	s0 =	simm.s32 @!p2 $0x0  }
0x16: {  	s3 =	sld [smem:$0x3FDB];
	s0 =	simm.s32 @p2 $0x1  }
0x17: {  	s4 =	simm.s32 $0x1BF5;
	[smem:$0x3FB7] =	sst s0  }
0x18: {  	s0 =	sld [smem:$0x3F9A];
	_ =	swait.ge [sflag:s4], $0x0  }
0x19: {  	s7 =	sld [smem:$0x3F9B]  }
0x1a: {  	s8 =	sadd.s32 $0xFFFFE003, lr  }
0x1b: {  	s9 =	sadd.s32 $0xFFFFFEF7, lr;
	s5 =	simm.s32 $0xFFFFFFFF;
	p2 =	slt.u32 s8, $0xFFFFF086  }
0x1c: {  	p1 =	slt.u32 s9, $0xF7A;
	s5 =	simm.s32 @!p2 $0x0  }
0x1d: {  	s5 =	simm.s32 @p1 $0x1;
	p0 =	seq.s32 s7, s2  }
0x1e: {  	s7 =	smul.u32 @!p0 $0xF7A, s2;
	p2 =	seq.s32 @!p0 s5, $0x0  }
0x1f: {  	s9 =	smul.u32 $0xF7A, s1;
	s8 =	simm.s32 @!p0 $0x1BF5;
	p2 =	por !p2, p0  }
0x20: {  	[sflag:s8] =	ssyncset.s32 @!p0 $0xFFFFF086;
	s6 =	sadd.s32 @!p0 s3, s7;
	s7 =	simm.s32 @!p0 $0x108  }
0x21: {  	s3 =	sadd.s32 s3, s9;
	s6 =	sadd.s32 @!p0 $0x88, s6;
	s7 =	simm.s32 @p2 $0x1082  }
0x22: {  	[simem:s7], [sflag:s8] =	dma.local @!p0 [hbm:s6], $0xF7A  }
0x23: {  	s9 =	sor.u32 $0xD0000000, s2;
	s6 =	simm.s32 $0x108;
	_ =	swait.ge @!p0 [sflag:s8], $0x0  }
0x24: {  	s3 =	sadd.s32 $0x88, s3;
	s6 =	simm.s32 @!p1 $0x1082;
	[sflag:s4] =	ssyncset.s32 $0xFFFFF086  }
0x25: {  	[simem:s6], [sflag:s4] =	dma.local [hbm:s3], $0xF7A  }
0x26: {  	[smem:$0x3F9B] =	sst s1;
	(tag) =	ssettag s2;
	_ =	strace s9  }
0x27: {  	s1 =	sld [smem:$0x3FAB]  }
0x28: {  	s2 =	sld [smem:$0x3FAC]  }
0x29: {  	s4 =	sld [smem:$0x3FAE]  }
0x2a: {  	p0 =	seq.s32 s5, $0x0;
	s5 =	sld [smem:$0x3FAF]  }
0x2b: {  	s6 =	sld [smem:$0x3FB0]  }
0x2c: {  	s7 =	sld [smem:$0x3FB1]  }
0x2d: {  	s3 =	simm.s32 $0x108;
	s8 =	sld [smem:$0x3FB2]  }
0x2e: {  	s3 =	simm.s32 @!p0 $0x1082;
	s9 =	sld [smem:$0x3FB3]  }
0x2f: {  	lr =	sadd.s32 s0, s3;
	s0 =	sld [smem:$0x3FAA]  }
0x30: {  	s3 =	sld [smem:$0x3FAD]  }
0x31: {  	[smem:$0x3FB6] =	sst s10  }
0x32: {  	s10 =	sld [smem:$0x3FB4];
	_ =	sdelay $0x3  }
0x33: {  	p0 =	seq.s32 s10, $0x1;
	s10 =	sld [smem:$0x3FB6];
	_ =	sdelay $0x3  }
0x34: {  	[smem:$0x3FB6] =	sst s10  }
0x35: {  	s10 =	sld [smem:$0x3FB5];
	_ =	sdelay $0x3  }
0x36: {  	p1 =	seq.s32 s10, $0x1;
	s10 =	sld [smem:$0x3FB6];
	_ =	sdelay $0x3  }
0x37: {  	[smem:$0x3FB6] =	sst s10  }
0x38: {  	s10 =	sld [smem:$0x3FB7]  }
0x39: {  	_ = 	snop;
	(pc) =	sbr.ind lr, $3  }
0x3a: {  	_ = 	snop  }
0x3b: {  	_ = 	snop  }
0x3c: {  	p2 =	seq.s32 s10, $0x1;
	s10 =	sld [smem:$0x3FB6]  }
0x3d: {  	_ =	shalt  }
0x3e: {  	_ =	shalt  }
0x3f: {  	_ =	shalt  }
0x40: {  	_ =	shalt  }
0x41: {  	_ =	shalt  }
0x42: {  	_ =	shalt  }
0x43: {  	_ =	shalt  }
0x44: {  	_ =	shalt  }
0x45: {  	_ =	shalt  }
0x46: {  	_ =	shalt  }
0x47: {  	_ =	shalt  }
0x48: {  	_ =	shalt  }
0x49: {  	_ =	shalt  }
0x4a: {  	_ =	shalt  }
0x4b: {  	_ =	shalt  }
0x4c: {  	_ =	shalt  }
0x4d: {  	_ =	shalt  }
0x4e: {  	_ =	shalt  }
0x4f: {  	_ =	shalt  }
0x50: {  	_ =	shalt  }
0x51: {  	_ =	shalt  }
0x52: {  	_ =	shalt  }
0x53: {  	_ =	shalt  }
0x54: {  	_ =	shalt  }
0x55: {  	_ =	shalt  }
0x56: {  	_ =	shalt  }
0x57: {  	_ =	shalt  }
0x58: {  	_ =	shalt  }
0x59: {  	_ =	shalt  }
0x5a: {  	_ =	shalt  }
0x5b: {  	_ =	shalt  }
0x5c: {  	_ =	shalt  }
0x5d: {  	_ =	shalt  }
0x5e: {  	_ =	shalt  }
0x5f: {  	_ =	shalt  }
0x60: {  	_ =	shalt  }
0x61: {  	_ =	shalt  }
0x62: {  	_ =	shalt  }
0x63: {  	_ =	shalt  }
0x64: {  	_ =	shalt  }
0x65: {  	_ =	shalt  }
0x66: {  	_ =	shalt  }
0x67: {  	_ =	shalt  }
0x68: {  	_ =	shalt  }
0x69: {  	_ =	shalt  }
0x6a: {  	_ =	shalt  }
0x6b: {  	_ =	shalt  }
0x6c: {  	_ =	shalt  }
0x6d: {  	_ =	shalt  }
0x6e: {  	_ =	shalt  }
0x6f: {  	_ =	shalt  }
0x70: {  	_ =	shalt  }
0x71: {  	_ =	shalt  }
0x72: {  	_ =	shalt  }
0x73: {  	_ =	shalt  }
0x74: {  	_ =	shalt  }
0x75: {  	_ =	shalt  }
0x76: {  	_ =	shalt  }
0x77: {  	_ =	shalt  }
0x78: {  	_ =	shalt  }
0x79: {  	_ =	shalt  }
0x7a: {  	_ =	shalt  }
0x7b: {  	_ =	shalt  }
0x7c: {  	_ =	shalt  }
0x7d: {  	_ =	shalt  }
0x7e: {  	_ =	shalt  }
0x7f: {  	_ =	shalt  }
0x80: {  	_ =	shalt  }
0x81: {  	_ =	shalt  }
0x82: {  	_ =	shalt  }
0x83: {  	_ =	shalt  }
0x84: {  	_ =	shalt  }
0x85: {  	_ =	shalt  }
0x86: {  	_ =	shalt  }
0x87: {  	_ =	shalt  }
.Lfunc_end0:
.L_simem_size_0:
called_computation_lowered:
.L_overlay_start_0:
0x88: {  	s2 =	sld [smem:$0x3FD9]  }
0x89: {  	s3 =	sld [smem:$0x3FFE];
	_ =	sdelay $0x1  }
0x8a: {  	s1 =	srdreg.scid  }
0x8b: {  	s0 =	sand.u32 $0x1, s1  }
0x8c: {  	s17 =	sshll.u32 s0, $0xA;
	s2 =	sadd.s32 s3, s2  }
0x8d: {  	s2 =	sadd.s32 s2, s17  }
0x8e: {  	[smem:$0x3FC2] =	sst s2  }
0x8f: {  	_ = 	snop  }
0x90: {  	s2 =	sld [smem:$0x3FD0];
	(tm) =	ssettm $0x1  }
0x91: {  	s18 =	sld [smem:$0x3FFB];
	_ =	sdelay $0x3  }
0x92: {  	_ =	strace s18  }
0x93: {  	s3 =	sld [smem:$0x3FFC];
	_ =	sdelay $0x3  }
0x94: {  	_ =	strace s3  }
0x95: {  	s3 =	sld [smem:$0x3FFD];
	_ =	sdelay $0x3  }
0x96: {  	_ =	strace s3  }
0x97: {  	_ =	strace $0x8FFFFFFF  }
0x98: {  	s19 =	sld [smem:$0x3FDB];
	_ =	sdelay $0x1  }
0x99: {  	s4 =	simm.s32 $_scs_section_size  }
0x9a: {  	s5 =	simm.s32 $_size__tile_overlayer_lowered;
	s6 =	simm.s32 $_tile_overlayer_lowered  }
0x9b: {  	s22 =	simm.s32 $0x1BFF;
	s21 =	sshll.u32 s6, $0x1;
	s3 =	sadd.s32 s4, s19  }
0x9c: {  	s7 =	simm.s32 $0x0;
	s20 =	sshll.u32 s5, $0x1;
	s5 =	sadd.s32 s21, s3  }
0x9d: {  	[timem:s7], [sflag:s22] =	dma.local [hbm:s5], s20  }
0x9e: {  	_ =	swait.ge [sflag:s22], s20  }
0x9f: {  	s4 =	ssub.s32 $0x0, s20;
	[sflag:s22] =	ssyncset.done $0x0  }
0xa0: {  	[sflag:s22] =	ssyncadd.s32 s4;
	_ =	sdelay $0x1  }
0xa1: {  	s23 =	simm.s32 $0x1B8B  }
0xa2: {  	_ =	swait.ge [sflag:s23], $0x1  }
0xa3: {  	[sflag:s23] =	ssyncset.done $0x0  }
0xa4: {  	s25 =	simm.s32 $0x1B8E;
	s24 =	sld [smem:$0x3FFE];
	[sflag:s23] =	ssyncadd.s32 $0xFFFFFFFF  }
0xa5: {  	s26 =	simm.s32 $execute0_lowered;
	[smem:$0x3FD2] =	sst s25  }
0xa6: {  	s5 =	sshll.u32 s26, $0x1;
	_ =	strace $0x80000046;
	[dreg:$0x1] =	wrdreg $0xFFFFFFFF  }
0xa7: {  	s28 =	simm.s32 $_size_execute0_lowered;
	s3 =	sadd.s32 s3, s5;
	[dreg:$0x0] =	wrdreg $0x0  }
0xa8: {  	s5 =	sshll.u32 s28, $0x1;
	[dreg:$0x2] =	wrdreg s3  }
0xa9: {  	[dreg:$0x3] =	wrdreg s5  }
0xaa: {  	[dreg:$0x4] =	wrdreg $0xC0  }
0xab: {  	_ =	task [dreg:s7], $0x5FFFF  }
0xac: {  	[dreg:$0x1] =	wrdreg $0xFFFFFFFF  }
0xad: {  	[dreg:$0x0] =	wrdreg $0x60  }
0xae: {  	[dreg:$0x2] =	wrdreg s24  }
0xaf: {  	[dreg:$0x3] =	wrdreg s2  }
0xb0: {  	[dreg:$0x4] =	wrdreg $0x4C000  }
0xb1: {  	[dreg:$0x5] =	wrdreg $0x9  }
0xb2: {  	_ =	task.clear_ibuf [dreg:s7], $0x6FFFF;
	_ =	strace $0x90000046  }
0xb3: {  	s29 =	simm.s32 $0x9;
	_ =	strace $0x80000048  }
0xb4: {  	_ =	swait.ge [sflag:s29], $0x1  }
0xb5: {  	[sflag:s29] =	ssyncadd.s32 $0xFFFFFFFF  }
0xb6: {  	_ =	strace $0x90000048  }
0xb7: {  	_ =	sfence  }
0xb8: {  	s30 =	sld [smem:$0x0];
	_ =	sdelay $0x2  }
0xb9: {  	s31 =	sshll.u32 s1, $0xD;
	s1 =	sshrl.u32 s1, $0x2  }
0xba: {  	s3 =	sand.u32 $0x4000, s31;
	s1 =	sadd.s32 s1, s30  }
0xbb: {  	s0 =	sor.u32 s3, s0;
	s1 =	sshll.u32 s1, $0x11  }
0xbc: {  	s0 =	sor.u32 s1, s0  }
0xbd: {  	s0 =	sadd.s32 $0x8F2B, s0  }
0xbe: {  	[sflag:s0] =	ssyncadd.remote.s32 $0x1  }
0xbf: {  	_ =	sfence.sel $0xFFFF  }
0xc0: {  	[dreg:$0x0] =	wrdreg $0xFFFFFFFF;
	(pc) =	sbr.abs _section_cstart, $3  }
0xc1: {  	[dreg:$0x1] =	wrdreg $0xFFFFFFFF  }
0xc2: {  	_ =	task.clear_ibuf [dreg:s7], $0x2FFFF;
	_ =	strace $0x9FFFFFFF  }
0xc3: {  	(tm) =	ssettm $0x7FFFFFFF  }
tec
execute0_lowered:
.L_overlay_start_1:
0x0: {  	(tag) =	ssettag $0x1  }
0x1: {  	s0 =	rddreg [dreg:$0x0]  }
0x2: {  	s1 =	srdreg.scid;
	s8 =	stileid.u32  }
0x3: {  	s3 =	rddreg [dreg:$0x2];
	s4 =	simm.s32 $0x0;
	s15 =	simm.s32 $0x3  }
0x4: {  	s16 =	simm.s32 $0x1400;
	s17 =	simm.s32 $0x1C00;
	s18 =	simm.s32 $0x2  }
0x5: {  	s19 =	simm.s32 $0x80;
	s20 =	simm.s32 $0xF00;
	s21 =	simm.s32 $0xF80  }
0x6: {  	s22 =	simm.s32 $0x1000;
	s23 =	simm.s32 $0x1080;
	s24 =	simm.s32 $0x1100  }
0x7: {  	s25 =	simm.s32 $0x1180;
	s28 =	simm.s32 $0x1280;
	s29 =	simm.s32 $0x1300  }
0x8: {  	s30 =	simm.s32 $0x1380;
	s1 =	sand.u32 $0x1, s1;
	s2 =	smul.u32 $0x2710, s8  }
0x9: {  	s31 =	simm.s32 $0x1;
	[smem:$0x7FF] =	sst s4;
	s5 =	smul.u32 $0x27100, s1  }
0xa: {  	s6 =	sshll.u32 s1, $0x4;
	_ =	strace $0x80000047;
	s1 =	ssub.s32 $0x2, s1  }
0xb: {  	s6 =	sor.u32 s8, s6;
	s8 =	smul.u32 $0xA000, s8;
	s26 =	sshrl.u32 s1, $0x1  }
0xc: {  	s12 =	sadd.s32 s2, s3;
	s5 =	sadd.s32 s2, s5;
	s6 =	smul.u32 $0x1400, s6  }
0xd: {  	s1 =	ssub.s32 s1, s26;
	s26 =	simm.s32 $0x1200;
	s7 =	sshrl.u32 s5, $0x3  }
0xe: {  	s5 =	sadd.s32 $0xBE00, s0;
	s8 =	sshrl.u32 s8, $0x2;
	s14 =	smax.u32 s1, $0x1  }
0xf: {  	s1 =	simm.s32 $0x2400;
	s13 =	sadd.s32 s7, s0;
	s6 =	sshrl.u32 s6, $0x3  }
0x10: {  	s0 =	sadd.s32 s0, s6;
	s6 =	sadd.s32 s8, s3;
	s13 =	sadd.s32 $0xC000, s13  }
0x11: {  	s7 =	sadd.s32 $0x6E00, s0;
	s8 =	sadd.s32 $0x800, s6;
	s9 =	sadd.s32 $0x1000, s6  }
0x12: {  	s10 =	sadd.s32 $0x1800, s6;
	s11 =	sadd.s32 $0x2000, s6;
	s0 =	simm.s32 $0x0  }
.LBB2_1:
0x13: {  	[tilespmem:s4], [sflag:$0x3] =	stream.linear.gather [hbm4b:s7+s4], $0x1400, $0x38;
	[tilespmem:$0x7400] =	vst v63  }
0x14: {  	_ =	swait.ge [sflag:s15], $0x1400  }
0x15: {  	[sflag:s15] =	ssyncset.done $0x0  }
0x16: {  	[sflag:s15] =	ssyncadd.s32 $0xFFFFEC00  }
0x17: {  	s2 =	rddreg [dreg:$0x1]  }
0x18: {  	[tilespmem:s16], [sflag:$0x3] =	stream.linear.gather [hbm4b:s2+s4], $0x800, $0x38;
	[tilespmem:$0x7400] =	vst v63  }
0x19: {  	_ =	swait.ge [sflag:s15], $0x800  }
0x1a: {  	[sflag:s15] =	ssyncset.done $0x0  }
0x1b: {  	[sflag:s15] =	ssyncadd.s32 $0xFFFFF800  }
0x1c: {  	[tilespmem:s17], [sflag:$0x3] =	stream.linear.gather [hbm4b:s5+s4], $0x800, $0x38;
	[tilespmem:$0x7400] =	vst v63  }
0x1d: {  	_ =	swait.ge [sflag:s15], $0x800  }
0x1e: {  	[sflag:s15] =	ssyncset.done $0x0  }
0x1f: {  	[sflag:s15] =	ssyncadd.s32 $0xFFFFF800  }
0x20: {  	[spmem:s6] =	stream.linear.scatter [tilespmem:s17], [sflag:$0x2], $0x800, $0x38;
	[tilespmem:$0x7400] =	vst v63  }
0x21: {  	_ = 	snop  }
0x22: {  	[spmem:s8] =	stream.linear.scatter [tilespmem:s17], [sflag:$0x2], $0x800, $0x38;
	[tilespmem:$0x7400] =	vst v63  }
0x23: {  	_ = 	snop  }
0x24: {  	[spmem:s9] =	stream.linear.scatter [tilespmem:s17], [sflag:$0x2], $0x800, $0x38;
	[tilespmem:$0x7400] =	vst v63  }
0x25: {  	_ = 	snop  }
0x26: {  	[spmem:s10] =	stream.linear.scatter [tilespmem:s17], [sflag:$0x2], $0x800, $0x38;
	[tilespmem:$0x7400] =	vst v63  }
0x27: {  	_ = 	snop  }
0x28: {  	[spmem:s11] =	stream.linear.scatter [tilespmem:s17], [sflag:$0x2], $0x800, $0x38;
	[tilespmem:$0x7400] =	vst v63  }
0x29: {  	_ =	swait.ge [sflag:s18], $0x800  }
0x2a: {  	[sflag:s18] =	ssyncset.done $0x0  }
0x2b: {  	[sflag:s18] =	ssyncadd.s32 $0xFFFFF800  }
0x2c: {  	_ =	swait.ge [sflag:s18], $0x800  }
0x2d: {  	[sflag:s18] =	ssyncset.done $0x0  }
0x2e: {  	[sflag:s18] =	ssyncadd.s32 $0xFFFFF800  }
0x2f: {  	_ =	swait.ge [sflag:s18], $0x800  }
0x30: {  	[sflag:s18] =	ssyncset.done $0x0  }
0x31: {  	[sflag:s18] =	ssyncadd.s32 $0xFFFFF800  }
0x32: {  	_ =	swait.ge [sflag:s18], $0x800  }
0x33: {  	[sflag:s18] =	ssyncset.done $0x0  }
0x34: {  	[sflag:s18] =	ssyncadd.s32 $0xFFFFF800  }
0x35: {  	_ =	swait.ge [sflag:s18], $0x800  }
0x36: {  	[sflag:s18] =	ssyncset.done $0x0  }
0x37: {  	[sflag:s18] =	ssyncadd.s32 $0xFFFFF800  }
0x38: {  	[bflag:$0x0] =	sbarrier.arrive $0xFFFF  }
0x39: {  	[spmem:s3] =	stream.indirect.scatter.add.f32 [tilespmem:s16], [sflag:$0x1], $0x10, s4, s19, $0xb8;
	[tilespmem:$0x7400] =	vst v63  }
0x3a: {  	_ = 	snop  }
0x3b: {  	[spmem:s3] =	stream.indirect.scatter.add.f32 [tilespmem:s16], [sflag:$0x1], $0x10, s19, s19, $0xb8;
	[tilespmem:$0x7400] =	vst v63  }
0x3c: {  	s2 =	simm.s32 $0x100  }
0x3d: {  	[spmem:s3] =	stream.indirect.scatter.add.f32 [tilespmem:s16], [sflag:$0x1], $0x10, s2, s19, $0xb8;
	[tilespmem:$0x7400] =	vst v63  }
0x3e: {  	s2 =	simm.s32 $0x180  }
0x3f: {  	[spmem:s3] =	stream.indirect.scatter.add.f32 [tilespmem:s16], [sflag:$0x1], $0x10, s2, s19, $0xb8;
	[tilespmem:$0x7400] =	vst v63  }
0x40: {  	s2 =	simm.s32 $0x200  }
0x41: {  	[spmem:s3] =	stream.indirect.scatter.add.f32 [tilespmem:s16], [sflag:$0x1], $0x10, s2, s19, $0xb8;
	[tilespmem:$0x7400] =	vst v63  }
0x42: {  	s2 =	simm.s32 $0x280  }
0x43: {  	[spmem:s3] =	stream.indirect.scatter.add.f32 [tilespmem:s16], [sflag:$0x1], $0x10, s2, s19, $0xb8;
	[tilespmem:$0x7400] =	vst v63  }
0x44: {  	s2 =	simm.s32 $0x300  }
0x45: {  	[spmem:s3] =	stream.indirect.scatter.add.f32 [tilespmem:s16], [sflag:$0x1], $0x10, s2, s19, $0xb8;
	[tilespmem:$0x7400] =	vst v63  }
0x46: {  	s2 =	simm.s32 $0x380  }
0x47: {  	[spmem:s3] =	stream.indirect.scatter.add.f32 [tilespmem:s16], [sflag:$0x1], $0x10, s2, s19, $0xb8;
	[tilespmem:$0x7400] =	vst v63  }
0x48: {  	s2 =	simm.s32 $0x400  }
0x49: {  	[spmem:s3] =	stream.indirect.scatter.add.f32 [tilespmem:s16], [sflag:$0x1], $0x10, s2, s19, $0xb8;
	[tilespmem:$0x7400] =	vst v63  }
0x4a: {  	s2 =	simm.s32 $0x480  }
0x4b: {  	[spmem:s3] =	stream.indirect.scatter.add.f32 [tilespmem:s16], [sflag:$0x1], $0x10, s2, s19, $0xb8;
	[tilespmem:$0x7400] =	vst v63  }
0x4c: {  	s2 =	simm.s32 $0x500  }
0x4d: {  	[spmem:s3] =	stream.indirect.scatter.add.f32 [tilespmem:s16], [sflag:$0x1], $0x10, s2, s19, $0xb8;
	[tilespmem:$0x7400] =	vst v63  }
0x4e: {  	s2 =	simm.s32 $0x580  }
0x4f: {  	[spmem:s3] =	stream.indirect.scatter.add.f32 [tilespmem:s16], [sflag:$0x1], $0x10, s2, s19, $0xb8;
	[tilespmem:$0x7400] =	vst v63  }
0x50: {  	s2 =	simm.s32 $0x600  }
0x51: {  	[spmem:s3] =	stream.indirect.scatter.add.f32 [tilespmem:s16], [sflag:$0x1], $0x10, s2, s19, $0xb8;
	[tilespmem:$0x7400] =	vst v63  }
0x52: {  	s2 =	simm.s32 $0x680  }
0x53: {  	[spmem:s3] =	stream.indirect.scatter.add.f32 [tilespmem:s16], [sflag:$0x1], $0x10, s2, s19, $0xb8;
	[tilespmem:$0x7400] =	vst v63  }
0x54: {  	s2 =	simm.s32 $0x700  }
0x55: {  	[spmem:s3] =	stream.indirect.scatter.add.f32 [tilespmem:s16], [sflag:$0x1], $0x10, s2, s19, $0xb8;
	[tilespmem:$0x7400] =	vst v63  }
0x56: {  	s2 =	simm.s32 $0x780  }
0x57: {  	[spmem:s3] =	stream.indirect.scatter.add.f32 [tilespmem:s16], [sflag:$0x1], $0x10, s2, s19, $0xb8;
	[tilespmem:$0x7400] =	vst v63  }
0x58: {  	s2 =	simm.s32 $0x800  }
0x59: {  	[spmem:s3] =	stream.indirect.scatter.add.f32 [tilespmem:s16], [sflag:$0x1], $0x10, s2, s19, $0xb8;
	[tilespmem:$0x7400] =	vst v63  }
0x5a: {  	s2 =	simm.s32 $0x880  }
0x5b: {  	[spmem:s3] =	stream.indirect.scatter.add.f32 [tilespmem:s16], [sflag:$0x1], $0x10, s2, s19, $0xb8;
	[tilespmem:$0x7400] =	vst v63  }
0x5c: {  	s2 =	simm.s32 $0x900  }
0x5d: {  	[spmem:s3] =	stream.indirect.scatter.add.f32 [tilespmem:s16], [sflag:$0x1], $0x10, s2, s19, $0xb8;
	[tilespmem:$0x7400] =	vst v63  }
0x5e: {  	s2 =	simm.s32 $0x980  }
0x5f: {  	[spmem:s3] =	stream.indirect.scatter.add.f32 [tilespmem:s16], [sflag:$0x1], $0x10, s2, s19, $0xb8;
	[tilespmem:$0x7400] =	vst v63  }
0x60: {  	s2 =	simm.s32 $0xA00  }
0x61: {  	[spmem:s3] =	stream.indirect.scatter.add.f32 [tilespmem:s16], [sflag:$0x1], $0x10, s2, s19, $0xb8;
	[tilespmem:$0x7400] =	vst v63  }
0x62: {  	s2 =	simm.s32 $0xA80  }
0x63: {  	[spmem:s3] =	stream.indirect.scatter.add.f32 [tilespmem:s16], [sflag:$0x1], $0x10, s2, s19, $0xb8;
	[tilespmem:$0x7400] =	vst v63  }
0x64: {  	s2 =	simm.s32 $0xB00  }
0x65: {  	[spmem:s3] =	stream.indirect.scatter.add.f32 [tilespmem:s16], [sflag:$0x1], $0x10, s2, s19, $0xb8;
	[tilespmem:$0x7400] =	vst v63  }
0x66: {  	s2 =	simm.s32 $0xB80  }
0x67: {  	[spmem:s3] =	stream.indirect.scatter.add.f32 [tilespmem:s16], [sflag:$0x1], $0x10, s2, s19, $0xb8;
	[tilespmem:$0x7400] =	vst v63  }
0x68: {  	s2 =	simm.s32 $0xC00  }
0x69: {  	[spmem:s3] =	stream.indirect.scatter.add.f32 [tilespmem:s16], [sflag:$0x1], $0x10, s2, s19, $0xb8;
	[tilespmem:$0x7400] =	vst v63  }
0x6a: {  	s2 =	simm.s32 $0xC80  }
0x6b: {  	[spmem:s3] =	stream.indirect.scatter.add.f32 [tilespmem:s16], [sflag:$0x1], $0x10, s2, s19, $0xb8;
	[tilespmem:$0x7400] =	vst v63  }
0x6c: {  	s2 =	simm.s32 $0xD00  }
0x6d: {  	[spmem:s3] =	stream.indirect.scatter.add.f32 [tilespmem:s16], [sflag:$0x1], $0x10, s2, s19, $0xb8;
	[tilespmem:$0x7400] =	vst v63  }
0x6e: {  	s2 =	simm.s32 $0xD80  }
0x6f: {  	[spmem:s3] =	stream.indirect.scatter.add.f32 [tilespmem:s16], [sflag:$0x1], $0x10, s2, s19, $0xb8;
	[tilespmem:$0x7400] =	vst v63  }
0x70: {  	s2 =	simm.s32 $0xE00  }
0x71: {  	[spmem:s3] =	stream.indirect.scatter.add.f32 [tilespmem:s16], [sflag:$0x1], $0x10, s2, s19, $0xb8;
	[tilespmem:$0x7400] =	vst v63  }
0x72: {  	s2 =	simm.s32 $0xE80  }
0x73: {  	[spmem:s3] =	stream.indirect.scatter.add.f32 [tilespmem:s16], [sflag:$0x1], $0x10, s2, s19, $0xb8;
	[tilespmem:$0x7400] =	vst v63  }
0x74: {  	_ = 	snop  }
0x75: {  	[spmem:s3] =	stream.indirect.scatter.add.f32 [tilespmem:s16], [sflag:$0x1], $0x10, s20, s19, $0xb8;
	[tilespmem:$0x7400] =	vst v63  }
0x76: {  	_ = 	snop  }
0x77: {  	[spmem:s3] =	stream.indirect.scatter.add.f32 [tilespmem:s16], [sflag:$0x1], $0x10, s21, s19, $0xb8;
	[tilespmem:$0x7400] =	vst v63  }
0x78: {  	_ = 	snop  }
0x79: {  	[spmem:s3] =	stream.indirect.scatter.add.f32 [tilespmem:s16], [sflag:$0x1], $0x10, s22, s19, $0xb8;
	[tilespmem:$0x7400] =	vst v63  }
0x7a: {  	_ = 	snop  }
0x7b: {  	[spmem:s3] =	stream.indirect.scatter.add.f32 [tilespmem:s16], [sflag:$0x1], $0x10, s23, s19, $0xb8;
	[tilespmem:$0x7400] =	vst v63  }
0x7c: {  	_ = 	snop  }
0x7d: {  	[spmem:s3] =	stream.indirect.scatter.add.f32 [tilespmem:s16], [sflag:$0x1], $0x10, s24, s19, $0xb8;
	[tilespmem:$0x7400] =	vst v63  }
0x7e: {  	_ = 	snop  }
0x7f: {  	[spmem:s3] =	stream.indirect.scatter.add.f32 [tilespmem:s16], [sflag:$0x1], $0x10, s25, s19, $0xb8;
	[tilespmem:$0x7400] =	vst v63  }
0x80: {  	_ = 	snop  }
0x81: {  	[spmem:s3] =	stream.indirect.scatter.add.f32 [tilespmem:s16], [sflag:$0x1], $0x10, s26, s19, $0xb8;
	[tilespmem:$0x7400] =	vst v63  }
0x82: {  	_ = 	snop  }
0x83: {  	[spmem:s3] =	stream.indirect.scatter.add.f32 [tilespmem:s16], [sflag:$0x1], $0x10, s28, s19, $0xb8;
	[tilespmem:$0x7400] =	vst v63  }
0x84: {  	_ = 	snop  }
0x85: {  	[spmem:s3] =	stream.indirect.scatter.add.f32 [tilespmem:s16], [sflag:$0x1], $0x10, s29, s19, $0xb8;
	[tilespmem:$0x7400] =	vst v63  }
0x86: {  	_ = 	snop  }
0x87: {  	[spmem:s3] =	stream.indirect.scatter.add.f32 [tilespmem:s16], [sflag:$0x1], $0x10, s30, s19, $0xb8;
	[tilespmem:$0x7400] =	vst v63  }
0x88: {  	_ =	swait.ge [sflag:s31], $0x800  }
0x89: {  	s2 =	simm.s32 $0x27;
	[sflag:s31] =	ssyncset.done $0x0  }
.LBB2_2:
0x8a: {  	p0 =	sne.s32 s2, $0x1;
	s2 =	sadd.s32 $0xFFFFFFFF, s2;
	[sflag:s31] =	ssyncadd.s32 $0xFFFFF800  }
.Ltmp0:
0x8b: {  	(pc) =	sbr.rel @p0 .LBB2_2-.Ltmp0, $3  }
0x8c: {  	_ =	sdelay $0x1  }
0x8d: {  	_ =	swait.ge [sflag:s31], $0x800  }
0x8e: {  	[sflag:s31] =	ssyncset.done $0x0  }
0x8f: {  	[sflag:s31] =	ssyncadd.s32 $0xFFFFF800  }
0x90: {  	[bflag:$0x0] =	sbarrier.arrive $0xFFFF  }
0x91: {  	[tilespmem:s1], [sflag:$0x3] =	stream.linear.gather [spmem:s12], $0x2710, $0x38;
	[tilespmem:$0x7400] =	vst v63  }
0x92: {  	s0 =	sadd.s32 $0x1, s0;
	_ =	swait.ge [sflag:s15], $0x2710  }
0x93: {  	p0 =	sne.s32 s0, s14;
	[sflag:s15] =	ssyncset.done $0x0  }
.Ltmp1:
0x94: {  	[sflag:s15] =	ssyncadd.s32 $0xFFFFD8F0;
	(pc) =	sbr.rel @p0 .LBB2_1-.Ltmp1, $4  }
0x95: {  	[hbm4b:s13+s4] =	stream.linear.scatter [tilespmem:s1], [sflag:$0x3], $0x2710, $0x38;
	[tilespmem:$0x7400] =	vst v63  }
0x96: {  	_ =	swait.ge [sflag:s15], $0x2710  }
0x97: {  	[sflag:s15] =	ssyncset.done $0x0  }
0x98: {  	[sflag:s15] =	ssyncadd.s32 $0xFFFFD8F0  }
0x99: {  	_ =	sfence.sel $0x180000  }
0x9a: {  	[bflag:$0x0] =	sbarrier.arrive $0xFFFF  }
0x9b: {  	_ =	strace $0x90000047  }
0x9c: {  	s0 =	stileid.u32;
	[bflag:$0x2] =	sbarrier.arrive $0xFFFF  }
0x9d: {  	p0 =	sne.s32 s0, $0x0;
	s0 =	rddreg [dreg:$0x3]  }
0x9e: {  	s0 =	sadd.s32 @!p0 $0x100000, s0  }
0x9f: {  	[sflag:s0] =	ssyncadd.tile.s32 @!p0 $0x1;
	_ =	shalt  }
.Lfunc_end2:
_tile_overlayer_lowered:
.L_overlay_start_2:
0xa0: {  	(tag) =	ssettag $0x2  }
0xa1: {  	s0 =	rddreg [dreg:$0x0];
	s2 =	stileid.u32  }
0xa2: {  	s1 =	rddreg [dreg:$0x1];
	p0 =	sne.s32 s2, $0x0  }
0xa3: {  	s3 =	rddreg [dreg:$0x2];
	[bflag:$0x3] =	sbarrier.arrive $0xFFFF;
	s2 =	simm.s32 @!p0 $0x1C03  }
0xa4: {  	[timem:s3], [sflag:s2] =	dma.local @!p0 [hbm:s0], s1  }
0xa5: {  	s0 =	simm.s32 @!p0 $0x3  }
0xa6: {  	_ =	swait.ge @!p0 [sflag:s0], s1  }
0xa7: {  	s1 =	ssub.s32 @!p0 $0x0, s1;
	[sflag:s0] =	ssyncset.done @!p0 $0x0  }
0xa8: {  	[sflag:s0] =	ssyncadd.s32 @!p0 s1  }
0xa9: {  	[bflag:$0x3] =	sbarrier.arrive $0xFFFF  }
0xaa: {  	_ =	shalt  }

</sc_bundles>
